<compile_context>
chip_gen: v7x
topology: tpu7x:2x2x1
jax: 0.10.2.dev20260603
libtpu: 0.0.44.dev20260713+nightly
codegen_flags: <defaults>
</compile_context>

<pallas_src>
import functools

import jax
import jax.numpy as jnp
from jax import lax
from jax.experimental import pallas as pl
from jax.experimental.pallas import tpu as pltpu
from jax.experimental.pallas import tpu_sc as plsc

_N = 10000
_E = 40000
_NPAD = 10240
_NC, _NS = 2, 16
_NW = _NC * _NS
_EPW = 1280
_EPAD = _NW * _EPW
_CH = 128
_KC = _EPW // _CH
_RPT = _NPAD // _NS
_TE = 1024


@functools.cache
def _sc_kernels():
    mesh = plsc.VectorSubcoreMesh(
        core_axis_name="c", subcore_axis_name="s",
        num_cores=_NC, num_subcores=_NS,
    )
    sc_params = pltpu.CompilerParams(use_tc_tiling_on_sc=False)

    @functools.partial(
        pl.kernel,
        out_type=jax.ShapeDtypeStruct((_EPAD, 64), jnp.float32),
        mesh=mesh,
        compiler_params=sc_params,
        scratch_types=[
            pltpu.VMEM((_KC, _CH), jnp.int32),
            pltpu.VMEM((_EPW, 64), jnp.float32),
            pltpu.SemaphoreType.DMA,
        ],
    )
    def sc_gather(h_hbm, idx_hbm, out_hbm, idx_v, rows_v, sem):
        wid = lax.axis_index("s") * _NC + lax.axis_index("c")
        pltpu.sync_copy(idx_hbm.at[wid], idx_v)
        descs = []
        for j in range(_KC):
            descs.append(
                pltpu.async_copy(
                    h_hbm.at[idx_v.at[j]], rows_v.at[pl.ds(j * _CH, _CH)], sem
                )
            )
        for d in descs:
            d.wait()
        pltpu.sync_copy(rows_v, out_hbm.at[pl.ds(wid * _EPW, _EPW)])

    @functools.partial(
        pl.kernel,
        out_type=jax.ShapeDtypeStruct((_NC, _NPAD, 64), jnp.float32),
        mesh=mesh,
        compiler_params=sc_params,
        scratch_types=[
            pltpu.VMEM((_KC, _CH), jnp.int32),
            pltpu.VMEM((_EPW, 64), jnp.float32),
            pltpu.VMEM_SHARED((_NPAD, 64), jnp.float32),
        ],
    )
    def sc_scatter(msg_hbm, idx_hbm, zeros_hbm, out_hbm, idx_v, msg_v, acc_s):
        cid = lax.axis_index("c")
        sid = lax.axis_index("s")
        wid = sid * _NC + cid
        pltpu.sync_copy(zeros_hbm, acc_s.at[pl.ds(sid * _RPT, _RPT)])
        pltpu.sync_copy(idx_hbm.at[wid], idx_v)
        pltpu.sync_copy(msg_hbm.at[pl.ds(wid * _EPW, _EPW)], msg_v)
        plsc.subcore_barrier()
        for j in range(_KC):
            pltpu.sync_copy(
                msg_v.at[pl.ds(j * _CH, _CH)], acc_s.at[idx_v.at[j]], add=True
            )
        plsc.subcore_barrier()
        pltpu.sync_copy(
            acc_s.at[pl.ds(sid * _RPT, _RPT)],
            out_hbm.at[cid, pl.ds(sid * _RPT, _RPT)],
        )

    @functools.partial(
        pl.kernel,
        out_type=jax.ShapeDtypeStruct((_NC, _NPAD, 16), jnp.float32),
        mesh=mesh,
        compiler_params=sc_params,
        scratch_types=[
            pltpu.VMEM((_KC, _CH), jnp.int32),
            pltpu.VMEM((_CH, 16), jnp.float32),
            pltpu.VMEM_SHARED((_NPAD, 16), jnp.float32),
        ],
    )
    def sc_count(idx_hbm, ones_hbm, zeros_hbm, out_hbm, idx_v, ones_v, acc_s):
        cid = lax.axis_index("c")
        sid = lax.axis_index("s")
        wid = sid * _NC + cid
        pltpu.sync_copy(zeros_hbm, acc_s.at[pl.ds(sid * _RPT, _RPT)])
        pltpu.sync_copy(idx_hbm.at[wid], idx_v)
        pltpu.sync_copy(ones_hbm, ones_v)
        plsc.subcore_barrier()
        for j in range(_KC):
            pltpu.sync_copy(ones_v, acc_s.at[idx_v.at[j]], add=True)
        plsc.subcore_barrier()
        pltpu.sync_copy(
            acc_s.at[pl.ds(sid * _RPT, _RPT)],
            out_hbm.at[cid, pl.ds(sid * _RPT, _RPT)],
        )

    return sc_gather, sc_scatter, sc_count



def _lin_relu_body(x_ref, w_ref, b_ref, o_ref):
    o_ref[...] = jnp.maximum(
        jnp.dot(x_ref[...], w_ref[...], preferred_element_type=jnp.float32)
        + b_ref[...],
        0.0,
    )


def _lin_relu_t_body(wt_ref, xt_ref, b_ref, o_ref):
    o_ref[...] = jnp.maximum(
        jnp.dot(wt_ref[...], xt_ref[...], preferred_element_type=jnp.float32)
        + b_ref[...],
        0.0,
    )


def _lin_relu_t(xt, W, b):
    k, m = xt.shape
    n = W.shape[1]
    return pl.pallas_call(
        _lin_relu_t_body,
        out_shape=jax.ShapeDtypeStruct((n, m), jnp.float32),
    )(W.T, xt, b.reshape(n, 1))


def _lin_relu(xp, W, b):
    m = xp.shape[0]
    n = W.shape[1]
    return pl.pallas_call(
        _lin_relu_body,
        out_shape=jax.ShapeDtypeStruct((m, n), jnp.float32),
    )(xp, W, b.reshape(1, n))


def _msg_body(zt_ref, hs_ref, w2p_ref, bm_ref, o_ref):
    zt = zt_ref[...]
    hs = hs_ref[...]
    hst = hs.T
    ut = (zt[:, None, :] * hst[None, :, :]).astype(jnp.bfloat16).reshape(4096, _TE)
    acc = lax.dot_general(
        ut, w2p_ref[...], (((0,), (0,)), ((), ())),
        preferred_element_type=jnp.float32,
    )
    acc = acc + jnp.dot(hs, bm_ref[...], precision=lax.Precision.HIGHEST,
                        preferred_element_type=jnp.float32)
    o_ref[...] = acc


def _msg(zt, hs, w2p_bf, bmat):
    return pl.pallas_call(
        _msg_body,
        grid=(_EPAD // _TE,),
        in_specs=[
            pl.BlockSpec((64, _TE), lambda i: (0, i)),
            pl.BlockSpec((_TE, 64), lambda i: (i, 0)),
            pl.BlockSpec((4096, 64), lambda i: (0, 0)),
            pl.BlockSpec((64, 64), lambda i: (0, 0)),
        ],
        out_specs=pl.BlockSpec((_TE, 64), lambda i: (i, 0)),
        out_shape=jax.ShapeDtypeStruct((_EPAD, 64), jnp.float32),
    )(zt, hs, w2p_bf, bmat)


def _update_body(h_ref, wr_ref, br_ref, a0_ref, a1_ref, c0_ref, c1_ref, o_ref):
    cnt = jnp.maximum(c0_ref[...] + c1_ref[...], 1.0)[:, 0:1]
    agg = (a0_ref[...] + a1_ref[...]) / cnt
    o_ref[...] = jnp.maximum(
        jnp.dot(h_ref[...], wr_ref[...], preferred_element_type=jnp.float32)
        + agg
        + br_ref[...],
        0.0,
    )


def _update(h, Wr, br, a0, a1, c0, c1):
    return pl.pallas_call(
        _update_body,
        out_shape=jax.ShapeDtypeStruct((_NPAD, 64), jnp.float32),
    )(h, Wr, br.reshape(1, 64), a0, a1, c0, c1)


def _head_body(
    h_ref, ex_ref, wb64_ref, wb5_ref, bb_ref, wl1_ref, bl1_ref, wl2_ref,
    bl2_ref, o_ref
):
    ridx = lax.broadcasted_iota(jnp.int32, (_NPAD, 64), 0)
    h = jnp.where(ridx < _N, h_ref[...], 0.0)
    g = jnp.sum(h, axis=0, keepdims=True)
    t = jnp.dot(g, wb64_ref[...], preferred_element_type=jnp.float32)
    t = t + jnp.dot(ex_ref[...], wb5_ref[...], preferred_element_type=jnp.float32)
    t = jnp.maximum(t + bb_ref[...], 0.0)
    for _ in range(6):
        t = jnp.maximum(
            jnp.dot(t, wl1_ref[...], preferred_element_type=jnp.float32)
            + bl1_ref[...],
            0.0,
        )
    t = jnp.dot(t, wl2_ref[...], preferred_element_type=jnp.float32) + bl2_ref[...]
    o_ref[...] = t


def _head(h, ex, Wb, bb, Wl1, bl1, Wl2, bl2):
    return pl.pallas_call(
        _head_body,
        out_shape=jax.ShapeDtypeStruct((1, 1), jnp.float32),
    )(
        h, ex, Wb[:64], Wb[64:], bb.reshape(1, -1), Wl1, bl1.reshape(1, -1),
        Wl2, bl2.reshape(1, 1),
    )



def kernel(x, edge_index, edge_attr, vpa, mz, adduct, W0, b0, W1, b1, W2, b2,
           Wr, br, Wb, bb, Wl1, bl1, Wl2, bl2):
    src = edge_index[0]
    dst = edge_index[1]
    xp = jnp.pad(x, ((0, _NPAD - _N), (0, 0)))
    eap = jnp.pad(edge_attr, ((0, _EPAD - _E), (0, 0)))
    src_p = jnp.concatenate(
        [src, jnp.zeros((_EPAD - _E,), jnp.int32)]
    ).reshape(_NW, _KC, _CH)
    dst_p = jnp.concatenate(
        [dst, jnp.full((_EPAD - _E,), _N, jnp.int32)]
    ).reshape(_NW, _KC, _CH)
    w2p = W2.reshape(64, 64, 64).reshape(4096, 64).astype(jnp.bfloat16).astype(jnp.bfloat16)
    bmat = b2.reshape(64, 64)
    zeros64 = jnp.zeros((_RPT, 64), jnp.float32)
    zeros16 = jnp.zeros((_RPT, 16), jnp.float32)
    ones16 = jnp.ones((_CH, 16), jnp.float32)

    sc_gather, sc_scatter, sc_count = _sc_kernels()
    h = _lin_relu(xp, W0, b0)
    zt = _lin_relu_t(eap.T, W1, b1)
    cnt2 = sc_count(dst_p, ones16, zeros16)
    for _ in range(3):
        hs = sc_gather(h, src_p)
        msg = _msg(zt, hs, w2p, bmat)
        agg2 = sc_scatter(msg, dst_p, zeros64)
        h = _update(h, Wr, br, agg2[0], agg2[1], cnt2[0], cnt2[1])
    ex = jnp.concatenate([vpa, mz, adduct]).reshape(1, 5)
    out = _head(h, ex, Wb, bb, Wl1, bl1, Wl2, bl2)
    return out.reshape(1)

# --- scband reference (transcript-rebuilt; emitter-appended) ---
"""Pipeline reference for scband-paccs-46840913330689 (READ-ONLY COPY).

The authoritative reference and input builder live on the scoring server;
editing this copy changes nothing except your own understanding.
"""

import jax, jax.numpy as jnp
import numpy as np

N = 10000
E = 40000

def _lin(k, i, o, s=0.05):
    kw, kb = jax.random.split(k)
    W = jax.random.normal(kw, (i, o), dtype=jnp.float32) * s
    b = jax.random.normal(kb, (o,), dtype=jnp.float32) * s
    return W, b

def setup_inputs(seed: int = 0) -> dict:
    key = jax.random.key(seed)
    ks = jax.random.split(key, 16)
    x = jax.random.normal(ks[0], (N, 20), dtype=jnp.float32)
    edge_index = jax.random.randint(ks[1], (2, E), 0, N, dtype=jnp.int32)
    edge_attr = jax.random.uniform(ks[2], (E, 5), dtype=jnp.float32)
    vpa = jax.random.normal(ks[3], (1,), dtype=jnp.float32)
    mz = jax.random.uniform(ks[4], (1,), dtype=jnp.float32)
    adduct = jax.random.uniform(ks[5], (3,), dtype=jnp.float32)
    W0, b0 = _lin(ks[6], 20, 64)
    W1, b1 = _lin(ks[7], 5, 64)
    W2, b2 = _lin(ks[8], 64, 64 * 64, s=0.01)
    Wr, br = _lin(ks[9], 64, 64)
    Wb, bb = _lin(ks[10], 69, 384)
    Wl1, bl1 = _lin(ks[11], 384, 384)
    Wl2, bl2 = _lin(ks[12], 384, 1)
    return {"x": x, "edge_index": edge_index, "edge_attr": edge_attr, "vpa": vpa, "mz": mz, "adduct": adduct,
            "W0": W0, "b0": b0, "W1": W1, "b1": b1, "W2": W2, "b2": b2, "Wr": Wr, "br": br,
            "Wb": Wb, "bb": bb, "Wl1": Wl1, "bl1": bl1, "Wl2": Wl2, "bl2": bl2}

def reference(x, edge_index, edge_attr, vpa, mz, adduct, W0, b0, W1, b1, W2, b2, Wr, br, Wb, bb, Wl1, bl1, Wl2, bl2):
    src = edge_index[0]
    dst = edge_index[1]
    # NNConv edge network: edge_attr -> [E, in*out] weight, independent of node features,
    # so it is computed once (identical math to recomputing it in each of the 3 conv calls).
    w_e = jnp.maximum(edge_attr @ W1 + b1, 0.0) @ W2 + b2
    w_e = w_e.reshape(E, 64, 64)
    cnt = jax.ops.segment_sum(jnp.ones((E,), jnp.float32), dst, num_segments=N)
    cnt = jnp.clip(cnt, 1.0)[:, None]

    def nnconv(h):
        msg = jnp.einsum('ei,eio->eo', h[src], w_e)
        agg = jax.ops.segment_sum(msg, dst, num_segments=N) / cnt  # aggr='mean'
        return h @ Wr + agg + br  # root weight + bias (PyG NNConv defaults)

    h = jnp.maximum(x @ W0 + b0, 0.0)
    for _ in range(3):
        h = jnp.maximum(nnconv(h), 0.0)
    g = jnp.sum(h, axis=0)
    out = jnp.concatenate([g, vpa, mz, adduct], axis=-1)
    out = jnp.maximum(out @ Wb + bb, 0.0)
    for _ in range(6):
        out = jnp.maximum(out @ Wl1 + bl1, 0.0)
    out = out @ Wl2 + bl2
    return out

if __name__ == "__main__":
    import jax
    _d = setup_inputs()
    print(jax.jit(kernel)(*tuple(_d.values())))

</pallas_src>

<mosaic_0001>
#map = affine_map<(d0, d1) -> (0, 0)>
#map1 = affine_map<(d0, d1) -> (0, 0, 0)>
module attributes {stable_mosaic.version = 14 : i64} {
  func.func @sc_gather(%arg0: i32, %arg1: i32, %arg2: memref<10240x64xf32, #tpu.memory_space<hbm>>, %arg3: memref<32x10x128xi32, #tpu.memory_space<hbm>>, %arg4: memref<40960x64xf32, #tpu.memory_space<hbm>>, %arg5: memref<10x128xi32, #tpu.memory_space<vmem>>, %arg6: memref<1280x64xf32, #tpu.memory_space<vmem>>, %arg7: memref<!tpu.dma_semaphore, #tpu.memory_space<semaphore_mem>>) attributes {dimension_semantics = [#tpu.dimension_semantics<core_parallel>, #tpu.dimension_semantics<subcore_parallel>], iteration_bounds = array<i64: 2, 16>, scalar_prefetch = 0 : i64, scratch_operands = 3 : i64, tpu.core_type = #tpu.core_type<sc_vector_subcore>, window_params = [{transform_indices = #map}, {transform_indices = #map1}, {transform_indices = #map}]} {
    %mul3A = arith.constant 2 : i32
    %mul3A_0 = arith.muli %arg1, %mul3A : i32
    %add3A = arith.addi %mul3A_0, %arg0 : i32
    "tpu.region"() ({
      %run_scoped3A = tpu.sem_alloc : memref<!tpu.dma_semaphore, #tpu.memory_space<semaphore_mem>>
      %dma_start3A_201 = arith.constant 0 : i32
      %dma_start3A_202 = arith.constant 0 : i32
      %dma_start3A_203 = tpu.memref_slice %arg3[%add3A, %dma_start3A_201, %dma_start3A_202] : memref<32x10x128xi32, #tpu.memory_space<hbm>> -> memref<1x10x128xi32, #tpu.memory_space<hbm>>
      %dma_start3A_204 = tpu.memref_squeeze %dma_start3A_203 : memref<1x10x128xi32, #tpu.memory_space<hbm>> -> memref<10x128xi32, #tpu.memory_space<hbm>>
      %dma_start3A_205 = arith.constant 0 : i32
      %dma_start3A_206 = arith.constant 0 : i32
      %dma_start3A_207 = tpu.memref_slice %arg3[%add3A, %dma_start3A_205, %dma_start3A_206] : memref<32x10x128xi32, #tpu.memory_space<hbm>> -> memref<1x10x128xi32, #tpu.memory_space<hbm>>
      %dma_start3A_208 = tpu.memref_squeeze %dma_start3A_207 : memref<1x10x128xi32, #tpu.memory_space<hbm>> -> memref<10x128xi32, #tpu.memory_space<hbm>>
      tpu.enqueue_dma source(%dma_start3A_208 : memref<10x128xi32, #tpu.memory_space<hbm>>) target(%arg5 : memref<10x128xi32, #tpu.memory_space<vmem>>) target_semaphore(%run_scoped3A : memref<!tpu.dma_semaphore, #tpu.memory_space<semaphore_mem>>)
      %dma_wait3A_209 = arith.constant 0 : i32
      %dma_wait3A_210 = arith.constant 0 : i32
      %dma_wait3A_211 = tpu.memref_slice %arg3[%add3A, %dma_wait3A_209, %dma_wait3A_210] : memref<32x10x128xi32, #tpu.memory_space<hbm>> -> memref<1x10x128xi32, #tpu.memory_space<hbm>>
      %dma_wait3A_212 = tpu.memref_squeeze %dma_wait3A_211 : memref<1x10x128xi32, #tpu.memory_space<hbm>> -> memref<10x128xi32, #tpu.memory_space<hbm>>
      %dma_wait3A_213 = arith.constant 0 : i32
      %dma_wait3A_214 = arith.constant 0 : i32
      %dma_wait3A_215 = tpu.memref_slice %arg3[%add3A, %dma_wait3A_213, %dma_wait3A_214] : memref<32x10x128xi32, #tpu.memory_space<hbm>> -> memref<1x10x128xi32, #tpu.memory_space<hbm>>
      %dma_wait3A_216 = tpu.memref_squeeze %dma_wait3A_215 : memref<1x10x128xi32, #tpu.memory_space<hbm>> -> memref<10x128xi32, #tpu.memory_space<hbm>>
      tpu.wait_dma2 semaphore(%run_scoped3A : memref<!tpu.dma_semaphore, #tpu.memory_space<semaphore_mem>>) src(%dma_wait3A_216 : memref<10x128xi32, #tpu.memory_space<hbm>>) dst(%arg5 : memref<10x128xi32, #tpu.memory_space<vmem>>)
      tpu.yield
    }) : () -> ()
    %dma_start3A = arith.constant 0 : i32
    %dma_start3A_1 = arith.constant 0 : i32
    %dma_start3A_2 = arith.constant 0 : i32
    %dma_start3A_3 = tpu.memref_slice %arg6[%dma_start3A_1, %dma_start3A_2] : memref<1280x64xf32, #tpu.memory_space<vmem>> -> memref<128x64xf32, #tpu.memory_space<vmem>>
    %dma_start3A_4 = arith.constant 0 : i32
    %dma_start3A_5 = tpu.memref_slice %arg5[%dma_start3A, %dma_start3A_4] : memref<10x128xi32, #tpu.memory_space<vmem>> -> memref<1x128xi32, #tpu.memory_space<vmem>>
    %dma_start3A_6 = tpu.memref_squeeze %dma_start3A_5 : memref<1x128xi32, #tpu.memory_space<vmem>> -> memref<128xi32, #tpu.memory_space<vmem>>
    %dma_start3A_7 = arith.constant 0 : i32
    %dma_start3A_8 = arith.constant 0 : i32
    %dma_start3A_9 = tpu.memref_slice %arg2[%dma_start3A_7, %dma_start3A_8] : memref<10240x64xf32, #tpu.memory_space<hbm>> -> memref<10240x64xf32, #tpu.memory_space<hbm>>
    tpu.enqueue_indirect_dma source(%dma_start3A_9 : memref<10240x64xf32, #tpu.memory_space<hbm>>) target(%dma_start3A_3 : memref<128x64xf32, #tpu.memory_space<vmem>>) offsets(%dma_start3A_6 : memref<128xi32, #tpu.memory_space<vmem>>) semaphore(%arg7 : memref<!tpu.dma_semaphore, #tpu.memory_space<semaphore_mem>>)
    %dma_start3A_10 = arith.constant 1 : i32
    %dma_start3A_11 = arith.constant 128 : i32
    %dma_start3A_12 = arith.constant 0 : i32
    %dma_start3A_13 = tpu.memref_slice %arg6[%dma_start3A_11, %dma_start3A_12] : memref<1280x64xf32, #tpu.memory_space<vmem>> -> memref<128x64xf32, #tpu.memory_space<vmem>>
    %dma_start3A_14 = arith.constant 0 : i32
    %dma_start3A_15 = tpu.memref_slice %arg5[%dma_start3A_10, %dma_start3A_14] : memref<10x128xi32, #tpu.memory_space<vmem>> -> memref<1x128xi32, #tpu.memory_space<vmem>>
    %dma_start3A_16 = tpu.memref_squeeze %dma_start3A_15 : memref<1x128xi32, #tpu.memory_space<vmem>> -> memref<128xi32, #tpu.memory_space<vmem>>
    %dma_start3A_17 = arith.constant 0 : i32
    %dma_start3A_18 = arith.constant 0 : i32
    %dma_start3A_19 = tpu.memref_slice %arg2[%dma_start3A_17, %dma_start3A_18] : memref<10240x64xf32, #tpu.memory_space<hbm>> -> memref<10240x64xf32, #tpu.memory_space<hbm>>
    tpu.enqueue_indirect_dma source(%dma_start3A_19 : memref<10240x64xf32, #tpu.memory_space<hbm>>) target(%dma_start3A_13 : memref<128x64xf32, #tpu.memory_space<vmem>>) offsets(%dma_start3A_16 : memref<128xi32, #tpu.memory_space<vmem>>) semaphore(%arg7 : memref<!tpu.dma_semaphore, #tpu.memory_space<semaphore_mem>>)
    %dma_start3A_20 = arith.constant 2 : i32
    %dma_start3A_21 = arith.constant 256 : i32
    %dma_start3A_22 = arith.constant 0 : i32
    %dma_start3A_23 = tpu.memref_slice %arg6[%dma_start3A_21, %dma_start3A_22] : memref<1280x64xf32, #tpu.memory_space<vmem>> -> memref<128x64xf32, #tpu.memory_space<vmem>>
    %dma_start3A_24 = arith.constant 0 : i32
    %dma_start3A_25 = tpu.memref_slice %arg5[%dma_start3A_20, %dma_start3A_24] : memref<10x128xi32, #tpu.memory_space<vmem>> -> memref<1x128xi32, #tpu.memory_space<vmem>>
    %dma_start3A_26 = tpu.memref_squeeze %dma_start3A_25 : memref<1x128xi32, #tpu.memory_space<vmem>> -> memref<128xi32, #tpu.memory_space<vmem>>
    %dma_start3A_27 = arith.constant 0 : i32
    %dma_start3A_28 = arith.constant 0 : i32
    %dma_start3A_29 = tpu.memref_slice %arg2[%dma_start3A_27, %dma_start3A_28] : memref<10240x64xf32, #tpu.memory_space<hbm>> -> memref<10240x64xf32, #tpu.memory_space<hbm>>
    tpu.enqueue_indirect_dma source(%dma_start3A_29 : memref<10240x64xf32, #tpu.memory_space<hbm>>) target(%dma_start3A_23 : memref<128x64xf32, #tpu.memory_space<vmem>>) offsets(%dma_start3A_26 : memref<128xi32, #tpu.memory_space<vmem>>) semaphore(%arg7 : memref<!tpu.dma_semaphore, #tpu.memory_space<semaphore_mem>>)
    %dma_start3A_30 = arith.constant 3 : i32
    %dma_start3A_31 = arith.constant 384 : i32
    %dma_start3A_32 = arith.constant 0 : i32
    %dma_start3A_33 = tpu.memref_slice %arg6[%dma_start3A_31, %dma_start3A_32] : memref<1280x64xf32, #tpu.memory_space<vmem>> -> memref<128x64xf32, #tpu.memory_space<vmem>>
    %dma_start3A_34 = arith.constant 0 : i32
    %dma_start3A_35 = tpu.memref_slice %arg5[%dma_start3A_30, %dma_start3A_34] : memref<10x128xi32, #tpu.memory_space<vmem>> -> memref<1x128xi32, #tpu.memory_space<vmem>>
    %dma_start3A_36 = tpu.memref_squeeze %dma_start3A_35 : memref<1x128xi32, #tpu.memory_space<vmem>> -> memref<128xi32, #tpu.memory_space<vmem>>
    %dma_start3A_37 = arith.constant 0 : i32
    %dma_start3A_38 = arith.constant 0 : i32
    %dma_start3A_39 = tpu.memref_slice %arg2[%dma_start3A_37, %dma_start3A_38] : memref<10240x64xf32, #tpu.memory_space<hbm>> -> memref<10240x64xf32, #tpu.memory_space<hbm>>
    tpu.enqueue_indirect_dma source(%dma_start3A_39 : memref<10240x64xf32, #tpu.memory_space<hbm>>) target(%dma_start3A_33 : memref<128x64xf32, #tpu.memory_space<vmem>>) offsets(%dma_start3A_36 : memref<128xi32, #tpu.memory_space<vmem>>) semaphore(%arg7 : memref<!tpu.dma_semaphore, #tpu.memory_space<semaphore_mem>>)
    %dma_start3A_40 = arith.constant 4 : i32
    %dma_start3A_41 = arith.constant 512 : i32
    %dma_start3A_42 = arith.constant 0 : i32
    %dma_start3A_43 = tpu.memref_slice %arg6[%dma_start3A_41, %dma_start3A_42] : memref<1280x64xf32, #tpu.memory_space<vmem>> -> memref<128x64xf32, #tpu.memory_space<vmem>>
    %dma_start3A_44 = arith.constant 0 : i32
    %dma_start3A_45 = tpu.memref_slice %arg5[%dma_start3A_40, %dma_start3A_44] : memref<10x128xi32, #tpu.memory_space<vmem>> -> memref<1x128xi32, #tpu.memory_space<vmem>>
    %dma_start3A_46 = tpu.memref_squeeze %dma_start3A_45 : memref<1x128xi32, #tpu.memory_space<vmem>> -> memref<128xi32, #tpu.memory_space<vmem>>
    %dma_start3A_47 = arith.constant 0 : i32
    %dma_start3A_48 = arith.constant 0 : i32
    %dma_start3A_49 = tpu.memref_slice %arg2[%dma_start3A_47, %dma_start3A_48] : memref<10240x64xf32, #tpu.memory_space<hbm>> -> memref<10240x64xf32, #tpu.memory_space<hbm>>
    tpu.enqueue_indirect_dma source(%dma_start3A_49 : memref<10240x64xf32, #tpu.memory_space<hbm>>) target(%dma_start3A_43 : memref<128x64xf32, #tpu.memory_space<vmem>>) offsets(%dma_start3A_46 : memref<128xi32, #tpu.memory_space<vmem>>) semaphore(%arg7 : memref<!tpu.dma_semaphore, #tpu.memory_space<semaphore_mem>>)
    %dma_start3A_50 = arith.constant 5 : i32
    %dma_start3A_51 = arith.constant 640 : i32
    %dma_start3A_52 = arith.constant 0 : i32
    %dma_start3A_53 = tpu.memref_slice %arg6[%dma_start3A_51, %dma_start3A_52] : memref<1280x64xf32, #tpu.memory_space<vmem>> -> memref<128x64xf32, #tpu.memory_space<vmem>>
    %dma_start3A_54 = arith.constant 0 : i32
    %dma_start3A_55 = tpu.memref_slice %arg5[%dma_start3A_50, %dma_start3A_54] : memref<10x128xi32, #tpu.memory_space<vmem>> -> memref<1x128xi32, #tpu.memory_space<vmem>>
    %dma_start3A_56 = tpu.memref_squeeze %dma_start3A_55 : memref<1x128xi32, #tpu.memory_space<vmem>> -> memref<128xi32, #tpu.memory_space<vmem>>
    %dma_start3A_57 = arith.constant 0 : i32
    %dma_start3A_58 = arith.constant 0 : i32
    %dma_start3A_59 = tpu.memref_slice %arg2[%dma_start3A_57, %dma_start3A_58] : memref<10240x64xf32, #tpu.memory_space<hbm>> -> memref<10240x64xf32, #tpu.memory_space<hbm>>
    tpu.enqueue_indirect_dma source(%dma_start3A_59 : memref<10240x64xf32, #tpu.memory_space<hbm>>) target(%dma_start3A_53 : memref<128x64xf32, #tpu.memory_space<vmem>>) offsets(%dma_start3A_56 : memref<128xi32, #tpu.memory_space<vmem>>) semaphore(%arg7 : memref<!tpu.dma_semaphore, #tpu.memory_space<semaphore_mem>>)
    %dma_start3A_60 = arith.constant 6 : i32
    %dma_start3A_61 = arith.constant 768 : i32
    %dma_start3A_62 = arith.constant 0 : i32
    %dma_start3A_63 = tpu.memref_slice %arg6[%dma_start3A_61, %dma_start3A_62] : memref<1280x64xf32, #tpu.memory_space<vmem>> -> memref<128x64xf32, #tpu.memory_space<vmem>>
    %dma_start3A_64 = arith.constant 0 : i32
    %dma_start3A_65 = tpu.memref_slice %arg5[%dma_start3A_60, %dma_start3A_64] : memref<10x128xi32, #tpu.memory_space<vmem>> -> memref<1x128xi32, #tpu.memory_space<vmem>>
    %dma_start3A_66 = tpu.memref_squeeze %dma_start3A_65 : memref<1x128xi32, #tpu.memory_space<vmem>> -> memref<128xi32, #tpu.memory_space<vmem>>
    %dma_start3A_67 = arith.constant 0 : i32
    %dma_start3A_68 = arith.constant 0 : i32
    %dma_start3A_69 = tpu.memref_slice %arg2[%dma_start3A_67, %dma_start3A_68] : memref<10240x64xf32, #tpu.memory_space<hbm>> -> memref<10240x64xf32, #tpu.memory_space<hbm>>
    tpu.enqueue_indirect_dma source(%dma_start3A_69 : memref<10240x64xf32, #tpu.memory_space<hbm>>) target(%dma_start3A_63 : memref<128x64xf32, #tpu.memory_space<vmem>>) offsets(%dma_start3A_66 : memref<128xi32, #tpu.memory_space<vmem>>) semaphore(%arg7 : memref<!tpu.dma_semaphore, #tpu.memory_space<semaphore_mem>>)
    %dma_start3A_70 = arith.constant 7 : i32
    %dma_start3A_71 = arith.constant 896 : i32
    %dma_start3A_72 = arith.constant 0 : i32
    %dma_start3A_73 = tpu.memref_slice %arg6[%dma_start3A_71, %dma_start3A_72] : memref<1280x64xf32, #tpu.memory_space<vmem>> -> memref<128x64xf32, #tpu.memory_space<vmem>>
    %dma_start3A_74 = arith.constant 0 : i32
    %dma_start3A_75 = tpu.memref_slice %arg5[%dma_start3A_70, %dma_start3A_74] : memref<10x128xi32, #tpu.memory_space<vmem>> -> memref<1x128xi32, #tpu.memory_space<vmem>>
    %dma_start3A_76 = tpu.memref_squeeze %dma_start3A_75 : memref<1x128xi32, #tpu.memory_space<vmem>> -> memref<128xi32, #tpu.memory_space<vmem>>
    %dma_start3A_77 = arith.constant 0 : i32
    %dma_start3A_78 = arith.constant 0 : i32
    %dma_start3A_79 = tpu.memref_slice %arg2[%dma_start3A_77, %dma_start3A_78] : memref<10240x64xf32, #tpu.memory_space<hbm>> -> memref<10240x64xf32, #tpu.memory_space<hbm>>
    tpu.enqueue_indirect_dma source(%dma_start3A_79 : memref<10240x64xf32, #tpu.memory_space<hbm>>) target(%dma_start3A_73 : memref<128x64xf32, #tpu.memory_space<vmem>>) offsets(%dma_start3A_76 : memref<128xi32, #tpu.memory_space<vmem>>) semaphore(%arg7 : memref<!tpu.dma_semaphore, #tpu.memory_space<semaphore_mem>>)
    %dma_start3A_80 = arith.constant 8 : i32
    %dma_start3A_81 = arith.constant 1024 : i32
    %dma_start3A_82 = arith.constant 0 : i32
    %dma_start3A_83 = tpu.memref_slice %arg6[%dma_start3A_81, %dma_start3A_82] : memref<1280x64xf32, #tpu.memory_space<vmem>> -> memref<128x64xf32, #tpu.memory_space<vmem>>
    %dma_start3A_84 = arith.constant 0 : i32
    %dma_start3A_85 = tpu.memref_slice %arg5[%dma_start3A_80, %dma_start3A_84] : memref<10x128xi32, #tpu.memory_space<vmem>> -> memref<1x128xi32, #tpu.memory_space<vmem>>
    %dma_start3A_86 = tpu.memref_squeeze %dma_start3A_85 : memref<1x128xi32, #tpu.memory_space<vmem>> -> memref<128xi32, #tpu.memory_space<vmem>>
    %dma_start3A_87 = arith.constant 0 : i32
    %dma_start3A_88 = arith.constant 0 : i32
    %dma_start3A_89 = tpu.memref_slice %arg2[%dma_start3A_87, %dma_start3A_88] : memref<10240x64xf32, #tpu.memory_space<hbm>> -> memref<10240x64xf32, #tpu.memory_space<hbm>>
    tpu.enqueue_indirect_dma source(%dma_start3A_89 : memref<10240x64xf32, #tpu.memory_space<hbm>>) target(%dma_start3A_83 : memref<128x64xf32, #tpu.memory_space<vmem>>) offsets(%dma_start3A_86 : memref<128xi32, #tpu.memory_space<vmem>>) semaphore(%arg7 : memref<!tpu.dma_semaphore, #tpu.memory_space<semaphore_mem>>)
    %dma_start3A_90 = arith.constant 9 : i32
    %dma_start3A_91 = arith.constant 1152 : i32
    %dma_start3A_92 = arith.constant 0 : i32
    %dma_start3A_93 = tpu.memref_slice %arg6[%dma_start3A_91, %dma_start3A_92] : memref<1280x64xf32, #tpu.memory_space<vmem>> -> memref<128x64xf32, #tpu.memory_space<vmem>>
    %dma_start3A_94 = arith.constant 0 : i32
    %dma_start3A_95 = tpu.memref_slice %arg5[%dma_start3A_90, %dma_start3A_94] : memref<10x128xi32, #tpu.memory_space<vmem>> -> memref<1x128xi32, #tpu.memory_space<vmem>>
    %dma_start3A_96 = tpu.memref_squeeze %dma_start3A_95 : memref<1x128xi32, #tpu.memory_space<vmem>> -> memref<128xi32, #tpu.memory_space<vmem>>
    %dma_start3A_97 = arith.constant 0 : i32
    %dma_start3A_98 = arith.constant 0 : i32
    %dma_start3A_99 = tpu.memref_slice %arg2[%dma_start3A_97, %dma_start3A_98] : memref<10240x64xf32, #tpu.memory_space<hbm>> -> memref<10240x64xf32, #tpu.memory_space<hbm>>
    tpu.enqueue_indirect_dma source(%dma_start3A_99 : memref<10240x64xf32, #tpu.memory_space<hbm>>) target(%dma_start3A_93 : memref<128x64xf32, #tpu.memory_space<vmem>>) offsets(%dma_start3A_96 : memref<128xi32, #tpu.memory_space<vmem>>) semaphore(%arg7 : memref<!tpu.dma_semaphore, #tpu.memory_space<semaphore_mem>>)
    %dma_wait3A = arith.constant 0 : i32
    %dma_wait3A_100 = arith.constant 0 : i32
    %dma_wait3A_101 = arith.constant 0 : i32
    %dma_wait3A_102 = tpu.memref_slice %arg6[%dma_wait3A_100, %dma_wait3A_101] : memref<1280x64xf32, #tpu.memory_space<vmem>> -> memref<128x64xf32, #tpu.memory_space<vmem>>
    %dma_wait3A_103 = arith.constant 0 : i32
    %dma_wait3A_104 = tpu.memref_slice %arg5[%dma_wait3A, %dma_wait3A_103] : memref<10x128xi32, #tpu.memory_space<vmem>> -> memref<1x128xi32, #tpu.memory_space<vmem>>
    %dma_wait3A_105 = tpu.memref_squeeze %dma_wait3A_104 : memref<1x128xi32, #tpu.memory_space<vmem>> -> memref<128xi32, #tpu.memory_space<vmem>>
    %dma_wait3A_106 = arith.constant 0 : i32
    %dma_wait3A_107 = arith.constant 0 : i32
    %dma_wait3A_108 = tpu.memref_slice %arg2[%dma_wait3A_106, %dma_wait3A_107] : memref<10240x64xf32, #tpu.memory_space<hbm>> -> memref<10240x64xf32, #tpu.memory_space<hbm>>
    tpu.wait_indirect_dma semaphore(%arg7 : memref<!tpu.dma_semaphore, #tpu.memory_space<semaphore_mem>>) src(%dma_wait3A_108 : memref<10240x64xf32, #tpu.memory_space<hbm>>) dst(%dma_wait3A_102 : memref<128x64xf32, #tpu.memory_space<vmem>>)
    %dma_wait3A_109 = arith.constant 1 : i32
    %dma_wait3A_110 = arith.constant 128 : i32
    %dma_wait3A_111 = arith.constant 0 : i32
    %dma_wait3A_112 = tpu.memref_slice %arg6[%dma_wait3A_110, %dma_wait3A_111] : memref<1280x64xf32, #tpu.memory_space<vmem>> -> memref<128x64xf32, #tpu.memory_space<vmem>>
    %dma_wait3A_113 = arith.constant 0 : i32
    %dma_wait3A_114 = tpu.memref_slice %arg5[%dma_wait3A_109, %dma_wait3A_113] : memref<10x128xi32, #tpu.memory_space<vmem>> -> memref<1x128xi32, #tpu.memory_space<vmem>>
    %dma_wait3A_115 = tpu.memref_squeeze %dma_wait3A_114 : memref<1x128xi32, #tpu.memory_space<vmem>> -> memref<128xi32, #tpu.memory_space<vmem>>
    %dma_wait3A_116 = arith.constant 0 : i32
    %dma_wait3A_117 = arith.constant 0 : i32
    %dma_wait3A_118 = tpu.memref_slice %arg2[%dma_wait3A_116, %dma_wait3A_117] : memref<10240x64xf32, #tpu.memory_space<hbm>> -> memref<10240x64xf32, #tpu.memory_space<hbm>>
    tpu.wait_indirect_dma semaphore(%arg7 : memref<!tpu.dma_semaphore, #tpu.memory_space<semaphore_mem>>) src(%dma_wait3A_118 : memref<10240x64xf32, #tpu.memory_space<hbm>>) dst(%dma_wait3A_112 : memref<128x64xf32, #tpu.memory_space<vmem>>)
    %dma_wait3A_119 = arith.constant 2 : i32
    %dma_wait3A_120 = arith.constant 256 : i32
    %dma_wait3A_121 = arith.constant 0 : i32
    %dma_wait3A_122 = tpu.memref_slice %arg6[%dma_wait3A_120, %dma_wait3A_121] : memref<1280x64xf32, #tpu.memory_space<vmem>> -> memref<128x64xf32, #tpu.memory_space<vmem>>
    %dma_wait3A_123 = arith.constant 0 : i32
    %dma_wait3A_124 = tpu.memref_slice %arg5[%dma_wait3A_119, %dma_wait3A_123] : memref<10x128xi32, #tpu.memory_space<vmem>> -> memref<1x128xi32, #tpu.memory_space<vmem>>
    %dma_wait3A_125 = tpu.memref_squeeze %dma_wait3A_124 : memref<1x128xi32, #tpu.memory_space<vmem>> -> memref<128xi32, #tpu.memory_space<vmem>>
    %dma_wait3A_126 = arith.constant 0 : i32
    %dma_wait3A_127 = arith.constant 0 : i32
    %dma_wait3A_128 = tpu.memref_slice %arg2[%dma_wait3A_126, %dma_wait3A_127] : memref<10240x64xf32, #tpu.memory_space<hbm>> -> memref<10240x64xf32, #tpu.memory_space<hbm>>
    tpu.wait_indirect_dma semaphore(%arg7 : memref<!tpu.dma_semaphore, #tpu.memory_space<semaphore_mem>>) src(%dma_wait3A_128 : memref<10240x64xf32, #tpu.memory_space<hbm>>) dst(%dma_wait3A_122 : memref<128x64xf32, #tpu.memory_space<vmem>>)
    %dma_wait3A_129 = arith.constant 3 : i32
    %dma_wait3A_130 = arith.constant 384 : i32
    %dma_wait3A_131 = arith.constant 0 : i32
    %dma_wait3A_132 = tpu.memref_slice %arg6[%dma_wait3A_130, %dma_wait3A_131] : memref<1280x64xf32, #tpu.memory_space<vmem>> -> memref<128x64xf32, #tpu.memory_space<vmem>>
    %dma_wait3A_133 = arith.constant 0 : i32
    %dma_wait3A_134 = tpu.memref_slice %arg5[%dma_wait3A_129, %dma_wait3A_133] : memref<10x128xi32, #tpu.memory_space<vmem>> -> memref<1x128xi32, #tpu.memory_space<vmem>>
    %dma_wait3A_135 = tpu.memref_squeeze %dma_wait3A_134 : memref<1x128xi32, #tpu.memory_space<vmem>> -> memref<128xi32, #tpu.memory_space<vmem>>
    %dma_wait3A_136 = arith.constant 0 : i32
    %dma_wait3A_137 = arith.constant 0 : i32
    %dma_wait3A_138 = tpu.memref_slice %arg2[%dma_wait3A_136, %dma_wait3A_137] : memref<10240x64xf32, #tpu.memory_space<hbm>> -> memref<10240x64xf32, #tpu.memory_space<hbm>>
    tpu.wait_indirect_dma semaphore(%arg7 : memref<!tpu.dma_semaphore, #tpu.memory_space<semaphore_mem>>) src(%dma_wait3A_138 : memref<10240x64xf32, #tpu.memory_space<hbm>>) dst(%dma_wait3A_132 : memref<128x64xf32, #tpu.memory_space<vmem>>)
    %dma_wait3A_139 = arith.constant 4 : i32
    %dma_wait3A_140 = arith.constant 512 : i32
    %dma_wait3A_141 = arith.constant 0 : i32
    %dma_wait3A_142 = tpu.memref_slice %arg6[%dma_wait3A_140, %dma_wait3A_141] : memref<1280x64xf32, #tpu.memory_space<vmem>> -> memref<128x64xf32, #tpu.memory_space<vmem>>
    %dma_wait3A_143 = arith.constant 0 : i32
    %dma_wait3A_144 = tpu.memref_slice %arg5[%dma_wait3A_139, %dma_wait3A_143] : memref<10x128xi32, #tpu.memory_space<vmem>> -> memref<1x128xi32, #tpu.memory_space<vmem>>
    %dma_wait3A_145 = tpu.memref_squeeze %dma_wait3A_144 : memref<1x128xi32, #tpu.memory_space<vmem>> -> memref<128xi32, #tpu.memory_space<vmem>>
    %dma_wait3A_146 = arith.constant 0 : i32
    %dma_wait3A_147 = arith.constant 0 : i32
    %dma_wait3A_148 = tpu.memref_slice %arg2[%dma_wait3A_146, %dma_wait3A_147] : memref<10240x64xf32, #tpu.memory_space<hbm>> -> memref<10240x64xf32, #tpu.memory_space<hbm>>
    tpu.wait_indirect_dma semaphore(%arg7 : memref<!tpu.dma_semaphore, #tpu.memory_space<semaphore_mem>>) src(%dma_wait3A_148 : memref<10240x64xf32, #tpu.memory_space<hbm>>) dst(%dma_wait3A_142 : memref<128x64xf32, #tpu.memory_space<vmem>>)
    %dma_wait3A_149 = arith.constant 5 : i32
    %dma_wait3A_150 = arith.constant 640 : i32
    %dma_wait3A_151 = arith.constant 0 : i32
    %dma_wait3A_152 = tpu.memref_slice %arg6[%dma_wait3A_150, %dma_wait3A_151] : memref<1280x64xf32, #tpu.memory_space<vmem>> -> memref<128x64xf32, #tpu.memory_space<vmem>>
    %dma_wait3A_153 = arith.constant 0 : i32
    %dma_wait3A_154 = tpu.memref_slice %arg5[%dma_wait3A_149, %dma_wait3A_153] : memref<10x128xi32, #tpu.memory_space<vmem>> -> memref<1x128xi32, #tpu.memory_space<vmem>>
    %dma_wait3A_155 = tpu.memref_squeeze %dma_wait3A_154 : memref<1x128xi32, #tpu.memory_space<vmem>> -> memref<128xi32, #tpu.memory_space<vmem>>
    %dma_wait3A_156 = arith.constant 0 : i32
    %dma_wait3A_157 = arith.constant 0 : i32
    %dma_wait3A_158 = tpu.memref_slice %arg2[%dma_wait3A_156, %dma_wait3A_157] : memref<10240x64xf32, #tpu.memory_space<hbm>> -> memref<10240x64xf32, #tpu.memory_space<hbm>>
    tpu.wait_indirect_dma semaphore(%arg7 : memref<!tpu.dma_semaphore, #tpu.memory_space<semaphore_mem>>) src(%dma_wait3A_158 : memref<10240x64xf32, #tpu.memory_space<hbm>>) dst(%dma_wait3A_152 : memref<128x64xf32, #tpu.memory_space<vmem>>)
    %dma_wait3A_159 = arith.constant 6 : i32
    %dma_wait3A_160 = arith.constant 768 : i32
    %dma_wait3A_161 = arith.constant 0 : i32
    %dma_wait3A_162 = tpu.memref_slice %arg6[%dma_wait3A_160, %dma_wait3A_161] : memref<1280x64xf32, #tpu.memory_space<vmem>> -> memref<128x64xf32, #tpu.memory_space<vmem>>
    %dma_wait3A_163 = arith.constant 0 : i32
    %dma_wait3A_164 = tpu.memref_slice %arg5[%dma_wait3A_159, %dma_wait3A_163] : memref<10x128xi32, #tpu.memory_space<vmem>> -> memref<1x128xi32, #tpu.memory_space<vmem>>
    %dma_wait3A_165 = tpu.memref_squeeze %dma_wait3A_164 : memref<1x128xi32, #tpu.memory_space<vmem>> -> memref<128xi32, #tpu.memory_space<vmem>>
    %dma_wait3A_166 = arith.constant 0 : i32
    %dma_wait3A_167 = arith.constant 0 : i32
    %dma_wait3A_168 = tpu.memref_slice %arg2[%dma_wait3A_166, %dma_wait3A_167] : memref<10240x64xf32, #tpu.memory_space<hbm>> -> memref<10240x64xf32, #tpu.memory_space<hbm>>
    tpu.wait_indirect_dma semaphore(%arg7 : memref<!tpu.dma_semaphore, #tpu.memory_space<semaphore_mem>>) src(%dma_wait3A_168 : memref<10240x64xf32, #tpu.memory_space<hbm>>) dst(%dma_wait3A_162 : memref<128x64xf32, #tpu.memory_space<vmem>>)
    %dma_wait3A_169 = arith.constant 7 : i32
    %dma_wait3A_170 = arith.constant 896 : i32
    %dma_wait3A_171 = arith.constant 0 : i32
    %dma_wait3A_172 = tpu.memref_slice %arg6[%dma_wait3A_170, %dma_wait3A_171] : memref<1280x64xf32, #tpu.memory_space<vmem>> -> memref<128x64xf32, #tpu.memory_space<vmem>>
    %dma_wait3A_173 = arith.constant 0 : i32
    %dma_wait3A_174 = tpu.memref_slice %arg5[%dma_wait3A_169, %dma_wait3A_173] : memref<10x128xi32, #tpu.memory_space<vmem>> -> memref<1x128xi32, #tpu.memory_space<vmem>>
    %dma_wait3A_175 = tpu.memref_squeeze %dma_wait3A_174 : memref<1x128xi32, #tpu.memory_space<vmem>> -> memref<128xi32, #tpu.memory_space<vmem>>
    %dma_wait3A_176 = arith.constant 0 : i32
    %dma_wait3A_177 = arith.constant 0 : i32
    %dma_wait3A_178 = tpu.memref_slice %arg2[%dma_wait3A_176, %dma_wait3A_177] : memref<10240x64xf32, #tpu.memory_space<hbm>> -> memref<10240x64xf32, #tpu.memory_space<hbm>>
    tpu.wait_indirect_dma semaphore(%arg7 : memref<!tpu.dma_semaphore, #tpu.memory_space<semaphore_mem>>) src(%dma_wait3A_178 : memref<10240x64xf32, #tpu.memory_space<hbm>>) dst(%dma_wait3A_172 : memref<128x64xf32, #tpu.memory_space<vmem>>)
    %dma_wait3A_179 = arith.constant 8 : i32
    %dma_wait3A_180 = arith.constant 1024 : i32
    %dma_wait3A_181 = arith.constant 0 : i32
    %dma_wait3A_182 = tpu.memref_slice %arg6[%dma_wait3A_180, %dma_wait3A_181] : memref<1280x64xf32, #tpu.memory_space<vmem>> -> memref<128x64xf32, #tpu.memory_space<vmem>>
    %dma_wait3A_183 = arith.constant 0 : i32
    %dma_wait3A_184 = tpu.memref_slice %arg5[%dma_wait3A_179, %dma_wait3A_183] : memref<10x128xi32, #tpu.memory_space<vmem>> -> memref<1x128xi32, #tpu.memory_space<vmem>>
    %dma_wait3A_185 = tpu.memref_squeeze %dma_wait3A_184 : memref<1x128xi32, #tpu.memory_space<vmem>> -> memref<128xi32, #tpu.memory_space<vmem>>
    %dma_wait3A_186 = arith.constant 0 : i32
    %dma_wait3A_187 = arith.constant 0 : i32
    %dma_wait3A_188 = tpu.memref_slice %arg2[%dma_wait3A_186, %dma_wait3A_187] : memref<10240x64xf32, #tpu.memory_space<hbm>> -> memref<10240x64xf32, #tpu.memory_space<hbm>>
    tpu.wait_indirect_dma semaphore(%arg7 : memref<!tpu.dma_semaphore, #tpu.memory_space<semaphore_mem>>) src(%dma_wait3A_188 : memref<10240x64xf32, #tpu.memory_space<hbm>>) dst(%dma_wait3A_182 : memref<128x64xf32, #tpu.memory_space<vmem>>)
    %dma_wait3A_189 = arith.constant 9 : i32
    %dma_wait3A_190 = arith.constant 1152 : i32
    %dma_wait3A_191 = arith.constant 0 : i32
    %dma_wait3A_192 = tpu.memref_slice %arg6[%dma_wait3A_190, %dma_wait3A_191] : memref<1280x64xf32, #tpu.memory_space<vmem>> -> memref<128x64xf32, #tpu.memory_space<vmem>>
    %dma_wait3A_193 = arith.constant 0 : i32
    %dma_wait3A_194 = tpu.memref_slice %arg5[%dma_wait3A_189, %dma_wait3A_193] : memref<10x128xi32, #tpu.memory_space<vmem>> -> memref<1x128xi32, #tpu.memory_space<vmem>>
    %dma_wait3A_195 = tpu.memref_squeeze %dma_wait3A_194 : memref<1x128xi32, #tpu.memory_space<vmem>> -> memref<128xi32, #tpu.memory_space<vmem>>
    %dma_wait3A_196 = arith.constant 0 : i32
    %dma_wait3A_197 = arith.constant 0 : i32
    %dma_wait3A_198 = tpu.memref_slice %arg2[%dma_wait3A_196, %dma_wait3A_197] : memref<10240x64xf32, #tpu.memory_space<hbm>> -> memref<10240x64xf32, #tpu.memory_space<hbm>>
    tpu.wait_indirect_dma semaphore(%arg7 : memref<!tpu.dma_semaphore, #tpu.memory_space<semaphore_mem>>) src(%dma_wait3A_198 : memref<10240x64xf32, #tpu.memory_space<hbm>>) dst(%dma_wait3A_192 : memref<128x64xf32, #tpu.memory_space<vmem>>)
    %mul3A_199 = arith.constant 1280 : i32
    %mul3A_200 = arith.muli %add3A, %mul3A_199 : i32
    "tpu.region"() ({
      %run_scoped3A = tpu.sem_alloc : memref<!tpu.dma_semaphore, #tpu.memory_space<semaphore_mem>>
      %dma_start3A_201 = arith.constant 0 : i32
      %dma_start3A_202 = tpu.memref_slice %arg4[%mul3A_200, %dma_start3A_201] : memref<40960x64xf32, #tpu.memory_space<hbm>> -> memref<1280x64xf32, #tpu.memory_space<hbm>>
      %dma_start3A_203 = arith.constant 0 : i32
      %dma_start3A_204 = tpu.memref_slice %arg4[%mul3A_200, %dma_start3A_203] : memref<40960x64xf32, #tpu.memory_space<hbm>> -> memref<1280x64xf32, #tpu.memory_space<hbm>>
      tpu.enqueue_dma source(%arg6 : memref<1280x64xf32, #tpu.memory_space<vmem>>) target(%dma_start3A_204 : memref<1280x64xf32, #tpu.memory_space<hbm>>) target_semaphore(%run_scoped3A : memref<!tpu.dma_semaphore, #tpu.memory_space<semaphore_mem>>)
      %dma_wait3A_205 = arith.constant 0 : i32
      %dma_wait3A_206 = tpu.memref_slice %arg4[%mul3A_200, %dma_wait3A_205] : memref<40960x64xf32, #tpu.memory_space<hbm>> -> memref<1280x64xf32, #tpu.memory_space<hbm>>
      %dma_wait3A_207 = arith.constant 0 : i32
      %dma_wait3A_208 = tpu.memref_slice %arg4[%mul3A_200, %dma_wait3A_207] : memref<40960x64xf32, #tpu.memory_space<hbm>> -> memref<1280x64xf32, #tpu.memory_space<hbm>>
      tpu.wait_dma2 semaphore(%run_scoped3A : memref<!tpu.dma_semaphore, #tpu.memory_space<semaphore_mem>>) src(%arg6 : memref<1280x64xf32, #tpu.memory_space<vmem>>) dst(%dma_wait3A_208 : memref<1280x64xf32, #tpu.memory_space<hbm>>)
      tpu.yield
    }) : () -> ()
    return
  }
}

#map = affine_map<(d0, d1) -> (0, 0, 0)>
#map1 = affine_map<(d0, d1) -> (0, 0)>
module attributes {stable_mosaic.version = 14 : i64} {
  func.func @sc_count(%arg0: i32, %arg1: i32, %arg2: memref<32x10x128xi32, #tpu.memory_space<hbm>>, %arg3: memref<128x16xf32, #tpu.memory_space<hbm>>, %arg4: memref<640x16xf32, #tpu.memory_space<hbm>>, %arg5: memref<2x10240x16xf32, #tpu.memory_space<hbm>>, %arg6: memref<10x128xi32, #tpu.memory_space<vmem>>, %arg7: memref<128x16xf32, #tpu.memory_space<vmem>>, %arg8: memref<10240x16xf32, #tpu.memory_space<vmem_shared>>) attributes {dimension_semantics = [#tpu.dimension_semantics<core_parallel>, #tpu.dimension_semantics<subcore_parallel>], iteration_bounds = array<i64: 2, 16>, scalar_prefetch = 0 : i64, scratch_operands = 3 : i64, tpu.core_type = #tpu.core_type<sc_vector_subcore>, window_params = [{transform_indices = #map}, {transform_indices = #map1}, {transform_indices = #map1}, {transform_indices = #map}]} {
    %mul3A = arith.constant 2 : i32
    %mul3A_0 = arith.muli %arg1, %mul3A : i32
    %add3A = arith.addi %mul3A_0, %arg0 : i32
    %mul3A_1 = arith.constant 640 : i32
    %mul3A_2 = arith.muli %arg1, %mul3A_1 : i32
    "tpu.region"() ({
      %run_scoped3A_17 = tpu.sem_alloc : memref<!tpu.dma_semaphore, #tpu.memory_space<semaphore_mem>>
      %dma_start3A = arith.constant 0 : i32
      %dma_start3A_18 = tpu.memref_slice %arg8[%mul3A_2, %dma_start3A] : memref<10240x16xf32, #tpu.memory_space<vmem_shared>> -> memref<640x16xf32, #tpu.memory_space<vmem_shared>>
      tpu.enqueue_dma source(%arg4 : memref<640x16xf32, #tpu.memory_space<hbm>>) target(%dma_start3A_18 : memref<640x16xf32, #tpu.memory_space<vmem_shared>>) target_semaphore(%run_scoped3A_17 : memref<!tpu.dma_semaphore, #tpu.memory_space<semaphore_mem>>)
      %dma_wait3A = arith.constant 0 : i32
      %dma_wait3A_19 = tpu.memref_slice %arg8[%mul3A_2, %dma_wait3A] : memref<10240x16xf32, #tpu.memory_space<vmem_shared>> -> memref<640x16xf32, #tpu.memory_space<vmem_shared>>
      tpu.wait_dma2 semaphore(%run_scoped3A_17 : memref<!tpu.dma_semaphore, #tpu.memory_space<semaphore_mem>>) src(%arg4 : memref<640x16xf32, #tpu.memory_space<hbm>>) dst(%dma_wait3A_19 : memref<640x16xf32, #tpu.memory_space<vmem_shared>>)
      tpu.yield
    }) : () -> ()
    "tpu.region"() ({
      %run_scoped3A_17 = tpu.sem_alloc : memref<!tpu.dma_semaphore, #tpu.memory_space<semaphore_mem>>
      %dma_start3A = arith.constant 0 : i32
      %dma_start3A_18 = arith.constant 0 : i32
      %dma_start3A_19 = tpu.memref_slice %arg2[%add3A, %dma_start3A, %dma_start3A_18] : memref<32x10x128xi32, #tpu.memory_space<hbm>> -> memref<1x10x128xi32, #tpu.memory_space<hbm>>
      %dma_start3A_20 = tpu.memref_squeeze %dma_start3A_19 : memref<1x10x128xi32, #tpu.memory_space<hbm>> -> memref<10x128xi32, #tpu.memory_space<hbm>>
      %dma_start3A_21 = arith.constant 0 : i32
      %dma_start3A_22 = arith.constant 0 : i32
      %dma_start3A_23 = tpu.memref_slice %arg2[%add3A, %dma_start3A_21, %dma_start3A_22] : memref<32x10x128xi32, #tpu.memory_space<hbm>> -> memref<1x10x128xi32, #tpu.memory_space<hbm>>
      %dma_start3A_24 = tpu.memref_squeeze %dma_start3A_23 : memref<1x10x128xi32, #tpu.memory_space<hbm>> -> memref<10x128xi32, #tpu.memory_space<hbm>>
      tpu.enqueue_dma source(%dma_start3A_24 : memref<10x128xi32, #tpu.memory_space<hbm>>) target(%arg6 : memref<10x128xi32, #tpu.memory_space<vmem>>) target_semaphore(%run_scoped3A_17 : memref<!tpu.dma_semaphore, #tpu.memory_space<semaphore_mem>>)
      %dma_wait3A = arith.constant 0 : i32
      %dma_wait3A_25 = arith.constant 0 : i32
      %dma_wait3A_26 = tpu.memref_slice %arg2[%add3A, %dma_wait3A, %dma_wait3A_25] : memref<32x10x128xi32, #tpu.memory_space<hbm>> -> memref<1x10x128xi32, #tpu.memory_space<hbm>>
      %dma_wait3A_27 = tpu.memref_squeeze %dma_wait3A_26 : memref<1x10x128xi32, #tpu.memory_space<hbm>> -> memref<10x128xi32, #tpu.memory_space<hbm>>
      %dma_wait3A_28 = arith.constant 0 : i32
      %dma_wait3A_29 = arith.constant 0 : i32
      %dma_wait3A_30 = tpu.memref_slice %arg2[%add3A, %dma_wait3A_28, %dma_wait3A_29] : memref<32x10x128xi32, #tpu.memory_space<hbm>> -> memref<1x10x128xi32, #tpu.memory_space<hbm>>
      %dma_wait3A_31 = tpu.memref_squeeze %dma_wait3A_30 : memref<1x10x128xi32, #tpu.memory_space<hbm>> -> memref<10x128xi32, #tpu.memory_space<hbm>>
      tpu.wait_dma2 semaphore(%run_scoped3A_17 : memref<!tpu.dma_semaphore, #tpu.memory_space<semaphore_mem>>) src(%dma_wait3A_31 : memref<10x128xi32, #tpu.memory_space<hbm>>) dst(%arg6 : memref<10x128xi32, #tpu.memory_space<vmem>>)
      tpu.yield
    }) : () -> ()
    "tpu.region"() ({
      %run_scoped3A_17 = tpu.sem_alloc : memref<!tpu.dma_semaphore, #tpu.memory_space<semaphore_mem>>
      tpu.enqueue_dma source(%arg3 : memref<128x16xf32, #tpu.memory_space<hbm>>) target(%arg7 : memref<128x16xf32, #tpu.memory_space<vmem>>) target_semaphore(%run_scoped3A_17 : memref<!tpu.dma_semaphore, #tpu.memory_space<semaphore_mem>>)
      tpu.wait_dma2 semaphore(%run_scoped3A_17 : memref<!tpu.dma_semaphore, #tpu.memory_space<semaphore_mem>>) src(%arg3 : memref<128x16xf32, #tpu.memory_space<hbm>>) dst(%arg7 : memref<128x16xf32, #tpu.memory_space<vmem>>)
      tpu.yield
    }) : () -> ()
    %barrier3A = arith.constant 0 : index
    tpu.barrier barrier_id(%barrier3A)
    %run_scoped3A = arith.constant 0 : i32
    "tpu.region"() ({
      %run_scoped3A_17 = tpu.sem_alloc : memref<!tpu.dma_semaphore, #tpu.memory_space<semaphore_mem>>
      %dma_start3A = arith.constant 0 : i32
      %dma_start3A_18 = tpu.memref_slice %arg6[%run_scoped3A, %dma_start3A] : memref<10x128xi32, #tpu.memory_space<vmem>> -> memref<1x128xi32, #tpu.memory_space<vmem>>
      %dma_start3A_19 = tpu.memref_squeeze %dma_start3A_18 : memref<1x128xi32, #tpu.memory_space<vmem>> -> memref<128xi32, #tpu.memory_space<vmem>>
      %dma_start3A_20 = arith.constant 0 : i32
      %dma_start3A_21 = arith.constant 0 : i32
      %dma_start3A_22 = tpu.memref_slice %arg8[%dma_start3A_20, %dma_start3A_21] : memref<10240x16xf32, #tpu.memory_space<vmem_shared>> -> memref<10240x16xf32, #tpu.memory_space<vmem_shared>>
      tpu.enqueue_indirect_dma source(%arg7 : memref<128x16xf32, #tpu.memory_space<vmem>>) target(%dma_start3A_22 : memref<10240x16xf32, #tpu.memory_space<vmem_shared>>) offsets(%dma_start3A_19 : memref<128xi32, #tpu.memory_space<vmem>>) semaphore(%run_scoped3A_17 : memref<!tpu.dma_semaphore, #tpu.memory_space<semaphore_mem>>) {add = true}
      %dma_wait3A = arith.constant 0 : i32
      %dma_wait3A_23 = tpu.memref_slice %arg6[%run_scoped3A, %dma_wait3A] : memref<10x128xi32, #tpu.memory_space<vmem>> -> memref<1x128xi32, #tpu.memory_space<vmem>>
      %dma_wait3A_24 = tpu.memref_squeeze %dma_wait3A_23 : memref<1x128xi32, #tpu.memory_space<vmem>> -> memref<128xi32, #tpu.memory_space<vmem>>
      %dma_wait3A_25 = arith.constant 0 : i32
      %dma_wait3A_26 = arith.constant 0 : i32
      %dma_wait3A_27 = tpu.memref_slice %arg8[%dma_wait3A_25, %dma_wait3A_26] : memref<10240x16xf32, #tpu.memory_space<vmem_shared>> -> memref<10240x16xf32, #tpu.memory_space<vmem_shared>>
      tpu.wait_indirect_dma semaphore(%run_scoped3A_17 : memref<!tpu.dma_semaphore, #tpu.memory_space<semaphore_mem>>) src(%arg7 : memref<128x16xf32, #tpu.memory_space<vmem>>) dst(%dma_wait3A_27 : memref<10240x16xf32, #tpu.memory_space<vmem_shared>>)
      tpu.yield
    }) : () -> ()
    %run_scoped3A_3 = arith.constant 1 : i32
    "tpu.region"() ({
      %run_scoped3A_17 = tpu.sem_alloc : memref<!tpu.dma_semaphore, #tpu.memory_space<semaphore_mem>>
      %dma_start3A = arith.constant 0 : i32
      %dma_start3A_18 = tpu.memref_slice %arg6[%run_scoped3A_3, %dma_start3A] : memref<10x128xi32, #tpu.memory_space<vmem>> -> memref<1x128xi32, #tpu.memory_space<vmem>>
      %dma_start3A_19 = tpu.memref_squeeze %dma_start3A_18 : memref<1x128xi32, #tpu.memory_space<vmem>> -> memref<128xi32, #tpu.memory_space<vmem>>
      %dma_start3A_20 = arith.constant 0 : i32
      %dma_start3A_21 = arith.constant 0 : i32
      %dma_start3A_22 = tpu.memref_slice %arg8[%dma_start3A_20, %dma_start3A_21] : memref<10240x16xf32, #tpu.memory_space<vmem_shared>> -> memref<10240x16xf32, #tpu.memory_space<vmem_shared>>
      tpu.enqueue_indirect_dma source(%arg7 : memref<128x16xf32, #tpu.memory_space<vmem>>) target(%dma_start3A_22 : memref<10240x16xf32, #tpu.memory_space<vmem_shared>>) offsets(%dma_start3A_19 : memref<128xi32, #tpu.memory_space<vmem>>) semaphore(%run_scoped3A_17 : memref<!tpu.dma_semaphore, #tpu.memory_space<semaphore_mem>>) {add = true}
      %dma_wait3A = arith.constant 0 : i32
      %dma_wait3A_23 = tpu.memref_slice %arg6[%run_scoped3A_3, %dma_wait3A] : memref<10x128xi32, #tpu.memory_space<vmem>> -> memref<1x128xi32, #tpu.memory_space<vmem>>
      %dma_wait3A_24 = tpu.memref_squeeze %dma_wait3A_23 : memref<1x128xi32, #tpu.memory_space<vmem>> -> memref<128xi32, #tpu.memory_space<vmem>>
      %dma_wait3A_25 = arith.constant 0 : i32
      %dma_wait3A_26 = arith.constant 0 : i32
      %dma_wait3A_27 = tpu.memref_slice %arg8[%dma_wait3A_25, %dma_wait3A_26] : memref<10240x16xf32, #tpu.memory_space<vmem_shared>> -> memref<10240x16xf32, #tpu.memory_space<vmem_shared>>
      tpu.wait_indirect_dma semaphore(%run_scoped3A_17 : memref<!tpu.dma_semaphore, #tpu.memory_space<semaphore_mem>>) src(%arg7 : memref<128x16xf32, #tpu.memory_space<vmem>>) dst(%dma_wait3A_27 : memref<10240x16xf32, #tpu.memory_space<vmem_shared>>)
      tpu.yield
    }) : () -> ()
    %run_scoped3A_4 = arith.constant 2 : i32
    "tpu.region"() ({
      %run_scoped3A_17 = tpu.sem_alloc : memref<!tpu.dma_semaphore, #tpu.memory_space<semaphore_mem>>
      %dma_start3A = arith.constant 0 : i32
      %dma_start3A_18 = tpu.memref_slice %arg6[%run_scoped3A_4, %dma_start3A] : memref<10x128xi32, #tpu.memory_space<vmem>> -> memref<1x128xi32, #tpu.memory_space<vmem>>
      %dma_start3A_19 = tpu.memref_squeeze %dma_start3A_18 : memref<1x128xi32, #tpu.memory_space<vmem>> -> memref<128xi32, #tpu.memory_space<vmem>>
      %dma_start3A_20 = arith.constant 0 : i32
      %dma_start3A_21 = arith.constant 0 : i32
      %dma_start3A_22 = tpu.memref_slice %arg8[%dma_start3A_20, %dma_start3A_21] : memref<10240x16xf32, #tpu.memory_space<vmem_shared>> -> memref<10240x16xf32, #tpu.memory_space<vmem_shared>>
      tpu.enqueue_indirect_dma source(%arg7 : memref<128x16xf32, #tpu.memory_space<vmem>>) target(%dma_start3A_22 : memref<10240x16xf32, #tpu.memory_space<vmem_shared>>) offsets(%dma_start3A_19 : memref<128xi32, #tpu.memory_space<vmem>>) semaphore(%run_scoped3A_17 : memref<!tpu.dma_semaphore, #tpu.memory_space<semaphore_mem>>) {add = true}
      %dma_wait3A = arith.constant 0 : i32
      %dma_wait3A_23 = tpu.memref_slice %arg6[%run_scoped3A_4, %dma_wait3A] : memref<10x128xi32, #tpu.memory_space<vmem>> -> memref<1x128xi32, #tpu.memory_space<vmem>>
      %dma_wait3A_24 = tpu.memref_squeeze %dma_wait3A_23 : memref<1x128xi32, #tpu.memory_space<vmem>> -> memref<128xi32, #tpu.memory_space<vmem>>
      %dma_wait3A_25 = arith.constant 0 : i32
      %dma_wait3A_26 = arith.constant 0 : i32
      %dma_wait3A_27 = tpu.memref_slice %arg8[%dma_wait3A_25, %dma_wait3A_26] : memref<10240x16xf32, #tpu.memory_space<vmem_shared>> -> memref<10240x16xf32, #tpu.memory_space<vmem_shared>>
      tpu.wait_indirect_dma semaphore(%run_scoped3A_17 : memref<!tpu.dma_semaphore, #tpu.memory_space<semaphore_mem>>) src(%arg7 : memref<128x16xf32, #tpu.memory_space<vmem>>) dst(%dma_wait3A_27 : memref<10240x16xf32, #tpu.memory_space<vmem_shared>>)
      tpu.yield
    }) : () -> ()
    %run_scoped3A_5 = arith.constant 3 : i32
    "tpu.region"() ({
      %run_scoped3A_17 = tpu.sem_alloc : memref<!tpu.dma_semaphore, #tpu.memory_space<semaphore_mem>>
      %dma_start3A = arith.constant 0 : i32
      %dma_start3A_18 = tpu.memref_slice %arg6[%run_scoped3A_5, %dma_start3A] : memref<10x128xi32, #tpu.memory_space<vmem>> -> memref<1x128xi32, #tpu.memory_space<vmem>>
      %dma_start3A_19 = tpu.memref_squeeze %dma_start3A_18 : memref<1x128xi32, #tpu.memory_space<vmem>> -> memref<128xi32, #tpu.memory_space<vmem>>
      %dma_start3A_20 = arith.constant 0 : i32
      %dma_start3A_21 = arith.constant 0 : i32
      %dma_start3A_22 = tpu.memref_slice %arg8[%dma_start3A_20, %dma_start3A_21] : memref<10240x16xf32, #tpu.memory_space<vmem_shared>> -> memref<10240x16xf32, #tpu.memory_space<vmem_shared>>
      tpu.enqueue_indirect_dma source(%arg7 : memref<128x16xf32, #tpu.memory_space<vmem>>) target(%dma_start3A_22 : memref<10240x16xf32, #tpu.memory_space<vmem_shared>>) offsets(%dma_start3A_19 : memref<128xi32, #tpu.memory_space<vmem>>) semaphore(%run_scoped3A_17 : memref<!tpu.dma_semaphore, #tpu.memory_space<semaphore_mem>>) {add = true}
      %dma_wait3A = arith.constant 0 : i32
      %dma_wait3A_23 = tpu.memref_slice %arg6[%run_scoped3A_5, %dma_wait3A] : memref<10x128xi32, #tpu.memory_space<vmem>> -> memref<1x128xi32, #tpu.memory_space<vmem>>
      %dma_wait3A_24 = tpu.memref_squeeze %dma_wait3A_23 : memref<1x128xi32, #tpu.memory_space<vmem>> -> memref<128xi32, #tpu.memory_space<vmem>>
      %dma_wait3A_25 = arith.constant 0 : i32
      %dma_wait3A_26 = arith.constant 0 : i32
      %dma_wait3A_27 = tpu.memref_slice %arg8[%dma_wait3A_25, %dma_wait3A_26] : memref<10240x16xf32, #tpu.memory_space<vmem_shared>> -> memref<10240x16xf32, #tpu.memory_space<vmem_shared>>
      tpu.wait_indirect_dma semaphore(%run_scoped3A_17 : memref<!tpu.dma_semaphore, #tpu.memory_space<semaphore_mem>>) src(%arg7 : memref<128x16xf32, #tpu.memory_space<vmem>>) dst(%dma_wait3A_27 : memref<10240x16xf32, #tpu.memory_space<vmem_shared>>)
      tpu.yield
    }) : () -> ()
    %run_scoped3A_6 = arith.constant 4 : i32
    "tpu.region"() ({
      %run_scoped3A_17 = tpu.sem_alloc : memref<!tpu.dma_semaphore, #tpu.memory_space<semaphore_mem>>
      %dma_start3A = arith.constant 0 : i32
      %dma_start3A_18 = tpu.memref_slice %arg6[%run_scoped3A_6, %dma_start3A] : memref<10x128xi32, #tpu.memory_space<vmem>> -> memref<1x128xi32, #tpu.memory_space<vmem>>
      %dma_start3A_19 = tpu.memref_squeeze %dma_start3A_18 : memref<1x128xi32, #tpu.memory_space<vmem>> -> memref<128xi32, #tpu.memory_space<vmem>>
      %dma_start3A_20 = arith.constant 0 : i32
      %dma_start3A_21 = arith.constant 0 : i32
      %dma_start3A_22 = tpu.memref_slice %arg8[%dma_start3A_20, %dma_start3A_21] : memref<10240x16xf32, #tpu.memory_space<vmem_shared>> -> memref<10240x16xf32, #tpu.memory_space<vmem_shared>>
      tpu.enqueue_indirect_dma source(%arg7 : memref<128x16xf32, #tpu.memory_space<vmem>>) target(%dma_start3A_22 : memref<10240x16xf32, #tpu.memory_space<vmem_shared>>) offsets(%dma_start3A_19 : memref<128xi32, #tpu.memory_space<vmem>>) semaphore(%run_scoped3A_17 : memref<!tpu.dma_semaphore, #tpu.memory_space<semaphore_mem>>) {add = true}
      %dma_wait3A = arith.constant 0 : i32
      %dma_wait3A_23 = tpu.memref_slice %arg6[%run_scoped3A_6, %dma_wait3A] : memref<10x128xi32, #tpu.memory_space<vmem>> -> memref<1x128xi32, #tpu.memory_space<vmem>>
      %dma_wait3A_24 = tpu.memref_squeeze %dma_wait3A_23 : memref<1x128xi32, #tpu.memory_space<vmem>> -> memref<128xi32, #tpu.memory_space<vmem>>
      %dma_wait3A_25 = arith.constant 0 : i32
      %dma_wait3A_26 = arith.constant 0 : i32
      %dma_wait3A_27 = tpu.memref_slice %arg8[%dma_wait3A_25, %dma_wait3A_26] : memref<10240x16xf32, #tpu.memory_space<vmem_shared>> -> memref<10240x16xf32, #tpu.memory_space<vmem_shared>>
      tpu.wait_indirect_dma semaphore(%run_scoped3A_17 : memref<!tpu.dma_semaphore, #tpu.memory_space<semaphore_mem>>) src(%arg7 : memref<128x16xf32, #tpu.memory_space<vmem>>) dst(%dma_wait3A_27 : memref<10240x16xf32, #tpu.memory_space<vmem_shared>>)
      tpu.yield
    }) : () -> ()
    %run_scoped3A_7 = arith.constant 5 : i32
    "tpu.region"() ({
      %run_scoped3A_17 = tpu.sem_alloc : memref<!tpu.dma_semaphore, #tpu.memory_space<semaphore_mem>>
      %dma_start3A = arith.constant 0 : i32
      %dma_start3A_18 = tpu.memref_slice %arg6[%run_scoped3A_7, %dma_start3A] : memref<10x128xi32, #tpu.memory_space<vmem>> -> memref<1x128xi32, #tpu.memory_space<vmem>>
      %dma_start3A_19 = tpu.memref_squeeze %dma_start3A_18 : memref<1x128xi32, #tpu.memory_space<vmem>> -> memref<128xi32, #tpu.memory_space<vmem>>
      %dma_start3A_20 = arith.constant 0 : i32
      %dma_start3A_21 = arith.constant 0 : i32
      %dma_start3A_22 = tpu.memref_slice %arg8[%dma_start3A_20, %dma_start3A_21] : memref<10240x16xf32, #tpu.memory_space<vmem_shared>> -> memref<10240x16xf32, #tpu.memory_space<vmem_shared>>
      tpu.enqueue_indirect_dma source(%arg7 : memref<128x16xf32, #tpu.memory_space<vmem>>) target(%dma_start3A_22 : memref<10240x16xf32, #tpu.memory_space<vmem_shared>>) offsets(%dma_start3A_19 : memref<128xi32, #tpu.memory_space<vmem>>) semaphore(%run_scoped3A_17 : memref<!tpu.dma_semaphore, #tpu.memory_space<semaphore_mem>>) {add = true}
      %dma_wait3A = arith.constant 0 : i32
      %dma_wait3A_23 = tpu.memref_slice %arg6[%run_scoped3A_7, %dma_wait3A] : memref<10x128xi32, #tpu.memory_space<vmem>> -> memref<1x128xi32, #tpu.memory_space<vmem>>
      %dma_wait3A_24 = tpu.memref_squeeze %dma_wait3A_23 : memref<1x128xi32, #tpu.memory_space<vmem>> -> memref<128xi32, #tpu.memory_space<vmem>>
      %dma_wait3A_25 = arith.constant 0 : i32
      %dma_wait3A_26 = arith.constant 0 : i32
      %dma_wait3A_27 = tpu.memref_slice %arg8[%dma_wait3A_25, %dma_wait3A_26] : memref<10240x16xf32, #tpu.memory_space<vmem_shared>> -> memref<10240x16xf32, #tpu.memory_space<vmem_shared>>
      tpu.wait_indirect_dma semaphore(%run_scoped3A_17 : memref<!tpu.dma_semaphore, #tpu.memory_space<semaphore_mem>>) src(%arg7 : memref<128x16xf32, #tpu.memory_space<vmem>>) dst(%dma_wait3A_27 : memref<10240x16xf32, #tpu.memory_space<vmem_shared>>)
      tpu.yield
    }) : () -> ()
    %run_scoped3A_8 = arith.constant 6 : i32
    "tpu.region"() ({
      %run_scoped3A_17 = tpu.sem_alloc : memref<!tpu.dma_semaphore, #tpu.memory_space<semaphore_mem>>
      %dma_start3A = arith.constant 0 : i32
      %dma_start3A_18 = tpu.memref_slice %arg6[%run_scoped3A_8, %dma_start3A] : memref<10x128xi32, #tpu.memory_space<vmem>> -> memref<1x128xi32, #tpu.memory_space<vmem>>
      %dma_start3A_19 = tpu.memref_squeeze %dma_start3A_18 : memref<1x128xi32, #tpu.memory_space<vmem>> -> memref<128xi32, #tpu.memory_space<vmem>>
      %dma_start3A_20 = arith.constant 0 : i32
      %dma_start3A_21 = arith.constant 0 : i32
      %dma_start3A_22 = tpu.memref_slice %arg8[%dma_start3A_20, %dma_start3A_21] : memref<10240x16xf32, #tpu.memory_space<vmem_shared>> -> memref<10240x16xf32, #tpu.memory_space<vmem_shared>>
      tpu.enqueue_indirect_dma source(%arg7 : memref<128x16xf32, #tpu.memory_space<vmem>>) target(%dma_start3A_22 : memref<10240x16xf32, #tpu.memory_space<vmem_shared>>) offsets(%dma_start3A_19 : memref<128xi32, #tpu.memory_space<vmem>>) semaphore(%run_scoped3A_17 : memref<!tpu.dma_semaphore, #tpu.memory_space<semaphore_mem>>) {add = true}
      %dma_wait3A = arith.constant 0 : i32
      %dma_wait3A_23 = tpu.memref_slice %arg6[%run_scoped3A_8, %dma_wait3A] : memref<10x128xi32, #tpu.memory_space<vmem>> -> memref<1x128xi32, #tpu.memory_space<vmem>>
      %dma_wait3A_24 = tpu.memref_squeeze %dma_wait3A_23 : memref<1x128xi32, #tpu.memory_space<vmem>> -> memref<128xi32, #tpu.memory_space<vmem>>
      %dma_wait3A_25 = arith.constant 0 : i32
      %dma_wait3A_26 = arith.constant 0 : i32
      %dma_wait3A_27 = tpu.memref_slice %arg8[%dma_wait3A_25, %dma_wait3A_26] : memref<10240x16xf32, #tpu.memory_space<vmem_shared>> -> memref<10240x16xf32, #tpu.memory_space<vmem_shared>>
      tpu.wait_indirect_dma semaphore(%run_scoped3A_17 : memref<!tpu.dma_semaphore, #tpu.memory_space<semaphore_mem>>) src(%arg7 : memref<128x16xf32, #tpu.memory_space<vmem>>) dst(%dma_wait3A_27 : memref<10240x16xf32, #tpu.memory_space<vmem_shared>>)
      tpu.yield
    }) : () -> ()
    %run_scoped3A_9 = arith.constant 7 : i32
    "tpu.region"() ({
      %run_scoped3A_17 = tpu.sem_alloc : memref<!tpu.dma_semaphore, #tpu.memory_space<semaphore_mem>>
      %dma_start3A = arith.constant 0 : i32
      %dma_start3A_18 = tpu.memref_slice %arg6[%run_scoped3A_9, %dma_start3A] : memref<10x128xi32, #tpu.memory_space<vmem>> -> memref<1x128xi32, #tpu.memory_space<vmem>>
      %dma_start3A_19 = tpu.memref_squeeze %dma_start3A_18 : memref<1x128xi32, #tpu.memory_space<vmem>> -> memref<128xi32, #tpu.memory_space<vmem>>
      %dma_start3A_20 = arith.constant 0 : i32
      %dma_start3A_21 = arith.constant 0 : i32
      %dma_start3A_22 = tpu.memref_slice %arg8[%dma_start3A_20, %dma_start3A_21] : memref<10240x16xf32, #tpu.memory_space<vmem_shared>> -> memref<10240x16xf32, #tpu.memory_space<vmem_shared>>
      tpu.enqueue_indirect_dma source(%arg7 : memref<128x16xf32, #tpu.memory_space<vmem>>) target(%dma_start3A_22 : memref<10240x16xf32, #tpu.memory_space<vmem_shared>>) offsets(%dma_start3A_19 : memref<128xi32, #tpu.memory_space<vmem>>) semaphore(%run_scoped3A_17 : memref<!tpu.dma_semaphore, #tpu.memory_space<semaphore_mem>>) {add = true}
      %dma_wait3A = arith.constant 0 : i32
      %dma_wait3A_23 = tpu.memref_slice %arg6[%run_scoped3A_9, %dma_wait3A] : memref<10x128xi32, #tpu.memory_space<vmem>> -> memref<1x128xi32, #tpu.memory_space<vmem>>
      %dma_wait3A_24 = tpu.memref_squeeze %dma_wait3A_23 : memref<1x128xi32, #tpu.memory_space<vmem>> -> memref<128xi32, #tpu.memory_space<vmem>>
      %dma_wait3A_25 = arith.constant 0 : i32
      %dma_wait3A_26 = arith.constant 0 : i32
      %dma_wait3A_27 = tpu.memref_slice %arg8[%dma_wait3A_25, %dma_wait3A_26] : memref<10240x16xf32, #tpu.memory_space<vmem_shared>> -> memref<10240x16xf32, #tpu.memory_space<vmem_shared>>
      tpu.wait_indirect_dma semaphore(%run_scoped3A_17 : memref<!tpu.dma_semaphore, #tpu.memory_space<semaphore_mem>>) src(%arg7 : memref<128x16xf32, #tpu.memory_space<vmem>>) dst(%dma_wait3A_27 : memref<10240x16xf32, #tpu.memory_space<vmem_shared>>)
      tpu.yield
    }) : () -> ()
    %run_scoped3A_10 = arith.constant 8 : i32
    "tpu.region"() ({
      %run_scoped3A_17 = tpu.sem_alloc : memref<!tpu.dma_semaphore, #tpu.memory_space<semaphore_mem>>
      %dma_start3A = arith.constant 0 : i32
      %dma_start3A_18 = tpu.memref_slice %arg6[%run_scoped3A_10, %dma_start3A] : memref<10x128xi32, #tpu.memory_space<vmem>> -> memref<1x128xi32, #tpu.memory_space<vmem>>
      %dma_start3A_19 = tpu.memref_squeeze %dma_start3A_18 : memref<1x128xi32, #tpu.memory_space<vmem>> -> memref<128xi32, #tpu.memory_space<vmem>>
      %dma_start3A_20 = arith.constant 0 : i32
      %dma_start3A_21 = arith.constant 0 : i32
      %dma_start3A_22 = tpu.memref_slice %arg8[%dma_start3A_20, %dma_start3A_21] : memref<10240x16xf32, #tpu.memory_space<vmem_shared>> -> memref<10240x16xf32, #tpu.memory_space<vmem_shared>>
      tpu.enqueue_indirect_dma source(%arg7 : memref<128x16xf32, #tpu.memory_space<vmem>>) target(%dma_start3A_22 : memref<10240x16xf32, #tpu.memory_space<vmem_shared>>) offsets(%dma_start3A_19 : memref<128xi32, #tpu.memory_space<vmem>>) semaphore(%run_scoped3A_17 : memref<!tpu.dma_semaphore, #tpu.memory_space<semaphore_mem>>) {add = true}
      %dma_wait3A = arith.constant 0 : i32
      %dma_wait3A_23 = tpu.memref_slice %arg6[%run_scoped3A_10, %dma_wait3A] : memref<10x128xi32, #tpu.memory_space<vmem>> -> memref<1x128xi32, #tpu.memory_space<vmem>>
      %dma_wait3A_24 = tpu.memref_squeeze %dma_wait3A_23 : memref<1x128xi32, #tpu.memory_space<vmem>> -> memref<128xi32, #tpu.memory_space<vmem>>
      %dma_wait3A_25 = arith.constant 0 : i32
      %dma_wait3A_26 = arith.constant 0 : i32
      %dma_wait3A_27 = tpu.memref_slice %arg8[%dma_wait3A_25, %dma_wait3A_26] : memref<10240x16xf32, #tpu.memory_space<vmem_shared>> -> memref<10240x16xf32, #tpu.memory_space<vmem_shared>>
      tpu.wait_indirect_dma semaphore(%run_scoped3A_17 : memref<!tpu.dma_semaphore, #tpu.memory_space<semaphore_mem>>) src(%arg7 : memref<128x16xf32, #tpu.memory_space<vmem>>) dst(%dma_wait3A_27 : memref<10240x16xf32, #tpu.memory_space<vmem_shared>>)
      tpu.yield
    }) : () -> ()
    %run_scoped3A_11 = arith.constant 9 : i32
    "tpu.region"() ({
      %run_scoped3A_17 = tpu.sem_alloc : memref<!tpu.dma_semaphore, #tpu.memory_space<semaphore_mem>>
      %dma_start3A = arith.constant 0 : i32
      %dma_start3A_18 = tpu.memref_slice %arg6[%run_scoped3A_11, %dma_start3A] : memref<10x128xi32, #tpu.memory_space<vmem>> -> memref<1x128xi32, #tpu.memory_space<vmem>>
      %dma_start3A_19 = tpu.memref_squeeze %dma_start3A_18 : memref<1x128xi32, #tpu.memory_space<vmem>> -> memref<128xi32, #tpu.memory_space<vmem>>
      %dma_start3A_20 = arith.constant 0 : i32
      %dma_start3A_21 = arith.constant 0 : i32
      %dma_start3A_22 = tpu.memref_slice %arg8[%dma_start3A_20, %dma_start3A_21] : memref<10240x16xf32, #tpu.memory_space<vmem_shared>> -> memref<10240x16xf32, #tpu.memory_space<vmem_shared>>
      tpu.enqueue_indirect_dma source(%arg7 : memref<128x16xf32, #tpu.memory_space<vmem>>) target(%dma_start3A_22 : memref<10240x16xf32, #tpu.memory_space<vmem_shared>>) offsets(%dma_start3A_19 : memref<128xi32, #tpu.memory_space<vmem>>) semaphore(%run_scoped3A_17 : memref<!tpu.dma_semaphore, #tpu.memory_space<semaphore_mem>>) {add = true}
      %dma_wait3A = arith.constant 0 : i32
      %dma_wait3A_23 = tpu.memref_slice %arg6[%run_scoped3A_11, %dma_wait3A] : memref<10x128xi32, #tpu.memory_space<vmem>> -> memref<1x128xi32, #tpu.memory_space<vmem>>
      %dma_wait3A_24 = tpu.memref_squeeze %dma_wait3A_23 : memref<1x128xi32, #tpu.memory_space<vmem>> -> memref<128xi32, #tpu.memory_space<vmem>>
      %dma_wait3A_25 = arith.constant 0 : i32
      %dma_wait3A_26 = arith.constant 0 : i32
      %dma_wait3A_27 = tpu.memref_slice %arg8[%dma_wait3A_25, %dma_wait3A_26] : memref<10240x16xf32, #tpu.memory_space<vmem_shared>> -> memref<10240x16xf32, #tpu.memory_space<vmem_shared>>
      tpu.wait_indirect_dma semaphore(%run_scoped3A_17 : memref<!tpu.dma_semaphore, #tpu.memory_space<semaphore_mem>>) src(%arg7 : memref<128x16xf32, #tpu.memory_space<vmem>>) dst(%dma_wait3A_27 : memref<10240x16xf32, #tpu.memory_space<vmem_shared>>)
      tpu.yield
    }) : () -> ()
    %barrier3A_12 = arith.constant 0 : index
    tpu.barrier barrier_id(%barrier3A_12)
    %mul3A_13 = arith.constant 640 : i32
    %mul3A_14 = arith.muli %arg1, %mul3A_13 : i32
    %mul3A_15 = arith.constant 640 : i32
    %mul3A_16 = arith.muli %arg1, %mul3A_15 : i32
    "tpu.region"() ({
      %run_scoped3A_17 = tpu.sem_alloc : memref<!tpu.dma_semaphore, #tpu.memory_space<semaphore_mem>>
      %dma_start3A = arith.constant 0 : i32
      %dma_start3A_18 = tpu.memref_slice %arg5[%arg0, %mul3A_16, %dma_start3A] : memref<2x10240x16xf32, #tpu.memory_space<hbm>> -> memref<1x640x16xf32, #tpu.memory_space<hbm>>
      %dma_start3A_19 = tpu.memref_squeeze %dma_start3A_18 : memref<1x640x16xf32, #tpu.memory_space<hbm>> -> memref<640x16xf32, #tpu.memory_space<hbm>>
      %dma_start3A_20 = arith.constant 0 : i32
      %dma_start3A_21 = tpu.memref_slice %arg8[%mul3A_14, %dma_start3A_20] : memref<10240x16xf32, #tpu.memory_space<vmem_shared>> -> memref<640x16xf32, #tpu.memory_space<vmem_shared>>
      tpu.enqueue_dma source(%dma_start3A_21 : memref<640x16xf32, #tpu.memory_space<vmem_shared>>) target(%dma_start3A_19 : memref<640x16xf32, #tpu.memory_space<hbm>>) target_semaphore(%run_scoped3A_17 : memref<!tpu.dma_semaphore, #tpu.memory_space<semaphore_mem>>)
      %dma_wait3A = arith.constant 0 : i32
      %dma_wait3A_22 = tpu.memref_slice %arg5[%arg0, %mul3A_16, %dma_wait3A] : memref<2x10240x16xf32, #tpu.memory_space<hbm>> -> memref<1x640x16xf32, #tpu.memory_space<hbm>>
      %dma_wait3A_23 = tpu.memref_squeeze %dma_wait3A_22 : memref<1x640x16xf32, #tpu.memory_space<hbm>> -> memref<640x16xf32, #tpu.memory_space<hbm>>
      %dma_wait3A_24 = arith.constant 0 : i32
      %dma_wait3A_25 = tpu.memref_slice %arg8[%mul3A_14, %dma_wait3A_24] : memref<10240x16xf32, #tpu.memory_space<vmem_shared>> -> memref<640x16xf32, #tpu.memory_space<vmem_shared>>
      tpu.wait_dma2 semaphore(%run_scoped3A_17 : memref<!tpu.dma_semaphore, #tpu.memory_space<semaphore_mem>>) src(%dma_wait3A_25 : memref<640x16xf32, #tpu.memory_space<vmem_shared>>) dst(%dma_wait3A_23 : memref<640x16xf32, #tpu.memory_space<hbm>>)
      tpu.yield
    }) : () -> ()
    return
  }
}

#map = affine_map<(d0, d1) -> (0, 0)>
#map1 = affine_map<(d0, d1) -> (0, 0, 0)>
module attributes {stable_mosaic.version = 14 : i64} {
  func.func @sc_scatter(%arg0: i32, %arg1: i32, %arg2: memref<40960x64xf32, #tpu.memory_space<hbm>>, %arg3: memref<32x10x128xi32, #tpu.memory_space<hbm>>, %arg4: memref<640x64xf32, #tpu.memory_space<hbm>>, %arg5: memref<2x10240x64xf32, #tpu.memory_space<hbm>>, %arg6: memref<10x128xi32, #tpu.memory_space<vmem>>, %arg7: memref<1280x64xf32, #tpu.memory_space<vmem>>, %arg8: memref<10240x64xf32, #tpu.memory_space<vmem_shared>>) attributes {dimension_semantics = [#tpu.dimension_semantics<core_parallel>, #tpu.dimension_semantics<subcore_parallel>], iteration_bounds = array<i64: 2, 16>, scalar_prefetch = 0 : i64, scratch_operands = 3 : i64, tpu.core_type = #tpu.core_type<sc_vector_subcore>, window_params = [{transform_indices = #map}, {transform_indices = #map1}, {transform_indices = #map}, {transform_indices = #map1}]} {
    %mul3A = arith.constant 2 : i32
    %mul3A_0 = arith.muli %arg1, %mul3A : i32
    %add3A = arith.addi %mul3A_0, %arg0 : i32
    %mul3A_1 = arith.constant 640 : i32
    %mul3A_2 = arith.muli %arg1, %mul3A_1 : i32
    "tpu.region"() ({
      %run_scoped3A_19 = tpu.sem_alloc : memref<!tpu.dma_semaphore, #tpu.memory_space<semaphore_mem>>
      %dma_start3A = arith.constant 0 : i32
      %dma_start3A_20 = tpu.memref_slice %arg8[%mul3A_2, %dma_start3A] : memref<10240x64xf32, #tpu.memory_space<vmem_shared>> -> memref<640x64xf32, #tpu.memory_space<vmem_shared>>
      tpu.enqueue_dma source(%arg4 : memref<640x64xf32, #tpu.memory_space<hbm>>) target(%dma_start3A_20 : memref<640x64xf32, #tpu.memory_space<vmem_shared>>) target_semaphore(%run_scoped3A_19 : memref<!tpu.dma_semaphore, #tpu.memory_space<semaphore_mem>>)
      %dma_wait3A = arith.constant 0 : i32
      %dma_wait3A_21 = tpu.memref_slice %arg8[%mul3A_2, %dma_wait3A] : memref<10240x64xf32, #tpu.memory_space<vmem_shared>> -> memref<640x64xf32, #tpu.memory_space<vmem_shared>>
      tpu.wait_dma2 semaphore(%run_scoped3A_19 : memref<!tpu.dma_semaphore, #tpu.memory_space<semaphore_mem>>) src(%arg4 : memref<640x64xf32, #tpu.memory_space<hbm>>) dst(%dma_wait3A_21 : memref<640x64xf32, #tpu.memory_space<vmem_shared>>)
      tpu.yield
    }) : () -> ()
    "tpu.region"() ({
      %run_scoped3A_19 = tpu.sem_alloc : memref<!tpu.dma_semaphore, #tpu.memory_space<semaphore_mem>>
      %dma_start3A = arith.constant 0 : i32
      %dma_start3A_20 = arith.constant 0 : i32
      %dma_start3A_21 = tpu.memref_slice %arg3[%add3A, %dma_start3A, %dma_start3A_20] : memref<32x10x128xi32, #tpu.memory_space<hbm>> -> memref<1x10x128xi32, #tpu.memory_space<hbm>>
      %dma_start3A_22 = tpu.memref_squeeze %dma_start3A_21 : memref<1x10x128xi32, #tpu.memory_space<hbm>> -> memref<10x128xi32, #tpu.memory_space<hbm>>
      %dma_start3A_23 = arith.constant 0 : i32
      %dma_start3A_24 = arith.constant 0 : i32
      %dma_start3A_25 = tpu.memref_slice %arg3[%add3A, %dma_start3A_23, %dma_start3A_24] : memref<32x10x128xi32, #tpu.memory_space<hbm>> -> memref<1x10x128xi32, #tpu.memory_space<hbm>>
      %dma_start3A_26 = tpu.memref_squeeze %dma_start3A_25 : memref<1x10x128xi32, #tpu.memory_space<hbm>> -> memref<10x128xi32, #tpu.memory_space<hbm>>
      tpu.enqueue_dma source(%dma_start3A_26 : memref<10x128xi32, #tpu.memory_space<hbm>>) target(%arg6 : memref<10x128xi32, #tpu.memory_space<vmem>>) target_semaphore(%run_scoped3A_19 : memref<!tpu.dma_semaphore, #tpu.memory_space<semaphore_mem>>)
      %dma_wait3A = arith.constant 0 : i32
      %dma_wait3A_27 = arith.constant 0 : i32
      %dma_wait3A_28 = tpu.memref_slice %arg3[%add3A, %dma_wait3A, %dma_wait3A_27] : memref<32x10x128xi32, #tpu.memory_space<hbm>> -> memref<1x10x128xi32, #tpu.memory_space<hbm>>
      %dma_wait3A_29 = tpu.memref_squeeze %dma_wait3A_28 : memref<1x10x128xi32, #tpu.memory_space<hbm>> -> memref<10x128xi32, #tpu.memory_space<hbm>>
      %dma_wait3A_30 = arith.constant 0 : i32
      %dma_wait3A_31 = arith.constant 0 : i32
      %dma_wait3A_32 = tpu.memref_slice %arg3[%add3A, %dma_wait3A_30, %dma_wait3A_31] : memref<32x10x128xi32, #tpu.memory_space<hbm>> -> memref<1x10x128xi32, #tpu.memory_space<hbm>>
      %dma_wait3A_33 = tpu.memref_squeeze %dma_wait3A_32 : memref<1x10x128xi32, #tpu.memory_space<hbm>> -> memref<10x128xi32, #tpu.memory_space<hbm>>
      tpu.wait_dma2 semaphore(%run_scoped3A_19 : memref<!tpu.dma_semaphore, #tpu.memory_space<semaphore_mem>>) src(%dma_wait3A_33 : memref<10x128xi32, #tpu.memory_space<hbm>>) dst(%arg6 : memref<10x128xi32, #tpu.memory_space<vmem>>)
      tpu.yield
    }) : () -> ()
    %mul3A_3 = arith.constant 1280 : i32
    %mul3A_4 = arith.muli %add3A, %mul3A_3 : i32
    "tpu.region"() ({
      %run_scoped3A_19 = tpu.sem_alloc : memref<!tpu.dma_semaphore, #tpu.memory_space<semaphore_mem>>
      %dma_start3A = arith.constant 0 : i32
      %dma_start3A_20 = tpu.memref_slice %arg2[%mul3A_4, %dma_start3A] : memref<40960x64xf32, #tpu.memory_space<hbm>> -> memref<1280x64xf32, #tpu.memory_space<hbm>>
      %dma_start3A_21 = arith.constant 0 : i32
      %dma_start3A_22 = tpu.memref_slice %arg2[%mul3A_4, %dma_start3A_21] : memref<40960x64xf32, #tpu.memory_space<hbm>> -> memref<1280x64xf32, #tpu.memory_space<hbm>>
      tpu.enqueue_dma source(%dma_start3A_22 : memref<1280x64xf32, #tpu.memory_space<hbm>>) target(%arg7 : memref<1280x64xf32, #tpu.memory_space<vmem>>) target_semaphore(%run_scoped3A_19 : memref<!tpu.dma_semaphore, #tpu.memory_space<semaphore_mem>>)
      %dma_wait3A = arith.constant 0 : i32
      %dma_wait3A_23 = tpu.memref_slice %arg2[%mul3A_4, %dma_wait3A] : memref<40960x64xf32, #tpu.memory_space<hbm>> -> memref<1280x64xf32, #tpu.memory_space<hbm>>
      %dma_wait3A_24 = arith.constant 0 : i32
      %dma_wait3A_25 = tpu.memref_slice %arg2[%mul3A_4, %dma_wait3A_24] : memref<40960x64xf32, #tpu.memory_space<hbm>> -> memref<1280x64xf32, #tpu.memory_space<hbm>>
      tpu.wait_dma2 semaphore(%run_scoped3A_19 : memref<!tpu.dma_semaphore, #tpu.memory_space<semaphore_mem>>) src(%dma_wait3A_25 : memref<1280x64xf32, #tpu.memory_space<hbm>>) dst(%arg7 : memref<1280x64xf32, #tpu.memory_space<vmem>>)
      tpu.yield
    }) : () -> ()
    %barrier3A = arith.constant 0 : index
    tpu.barrier barrier_id(%barrier3A)
    %run_scoped3A = arith.constant 0 : i32
    "tpu.region"() ({
      %run_scoped3A_19 = tpu.sem_alloc : memref<!tpu.dma_semaphore, #tpu.memory_space<semaphore_mem>>
      %dma_start3A = arith.constant 0 : i32
      %dma_start3A_20 = arith.constant 0 : i32
      %dma_start3A_21 = tpu.memref_slice %arg7[%dma_start3A, %dma_start3A_20] : memref<1280x64xf32, #tpu.memory_space<vmem>> -> memref<128x64xf32, #tpu.memory_space<vmem>>
      %dma_start3A_22 = arith.constant 0 : i32
      %dma_start3A_23 = tpu.memref_slice %arg6[%run_scoped3A, %dma_start3A_22] : memref<10x128xi32, #tpu.memory_space<vmem>> -> memref<1x128xi32, #tpu.memory_space<vmem>>
      %dma_start3A_24 = tpu.memref_squeeze %dma_start3A_23 : memref<1x128xi32, #tpu.memory_space<vmem>> -> memref<128xi32, #tpu.memory_space<vmem>>
      %dma_start3A_25 = arith.constant 0 : i32
      %dma_start3A_26 = arith.constant 0 : i32
      %dma_start3A_27 = tpu.memref_slice %arg8[%dma_start3A_25, %dma_start3A_26] : memref<10240x64xf32, #tpu.memory_space<vmem_shared>> -> memref<10240x64xf32, #tpu.memory_space<vmem_shared>>
      tpu.enqueue_indirect_dma source(%dma_start3A_21 : memref<128x64xf32, #tpu.memory_space<vmem>>) target(%dma_start3A_27 : memref<10240x64xf32, #tpu.memory_space<vmem_shared>>) offsets(%dma_start3A_24 : memref<128xi32, #tpu.memory_space<vmem>>) semaphore(%run_scoped3A_19 : memref<!tpu.dma_semaphore, #tpu.memory_space<semaphore_mem>>) {add = true}
      %dma_wait3A = arith.constant 0 : i32
      %dma_wait3A_28 = arith.constant 0 : i32
      %dma_wait3A_29 = tpu.memref_slice %arg7[%dma_wait3A, %dma_wait3A_28] : memref<1280x64xf32, #tpu.memory_space<vmem>> -> memref<128x64xf32, #tpu.memory_space<vmem>>
      %dma_wait3A_30 = arith.constant 0 : i32
      %dma_wait3A_31 = tpu.memref_slice %arg6[%run_scoped3A, %dma_wait3A_30] : memref<10x128xi32, #tpu.memory_space<vmem>> -> memref<1x128xi32, #tpu.memory_space<vmem>>
      %dma_wait3A_32 = tpu.memref_squeeze %dma_wait3A_31 : memref<1x128xi32, #tpu.memory_space<vmem>> -> memref<128xi32, #tpu.memory_space<vmem>>
      %dma_wait3A_33 = arith.constant 0 : i32
      %dma_wait3A_34 = arith.constant 0 : i32
      %dma_wait3A_35 = tpu.memref_slice %arg8[%dma_wait3A_33, %dma_wait3A_34] : memref<10240x64xf32, #tpu.memory_space<vmem_shared>> -> memref<10240x64xf32, #tpu.memory_space<vmem_shared>>
      tpu.wait_indirect_dma semaphore(%run_scoped3A_19 : memref<!tpu.dma_semaphore, #tpu.memory_space<semaphore_mem>>) src(%dma_wait3A_29 : memref<128x64xf32, #tpu.memory_space<vmem>>) dst(%dma_wait3A_35 : memref<10240x64xf32, #tpu.memory_space<vmem_shared>>)
      tpu.yield
    }) : () -> ()
    %run_scoped3A_5 = arith.constant 1 : i32
    "tpu.region"() ({
      %run_scoped3A_19 = tpu.sem_alloc : memref<!tpu.dma_semaphore, #tpu.memory_space<semaphore_mem>>
      %dma_start3A = arith.constant 128 : i32
      %dma_start3A_20 = arith.constant 0 : i32
      %dma_start3A_21 = tpu.memref_slice %arg7[%dma_start3A, %dma_start3A_20] : memref<1280x64xf32, #tpu.memory_space<vmem>> -> memref<128x64xf32, #tpu.memory_space<vmem>>
      %dma_start3A_22 = arith.constant 0 : i32
      %dma_start3A_23 = tpu.memref_slice %arg6[%run_scoped3A_5, %dma_start3A_22] : memref<10x128xi32, #tpu.memory_space<vmem>> -> memref<1x128xi32, #tpu.memory_space<vmem>>
      %dma_start3A_24 = tpu.memref_squeeze %dma_start3A_23 : memref<1x128xi32, #tpu.memory_space<vmem>> -> memref<128xi32, #tpu.memory_space<vmem>>
      %dma_start3A_25 = arith.constant 0 : i32
      %dma_start3A_26 = arith.constant 0 : i32
      %dma_start3A_27 = tpu.memref_slice %arg8[%dma_start3A_25, %dma_start3A_26] : memref<10240x64xf32, #tpu.memory_space<vmem_shared>> -> memref<10240x64xf32, #tpu.memory_space<vmem_shared>>
      tpu.enqueue_indirect_dma source(%dma_start3A_21 : memref<128x64xf32, #tpu.memory_space<vmem>>) target(%dma_start3A_27 : memref<10240x64xf32, #tpu.memory_space<vmem_shared>>) offsets(%dma_start3A_24 : memref<128xi32, #tpu.memory_space<vmem>>) semaphore(%run_scoped3A_19 : memref<!tpu.dma_semaphore, #tpu.memory_space<semaphore_mem>>) {add = true}
      %dma_wait3A = arith.constant 128 : i32
      %dma_wait3A_28 = arith.constant 0 : i32
      %dma_wait3A_29 = tpu.memref_slice %arg7[%dma_wait3A, %dma_wait3A_28] : memref<1280x64xf32, #tpu.memory_space<vmem>> -> memref<128x64xf32, #tpu.memory_space<vmem>>
      %dma_wait3A_30 = arith.constant 0 : i32
      %dma_wait3A_31 = tpu.memref_slice %arg6[%run_scoped3A_5, %dma_wait3A_30] : memref<10x128xi32, #tpu.memory_space<vmem>> -> memref<1x128xi32, #tpu.memory_space<vmem>>
      %dma_wait3A_32 = tpu.memref_squeeze %dma_wait3A_31 : memref<1x128xi32, #tpu.memory_space<vmem>> -> memref<128xi32, #tpu.memory_space<vmem>>
      %dma_wait3A_33 = arith.constant 0 : i32
      %dma_wait3A_34 = arith.constant 0 : i32
      %dma_wait3A_35 = tpu.memref_slice %arg8[%dma_wait3A_33, %dma_wait3A_34] : memref<10240x64xf32, #tpu.memory_space<vmem_shared>> -> memref<10240x64xf32, #tpu.memory_space<vmem_shared>>
      tpu.wait_indirect_dma semaphore(%run_scoped3A_19 : memref<!tpu.dma_semaphore, #tpu.memory_space<semaphore_mem>>) src(%dma_wait3A_29 : memref<128x64xf32, #tpu.memory_space<vmem>>) dst(%dma_wait3A_35 : memref<10240x64xf32, #tpu.memory_space<vmem_shared>>)
      tpu.yield
    }) : () -> ()
    %run_scoped3A_6 = arith.constant 2 : i32
    "tpu.region"() ({
      %run_scoped3A_19 = tpu.sem_alloc : memref<!tpu.dma_semaphore, #tpu.memory_space<semaphore_mem>>
      %dma_start3A = arith.constant 256 : i32
      %dma_start3A_20 = arith.constant 0 : i32
      %dma_start3A_21 = tpu.memref_slice %arg7[%dma_start3A, %dma_start3A_20] : memref<1280x64xf32, #tpu.memory_space<vmem>> -> memref<128x64xf32, #tpu.memory_space<vmem>>
      %dma_start3A_22 = arith.constant 0 : i32
      %dma_start3A_23 = tpu.memref_slice %arg6[%run_scoped3A_6, %dma_start3A_22] : memref<10x128xi32, #tpu.memory_space<vmem>> -> memref<1x128xi32, #tpu.memory_space<vmem>>
      %dma_start3A_24 = tpu.memref_squeeze %dma_start3A_23 : memref<1x128xi32, #tpu.memory_space<vmem>> -> memref<128xi32, #tpu.memory_space<vmem>>
      %dma_start3A_25 = arith.constant 0 : i32
      %dma_start3A_26 = arith.constant 0 : i32
      %dma_start3A_27 = tpu.memref_slice %arg8[%dma_start3A_25, %dma_start3A_26] : memref<10240x64xf32, #tpu.memory_space<vmem_shared>> -> memref<10240x64xf32, #tpu.memory_space<vmem_shared>>
      tpu.enqueue_indirect_dma source(%dma_start3A_21 : memref<128x64xf32, #tpu.memory_space<vmem>>) target(%dma_start3A_27 : memref<10240x64xf32, #tpu.memory_space<vmem_shared>>) offsets(%dma_start3A_24 : memref<128xi32, #tpu.memory_space<vmem>>) semaphore(%run_scoped3A_19 : memref<!tpu.dma_semaphore, #tpu.memory_space<semaphore_mem>>) {add = true}
      %dma_wait3A = arith.constant 256 : i32
      %dma_wait3A_28 = arith.constant 0 : i32
      %dma_wait3A_29 = tpu.memref_slice %arg7[%dma_wait3A, %dma_wait3A_28] : memref<1280x64xf32, #tpu.memory_space<vmem>> -> memref<128x64xf32, #tpu.memory_space<vmem>>
      %dma_wait3A_30 = arith.constant 0 : i32
      %dma_wait3A_31 = tpu.memref_slice %arg6[%run_scoped3A_6, %dma_wait3A_30] : memref<10x128xi32, #tpu.memory_space<vmem>> -> memref<1x128xi32, #tpu.memory_space<vmem>>
      %dma_wait3A_32 = tpu.memref_squeeze %dma_wait3A_31 : memref<1x128xi32, #tpu.memory_space<vmem>> -> memref<128xi32, #tpu.memory_space<vmem>>
      %dma_wait3A_33 = arith.constant 0 : i32
      %dma_wait3A_34 = arith.constant 0 : i32
      %dma_wait3A_35 = tpu.memref_slice %arg8[%dma_wait3A_33, %dma_wait3A_34] : memref<10240x64xf32, #tpu.memory_space<vmem_shared>> -> memref<10240x64xf32, #tpu.memory_space<vmem_shared>>
      tpu.wait_indirect_dma semaphore(%run_scoped3A_19 : memref<!tpu.dma_semaphore, #tpu.memory_space<semaphore_mem>>) src(%dma_wait3A_29 : memref<128x64xf32, #tpu.memory_space<vmem>>) dst(%dma_wait3A_35 : memref<10240x64xf32, #tpu.memory_space<vmem_shared>>)
      tpu.yield
    }) : () -> ()
    %run_scoped3A_7 = arith.constant 3 : i32
    "tpu.region"() ({
      %run_scoped3A_19 = tpu.sem_alloc : memref<!tpu.dma_semaphore, #tpu.memory_space<semaphore_mem>>
      %dma_start3A = arith.constant 384 : i32
      %dma_start3A_20 = arith.constant 0 : i32
      %dma_start3A_21 = tpu.memref_slice %arg7[%dma_start3A, %dma_start3A_20] : memref<1280x64xf32, #tpu.memory_space<vmem>> -> memref<128x64xf32, #tpu.memory_space<vmem>>
      %dma_start3A_22 = arith.constant 0 : i32
      %dma_start3A_23 = tpu.memref_slice %arg6[%run_scoped3A_7, %dma_start3A_22] : memref<10x128xi32, #tpu.memory_space<vmem>> -> memref<1x128xi32, #tpu.memory_space<vmem>>
      %dma_start3A_24 = tpu.memref_squeeze %dma_start3A_23 : memref<1x128xi32, #tpu.memory_space<vmem>> -> memref<128xi32, #tpu.memory_space<vmem>>
      %dma_start3A_25 = arith.constant 0 : i32
      %dma_start3A_26 = arith.constant 0 : i32
      %dma_start3A_27 = tpu.memref_slice %arg8[%dma_start3A_25, %dma_start3A_26] : memref<10240x64xf32, #tpu.memory_space<vmem_shared>> -> memref<10240x64xf32, #tpu.memory_space<vmem_shared>>
      tpu.enqueue_indirect_dma source(%dma_start3A_21 : memref<128x64xf32, #tpu.memory_space<vmem>>) target(%dma_start3A_27 : memref<10240x64xf32, #tpu.memory_space<vmem_shared>>) offsets(%dma_start3A_24 : memref<128xi32, #tpu.memory_space<vmem>>) semaphore(%run_scoped3A_19 : memref<!tpu.dma_semaphore, #tpu.memory_space<semaphore_mem>>) {add = true}
      %dma_wait3A = arith.constant 384 : i32
      %dma_wait3A_28 = arith.constant 0 : i32
      %dma_wait3A_29 = tpu.memref_slice %arg7[%dma_wait3A, %dma_wait3A_28] : memref<1280x64xf32, #tpu.memory_space<vmem>> -> memref<128x64xf32, #tpu.memory_space<vmem>>
      %dma_wait3A_30 = arith.constant 0 : i32
      %dma_wait3A_31 = tpu.memref_slice %arg6[%run_scoped3A_7, %dma_wait3A_30] : memref<10x128xi32, #tpu.memory_space<vmem>> -> memref<1x128xi32, #tpu.memory_space<vmem>>
      %dma_wait3A_32 = tpu.memref_squeeze %dma_wait3A_31 : memref<1x128xi32, #tpu.memory_space<vmem>> -> memref<128xi32, #tpu.memory_space<vmem>>
      %dma_wait3A_33 = arith.constant 0 : i32
      %dma_wait3A_34 = arith.constant 0 : i32
      %dma_wait3A_35 = tpu.memref_slice %arg8[%dma_wait3A_33, %dma_wait3A_34] : memref<10240x64xf32, #tpu.memory_space<vmem_shared>> -> memref<10240x64xf32, #tpu.memory_space<vmem_shared>>
      tpu.wait_indirect_dma semaphore(%run_scoped3A_19 : memref<!tpu.dma_semaphore, #tpu.memory_space<semaphore_mem>>) src(%dma_wait3A_29 : memref<128x64xf32, #tpu.memory_space<vmem>>) dst(%dma_wait3A_35 : memref<10240x64xf32, #tpu.memory_space<vmem_shared>>)
      tpu.yield
    }) : () -> ()
    %run_scoped3A_8 = arith.constant 4 : i32
    "tpu.region"() ({
      %run_scoped3A_19 = tpu.sem_alloc : memref<!tpu.dma_semaphore, #tpu.memory_space<semaphore_mem>>
      %dma_start3A = arith.constant 512 : i32
      %dma_start3A_20 = arith.constant 0 : i32
      %dma_start3A_21 = tpu.memref_slice %arg7[%dma_start3A, %dma_start3A_20] : memref<1280x64xf32, #tpu.memory_space<vmem>> -> memref<128x64xf32, #tpu.memory_space<vmem>>
      %dma_start3A_22 = arith.constant 0 : i32
      %dma_start3A_23 = tpu.memref_slice %arg6[%run_scoped3A_8, %dma_start3A_22] : memref<10x128xi32, #tpu.memory_space<vmem>> -> memref<1x128xi32, #tpu.memory_space<vmem>>
      %dma_start3A_24 = tpu.memref_squeeze %dma_start3A_23 : memref<1x128xi32, #tpu.memory_space<vmem>> -> memref<128xi32, #tpu.memory_space<vmem>>
      %dma_start3A_25 = arith.constant 0 : i32
      %dma_start3A_26 = arith.constant 0 : i32
      %dma_start3A_27 = tpu.memref_slice %arg8[%dma_start3A_25, %dma_start3A_26] : memref<10240x64xf32, #tpu.memory_space<vmem_shared>> -> memref<10240x64xf32, #tpu.memory_space<vmem_shared>>
      tpu.enqueue_indirect_dma source(%dma_start3A_21 : memref<128x64xf32, #tpu.memory_space<vmem>>) target(%dma_start3A_27 : memref<10240x64xf32, #tpu.memory_space<vmem_shared>>) offsets(%dma_start3A_24 : memref<128xi32, #tpu.memory_space<vmem>>) semaphore(%run_scoped3A_19 : memref<!tpu.dma_semaphore, #tpu.memory_space<semaphore_mem>>) {add = true}
      %dma_wait3A = arith.constant 512 : i32
      %dma_wait3A_28 = arith.constant 0 : i32
      %dma_wait3A_29 = tpu.memref_slice %arg7[%dma_wait3A, %dma_wait3A_28] : memref<1280x64xf32, #tpu.memory_space<vmem>> -> memref<128x64xf32, #tpu.memory_space<vmem>>
      %dma_wait3A_30 = arith.constant 0 : i32
      %dma_wait3A_31 = tpu.memref_slice %arg6[%run_scoped3A_8, %dma_wait3A_30] : memref<10x128xi32, #tpu.memory_space<vmem>> -> memref<1x128xi32, #tpu.memory_space<vmem>>
      %dma_wait3A_32 = tpu.memref_squeeze %dma_wait3A_31 : memref<1x128xi32, #tpu.memory_space<vmem>> -> memref<128xi32, #tpu.memory_space<vmem>>
      %dma_wait3A_33 = arith.constant 0 : i32
      %dma_wait3A_34 = arith.constant 0 : i32
      %dma_wait3A_35 = tpu.memref_slice %arg8[%dma_wait3A_33, %dma_wait3A_34] : memref<10240x64xf32, #tpu.memory_space<vmem_shared>> -> memref<10240x64xf32, #tpu.memory_space<vmem_shared>>
      tpu.wait_indirect_dma semaphore(%run_scoped3A_19 : memref<!tpu.dma_semaphore, #tpu.memory_space<semaphore_mem>>) src(%dma_wait3A_29 : memref<128x64xf32, #tpu.memory_space<vmem>>) dst(%dma_wait3A_35 : memref<10240x64xf32, #tpu.memory_space<vmem_shared>>)
      tpu.yield
    }) : () -> ()
    %run_scoped3A_9 = arith.constant 5 : i32
    "tpu.region"() ({
      %run_scoped3A_19 = tpu.sem_alloc : memref<!tpu.dma_semaphore, #tpu.memory_space<semaphore_mem>>
      %dma_start3A = arith.constant 640 : i32
      %dma_start3A_20 = arith.constant 0 : i32
      %dma_start3A_21 = tpu.memref_slice %arg7[%dma_start3A, %dma_start3A_20] : memref<1280x64xf32, #tpu.memory_space<vmem>> -> memref<128x64xf32, #tpu.memory_space<vmem>>
      %dma_start3A_22 = arith.constant 0 : i32
      %dma_start3A_23 = tpu.memref_slice %arg6[%run_scoped3A_9, %dma_start3A_22] : memref<10x128xi32, #tpu.memory_space<vmem>> -> memref<1x128xi32, #tpu.memory_space<vmem>>
      %dma_start3A_24 = tpu.memref_squeeze %dma_start3A_23 : memref<1x128xi32, #tpu.memory_space<vmem>> -> memref<128xi32, #tpu.memory_space<vmem>>
      %dma_start3A_25 = arith.constant 0 : i32
      %dma_start3A_26 = arith.constant 0 : i32
      %dma_start3A_27 = tpu.memref_slice %arg8[%dma_start3A_25, %dma_start3A_26] : memref<10240x64xf32, #tpu.memory_space<vmem_shared>> -> memref<10240x64xf32, #tpu.memory_space<vmem_shared>>
      tpu.enqueue_indirect_dma source(%dma_start3A_21 : memref<128x64xf32, #tpu.memory_space<vmem>>) target(%dma_start3A_27 : memref<10240x64xf32, #tpu.memory_space<vmem_shared>>) offsets(%dma_start3A_24 : memref<128xi32, #tpu.memory_space<vmem>>) semaphore(%run_scoped3A_19 : memref<!tpu.dma_semaphore, #tpu.memory_space<semaphore_mem>>) {add = true}
      %dma_wait3A = arith.constant 640 : i32
      %dma_wait3A_28 = arith.constant 0 : i32
      %dma_wait3A_29 = tpu.memref_slice %arg7[%dma_wait3A, %dma_wait3A_28] : memref<1280x64xf32, #tpu.memory_space<vmem>> -> memref<128x64xf32, #tpu.memory_space<vmem>>
      %dma_wait3A_30 = arith.constant 0 : i32
      %dma_wait3A_31 = tpu.memref_slice %arg6[%run_scoped3A_9, %dma_wait3A_30] : memref<10x128xi32, #tpu.memory_space<vmem>> -> memref<1x128xi32, #tpu.memory_space<vmem>>
      %dma_wait3A_32 = tpu.memref_squeeze %dma_wait3A_31 : memref<1x128xi32, #tpu.memory_space<vmem>> -> memref<128xi32, #tpu.memory_space<vmem>>
      %dma_wait3A_33 = arith.constant 0 : i32
      %dma_wait3A_34 = arith.constant 0 : i32
      %dma_wait3A_35 = tpu.memref_slice %arg8[%dma_wait3A_33, %dma_wait3A_34] : memref<10240x64xf32, #tpu.memory_space<vmem_shared>> -> memref<10240x64xf32, #tpu.memory_space<vmem_shared>>
      tpu.wait_indirect_dma semaphore(%run_scoped3A_19 : memref<!tpu.dma_semaphore, #tpu.memory_space<semaphore_mem>>) src(%dma_wait3A_29 : memref<128x64xf32, #tpu.memory_space<vmem>>) dst(%dma_wait3A_35 : memref<10240x64xf32, #tpu.memory_space<vmem_shared>>)
      tpu.yield
    }) : () -> ()
    %run_scoped3A_10 = arith.constant 6 : i32
    "tpu.region"() ({
      %run_scoped3A_19 = tpu.sem_alloc : memref<!tpu.dma_semaphore, #tpu.memory_space<semaphore_mem>>
      %dma_start3A = arith.constant 768 : i32
      %dma_start3A_20 = arith.constant 0 : i32
      %dma_start3A_21 = tpu.memref_slice %arg7[%dma_start3A, %dma_start3A_20] : memref<1280x64xf32, #tpu.memory_space<vmem>> -> memref<128x64xf32, #tpu.memory_space<vmem>>
      %dma_start3A_22 = arith.constant 0 : i32
      %dma_start3A_23 = tpu.memref_slice %arg6[%run_scoped3A_10, %dma_start3A_22] : memref<10x128xi32, #tpu.memory_space<vmem>> -> memref<1x128xi32, #tpu.memory_space<vmem>>
      %dma_start3A_24 = tpu.memref_squeeze %dma_start3A_23 : memref<1x128xi32, #tpu.memory_space<vmem>> -> memref<128xi32, #tpu.memory_space<vmem>>
      %dma_start3A_25 = arith.constant 0 : i32
      %dma_start3A_26 = arith.constant 0 : i32
      %dma_start3A_27 = tpu.memref_slice %arg8[%dma_start3A_25, %dma_start3A_26] : memref<10240x64xf32, #tpu.memory_space<vmem_shared>> -> memref<10240x64xf32, #tpu.memory_space<vmem_shared>>
      tpu.enqueue_indirect_dma source(%dma_start3A_21 : memref<128x64xf32, #tpu.memory_space<vmem>>) target(%dma_start3A_27 : memref<10240x64xf32, #tpu.memory_space<vmem_shared>>) offsets(%dma_start3A_24 : memref<128xi32, #tpu.memory_space<vmem>>) semaphore(%run_scoped3A_19 : memref<!tpu.dma_semaphore, #tpu.memory_space<semaphore_mem>>) {add = true}
      %dma_wait3A = arith.constant 768 : i32
      %dma_wait3A_28 = arith.constant 0 : i32
      %dma_wait3A_29 = tpu.memref_slice %arg7[%dma_wait3A, %dma_wait3A_28] : memref<1280x64xf32, #tpu.memory_space<vmem>> -> memref<128x64xf32, #tpu.memory_space<vmem>>
      %dma_wait3A_30 = arith.constant 0 : i32
      %dma_wait3A_31 = tpu.memref_slice %arg6[%run_scoped3A_10, %dma_wait3A_30] : memref<10x128xi32, #tpu.memory_space<vmem>> -> memref<1x128xi32, #tpu.memory_space<vmem>>
      %dma_wait3A_32 = tpu.memref_squeeze %dma_wait3A_31 : memref<1x128xi32, #tpu.memory_space<vmem>> -> memref<128xi32, #tpu.memory_space<vmem>>
      %dma_wait3A_33 = arith.constant 0 : i32
      %dma_wait3A_34 = arith.constant 0 : i32
      %dma_wait3A_35 = tpu.memref_slice %arg8[%dma_wait3A_33, %dma_wait3A_34] : memref<10240x64xf32, #tpu.memory_space<vmem_shared>> -> memref<10240x64xf32, #tpu.memory_space<vmem_shared>>
      tpu.wait_indirect_dma semaphore(%run_scoped3A_19 : memref<!tpu.dma_semaphore, #tpu.memory_space<semaphore_mem>>) src(%dma_wait3A_29 : memref<128x64xf32, #tpu.memory_space<vmem>>) dst(%dma_wait3A_35 : memref<10240x64xf32, #tpu.memory_space<vmem_shared>>)
      tpu.yield
    }) : () -> ()
    %run_scoped3A_11 = arith.constant 7 : i32
    "tpu.region"() ({
      %run_scoped3A_19 = tpu.sem_alloc : memref<!tpu.dma_semaphore, #tpu.memory_space<semaphore_mem>>
      %dma_start3A = arith.constant 896 : i32
      %dma_start3A_20 = arith.constant 0 : i32
      %dma_start3A_21 = tpu.memref_slice %arg7[%dma_start3A, %dma_start3A_20] : memref<1280x64xf32, #tpu.memory_space<vmem>> -> memref<128x64xf32, #tpu.memory_space<vmem>>
      %dma_start3A_22 = arith.constant 0 : i32
      %dma_start3A_23 = tpu.memref_slice %arg6[%run_scoped3A_11, %dma_start3A_22] : memref<10x128xi32, #tpu.memory_space<vmem>> -> memref<1x128xi32, #tpu.memory_space<vmem>>
      %dma_start3A_24 = tpu.memref_squeeze %dma_start3A_23 : memref<1x128xi32, #tpu.memory_space<vmem>> -> memref<128xi32, #tpu.memory_space<vmem>>
      %dma_start3A_25 = arith.constant 0 : i32
      %dma_start3A_26 = arith.constant 0 : i32
      %dma_start3A_27 = tpu.memref_slice %arg8[%dma_start3A_25, %dma_start3A_26] : memref<10240x64xf32, #tpu.memory_space<vmem_shared>> -> memref<10240x64xf32, #tpu.memory_space<vmem_shared>>
      tpu.enqueue_indirect_dma source(%dma_start3A_21 : memref<128x64xf32, #tpu.memory_space<vmem>>) target(%dma_start3A_27 : memref<10240x64xf32, #tpu.memory_space<vmem_shared>>) offsets(%dma_start3A_24 : memref<128xi32, #tpu.memory_space<vmem>>) semaphore(%run_scoped3A_19 : memref<!tpu.dma_semaphore, #tpu.memory_space<semaphore_mem>>) {add = true}
      %dma_wait3A = arith.constant 896 : i32
      %dma_wait3A_28 = arith.constant 0 : i32
      %dma_wait3A_29 = tpu.memref_slice %arg7[%dma_wait3A, %dma_wait3A_28] : memref<1280x64xf32, #tpu.memory_space<vmem>> -> memref<128x64xf32, #tpu.memory_space<vmem>>
      %dma_wait3A_30 = arith.constant 0 : i32
      %dma_wait3A_31 = tpu.memref_slice %arg6[%run_scoped3A_11, %dma_wait3A_30] : memref<10x128xi32, #tpu.memory_space<vmem>> -> memref<1x128xi32, #tpu.memory_space<vmem>>
      %dma_wait3A_32 = tpu.memref_squeeze %dma_wait3A_31 : memref<1x128xi32, #tpu.memory_space<vmem>> -> memref<128xi32, #tpu.memory_space<vmem>>
      %dma_wait3A_33 = arith.constant 0 : i32
      %dma_wait3A_34 = arith.constant 0 : i32
      %dma_wait3A_35 = tpu.memref_slice %arg8[%dma_wait3A_33, %dma_wait3A_34] : memref<10240x64xf32, #tpu.memory_space<vmem_shared>> -> memref<10240x64xf32, #tpu.memory_space<vmem_shared>>
      tpu.wait_indirect_dma semaphore(%run_scoped3A_19 : memref<!tpu.dma_semaphore, #tpu.memory_space<semaphore_mem>>) src(%dma_wait3A_29 : memref<128x64xf32, #tpu.memory_space<vmem>>) dst(%dma_wait3A_35 : memref<10240x64xf32, #tpu.memory_space<vmem_shared>>)
      tpu.yield
    }) : () -> ()
    %run_scoped3A_12 = arith.constant 8 : i32
    "tpu.region"() ({
      %run_scoped3A_19 = tpu.sem_alloc : memref<!tpu.dma_semaphore, #tpu.memory_space<semaphore_mem>>
      %dma_start3A = arith.constant 1024 : i32
      %dma_start3A_20 = arith.constant 0 : i32
      %dma_start3A_21 = tpu.memref_slice %arg7[%dma_start3A, %dma_start3A_20] : memref<1280x64xf32, #tpu.memory_space<vmem>> -> memref<128x64xf32, #tpu.memory_space<vmem>>
      %dma_start3A_22 = arith.constant 0 : i32
      %dma_start3A_23 = tpu.memref_slice %arg6[%run_scoped3A_12, %dma_start3A_22] : memref<10x128xi32, #tpu.memory_space<vmem>> -> memref<1x128xi32, #tpu.memory_space<vmem>>
      %dma_start3A_24 = tpu.memref_squeeze %dma_start3A_23 : memref<1x128xi32, #tpu.memory_space<vmem>> -> memref<128xi32, #tpu.memory_space<vmem>>
      %dma_start3A_25 = arith.constant 0 : i32
      %dma_start3A_26 = arith.constant 0 : i32
      %dma_start3A_27 = tpu.memref_slice %arg8[%dma_start3A_25, %dma_start3A_26] : memref<10240x64xf32, #tpu.memory_space<vmem_shared>> -> memref<10240x64xf32, #tpu.memory_space<vmem_shared>>
      tpu.enqueue_indirect_dma source(%dma_start3A_21 : memref<128x64xf32, #tpu.memory_space<vmem>>) target(%dma_start3A_27 : memref<10240x64xf32, #tpu.memory_space<vmem_shared>>) offsets(%dma_start3A_24 : memref<128xi32, #tpu.memory_space<vmem>>) semaphore(%run_scoped3A_19 : memref<!tpu.dma_semaphore, #tpu.memory_space<semaphore_mem>>) {add = true}
      %dma_wait3A = arith.constant 1024 : i32
      %dma_wait3A_28 = arith.constant 0 : i32
      %dma_wait3A_29 = tpu.memref_slice %arg7[%dma_wait3A, %dma_wait3A_28] : memref<1280x64xf32, #tpu.memory_space<vmem>> -> memref<128x64xf32, #tpu.memory_space<vmem>>
      %dma_wait3A_30 = arith.constant 0 : i32
      %dma_wait3A_31 = tpu.memref_slice %arg6[%run_scoped3A_12, %dma_wait3A_30] : memref<10x128xi32, #tpu.memory_space<vmem>> -> memref<1x128xi32, #tpu.memory_space<vmem>>
      %dma_wait3A_32 = tpu.memref_squeeze %dma_wait3A_31 : memref<1x128xi32, #tpu.memory_space<vmem>> -> memref<128xi32, #tpu.memory_space<vmem>>
      %dma_wait3A_33 = arith.constant 0 : i32
      %dma_wait3A_34 = arith.constant 0 : i32
      %dma_wait3A_35 = tpu.memref_slice %arg8[%dma_wait3A_33, %dma_wait3A_34] : memref<10240x64xf32, #tpu.memory_space<vmem_shared>> -> memref<10240x64xf32, #tpu.memory_space<vmem_shared>>
      tpu.wait_indirect_dma semaphore(%run_scoped3A_19 : memref<!tpu.dma_semaphore, #tpu.memory_space<semaphore_mem>>) src(%dma_wait3A_29 : memref<128x64xf32, #tpu.memory_space<vmem>>) dst(%dma_wait3A_35 : memref<10240x64xf32, #tpu.memory_space<vmem_shared>>)
      tpu.yield
    }) : () -> ()
    %run_scoped3A_13 = arith.constant 9 : i32
    "tpu.region"() ({
      %run_scoped3A_19 = tpu.sem_alloc : memref<!tpu.dma_semaphore, #tpu.memory_space<semaphore_mem>>
      %dma_start3A = arith.constant 1152 : i32
      %dma_start3A_20 = arith.constant 0 : i32
      %dma_start3A_21 = tpu.memref_slice %arg7[%dma_start3A, %dma_start3A_20] : memref<1280x64xf32, #tpu.memory_space<vmem>> -> memref<128x64xf32, #tpu.memory_space<vmem>>
      %dma_start3A_22 = arith.constant 0 : i32
      %dma_start3A_23 = tpu.memref_slice %arg6[%run_scoped3A_13, %dma_start3A_22] : memref<10x128xi32, #tpu.memory_space<vmem>> -> memref<1x128xi32, #tpu.memory_space<vmem>>
      %dma_start3A_24 = tpu.memref_squeeze %dma_start3A_23 : memref<1x128xi32, #tpu.memory_space<vmem>> -> memref<128xi32, #tpu.memory_space<vmem>>
      %dma_start3A_25 = arith.constant 0 : i32
      %dma_start3A_26 = arith.constant 0 : i32
      %dma_start3A_27 = tpu.memref_slice %arg8[%dma_start3A_25, %dma_start3A_26] : memref<10240x64xf32, #tpu.memory_space<vmem_shared>> -> memref<10240x64xf32, #tpu.memory_space<vmem_shared>>
      tpu.enqueue_indirect_dma source(%dma_start3A_21 : memref<128x64xf32, #tpu.memory_space<vmem>>) target(%dma_start3A_27 : memref<10240x64xf32, #tpu.memory_space<vmem_shared>>) offsets(%dma_start3A_24 : memref<128xi32, #tpu.memory_space<vmem>>) semaphore(%run_scoped3A_19 : memref<!tpu.dma_semaphore, #tpu.memory_space<semaphore_mem>>) {add = true}
      %dma_wait3A = arith.constant 1152 : i32
      %dma_wait3A_28 = arith.constant 0 : i32
      %dma_wait3A_29 = tpu.memref_slice %arg7[%dma_wait3A, %dma_wait3A_28] : memref<1280x64xf32, #tpu.memory_space<vmem>> -> memref<128x64xf32, #tpu.memory_space<vmem>>
      %dma_wait3A_30 = arith.constant 0 : i32
      %dma_wait3A_31 = tpu.memref_slice %arg6[%run_scoped3A_13, %dma_wait3A_30] : memref<10x128xi32, #tpu.memory_space<vmem>> -> memref<1x128xi32, #tpu.memory_space<vmem>>
      %dma_wait3A_32 = tpu.memref_squeeze %dma_wait3A_31 : memref<1x128xi32, #tpu.memory_space<vmem>> -> memref<128xi32, #tpu.memory_space<vmem>>
      %dma_wait3A_33 = arith.constant 0 : i32
      %dma_wait3A_34 = arith.constant 0 : i32
      %dma_wait3A_35 = tpu.memref_slice %arg8[%dma_wait3A_33, %dma_wait3A_34] : memref<10240x64xf32, #tpu.memory_space<vmem_shared>> -> memref<10240x64xf32, #tpu.memory_space<vmem_shared>>
      tpu.wait_indirect_dma semaphore(%run_scoped3A_19 : memref<!tpu.dma_semaphore, #tpu.memory_space<semaphore_mem>>) src(%dma_wait3A_29 : memref<128x64xf32, #tpu.memory_space<vmem>>) dst(%dma_wait3A_35 : memref<10240x64xf32, #tpu.memory_space<vmem_shared>>)
      tpu.yield
    }) : () -> ()
    %barrier3A_14 = arith.constant 0 : index
    tpu.barrier barrier_id(%barrier3A_14)
    %mul3A_15 = arith.constant 640 : i32
    %mul3A_16 = arith.muli %arg1, %mul3A_15 : i32
    %mul3A_17 = arith.constant 640 : i32
    %mul3A_18 = arith.muli %arg1, %mul3A_17 : i32
    "tpu.region"() ({
      %run_scoped3A_19 = tpu.sem_alloc : memref<!tpu.dma_semaphore, #tpu.memory_space<semaphore_mem>>
      %dma_start3A = arith.constant 0 : i32
      %dma_start3A_20 = tpu.memref_slice %arg5[%arg0, %mul3A_18, %dma_start3A] : memref<2x10240x64xf32, #tpu.memory_space<hbm>> -> memref<1x640x64xf32, #tpu.memory_space<hbm>>
      %dma_start3A_21 = tpu.memref_squeeze %dma_start3A_20 : memref<1x640x64xf32, #tpu.memory_space<hbm>> -> memref<640x64xf32, #tpu.memory_space<hbm>>
      %dma_start3A_22 = arith.constant 0 : i32
      %dma_start3A_23 = tpu.memref_slice %arg8[%mul3A_16, %dma_start3A_22] : memref<10240x64xf32, #tpu.memory_space<vmem_shared>> -> memref<640x64xf32, #tpu.memory_space<vmem_shared>>
      tpu.enqueue_dma source(%dma_start3A_23 : memref<640x64xf32, #tpu.memory_space<vmem_shared>>) target(%dma_start3A_21 : memref<640x64xf32, #tpu.memory_space<hbm>>) target_semaphore(%run_scoped3A_19 : memref<!tpu.dma_semaphore, #tpu.memory_space<semaphore_mem>>)
      %dma_wait3A = arith.constant 0 : i32
      %dma_wait3A_24 = tpu.memref_slice %arg5[%arg0, %mul3A_18, %dma_wait3A] : memref<2x10240x64xf32, #tpu.memory_space<hbm>> -> memref<1x640x64xf32, #tpu.memory_space<hbm>>
      %dma_wait3A_25 = tpu.memref_squeeze %dma_wait3A_24 : memref<1x640x64xf32, #tpu.memory_space<hbm>> -> memref<640x64xf32, #tpu.memory_space<hbm>>
      %dma_wait3A_26 = arith.constant 0 : i32
      %dma_wait3A_27 = tpu.memref_slice %arg8[%mul3A_16, %dma_wait3A_26] : memref<10240x64xf32, #tpu.memory_space<vmem_shared>> -> memref<640x64xf32, #tpu.memory_space<vmem_shared>>
      tpu.wait_dma2 semaphore(%run_scoped3A_19 : memref<!tpu.dma_semaphore, #tpu.memory_space<semaphore_mem>>) src(%dma_wait3A_27 : memref<640x64xf32, #tpu.memory_space<vmem_shared>>) dst(%dma_wait3A_25 : memref<640x64xf32, #tpu.memory_space<hbm>>)
      tpu.yield
    }) : () -> ()
    return
  }
}

#map = affine_map<(d0, d1) -> (0, 0)>
#map1 = affine_map<(d0, d1) -> (0, 0, 0)>
module attributes {stable_mosaic.version = 14 : i64} {
  func.func @sc_gather(%arg0: i32, %arg1: i32, %arg2: memref<10240x64xf32, #tpu.memory_space<hbm>>, %arg3: memref<32x10x128xi32, #tpu.memory_space<hbm>>, %arg4: memref<40960x64xf32, #tpu.memory_space<hbm>>, %arg5: memref<10x128xi32, #tpu.memory_space<vmem>>, %arg6: memref<1280x64xf32, #tpu.memory_space<vmem>>, %arg7: memref<!tpu.dma_semaphore, #tpu.memory_space<semaphore_mem>>) attributes {dimension_semantics = [#tpu.dimension_semantics<core_parallel>, #tpu.dimension_semantics<subcore_parallel>], iteration_bounds = array<i64: 2, 16>, scalar_prefetch = 0 : i64, scratch_operands = 3 : i64, tpu.core_type = #tpu.core_type<sc_vector_subcore>, window_params = [{transform_indices = #map}, {transform_indices = #map1}, {transform_indices = #map}]} {
    %mul3A = arith.constant 2 : i32
    %mul3A_0 = arith.muli %arg1, %mul3A : i32
    %add3A = arith.addi %mul3A_0, %arg0 : i32
    "tpu.region"() ({
      %run_scoped3A = tpu.sem_alloc : memref<!tpu.dma_semaphore, #tpu.memory_space<semaphore_mem>>
      %dma_start3A_201 = arith.constant 0 : i32
      %dma_start3A_202 = arith.constant 0 : i32
      %dma_start3A_203 = tpu.memref_slice %arg3[%add3A, %dma_start3A_201, %dma_start3A_202] : memref<32x10x128xi32, #tpu.memory_space<hbm>> -> memref<1x10x128xi32, #tpu.memory_space<hbm>>
      %dma_start3A_204 = tpu.memref_squeeze %dma_start3A_203 : memref<1x10x128xi32, #tpu.memory_space<hbm>> -> memref<10x128xi32, #tpu.memory_space<hbm>>
      %dma_start3A_205 = arith.constant 0 : i32
      %dma_start3A_206 = arith.constant 0 : i32
      %dma_start3A_207 = tpu.memref_slice %arg3[%add3A, %dma_start3A_205, %dma_start3A_206] : memref<32x10x128xi32, #tpu.memory_space<hbm>> -> memref<1x10x128xi32, #tpu.memory_space<hbm>>
      %dma_start3A_208 = tpu.memref_squeeze %dma_start3A_207 : memref<1x10x128xi32, #tpu.memory_space<hbm>> -> memref<10x128xi32, #tpu.memory_space<hbm>>
      tpu.enqueue_dma source(%dma_start3A_208 : memref<10x128xi32, #tpu.memory_space<hbm>>) target(%arg5 : memref<10x128xi32, #tpu.memory_space<vmem>>) target_semaphore(%run_scoped3A : memref<!tpu.dma_semaphore, #tpu.memory_space<semaphore_mem>>)
      %dma_wait3A_209 = arith.constant 0 : i32
      %dma_wait3A_210 = arith.constant 0 : i32
      %dma_wait3A_211 = tpu.memref_slice %arg3[%add3A, %dma_wait3A_209, %dma_wait3A_210] : memref<32x10x128xi32, #tpu.memory_space<hbm>> -> memref<1x10x128xi32, #tpu.memory_space<hbm>>
      %dma_wait3A_212 = tpu.memref_squeeze %dma_wait3A_211 : memref<1x10x128xi32, #tpu.memory_space<hbm>> -> memref<10x128xi32, #tpu.memory_space<hbm>>
      %dma_wait3A_213 = arith.constant 0 : i32
      %dma_wait3A_214 = arith.constant 0 : i32
      %dma_wait3A_215 = tpu.memref_slice %arg3[%add3A, %dma_wait3A_213, %dma_wait3A_214] : memref<32x10x128xi32, #tpu.memory_space<hbm>> -> memref<1x10x128xi32, #tpu.memory_space<hbm>>
      %dma_wait3A_216 = tpu.memref_squeeze %dma_wait3A_215 : memref<1x10x128xi32, #tpu.memory_space<hbm>> -> memref<10x128xi32, #tpu.memory_space<hbm>>
      tpu.wait_dma2 semaphore(%run_scoped3A : memref<!tpu.dma_semaphore, #tpu.memory_space<semaphore_mem>>) src(%dma_wait3A_216 : memref<10x128xi32, #tpu.memory_space<hbm>>) dst(%arg5 : memref<10x128xi32, #tpu.memory_space<vmem>>)
      tpu.yield
    }) : () -> ()
    %dma_start3A = arith.constant 0 : i32
    %dma_start3A_1 = arith.constant 0 : i32
    %dma_start3A_2 = arith.constant 0 : i32
    %dma_start3A_3 = tpu.memref_slice %arg6[%dma_start3A_1, %dma_start3A_2] : memref<1280x64xf32, #tpu.memory_space<vmem>> -> memref<128x64xf32, #tpu.memory_space<vmem>>
    %dma_start3A_4 = arith.constant 0 : i32
    %dma_start3A_5 = tpu.memref_slice %arg5[%dma_start3A, %dma_start3A_4] : memref<10x128xi32, #tpu.memory_space<vmem>> -> memref<1x128xi32, #tpu.memory_space<vmem>>
    %dma_start3A_6 = tpu.memref_squeeze %dma_start3A_5 : memref<1x128xi32, #tpu.memory_space<vmem>> -> memref<128xi32, #tpu.memory_space<vmem>>
    %dma_start3A_7 = arith.constant 0 : i32
    %dma_start3A_8 = arith.constant 0 : i32
    %dma_start3A_9 = tpu.memref_slice %arg2[%dma_start3A_7, %dma_start3A_8] : memref<10240x64xf32, #tpu.memory_space<hbm>> -> memref<10240x64xf32, #tpu.memory_space<hbm>>
    tpu.enqueue_indirect_dma source(%dma_start3A_9 : memref<10240x64xf32, #tpu.memory_space<hbm>>) target(%dma_start3A_3 : memref<128x64xf32, #tpu.memory_space<vmem>>) offsets(%dma_start3A_6 : memref<128xi32, #tpu.memory_space<vmem>>) semaphore(%arg7 : memref<!tpu.dma_semaphore, #tpu.memory_space<semaphore_mem>>)
    %dma_start3A_10 = arith.constant 1 : i32
    %dma_start3A_11 = arith.constant 128 : i32
    %dma_start3A_12 = arith.constant 0 : i32
    %dma_start3A_13 = tpu.memref_slice %arg6[%dma_start3A_11, %dma_start3A_12] : memref<1280x64xf32, #tpu.memory_space<vmem>> -> memref<128x64xf32, #tpu.memory_space<vmem>>
    %dma_start3A_14 = arith.constant 0 : i32
    %dma_start3A_15 = tpu.memref_slice %arg5[%dma_start3A_10, %dma_start3A_14] : memref<10x128xi32, #tpu.memory_space<vmem>> -> memref<1x128xi32, #tpu.memory_space<vmem>>
    %dma_start3A_16 = tpu.memref_squeeze %dma_start3A_15 : memref<1x128xi32, #tpu.memory_space<vmem>> -> memref<128xi32, #tpu.memory_space<vmem>>
    %dma_start3A_17 = arith.constant 0 : i32
    %dma_start3A_18 = arith.constant 0 : i32
    %dma_start3A_19 = tpu.memref_slice %arg2[%dma_start3A_17, %dma_start3A_18] : memref<10240x64xf32, #tpu.memory_space<hbm>> -> memref<10240x64xf32, #tpu.memory_space<hbm>>
    tpu.enqueue_indirect_dma source(%dma_start3A_19 : memref<10240x64xf32, #tpu.memory_space<hbm>>) target(%dma_start3A_13 : memref<128x64xf32, #tpu.memory_space<vmem>>) offsets(%dma_start3A_16 : memref<128xi32, #tpu.memory_space<vmem>>) semaphore(%arg7 : memref<!tpu.dma_semaphore, #tpu.memory_space<semaphore_mem>>)
    %dma_start3A_20 = arith.constant 2 : i32
    %dma_start3A_21 = arith.constant 256 : i32
    %dma_start3A_22 = arith.constant 0 : i32
    %dma_start3A_23 = tpu.memref_slice %arg6[%dma_start3A_21, %dma_start3A_22] : memref<1280x64xf32, #tpu.memory_space<vmem>> -> memref<128x64xf32, #tpu.memory_space<vmem>>
    %dma_start3A_24 = arith.constant 0 : i32
    %dma_start3A_25 = tpu.memref_slice %arg5[%dma_start3A_20, %dma_start3A_24] : memref<10x128xi32, #tpu.memory_space<vmem>> -> memref<1x128xi32, #tpu.memory_space<vmem>>
    %dma_start3A_26 = tpu.memref_squeeze %dma_start3A_25 : memref<1x128xi32, #tpu.memory_space<vmem>> -> memref<128xi32, #tpu.memory_space<vmem>>
    %dma_start3A_27 = arith.constant 0 : i32
    %dma_start3A_28 = arith.constant 0 : i32
    %dma_start3A_29 = tpu.memref_slice %arg2[%dma_start3A_27, %dma_start3A_28] : memref<10240x64xf32, #tpu.memory_space<hbm>> -> memref<10240x64xf32, #tpu.memory_space<hbm>>
    tpu.enqueue_indirect_dma source(%dma_start3A_29 : memref<10240x64xf32, #tpu.memory_space<hbm>>) target(%dma_start3A_23 : memref<128x64xf32, #tpu.memory_space<vmem>>) offsets(%dma_start3A_26 : memref<128xi32, #tpu.memory_space<vmem>>) semaphore(%arg7 : memref<!tpu.dma_semaphore, #tpu.memory_space<semaphore_mem>>)
    %dma_start3A_30 = arith.constant 3 : i32
    %dma_start3A_31 = arith.constant 384 : i32
    %dma_start3A_32 = arith.constant 0 : i32
    %dma_start3A_33 = tpu.memref_slice %arg6[%dma_start3A_31, %dma_start3A_32] : memref<1280x64xf32, #tpu.memory_space<vmem>> -> memref<128x64xf32, #tpu.memory_space<vmem>>
    %dma_start3A_34 = arith.constant 0 : i32
    %dma_start3A_35 = tpu.memref_slice %arg5[%dma_start3A_30, %dma_start3A_34] : memref<10x128xi32, #tpu.memory_space<vmem>> -> memref<1x128xi32, #tpu.memory_space<vmem>>
    %dma_start3A_36 = tpu.memref_squeeze %dma_start3A_35 : memref<1x128xi32, #tpu.memory_space<vmem>> -> memref<128xi32, #tpu.memory_space<vmem>>
    %dma_start3A_37 = arith.constant 0 : i32
    %dma_start3A_38 = arith.constant 0 : i32
    %dma_start3A_39 = tpu.memref_slice %arg2[%dma_start3A_37, %dma_start3A_38] : memref<10240x64xf32, #tpu.memory_space<hbm>> -> memref<10240x64xf32, #tpu.memory_space<hbm>>
    tpu.enqueue_indirect_dma source(%dma_start3A_39 : memref<10240x64xf32, #tpu.memory_space<hbm>>) target(%dma_start3A_33 : memref<128x64xf32, #tpu.memory_space<vmem>>) offsets(%dma_start3A_36 : memref<128xi32, #tpu.memory_space<vmem>>) semaphore(%arg7 : memref<!tpu.dma_semaphore, #tpu.memory_space<semaphore_mem>>)
    %dma_start3A_40 = arith.constant 4 : i32
    %dma_start3A_41 = arith.constant 512 : i32
    %dma_start3A_42 = arith.constant 0 : i32
    %dma_start3A_43 = tpu.memref_slice %arg6[%dma_start3A_41, %dma_start3A_42] : memref<1280x64xf32, #tpu.memory_space<vmem>> -> memref<128x64xf32, #tpu.memory_space<vmem>>
    %dma_start3A_44 = arith.constant 0 : i32
    %dma_start3A_45 = tpu.memref_slice %arg5[%dma_start3A_40, %dma_start3A_44] : memref<10x128xi32, #tpu.memory_space<vmem>> -> memref<1x128xi32, #tpu.memory_space<vmem>>
    %dma_start3A_46 = tpu.memref_squeeze %dma_start3A_45 : memref<1x128xi32, #tpu.memory_space<vmem>> -> memref<128xi32, #tpu.memory_space<vmem>>
    %dma_start3A_47 = arith.constant 0 : i32
    %dma_start3A_48 = arith.constant 0 : i32
    %dma_start3A_49 = tpu.memref_slice %arg2[%dma_start3A_47, %dma_start3A_48] : memref<10240x64xf32, #tpu.memory_space<hbm>> -> memref<10240x64xf32, #tpu.memory_space<hbm>>
    tpu.enqueue_indirect_dma source(%dma_start3A_49 : memref<10240x64xf32, #tpu.memory_space<hbm>>) target(%dma_start3A_43 : memref<128x64xf32, #tpu.memory_space<vmem>>) offsets(%dma_start3A_46 : memref<128xi32, #tpu.memory_space<vmem>>) semaphore(%arg7 : memref<!tpu.dma_semaphore, #tpu.memory_space<semaphore_mem>>)
    %dma_start3A_50 = arith.constant 5 : i32
    %dma_start3A_51 = arith.constant 640 : i32
    %dma_start3A_52 = arith.constant 0 : i32
    %dma_start3A_53 = tpu.memref_slice %arg6[%dma_start3A_51, %dma_start3A_52] : memref<1280x64xf32, #tpu.memory_space<vmem>> -> memref<128x64xf32, #tpu.memory_space<vmem>>
    %dma_start3A_54 = arith.constant 0 : i32
    %dma_start3A_55 = tpu.memref_slice %arg5[%dma_start3A_50, %dma_start3A_54] : memref<10x128xi32, #tpu.memory_space<vmem>> -> memref<1x128xi32, #tpu.memory_space<vmem>>
    %dma_start3A_56 = tpu.memref_squeeze %dma_start3A_55 : memref<1x128xi32, #tpu.memory_space<vmem>> -> memref<128xi32, #tpu.memory_space<vmem>>
    %dma_start3A_57 = arith.constant 0 : i32
    %dma_start3A_58 = arith.constant 0 : i32
    %dma_start3A_59 = tpu.memref_slice %arg2[%dma_start3A_57, %dma_start3A_58] : memref<10240x64xf32, #tpu.memory_space<hbm>> -> memref<10240x64xf32, #tpu.memory_space<hbm>>
    tpu.enqueue_indirect_dma source(%dma_start3A_59 : memref<10240x64xf32, #tpu.memory_space<hbm>>) target(%dma_start3A_53 : memref<128x64xf32, #tpu.memory_space<vmem>>) offsets(%dma_start3A_56 : memref<128xi32, #tpu.memory_space<vmem>>) semaphore(%arg7 : memref<!tpu.dma_semaphore, #tpu.memory_space<semaphore_mem>>)
    %dma_start3A_60 = arith.constant 6 : i32
    %dma_start3A_61 = arith.constant 768 : i32
    %dma_start3A_62 = arith.constant 0 : i32
    %dma_start3A_63 = tpu.memref_slice %arg6[%dma_start3A_61, %dma_start3A_62] : memref<1280x64xf32, #tpu.memory_space<vmem>> -> memref<128x64xf32, #tpu.memory_space<vmem>>
    %dma_start3A_64 = arith.constant 0 : i32
    %dma_start3A_65 = tpu.memref_slice %arg5[%dma_start3A_60, %dma_start3A_64] : memref<10x128xi32, #tpu.memory_space<vmem>> -> memref<1x128xi32, #tpu.memory_space<vmem>>
    %dma_start3A_66 = tpu.memref_squeeze %dma_start3A_65 : memref<1x128xi32, #tpu.memory_space<vmem>> -> memref<128xi32, #tpu.memory_space<vmem>>
    %dma_start3A_67 = arith.constant 0 : i32
    %dma_start3A_68 = arith.constant 0 : i32
    %dma_start3A_69 = tpu.memref_slice %arg2[%dma_start3A_67, %dma_start3A_68] : memref<10240x64xf32, #tpu.memory_space<hbm>> -> memref<10240x64xf32, #tpu.memory_space<hbm>>
    tpu.enqueue_indirect_dma source(%dma_start3A_69 : memref<10240x64xf32, #tpu.memory_space<hbm>>) target(%dma_start3A_63 : memref<128x64xf32, #tpu.memory_space<vmem>>) offsets(%dma_start3A_66 : memref<128xi32, #tpu.memory_space<vmem>>) semaphore(%arg7 : memref<!tpu.dma_semaphore, #tpu.memory_space<semaphore_mem>>)
    %dma_start3A_70 = arith.constant 7 : i32
    %dma_start3A_71 = arith.constant 896 : i32
    %dma_start3A_72 = arith.constant 0 : i32
    %dma_start3A_73 = tpu.memref_slice %arg6[%dma_start3A_71, %dma_start3A_72] : memref<1280x64xf32, #tpu.memory_space<vmem>> -> memref<128x64xf32, #tpu.memory_space<vmem>>
    %dma_start3A_74 = arith.constant 0 : i32
    %dma_start3A_75 = tpu.memref_slice %arg5[%dma_start3A_70, %dma_start3A_74] : memref<10x128xi32, #tpu.memory_space<vmem>> -> memref<1x128xi32, #tpu.memory_space<vmem>>
    %dma_start3A_76 = tpu.memref_squeeze %dma_start3A_75 : memref<1x128xi32, #tpu.memory_space<vmem>> -> memref<128xi32, #tpu.memory_space<vmem>>
    %dma_start3A_77 = arith.constant 0 : i32
    %dma_start3A_78 = arith.constant 0 : i32
    %dma_start3A_79 = tpu.memref_slice %arg2[%dma_start3A_77, %dma_start3A_78] : memref<10240x64xf32, #tpu.memory_space<hbm>> -> memref<10240x64xf32, #tpu.memory_space<hbm>>
    tpu.enqueue_indirect_dma source(%dma_start3A_79 : memref<10240x64xf32, #tpu.memory_space<hbm>>) target(%dma_start3A_73 : memref<128x64xf32, #tpu.memory_space<vmem>>) offsets(%dma_start3A_76 : memref<128xi32, #tpu.memory_space<vmem>>) semaphore(%arg7 : memref<!tpu.dma_semaphore, #tpu.memory_space<semaphore_mem>>)
    %dma_start3A_80 = arith.constant 8 : i32
    %dma_start3A_81 = arith.constant 1024 : i32
    %dma_start3A_82 = arith.constant 0 : i32
    %dma_start3A_83 = tpu.memref_slice %arg6[%dma_start3A_81, %dma_start3A_82] : memref<1280x64xf32, #tpu.memory_space<vmem>> -> memref<128x64xf32, #tpu.memory_space<vmem>>
    %dma_start3A_84 = arith.constant 0 : i32
    %dma_start3A_85 = tpu.memref_slice %arg5[%dma_start3A_80, %dma_start3A_84] : memref<10x128xi32, #tpu.memory_space<vmem>> -> memref<1x128xi32, #tpu.memory_space<vmem>>
    %dma_start3A_86 = tpu.memref_squeeze %dma_start3A_85 : memref<1x128xi32, #tpu.memory_space<vmem>> -> memref<128xi32, #tpu.memory_space<vmem>>
    %dma_start3A_87 = arith.constant 0 : i32
    %dma_start3A_88 = arith.constant 0 : i32
    %dma_start3A_89 = tpu.memref_slice %arg2[%dma_start3A_87, %dma_start3A_88] : memref<10240x64xf32, #tpu.memory_space<hbm>> -> memref<10240x64xf32, #tpu.memory_space<hbm>>
    tpu.enqueue_indirect_dma source(%dma_start3A_89 : memref<10240x64xf32, #tpu.memory_space<hbm>>) target(%dma_start3A_83 : memref<128x64xf32, #tpu.memory_space<vmem>>) offsets(%dma_start3A_86 : memref<128xi32, #tpu.memory_space<vmem>>) semaphore(%arg7 : memref<!tpu.dma_semaphore, #tpu.memory_space<semaphore_mem>>)
    %dma_start3A_90 = arith.constant 9 : i32
    %dma_start3A_91 = arith.constant 1152 : i32
    %dma_start3A_92 = arith.constant 0 : i32
    %dma_start3A_93 = tpu.memref_slice %arg6[%dma_start3A_91, %dma_start3A_92] : memref<1280x64xf32, #tpu.memory_space<vmem>> -> memref<128x64xf32, #tpu.memory_space<vmem>>
    %dma_start3A_94 = arith.constant 0 : i32
    %dma_start3A_95 = tpu.memref_slice %arg5[%dma_start3A_90, %dma_start3A_94] : memref<10x128xi32, #tpu.memory_space<vmem>> -> memref<1x128xi32, #tpu.memory_space<vmem>>
    %dma_start3A_96 = tpu.memref_squeeze %dma_start3A_95 : memref<1x128xi32, #tpu.memory_space<vmem>> -> memref<128xi32, #tpu.memory_space<vmem>>
    %dma_start3A_97 = arith.constant 0 : i32
    %dma_start3A_98 = arith.constant 0 : i32
    %dma_start3A_99 = tpu.memref_slice %arg2[%dma_start3A_97, %dma_start3A_98] : memref<10240x64xf32, #tpu.memory_space<hbm>> -> memref<10240x64xf32, #tpu.memory_space<hbm>>
    tpu.enqueue_indirect_dma source(%dma_start3A_99 : memref<10240x64xf32, #tpu.memory_space<hbm>>) target(%dma_start3A_93 : memref<128x64xf32, #tpu.memory_space<vmem>>) offsets(%dma_start3A_96 : memref<128xi32, #tpu.memory_space<vmem>>) semaphore(%arg7 : memref<!tpu.dma_semaphore, #tpu.memory_space<semaphore_mem>>)
    %dma_wait3A = arith.constant 0 : i32
    %dma_wait3A_100 = arith.constant 0 : i32
    %dma_wait3A_101 = arith.constant 0 : i32
    %dma_wait3A_102 = tpu.memref_slice %arg6[%dma_wait3A_100, %dma_wait3A_101] : memref<1280x64xf32, #tpu.memory_space<vmem>> -> memref<128x64xf32, #tpu.memory_space<vmem>>
    %dma_wait3A_103 = arith.constant 0 : i32
    %dma_wait3A_104 = tpu.memref_slice %arg5[%dma_wait3A, %dma_wait3A_103] : memref<10x128xi32, #tpu.memory_space<vmem>> -> memref<1x128xi32, #tpu.memory_space<vmem>>
    %dma_wait3A_105 = tpu.memref_squeeze %dma_wait3A_104 : memref<1x128xi32, #tpu.memory_space<vmem>> -> memref<128xi32, #tpu.memory_space<vmem>>
    %dma_wait3A_106 = arith.constant 0 : i32
    %dma_wait3A_107 = arith.constant 0 : i32
    %dma_wait3A_108 = tpu.memref_slice %arg2[%dma_wait3A_106, %dma_wait3A_107] : memref<10240x64xf32, #tpu.memory_space<hbm>> -> memref<10240x64xf32, #tpu.memory_space<hbm>>
    tpu.wait_indirect_dma semaphore(%arg7 : memref<!tpu.dma_semaphore, #tpu.memory_space<semaphore_mem>>) src(%dma_wait3A_108 : memref<10240x64xf32, #tpu.memory_space<hbm>>) dst(%dma_wait3A_102 : memref<128x64xf32, #tpu.memory_space<vmem>>)
    %dma_wait3A_109 = arith.constant 1 : i32
    %dma_wait3A_110 = arith.constant 128 : i32
    %dma_wait3A_111 = arith.constant 0 : i32
    %dma_wait3A_112 = tpu.memref_slice %arg6[%dma_wait3A_110, %dma_wait3A_111] : memref<1280x64xf32, #tpu.memory_space<vmem>> -> memref<128x64xf32, #tpu.memory_space<vmem>>
    %dma_wait3A_113 = arith.constant 0 : i32
    %dma_wait3A_114 = tpu.memref_slice %arg5[%dma_wait3A_109, %dma_wait3A_113] : memref<10x128xi32, #tpu.memory_space<vmem>> -> memref<1x128xi32, #tpu.memory_space<vmem>>
    %dma_wait3A_115 = tpu.memref_squeeze %dma_wait3A_114 : memref<1x128xi32, #tpu.memory_space<vmem>> -> memref<128xi32, #tpu.memory_space<vmem>>
    %dma_wait3A_116 = arith.constant 0 : i32
    %dma_wait3A_117 = arith.constant 0 : i32
    %dma_wait3A_118 = tpu.memref_slice %arg2[%dma_wait3A_116, %dma_wait3A_117] : memref<10240x64xf32, #tpu.memory_space<hbm>> -> memref<10240x64xf32, #tpu.memory_space<hbm>>
    tpu.wait_indirect_dma semaphore(%arg7 : memref<!tpu.dma_semaphore, #tpu.memory_space<semaphore_mem>>) src(%dma_wait3A_118 : memref<10240x64xf32, #tpu.memory_space<hbm>>) dst(%dma_wait3A_112 : memref<128x64xf32, #tpu.memory_space<vmem>>)
    %dma_wait3A_119 = arith.constant 2 : i32
    %dma_wait3A_120 = arith.constant 256 : i32
    %dma_wait3A_121 = arith.constant 0 : i32
    %dma_wait3A_122 = tpu.memref_slice %arg6[%dma_wait3A_120, %dma_wait3A_121] : memref<1280x64xf32, #tpu.memory_space<vmem>> -> memref<128x64xf32, #tpu.memory_space<vmem>>
    %dma_wait3A_123 = arith.constant 0 : i32
    %dma_wait3A_124 = tpu.memref_slice %arg5[%dma_wait3A_119, %dma_wait3A_123] : memref<10x128xi32, #tpu.memory_space<vmem>> -> memref<1x128xi32, #tpu.memory_space<vmem>>
    %dma_wait3A_125 = tpu.memref_squeeze %dma_wait3A_124 : memref<1x128xi32, #tpu.memory_space<vmem>> -> memref<128xi32, #tpu.memory_space<vmem>>
    %dma_wait3A_126 = arith.constant 0 : i32
    %dma_wait3A_127 = arith.constant 0 : i32
    %dma_wait3A_128 = tpu.memref_slice %arg2[%dma_wait3A_126, %dma_wait3A_127] : memref<10240x64xf32, #tpu.memory_space<hbm>> -> memref<10240x64xf32, #tpu.memory_space<hbm>>
    tpu.wait_indirect_dma semaphore(%arg7 : memref<!tpu.dma_semaphore, #tpu.memory_space<semaphore_mem>>) src(%dma_wait3A_128 : memref<10240x64xf32, #tpu.memory_space<hbm>>) dst(%dma_wait3A_122 : memref<128x64xf32, #tpu.memory_space<vmem>>)
    %dma_wait3A_129 = arith.constant 3 : i32
    %dma_wait3A_130 = arith.constant 384 : i32
    %dma_wait3A_131 = arith.constant 0 : i32
    %dma_wait3A_132 = tpu.memref_slice %arg6[%dma_wait3A_130, %dma_wait3A_131] : memref<1280x64xf32, #tpu.memory_space<vmem>> -> memref<128x64xf32, #tpu.memory_space<vmem>>
    %dma_wait3A_133 = arith.constant 0 : i32
    %dma_wait3A_134 = tpu.memref_slice %arg5[%dma_wait3A_129, %dma_wait3A_133] : memref<10x128xi32, #tpu.memory_space<vmem>> -> memref<1x128xi32, #tpu.memory_space<vmem>>
    %dma_wait3A_135 = tpu.memref_squeeze %dma_wait3A_134 : memref<1x128xi32, #tpu.memory_space<vmem>> -> memref<128xi32, #tpu.memory_space<vmem>>
    %dma_wait3A_136 = arith.constant 0 : i32
    %dma_wait3A_137 = arith.constant 0 : i32
    %dma_wait3A_138 = tpu.memref_slice %arg2[%dma_wait3A_136, %dma_wait3A_137] : memref<10240x64xf32, #tpu.memory_space<hbm>> -> memref<10240x64xf32, #tpu.memory_space<hbm>>
    tpu.wait_indirect_dma semaphore(%arg7 : memref<!tpu.dma_semaphore, #tpu.memory_space<semaphore_mem>>) src(%dma_wait3A_138 : memref<10240x64xf32, #tpu.memory_space<hbm>>) dst(%dma_wait3A_132 : memref<128x64xf32, #tpu.memory_space<vmem>>)
    %dma_wait3A_139 = arith.constant 4 : i32
    %dma_wait3A_140 = arith.constant 512 : i32
    %dma_wait3A_141 = arith.constant 0 : i32
    %dma_wait3A_142 = tpu.memref_slice %arg6[%dma_wait3A_140, %dma_wait3A_141] : memref<1280x64xf32, #tpu.memory_space<vmem>> -> memref<128x64xf32, #tpu.memory_space<vmem>>
    %dma_wait3A_143 = arith.constant 0 : i32
    %dma_wait3A_144 = tpu.memref_slice %arg5[%dma_wait3A_139, %dma_wait3A_143] : memref<10x128xi32, #tpu.memory_space<vmem>> -> memref<1x128xi32, #tpu.memory_space<vmem>>
    %dma_wait3A_145 = tpu.memref_squeeze %dma_wait3A_144 : memref<1x128xi32, #tpu.memory_space<vmem>> -> memref<128xi32, #tpu.memory_space<vmem>>
    %dma_wait3A_146 = arith.constant 0 : i32
    %dma_wait3A_147 = arith.constant 0 : i32
    %dma_wait3A_148 = tpu.memref_slice %arg2[%dma_wait3A_146, %dma_wait3A_147] : memref<10240x64xf32, #tpu.memory_space<hbm>> -> memref<10240x64xf32, #tpu.memory_space<hbm>>
    tpu.wait_indirect_dma semaphore(%arg7 : memref<!tpu.dma_semaphore, #tpu.memory_space<semaphore_mem>>) src(%dma_wait3A_148 : memref<10240x64xf32, #tpu.memory_space<hbm>>) dst(%dma_wait3A_142 : memref<128x64xf32, #tpu.memory_space<vmem>>)
    %dma_wait3A_149 = arith.constant 5 : i32
    %dma_wait3A_150 = arith.constant 640 : i32
    %dma_wait3A_151 = arith.constant 0 : i32
    %dma_wait3A_152 = tpu.memref_slice %arg6[%dma_wait3A_150, %dma_wait3A_151] : memref<1280x64xf32, #tpu.memory_space<vmem>> -> memref<128x64xf32, #tpu.memory_space<vmem>>
    %dma_wait3A_153 = arith.constant 0 : i32
    %dma_wait3A_154 = tpu.memref_slice %arg5[%dma_wait3A_149, %dma_wait3A_153] : memref<10x128xi32, #tpu.memory_space<vmem>> -> memref<1x128xi32, #tpu.memory_space<vmem>>
    %dma_wait3A_155 = tpu.memref_squeeze %dma_wait3A_154 : memref<1x128xi32, #tpu.memory_space<vmem>> -> memref<128xi32, #tpu.memory_space<vmem>>
    %dma_wait3A_156 = arith.constant 0 : i32
    %dma_wait3A_157 = arith.constant 0 : i32
    %dma_wait3A_158 = tpu.memref_slice %arg2[%dma_wait3A_156, %dma_wait3A_157] : memref<10240x64xf32, #tpu.memory_space<hbm>> -> memref<10240x64xf32, #tpu.memory_space<hbm>>
    tpu.wait_indirect_dma semaphore(%arg7 : memref<!tpu.dma_semaphore, #tpu.memory_space<semaphore_mem>>) src(%dma_wait3A_158 : memref<10240x64xf32, #tpu.memory_space<hbm>>) dst(%dma_wait3A_152 : memref<128x64xf32, #tpu.memory_space<vmem>>)
    %dma_wait3A_159 = arith.constant 6 : i32
    %dma_wait3A_160 = arith.constant 768 : i32
    %dma_wait3A_161 = arith.constant 0 : i32
    %dma_wait3A_162 = tpu.memref_slice %arg6[%dma_wait3A_160, %dma_wait3A_161] : memref<1280x64xf32, #tpu.memory_space<vmem>> -> memref<128x64xf32, #tpu.memory_space<vmem>>
    %dma_wait3A_163 = arith.constant 0 : i32
    %dma_wait3A_164 = tpu.memref_slice %arg5[%dma_wait3A_159, %dma_wait3A_163] : memref<10x128xi32, #tpu.memory_space<vmem>> -> memref<1x128xi32, #tpu.memory_space<vmem>>
    %dma_wait3A_165 = tpu.memref_squeeze %dma_wait3A_164 : memref<1x128xi32, #tpu.memory_space<vmem>> -> memref<128xi32, #tpu.memory_space<vmem>>
    %dma_wait3A_166 = arith.constant 0 : i32
    %dma_wait3A_167 = arith.constant 0 : i32
    %dma_wait3A_168 = tpu.memref_slice %arg2[%dma_wait3A_166, %dma_wait3A_167] : memref<10240x64xf32, #tpu.memory_space<hbm>> -> memref<10240x64xf32, #tpu.memory_space<hbm>>
    tpu.wait_indirect_dma semaphore(%arg7 : memref<!tpu.dma_semaphore, #tpu.memory_space<semaphore_mem>>) src(%dma_wait3A_168 : memref<10240x64xf32, #tpu.memory_space<hbm>>) dst(%dma_wait3A_162 : memref<128x64xf32, #tpu.memory_space<vmem>>)
    %dma_wait3A_169 = arith.constant 7 : i32
    %dma_wait3A_170 = arith.constant 896 : i32
    %dma_wait3A_171 = arith.constant 0 : i32
    %dma_wait3A_172 = tpu.memref_slice %arg6[%dma_wait3A_170, %dma_wait3A_171] : memref<1280x64xf32, #tpu.memory_space<vmem>> -> memref<128x64xf32, #tpu.memory_space<vmem>>
    %dma_wait3A_173 = arith.constant 0 : i32
    %dma_wait3A_174 = tpu.memref_slice %arg5[%dma_wait3A_169, %dma_wait3A_173] : memref<10x128xi32, #tpu.memory_space<vmem>> -> memref<1x128xi32, #tpu.memory_space<vmem>>
    %dma_wait3A_175 = tpu.memref_squeeze %dma_wait3A_174 : memref<1x128xi32, #tpu.memory_space<vmem>> -> memref<128xi32, #tpu.memory_space<vmem>>
    %dma_wait3A_176 = arith.constant 0 : i32
    %dma_wait3A_177 = arith.constant 0 : i32
    %dma_wait3A_178 = tpu.memref_slice %arg2[%dma_wait3A_176, %dma_wait3A_177] : memref<10240x64xf32, #tpu.memory_space<hbm>> -> memref<10240x64xf32, #tpu.memory_space<hbm>>
    tpu.wait_indirect_dma semaphore(%arg7 : memref<!tpu.dma_semaphore, #tpu.memory_space<semaphore_mem>>) src(%dma_wait3A_178 : memref<10240x64xf32, #tpu.memory_space<hbm>>) dst(%dma_wait3A_172 : memref<128x64xf32, #tpu.memory_space<vmem>>)
    %dma_wait3A_179 = arith.constant 8 : i32
    %dma_wait3A_180 = arith.constant 1024 : i32
    %dma_wait3A_181 = arith.constant 0 : i32
    %dma_wait3A_182 = tpu.memref_slice %arg6[%dma_wait3A_180, %dma_wait3A_181] : memref<1280x64xf32, #tpu.memory_space<vmem>> -> memref<128x64xf32, #tpu.memory_space<vmem>>
    %dma_wait3A_183 = arith.constant 0 : i32
    %dma_wait3A_184 = tpu.memref_slice %arg5[%dma_wait3A_179, %dma_wait3A_183] : memref<10x128xi32, #tpu.memory_space<vmem>> -> memref<1x128xi32, #tpu.memory_space<vmem>>
    %dma_wait3A_185 = tpu.memref_squeeze %dma_wait3A_184 : memref<1x128xi32, #tpu.memory_space<vmem>> -> memref<128xi32, #tpu.memory_space<vmem>>
    %dma_wait3A_186 = arith.constant 0 : i32
    %dma_wait3A_187 = arith.constant 0 : i32
    %dma_wait3A_188 = tpu.memref_slice %arg2[%dma_wait3A_186, %dma_wait3A_187] : memref<10240x64xf32, #tpu.memory_space<hbm>> -> memref<10240x64xf32, #tpu.memory_space<hbm>>
    tpu.wait_indirect_dma semaphore(%arg7 : memref<!tpu.dma_semaphore, #tpu.memory_space<semaphore_mem>>) src(%dma_wait3A_188 : memref<10240x64xf32, #tpu.memory_space<hbm>>) dst(%dma_wait3A_182 : memref<128x64xf32, #tpu.memory_space<vmem>>)
    %dma_wait3A_189 = arith.constant 9 : i32
    %dma_wait3A_190 = arith.constant 1152 : i32
    %dma_wait3A_191 = arith.constant 0 : i32
    %dma_wait3A_192 = tpu.memref_slice %arg6[%dma_wait3A_190, %dma_wait3A_191] : memref<1280x64xf32, #tpu.memory_space<vmem>> -> memref<128x64xf32, #tpu.memory_space<vmem>>
    %dma_wait3A_193 = arith.constant 0 : i32
    %dma_wait3A_194 = tpu.memref_slice %arg5[%dma_wait3A_189, %dma_wait3A_193] : memref<10x128xi32, #tpu.memory_space<vmem>> -> memref<1x128xi32, #tpu.memory_space<vmem>>
    %dma_wait3A_195 = tpu.memref_squeeze %dma_wait3A_194 : memref<1x128xi32, #tpu.memory_space<vmem>> -> memref<128xi32, #tpu.memory_space<vmem>>
    %dma_wait3A_196 = arith.constant 0 : i32
    %dma_wait3A_197 = arith.constant 0 : i32
    %dma_wait3A_198 = tpu.memref_slice %arg2[%dma_wait3A_196, %dma_wait3A_197] : memref<10240x64xf32, #tpu.memory_space<hbm>> -> memref<10240x64xf32, #tpu.memory_space<hbm>>
    tpu.wait_indirect_dma semaphore(%arg7 : memref<!tpu.dma_semaphore, #tpu.memory_space<semaphore_mem>>) src(%dma_wait3A_198 : memref<10240x64xf32, #tpu.memory_space<hbm>>) dst(%dma_wait3A_192 : memref<128x64xf32, #tpu.memory_space<vmem>>)
    %mul3A_199 = arith.constant 1280 : i32
    %mul3A_200 = arith.muli %add3A, %mul3A_199 : i32
    "tpu.region"() ({
      %run_scoped3A = tpu.sem_alloc : memref<!tpu.dma_semaphore, #tpu.memory_space<semaphore_mem>>
      %dma_start3A_201 = arith.constant 0 : i32
      %dma_start3A_202 = tpu.memref_slice %arg4[%mul3A_200, %dma_start3A_201] : memref<40960x64xf32, #tpu.memory_space<hbm>> -> memref<1280x64xf32, #tpu.memory_space<hbm>>
      %dma_start3A_203 = arith.constant 0 : i32
      %dma_start3A_204 = tpu.memref_slice %arg4[%mul3A_200, %dma_start3A_203] : memref<40960x64xf32, #tpu.memory_space<hbm>> -> memref<1280x64xf32, #tpu.memory_space<hbm>>
      tpu.enqueue_dma source(%arg6 : memref<1280x64xf32, #tpu.memory_space<vmem>>) target(%dma_start3A_204 : memref<1280x64xf32, #tpu.memory_space<hbm>>) target_semaphore(%run_scoped3A : memref<!tpu.dma_semaphore, #tpu.memory_space<semaphore_mem>>)
      %dma_wait3A_205 = arith.constant 0 : i32
      %dma_wait3A_206 = tpu.memref_slice %arg4[%mul3A_200, %dma_wait3A_205] : memref<40960x64xf32, #tpu.memory_space<hbm>> -> memref<1280x64xf32, #tpu.memory_space<hbm>>
      %dma_wait3A_207 = arith.constant 0 : i32
      %dma_wait3A_208 = tpu.memref_slice %arg4[%mul3A_200, %dma_wait3A_207] : memref<40960x64xf32, #tpu.memory_space<hbm>> -> memref<1280x64xf32, #tpu.memory_space<hbm>>
      tpu.wait_dma2 semaphore(%run_scoped3A : memref<!tpu.dma_semaphore, #tpu.memory_space<semaphore_mem>>) src(%arg6 : memref<1280x64xf32, #tpu.memory_space<vmem>>) dst(%dma_wait3A_208 : memref<1280x64xf32, #tpu.memory_space<hbm>>)
      tpu.yield
    }) : () -> ()
    return
  }
}

#map = affine_map<(d0, d1) -> (0, 0)>
#map1 = affine_map<(d0, d1) -> (0, 0, 0)>
module attributes {stable_mosaic.version = 14 : i64} {
  func.func @sc_scatter(%arg0: i32, %arg1: i32, %arg2: memref<40960x64xf32, #tpu.memory_space<hbm>>, %arg3: memref<32x10x128xi32, #tpu.memory_space<hbm>>, %arg4: memref<640x64xf32, #tpu.memory_space<hbm>>, %arg5: memref<2x10240x64xf32, #tpu.memory_space<hbm>>, %arg6: memref<10x128xi32, #tpu.memory_space<vmem>>, %arg7: memref<1280x64xf32, #tpu.memory_space<vmem>>, %arg8: memref<10240x64xf32, #tpu.memory_space<vmem_shared>>) attributes {dimension_semantics = [#tpu.dimension_semantics<core_parallel>, #tpu.dimension_semantics<subcore_parallel>], iteration_bounds = array<i64: 2, 16>, scalar_prefetch = 0 : i64, scratch_operands = 3 : i64, tpu.core_type = #tpu.core_type<sc_vector_subcore>, window_params = [{transform_indices = #map}, {transform_indices = #map1}, {transform_indices = #map}, {transform_indices = #map1}]} {
    %mul3A = arith.constant 2 : i32
    %mul3A_0 = arith.muli %arg1, %mul3A : i32
    %add3A = arith.addi %mul3A_0, %arg0 : i32
    %mul3A_1 = arith.constant 640 : i32
    %mul3A_2 = arith.muli %arg1, %mul3A_1 : i32
    "tpu.region"() ({
      %run_scoped3A_19 = tpu.sem_alloc : memref<!tpu.dma_semaphore, #tpu.memory_space<semaphore_mem>>
      %dma_start3A = arith.constant 0 : i32
      %dma_start3A_20 = tpu.memref_slice %arg8[%mul3A_2, %dma_start3A] : memref<10240x64xf32, #tpu.memory_space<vmem_shared>> -> memref<640x64xf32, #tpu.memory_space<vmem_shared>>
      tpu.enqueue_dma source(%arg4 : memref<640x64xf32, #tpu.memory_space<hbm>>) target(%dma_start3A_20 : memref<640x64xf32, #tpu.memory_space<vmem_shared>>) target_semaphore(%run_scoped3A_19 : memref<!tpu.dma_semaphore, #tpu.memory_space<semaphore_mem>>)
      %dma_wait3A = arith.constant 0 : i32
      %dma_wait3A_21 = tpu.memref_slice %arg8[%mul3A_2, %dma_wait3A] : memref<10240x64xf32, #tpu.memory_space<vmem_shared>> -> memref<640x64xf32, #tpu.memory_space<vmem_shared>>
      tpu.wait_dma2 semaphore(%run_scoped3A_19 : memref<!tpu.dma_semaphore, #tpu.memory_space<semaphore_mem>>) src(%arg4 : memref<640x64xf32, #tpu.memory_space<hbm>>) dst(%dma_wait3A_21 : memref<640x64xf32, #tpu.memory_space<vmem_shared>>)
      tpu.yield
    }) : () -> ()
    "tpu.region"() ({
      %run_scoped3A_19 = tpu.sem_alloc : memref<!tpu.dma_semaphore, #tpu.memory_space<semaphore_mem>>
      %dma_start3A = arith.constant 0 : i32
      %dma_start3A_20 = arith.constant 0 : i32
      %dma_start3A_21 = tpu.memref_slice %arg3[%add3A, %dma_start3A, %dma_start3A_20] : memref<32x10x128xi32, #tpu.memory_space<hbm>> -> memref<1x10x128xi32, #tpu.memory_space<hbm>>
      %dma_start3A_22 = tpu.memref_squeeze %dma_start3A_21 : memref<1x10x128xi32, #tpu.memory_space<hbm>> -> memref<10x128xi32, #tpu.memory_space<hbm>>
      %dma_start3A_23 = arith.constant 0 : i32
      %dma_start3A_24 = arith.constant 0 : i32
      %dma_start3A_25 = tpu.memref_slice %arg3[%add3A, %dma_start3A_23, %dma_start3A_24] : memref<32x10x128xi32, #tpu.memory_space<hbm>> -> memref<1x10x128xi32, #tpu.memory_space<hbm>>
      %dma_start3A_26 = tpu.memref_squeeze %dma_start3A_25 : memref<1x10x128xi32, #tpu.memory_space<hbm>> -> memref<10x128xi32, #tpu.memory_space<hbm>>
      tpu.enqueue_dma source(%dma_start3A_26 : memref<10x128xi32, #tpu.memory_space<hbm>>) target(%arg6 : memref<10x128xi32, #tpu.memory_space<vmem>>) target_semaphore(%run_scoped3A_19 : memref<!tpu.dma_semaphore, #tpu.memory_space<semaphore_mem>>)
      %dma_wait3A = arith.constant 0 : i32
      %dma_wait3A_27 = arith.constant 0 : i32
      %dma_wait3A_28 = tpu.memref_slice %arg3[%add3A, %dma_wait3A, %dma_wait3A_27] : memref<32x10x128xi32, #tpu.memory_space<hbm>> -> memref<1x10x128xi32, #tpu.memory_space<hbm>>
      %dma_wait3A_29 = tpu.memref_squeeze %dma_wait3A_28 : memref<1x10x128xi32, #tpu.memory_space<hbm>> -> memref<10x128xi32, #tpu.memory_space<hbm>>
      %dma_wait3A_30 = arith.constant 0 : i32
      %dma_wait3A_31 = arith.constant 0 : i32
      %dma_wait3A_32 = tpu.memref_slice %arg3[%add3A, %dma_wait3A_30, %dma_wait3A_31] : memref<32x10x128xi32, #tpu.memory_space<hbm>> -> memref<1x10x128xi32, #tpu.memory_space<hbm>>
      %dma_wait3A_33 = tpu.memref_squeeze %dma_wait3A_32 : memref<1x10x128xi32, #tpu.memory_space<hbm>> -> memref<10x128xi32, #tpu.memory_space<hbm>>
      tpu.wait_dma2 semaphore(%run_scoped3A_19 : memref<!tpu.dma_semaphore, #tpu.memory_space<semaphore_mem>>) src(%dma_wait3A_33 : memref<10x128xi32, #tpu.memory_space<hbm>>) dst(%arg6 : memref<10x128xi32, #tpu.memory_space<vmem>>)
      tpu.yield
    }) : () -> ()
    %mul3A_3 = arith.constant 1280 : i32
    %mul3A_4 = arith.muli %add3A, %mul3A_3 : i32
    "tpu.region"() ({
      %run_scoped3A_19 = tpu.sem_alloc : memref<!tpu.dma_semaphore, #tpu.memory_space<semaphore_mem>>
      %dma_start3A = arith.constant 0 : i32
      %dma_start3A_20 = tpu.memref_slice %arg2[%mul3A_4, %dma_start3A] : memref<40960x64xf32, #tpu.memory_space<hbm>> -> memref<1280x64xf32, #tpu.memory_space<hbm>>
      %dma_start3A_21 = arith.constant 0 : i32
      %dma_start3A_22 = tpu.memref_slice %arg2[%mul3A_4, %dma_start3A_21] : memref<40960x64xf32, #tpu.memory_space<hbm>> -> memref<1280x64xf32, #tpu.memory_space<hbm>>
      tpu.enqueue_dma source(%dma_start3A_22 : memref<1280x64xf32, #tpu.memory_space<hbm>>) target(%arg7 : memref<1280x64xf32, #tpu.memory_space<vmem>>) target_semaphore(%run_scoped3A_19 : memref<!tpu.dma_semaphore, #tpu.memory_space<semaphore_mem>>)
      %dma_wait3A = arith.constant 0 : i32
      %dma_wait3A_23 = tpu.memref_slice %arg2[%mul3A_4, %dma_wait3A] : memref<40960x64xf32, #tpu.memory_space<hbm>> -> memref<1280x64xf32, #tpu.memory_space<hbm>>
      %dma_wait3A_24 = arith.constant 0 : i32
      %dma_wait3A_25 = tpu.memref_slice %arg2[%mul3A_4, %dma_wait3A_24] : memref<40960x64xf32, #tpu.memory_space<hbm>> -> memref<1280x64xf32, #tpu.memory_space<hbm>>
      tpu.wait_dma2 semaphore(%run_scoped3A_19 : memref<!tpu.dma_semaphore, #tpu.memory_space<semaphore_mem>>) src(%dma_wait3A_25 : memref<1280x64xf32, #tpu.memory_space<hbm>>) dst(%arg7 : memref<1280x64xf32, #tpu.memory_space<vmem>>)
      tpu.yield
    }) : () -> ()
    %barrier3A = arith.constant 0 : index
    tpu.barrier barrier_id(%barrier3A)
    %run_scoped3A = arith.constant 0 : i32
    "tpu.region"() ({
      %run_scoped3A_19 = tpu.sem_alloc : memref<!tpu.dma_semaphore, #tpu.memory_space<semaphore_mem>>
      %dma_start3A = arith.constant 0 : i32
      %dma_start3A_20 = arith.constant 0 : i32
      %dma_start3A_21 = tpu.memref_slice %arg7[%dma_start3A, %dma_start3A_20] : memref<1280x64xf32, #tpu.memory_space<vmem>> -> memref<128x64xf32, #tpu.memory_space<vmem>>
      %dma_start3A_22 = arith.constant 0 : i32
      %dma_start3A_23 = tpu.memref_slice %arg6[%run_scoped3A, %dma_start3A_22] : memref<10x128xi32, #tpu.memory_space<vmem>> -> memref<1x128xi32, #tpu.memory_space<vmem>>
      %dma_start3A_24 = tpu.memref_squeeze %dma_start3A_23 : memref<1x128xi32, #tpu.memory_space<vmem>> -> memref<128xi32, #tpu.memory_space<vmem>>
      %dma_start3A_25 = arith.constant 0 : i32
      %dma_start3A_26 = arith.constant 0 : i32
      %dma_start3A_27 = tpu.memref_slice %arg8[%dma_start3A_25, %dma_start3A_26] : memref<10240x64xf32, #tpu.memory_space<vmem_shared>> -> memref<10240x64xf32, #tpu.memory_space<vmem_shared>>
      tpu.enqueue_indirect_dma source(%dma_start3A_21 : memref<128x64xf32, #tpu.memory_space<vmem>>) target(%dma_start3A_27 : memref<10240x64xf32, #tpu.memory_space<vmem_shared>>) offsets(%dma_start3A_24 : memref<128xi32, #tpu.memory_space<vmem>>) semaphore(%run_scoped3A_19 : memref<!tpu.dma_semaphore, #tpu.memory_space<semaphore_mem>>) {add = true}
      %dma_wait3A = arith.constant 0 : i32
      %dma_wait3A_28 = arith.constant 0 : i32
      %dma_wait3A_29 = tpu.memref_slice %arg7[%dma_wait3A, %dma_wait3A_28] : memref<1280x64xf32, #tpu.memory_space<vmem>> -> memref<128x64xf32, #tpu.memory_space<vmem>>
      %dma_wait3A_30 = arith.constant 0 : i32
      %dma_wait3A_31 = tpu.memref_slice %arg6[%run_scoped3A, %dma_wait3A_30] : memref<10x128xi32, #tpu.memory_space<vmem>> -> memref<1x128xi32, #tpu.memory_space<vmem>>
      %dma_wait3A_32 = tpu.memref_squeeze %dma_wait3A_31 : memref<1x128xi32, #tpu.memory_space<vmem>> -> memref<128xi32, #tpu.memory_space<vmem>>
      %dma_wait3A_33 = arith.constant 0 : i32
      %dma_wait3A_34 = arith.constant 0 : i32
      %dma_wait3A_35 = tpu.memref_slice %arg8[%dma_wait3A_33, %dma_wait3A_34] : memref<10240x64xf32, #tpu.memory_space<vmem_shared>> -> memref<10240x64xf32, #tpu.memory_space<vmem_shared>>
      tpu.wait_indirect_dma semaphore(%run_scoped3A_19 : memref<!tpu.dma_semaphore, #tpu.memory_space<semaphore_mem>>) src(%dma_wait3A_29 : memref<128x64xf32, #tpu.memory_space<vmem>>) dst(%dma_wait3A_35 : memref<10240x64xf32, #tpu.memory_space<vmem_shared>>)
      tpu.yield
    }) : () -> ()
    %run_scoped3A_5 = arith.constant 1 : i32
    "tpu.region"() ({
      %run_scoped3A_19 = tpu.sem_alloc : memref<!tpu.dma_semaphore, #tpu.memory_space<semaphore_mem>>
      %dma_start3A = arith.constant 128 : i32
      %dma_start3A_20 = arith.constant 0 : i32
      %dma_start3A_21 = tpu.memref_slice %arg7[%dma_start3A, %dma_start3A_20] : memref<1280x64xf32, #tpu.memory_space<vmem>> -> memref<128x64xf32, #tpu.memory_space<vmem>>
      %dma_start3A_22 = arith.constant 0 : i32
      %dma_start3A_23 = tpu.memref_slice %arg6[%run_scoped3A_5, %dma_start3A_22] : memref<10x128xi32, #tpu.memory_space<vmem>> -> memref<1x128xi32, #tpu.memory_space<vmem>>
      %dma_start3A_24 = tpu.memref_squeeze %dma_start3A_23 : memref<1x128xi32, #tpu.memory_space<vmem>> -> memref<128xi32, #tpu.memory_space<vmem>>
      %dma_start3A_25 = arith.constant 0 : i32
      %dma_start3A_26 = arith.constant 0 : i32
      %dma_start3A_27 = tpu.memref_slice %arg8[%dma_start3A_25, %dma_start3A_26] : memref<10240x64xf32, #tpu.memory_space<vmem_shared>> -> memref<10240x64xf32, #tpu.memory_space<vmem_shared>>
      tpu.enqueue_indirect_dma source(%dma_start3A_21 : memref<128x64xf32, #tpu.memory_space<vmem>>) target(%dma_start3A_27 : memref<10240x64xf32, #tpu.memory_space<vmem_shared>>) offsets(%dma_start3A_24 : memref<128xi32, #tpu.memory_space<vmem>>) semaphore(%run_scoped3A_19 : memref<!tpu.dma_semaphore, #tpu.memory_space<semaphore_mem>>) {add = true}
      %dma_wait3A = arith.constant 128 : i32
      %dma_wait3A_28 = arith.constant 0 : i32
      %dma_wait3A_29 = tpu.memref_slice %arg7[%dma_wait3A, %dma_wait3A_28] : memref<1280x64xf32, #tpu.memory_space<vmem>> -> memref<128x64xf32, #tpu.memory_space<vmem>>
      %dma_wait3A_30 = arith.constant 0 : i32
      %dma_wait3A_31 = tpu.memref_slice %arg6[%run_scoped3A_5, %dma_wait3A_30] : memref<10x128xi32, #tpu.memory_space<vmem>> -> memref<1x128xi32, #tpu.memory_space<vmem>>
      %dma_wait3A_32 = tpu.memref_squeeze %dma_wait3A_31 : memref<1x128xi32, #tpu.memory_space<vmem>> -> memref<128xi32, #tpu.memory_space<vmem>>
      %dma_wait3A_33 = arith.constant 0 : i32
      %dma_wait3A_34 = arith.constant 0 : i32
      %dma_wait3A_35 = tpu.memref_slice %arg8[%dma_wait3A_33, %dma_wait3A_34] : memref<10240x64xf32, #tpu.memory_space<vmem_shared>> -> memref<10240x64xf32, #tpu.memory_space<vmem_shared>>
      tpu.wait_indirect_dma semaphore(%run_scoped3A_19 : memref<!tpu.dma_semaphore, #tpu.memory_space<semaphore_mem>>) src(%dma_wait3A_29 : memref<128x64xf32, #tpu.memory_space<vmem>>) dst(%dma_wait3A_35 : memref<10240x64xf32, #tpu.memory_space<vmem_shared>>)
      tpu.yield
    }) : () -> ()
    %run_scoped3A_6 = arith.constant 2 : i32
    "tpu.region"() ({
      %run_scoped3A_19 = tpu.sem_alloc : memref<!tpu.dma_semaphore, #tpu.memory_space<semaphore_mem>>
      %dma_start3A = arith.constant 256 : i32
      %dma_start3A_20 = arith.constant 0 : i32
      %dma_start3A_21 = tpu.memref_slice %arg7[%dma_start3A, %dma_start3A_20] : memref<1280x64xf32, #tpu.memory_space<vmem>> -> memref<128x64xf32, #tpu.memory_space<vmem>>
      %dma_start3A_22 = arith.constant 0 : i32
      %dma_start3A_23 = tpu.memref_slice %arg6[%run_scoped3A_6, %dma_start3A_22] : memref<10x128xi32, #tpu.memory_space<vmem>> -> memref<1x128xi32, #tpu.memory_space<vmem>>
      %dma_start3A_24 = tpu.memref_squeeze %dma_start3A_23 : memref<1x128xi32, #tpu.memory_space<vmem>> -> memref<128xi32, #tpu.memory_space<vmem>>
      %dma_start3A_25 = arith.constant 0 : i32
      %dma_start3A_26 = arith.constant 0 : i32
      %dma_start3A_27 = tpu.memref_slice %arg8[%dma_start3A_25, %dma_start3A_26] : memref<10240x64xf32, #tpu.memory_space<vmem_shared>> -> memref<10240x64xf32, #tpu.memory_space<vmem_shared>>
      tpu.enqueue_indirect_dma source(%dma_start3A_21 : memref<128x64xf32, #tpu.memory_space<vmem>>) target(%dma_start3A_27 : memref<10240x64xf32, #tpu.memory_space<vmem_shared>>) offsets(%dma_start3A_24 : memref<128xi32, #tpu.memory_space<vmem>>) semaphore(%run_scoped3A_19 : memref<!tpu.dma_semaphore, #tpu.memory_space<semaphore_mem>>) {add = true}
      %dma_wait3A = arith.constant 256 : i32
      %dma_wait3A_28 = arith.constant 0 : i32
      %dma_wait3A_29 = tpu.memref_slice %arg7[%dma_wait3A, %dma_wait3A_28] : memref<1280x64xf32, #tpu.memory_space<vmem>> -> memref<128x64xf32, #tpu.memory_space<vmem>>
      %dma_wait3A_30 = arith.constant 0 : i32
      %dma_wait3A_31 = tpu.memref_slice %arg6[%run_scoped3A_6, %dma_wait3A_30] : memref<10x128xi32, #tpu.memory_space<vmem>> -> memref<1x128xi32, #tpu.memory_space<vmem>>
      %dma_wait3A_32 = tpu.memref_squeeze %dma_wait3A_31 : memref<1x128xi32, #tpu.memory_space<vmem>> -> memref<128xi32, #tpu.memory_space<vmem>>
      %dma_wait3A_33 = arith.constant 0 : i32
      %dma_wait3A_34 = arith.constant 0 : i32
      %dma_wait3A_35 = tpu.memref_slice %arg8[%dma_wait3A_33, %dma_wait3A_34] : memref<10240x64xf32, #tpu.memory_space<vmem_shared>> -> memref<10240x64xf32, #tpu.memory_space<vmem_shared>>
      tpu.wait_indirect_dma semaphore(%run_scoped3A_19 : memref<!tpu.dma_semaphore, #tpu.memory_space<semaphore_mem>>) src(%dma_wait3A_29 : memref<128x64xf32, #tpu.memory_space<vmem>>) dst(%dma_wait3A_35 : memref<10240x64xf32, #tpu.memory_space<vmem_shared>>)
      tpu.yield
    }) : () -> ()
    %run_scoped3A_7 = arith.constant 3 : i32
    "tpu.region"() ({
      %run_scoped3A_19 = tpu.sem_alloc : memref<!tpu.dma_semaphore, #tpu.memory_space<semaphore_mem>>
      %dma_start3A = arith.constant 384 : i32
      %dma_start3A_20 = arith.constant 0 : i32
      %dma_start3A_21 = tpu.memref_slice %arg7[%dma_start3A, %dma_start3A_20] : memref<1280x64xf32, #tpu.memory_space<vmem>> -> memref<128x64xf32, #tpu.memory_space<vmem>>
      %dma_start3A_22 = arith.constant 0 : i32
      %dma_start3A_23 = tpu.memref_slice %arg6[%run_scoped3A_7, %dma_start3A_22] : memref<10x128xi32, #tpu.memory_space<vmem>> -> memref<1x128xi32, #tpu.memory_space<vmem>>
      %dma_start3A_24 = tpu.memref_squeeze %dma_start3A_23 : memref<1x128xi32, #tpu.memory_space<vmem>> -> memref<128xi32, #tpu.memory_space<vmem>>
      %dma_start3A_25 = arith.constant 0 : i32
      %dma_start3A_26 = arith.constant 0 : i32
      %dma_start3A_27 = tpu.memref_slice %arg8[%dma_start3A_25, %dma_start3A_26] : memref<10240x64xf32, #tpu.memory_space<vmem_shared>> -> memref<10240x64xf32, #tpu.memory_space<vmem_shared>>
      tpu.enqueue_indirect_dma source(%dma_start3A_21 : memref<128x64xf32, #tpu.memory_space<vmem>>) target(%dma_start3A_27 : memref<10240x64xf32, #tpu.memory_space<vmem_shared>>) offsets(%dma_start3A_24 : memref<128xi32, #tpu.memory_space<vmem>>) semaphore(%run_scoped3A_19 : memref<!tpu.dma_semaphore, #tpu.memory_space<semaphore_mem>>) {add = true}
      %dma_wait3A = arith.constant 384 : i32
      %dma_wait3A_28 = arith.constant 0 : i32
      %dma_wait3A_29 = tpu.memref_slice %arg7[%dma_wait3A, %dma_wait3A_28] : memref<1280x64xf32, #tpu.memory_space<vmem>> -> memref<128x64xf32, #tpu.memory_space<vmem>>
      %dma_wait3A_30 = arith.constant 0 : i32
      %dma_wait3A_31 = tpu.memref_slice %arg6[%run_scoped3A_7, %dma_wait3A_30] : memref<10x128xi32, #tpu.memory_space<vmem>> -> memref<1x128xi32, #tpu.memory_space<vmem>>
      %dma_wait3A_32 = tpu.memref_squeeze %dma_wait3A_31 : memref<1x128xi32, #tpu.memory_space<vmem>> -> memref<128xi32, #tpu.memory_space<vmem>>
      %dma_wait3A_33 = arith.constant 0 : i32
      %dma_wait3A_34 = arith.constant 0 : i32
      %dma_wait3A_35 = tpu.memref_slice %arg8[%dma_wait3A_33, %dma_wait3A_34] : memref<10240x64xf32, #tpu.memory_space<vmem_shared>> -> memref<10240x64xf32, #tpu.memory_space<vmem_shared>>
      tpu.wait_indirect_dma semaphore(%run_scoped3A_19 : memref<!tpu.dma_semaphore, #tpu.memory_space<semaphore_mem>>) src(%dma_wait3A_29 : memref<128x64xf32, #tpu.memory_space<vmem>>) dst(%dma_wait3A_35 : memref<10240x64xf32, #tpu.memory_space<vmem_shared>>)
      tpu.yield
    }) : () -> ()
    %run_scoped3A_8 = arith.constant 4 : i32
    "tpu.region"() ({
      %run_scoped3A_19 = tpu.sem_alloc : memref<!tpu.dma_semaphore, #tpu.memory_space<semaphore_mem>>
      %dma_start3A = arith.constant 512 : i32
      %dma_start3A_20 = arith.constant 0 : i32
      %dma_start3A_21 = tpu.memref_slice %arg7[%dma_start3A, %dma_start3A_20] : memref<1280x64xf32, #tpu.memory_space<vmem>> -> memref<128x64xf32, #tpu.memory_space<vmem>>
      %dma_start3A_22 = arith.constant 0 : i32
      %dma_start3A_23 = tpu.memref_slice %arg6[%run_scoped3A_8, %dma_start3A_22] : memref<10x128xi32, #tpu.memory_space<vmem>> -> memref<1x128xi32, #tpu.memory_space<vmem>>
      %dma_start3A_24 = tpu.memref_squeeze %dma_start3A_23 : memref<1x128xi32, #tpu.memory_space<vmem>> -> memref<128xi32, #tpu.memory_space<vmem>>
      %dma_start3A_25 = arith.constant 0 : i32
      %dma_start3A_26 = arith.constant 0 : i32
      %dma_start3A_27 = tpu.memref_slice %arg8[%dma_start3A_25, %dma_start3A_26] : memref<10240x64xf32, #tpu.memory_space<vmem_shared>> -> memref<10240x64xf32, #tpu.memory_space<vmem_shared>>
      tpu.enqueue_indirect_dma source(%dma_start3A_21 : memref<128x64xf32, #tpu.memory_space<vmem>>) target(%dma_start3A_27 : memref<10240x64xf32, #tpu.memory_space<vmem_shared>>) offsets(%dma_start3A_24 : memref<128xi32, #tpu.memory_space<vmem>>) semaphore(%run_scoped3A_19 : memref<!tpu.dma_semaphore, #tpu.memory_space<semaphore_mem>>) {add = true}
      %dma_wait3A = arith.constant 512 : i32
      %dma_wait3A_28 = arith.constant 0 : i32
      %dma_wait3A_29 = tpu.memref_slice %arg7[%dma_wait3A, %dma_wait3A_28] : memref<1280x64xf32, #tpu.memory_space<vmem>> -> memref<128x64xf32, #tpu.memory_space<vmem>>
      %dma_wait3A_30 = arith.constant 0 : i32
      %dma_wait3A_31 = tpu.memref_slice %arg6[%run_scoped3A_8, %dma_wait3A_30] : memref<10x128xi32, #tpu.memory_space<vmem>> -> memref<1x128xi32, #tpu.memory_space<vmem>>
      %dma_wait3A_32 = tpu.memref_squeeze %dma_wait3A_31 : memref<1x128xi32, #tpu.memory_space<vmem>> -> memref<128xi32, #tpu.memory_space<vmem>>
      %dma_wait3A_33 = arith.constant 0 : i32
      %dma_wait3A_34 = arith.constant 0 : i32
      %dma_wait3A_35 = tpu.memref_slice %arg8[%dma_wait3A_33, %dma_wait3A_34] : memref<10240x64xf32, #tpu.memory_space<vmem_shared>> -> memref<10240x64xf32, #tpu.memory_space<vmem_shared>>
      tpu.wait_indirect_dma semaphore(%run_scoped3A_19 : memref<!tpu.dma_semaphore, #tpu.memory_space<semaphore_mem>>) src(%dma_wait3A_29 : memref<128x64xf32, #tpu.memory_space<vmem>>) dst(%dma_wait3A_35 : memref<10240x64xf32, #tpu.memory_space<vmem_shared>>)
      tpu.yield
    }) : () -> ()
    %run_scoped3A_9 = arith.constant 5 : i32
    "tpu.region"() ({
      %run_scoped3A_19 = tpu.sem_alloc : memref<!tpu.dma_semaphore, #tpu.memory_space<semaphore_mem>>
      %dma_start3A = arith.constant 640 : i32
      %dma_start3A_20 = arith.constant 0 : i32
      %dma_start3A_21 = tpu.memref_slice %arg7[%dma_start3A, %dma_start3A_20] : memref<1280x64xf32, #tpu.memory_space<vmem>> -> memref<128x64xf32, #tpu.memory_space<vmem>>
      %dma_start3A_22 = arith.constant 0 : i32
      %dma_start3A_23 = tpu.memref_slice %arg6[%run_scoped3A_9, %dma_start3A_22] : memref<10x128xi32, #tpu.memory_space<vmem>> -> memref<1x128xi32, #tpu.memory_space<vmem>>
      %dma_start3A_24 = tpu.memref_squeeze %dma_start3A_23 : memref<1x128xi32, #tpu.memory_space<vmem>> -> memref<128xi32, #tpu.memory_space<vmem>>
      %dma_start3A_25 = arith.constant 0 : i32
      %dma_start3A_26 = arith.constant 0 : i32
      %dma_start3A_27 = tpu.memref_slice %arg8[%dma_start3A_25, %dma_start3A_26] : memref<10240x64xf32, #tpu.memory_space<vmem_shared>> -> memref<10240x64xf32, #tpu.memory_space<vmem_shared>>
      tpu.enqueue_indirect_dma source(%dma_start3A_21 : memref<128x64xf32, #tpu.memory_space<vmem>>) target(%dma_start3A_27 : memref<10240x64xf32, #tpu.memory_space<vmem_shared>>) offsets(%dma_start3A_24 : memref<128xi32, #tpu.memory_space<vmem>>) semaphore(%run_scoped3A_19 : memref<!tpu.dma_semaphore, #tpu.memory_space<semaphore_mem>>) {add = true}
      %dma_wait3A = arith.constant 640 : i32
      %dma_wait3A_28 = arith.constant 0 : i32
      %dma_wait3A_29 = tpu.memref_slice %arg7[%dma_wait3A, %dma_wait3A_28] : memref<1280x64xf32, #tpu.memory_space<vmem>> -> memref<128x64xf32, #tpu.memory_space<vmem>>
      %dma_wait3A_30 = arith.constant 0 : i32
      %dma_wait3A_31 = tpu.memref_slice %arg6[%run_scoped3A_9, %dma_wait3A_30] : memref<10x128xi32, #tpu.memory_space<vmem>> -> memref<1x128xi32, #tpu.memory_space<vmem>>
      %dma_wait3A_32 = tpu.memref_squeeze %dma_wait3A_31 : memref<1x128xi32, #tpu.memory_space<vmem>> -> memref<128xi32, #tpu.memory_space<vmem>>
      %dma_wait3A_33 = arith.constant 0 : i32
      %dma_wait3A_34 = arith.constant 0 : i32
      %dma_wait3A_35 = tpu.memref_slice %arg8[%dma_wait3A_33, %dma_wait3A_34] : memref<10240x64xf32, #tpu.memory_space<vmem_shared>> -> memref<10240x64xf32, #tpu.memory_space<vmem_shared>>
      tpu.wait_indirect_dma semaphore(%run_scoped3A_19 : memref<!tpu.dma_semaphore, #tpu.memory_space<semaphore_mem>>) src(%dma_wait3A_29 : memref<128x64xf32, #tpu.memory_space<vmem>>) dst(%dma_wait3A_35 : memref<10240x64xf32, #tpu.memory_space<vmem_shared>>)
      tpu.yield
    }) : () -> ()
    %run_scoped3A_10 = arith.constant 6 : i32
    "tpu.region"() ({
      %run_scoped3A_19 = tpu.sem_alloc : memref<!tpu.dma_semaphore, #tpu.memory_space<semaphore_mem>>
      %dma_start3A = arith.constant 768 : i32
      %dma_start3A_20 = arith.constant 0 : i32
      %dma_start3A_21 = tpu.memref_slice %arg7[%dma_start3A, %dma_start3A_20] : memref<1280x64xf32, #tpu.memory_space<vmem>> -> memref<128x64xf32, #tpu.memory_space<vmem>>
      %dma_start3A_22 = arith.constant 0 : i32
      %dma_start3A_23 = tpu.memref_slice %arg6[%run_scoped3A_10, %dma_start3A_22] : memref<10x128xi32, #tpu.memory_space<vmem>> -> memref<1x128xi32, #tpu.memory_space<vmem>>
      %dma_start3A_24 = tpu.memref_squeeze %dma_start3A_23 : memref<1x128xi32, #tpu.memory_space<vmem>> -> memref<128xi32, #tpu.memory_space<vmem>>
      %dma_start3A_25 = arith.constant 0 : i32
      %dma_start3A_26 = arith.constant 0 : i32
      %dma_start3A_27 = tpu.memref_slice %arg8[%dma_start3A_25, %dma_start3A_26] : memref<10240x64xf32, #tpu.memory_space<vmem_shared>> -> memref<10240x64xf32, #tpu.memory_space<vmem_shared>>
      tpu.enqueue_indirect_dma source(%dma_start3A_21 : memref<128x64xf32, #tpu.memory_space<vmem>>) target(%dma_start3A_27 : memref<10240x64xf32, #tpu.memory_space<vmem_shared>>) offsets(%dma_start3A_24 : memref<128xi32, #tpu.memory_space<vmem>>) semaphore(%run_scoped3A_19 : memref<!tpu.dma_semaphore, #tpu.memory_space<semaphore_mem>>) {add = true}
      %dma_wait3A = arith.constant 768 : i32
      %dma_wait3A_28 = arith.constant 0 : i32
      %dma_wait3A_29 = tpu.memref_slice %arg7[%dma_wait3A, %dma_wait3A_28] : memref<1280x64xf32, #tpu.memory_space<vmem>> -> memref<128x64xf32, #tpu.memory_space<vmem>>
      %dma_wait3A_30 = arith.constant 0 : i32
      %dma_wait3A_31 = tpu.memref_slice %arg6[%run_scoped3A_10, %dma_wait3A_30] : memref<10x128xi32, #tpu.memory_space<vmem>> -> memref<1x128xi32, #tpu.memory_space<vmem>>
      %dma_wait3A_32 = tpu.memref_squeeze %dma_wait3A_31 : memref<1x128xi32, #tpu.memory_space<vmem>> -> memref<128xi32, #tpu.memory_space<vmem>>
      %dma_wait3A_33 = arith.constant 0 : i32
      %dma_wait3A_34 = arith.constant 0 : i32
      %dma_wait3A_35 = tpu.memref_slice %arg8[%dma_wait3A_33, %dma_wait3A_34] : memref<10240x64xf32, #tpu.memory_space<vmem_shared>> -> memref<10240x64xf32, #tpu.memory_space<vmem_shared>>
      tpu.wait_indirect_dma semaphore(%run_scoped3A_19 : memref<!tpu.dma_semaphore, #tpu.memory_space<semaphore_mem>>) src(%dma_wait3A_29 : memref<128x64xf32, #tpu.memory_space<vmem>>) dst(%dma_wait3A_35 : memref<10240x64xf32, #tpu.memory_space<vmem_shared>>)
      tpu.yield
    }) : () -> ()
    %run_scoped3A_11 = arith.constant 7 : i32
    "tpu.region"() ({
      %run_scoped3A_19 = tpu.sem_alloc : memref<!tpu.dma_semaphore, #tpu.memory_space<semaphore_mem>>
      %dma_start3A = arith.constant 896 : i32
      %dma_start3A_20 = arith.constant 0 : i32
      %dma_start3A_21 = tpu.memref_slice %arg7[%dma_start3A, %dma_start3A_20] : memref<1280x64xf32, #tpu.memory_space<vmem>> -> memref<128x64xf32, #tpu.memory_space<vmem>>
      %dma_start3A_22 = arith.constant 0 : i32
      %dma_start3A_23 = tpu.memref_slice %arg6[%run_scoped3A_11, %dma_start3A_22] : memref<10x128xi32, #tpu.memory_space<vmem>> -> memref<1x128xi32, #tpu.memory_space<vmem>>
      %dma_start3A_24 = tpu.memref_squeeze %dma_start3A_23 : memref<1x128xi32, #tpu.memory_space<vmem>> -> memref<128xi32, #tpu.memory_space<vmem>>
      %dma_start3A_25 = arith.constant 0 : i32
      %dma_start3A_26 = arith.constant 0 : i32
      %dma_start3A_27 = tpu.memref_slice %arg8[%dma_start3A_25, %dma_start3A_26] : memref<10240x64xf32, #tpu.memory_space<vmem_shared>> -> memref<10240x64xf32, #tpu.memory_space<vmem_shared>>
      tpu.enqueue_indirect_dma source(%dma_start3A_21 : memref<128x64xf32, #tpu.memory_space<vmem>>) target(%dma_start3A_27 : memref<10240x64xf32, #tpu.memory_space<vmem_shared>>) offsets(%dma_start3A_24 : memref<128xi32, #tpu.memory_space<vmem>>) semaphore(%run_scoped3A_19 : memref<!tpu.dma_semaphore, #tpu.memory_space<semaphore_mem>>) {add = true}
      %dma_wait3A = arith.constant 896 : i32
      %dma_wait3A_28 = arith.constant 0 : i32
      %dma_wait3A_29 = tpu.memref_slice %arg7[%dma_wait3A, %dma_wait3A_28] : memref<1280x64xf32, #tpu.memory_space<vmem>> -> memref<128x64xf32, #tpu.memory_space<vmem>>
      %dma_wait3A_30 = arith.constant 0 : i32
      %dma_wait3A_31 = tpu.memref_slice %arg6[%run_scoped3A_11, %dma_wait3A_30] : memref<10x128xi32, #tpu.memory_space<vmem>> -> memref<1x128xi32, #tpu.memory_space<vmem>>
      %dma_wait3A_32 = tpu.memref_squeeze %dma_wait3A_31 : memref<1x128xi32, #tpu.memory_space<vmem>> -> memref<128xi32, #tpu.memory_space<vmem>>
      %dma_wait3A_33 = arith.constant 0 : i32
      %dma_wait3A_34 = arith.constant 0 : i32
      %dma_wait3A_35 = tpu.memref_slice %arg8[%dma_wait3A_33, %dma_wait3A_34] : memref<10240x64xf32, #tpu.memory_space<vmem_shared>> -> memref<10240x64xf32, #tpu.memory_space<vmem_shared>>
      tpu.wait_indirect_dma semaphore(%run_scoped3A_19 : memref<!tpu.dma_semaphore, #tpu.memory_space<semaphore_mem>>) src(%dma_wait3A_29 : memref<128x64xf32, #tpu.memory_space<vmem>>) dst(%dma_wait3A_35 : memref<10240x64xf32, #tpu.memory_space<vmem_shared>>)
      tpu.yield
    }) : () -> ()
    %run_scoped3A_12 = arith.constant 8 : i32
    "tpu.region"() ({
      %run_scoped3A_19 = tpu.sem_alloc : memref<!tpu.dma_semaphore, #tpu.memory_space<semaphore_mem>>
      %dma_start3A = arith.constant 1024 : i32
      %dma_start3A_20 = arith.constant 0 : i32
      %dma_start3A_21 = tpu.memref_slice %arg7[%dma_start3A, %dma_start3A_20] : memref<1280x64xf32, #tpu.memory_space<vmem>> -> memref<128x64xf32, #tpu.memory_space<vmem>>
      %dma_start3A_22 = arith.constant 0 : i32
      %dma_start3A_23 = tpu.memref_slice %arg6[%run_scoped3A_12, %dma_start3A_22] : memref<10x128xi32, #tpu.memory_space<vmem>> -> memref<1x128xi32, #tpu.memory_space<vmem>>
      %dma_start3A_24 = tpu.memref_squeeze %dma_start3A_23 : memref<1x128xi32, #tpu.memory_space<vmem>> -> memref<128xi32, #tpu.memory_space<vmem>>
      %dma_start3A_25 = arith.constant 0 : i32
      %dma_start3A_26 = arith.constant 0 : i32
      %dma_start3A_27 = tpu.memref_slice %arg8[%dma_start3A_25, %dma_start3A_26] : memref<10240x64xf32, #tpu.memory_space<vmem_shared>> -> memref<10240x64xf32, #tpu.memory_space<vmem_shared>>
      tpu.enqueue_indirect_dma source(%dma_start3A_21 : memref<128x64xf32, #tpu.memory_space<vmem>>) target(%dma_start3A_27 : memref<10240x64xf32, #tpu.memory_space<vmem_shared>>) offsets(%dma_start3A_24 : memref<128xi32, #tpu.memory_space<vmem>>) semaphore(%run_scoped3A_19 : memref<!tpu.dma_semaphore, #tpu.memory_space<semaphore_mem>>) {add = true}
      %dma_wait3A = arith.constant 1024 : i32
      %dma_wait3A_28 = arith.constant 0 : i32
      %dma_wait3A_29 = tpu.memref_slice %arg7[%dma_wait3A, %dma_wait3A_28] : memref<1280x64xf32, #tpu.memory_space<vmem>> -> memref<128x64xf32, #tpu.memory_space<vmem>>
      %dma_wait3A_30 = arith.constant 0 : i32
      %dma_wait3A_31 = tpu.memref_slice %arg6[%run_scoped3A_12, %dma_wait3A_30] : memref<10x128xi32, #tpu.memory_space<vmem>> -> memref<1x128xi32, #tpu.memory_space<vmem>>
      %dma_wait3A_32 = tpu.memref_squeeze %dma_wait3A_31 : memref<1x128xi32, #tpu.memory_space<vmem>> -> memref<128xi32, #tpu.memory_space<vmem>>
      %dma_wait3A_33 = arith.constant 0 : i32
      %dma_wait3A_34 = arith.constant 0 : i32
      %dma_wait3A_35 = tpu.memref_slice %arg8[%dma_wait3A_33, %dma_wait3A_34] : memref<10240x64xf32, #tpu.memory_space<vmem_shared>> -> memref<10240x64xf32, #tpu.memory_space<vmem_shared>>
      tpu.wait_indirect_dma semaphore(%run_scoped3A_19 : memref<!tpu.dma_semaphore, #tpu.memory_space<semaphore_mem>>) src(%dma_wait3A_29 : memref<128x64xf32, #tpu.memory_space<vmem>>) dst(%dma_wait3A_35 : memref<10240x64xf32, #tpu.memory_space<vmem_shared>>)
      tpu.yield
    }) : () -> ()
    %run_scoped3A_13 = arith.constant 9 : i32
    "tpu.region"() ({
      %run_scoped3A_19 = tpu.sem_alloc : memref<!tpu.dma_semaphore, #tpu.memory_space<semaphore_mem>>
      %dma_start3A = arith.constant 1152 : i32
      %dma_start3A_20 = arith.constant 0 : i32
      %dma_start3A_21 = tpu.memref_slice %arg7[%dma_start3A, %dma_start3A_20] : memref<1280x64xf32, #tpu.memory_space<vmem>> -> memref<128x64xf32, #tpu.memory_space<vmem>>
      %dma_start3A_22 = arith.constant 0 : i32
      %dma_start3A_23 = tpu.memref_slice %arg6[%run_scoped3A_13, %dma_start3A_22] : memref<10x128xi32, #tpu.memory_space<vmem>> -> memref<1x128xi32, #tpu.memory_space<vmem>>
      %dma_start3A_24 = tpu.memref_squeeze %dma_start3A_23 : memref<1x128xi32, #tpu.memory_space<vmem>> -> memref<128xi32, #tpu.memory_space<vmem>>
      %dma_start3A_25 = arith.constant 0 : i32
      %dma_start3A_26 = arith.constant 0 : i32
      %dma_start3A_27 = tpu.memref_slice %arg8[%dma_start3A_25, %dma_start3A_26] : memref<10240x64xf32, #tpu.memory_space<vmem_shared>> -> memref<10240x64xf32, #tpu.memory_space<vmem_shared>>
      tpu.enqueue_indirect_dma source(%dma_start3A_21 : memref<128x64xf32, #tpu.memory_space<vmem>>) target(%dma_start3A_27 : memref<10240x64xf32, #tpu.memory_space<vmem_shared>>) offsets(%dma_start3A_24 : memref<128xi32, #tpu.memory_space<vmem>>) semaphore(%run_scoped3A_19 : memref<!tpu.dma_semaphore, #tpu.memory_space<semaphore_mem>>) {add = true}
      %dma_wait3A = arith.constant 1152 : i32
      %dma_wait3A_28 = arith.constant 0 : i32
      %dma_wait3A_29 = tpu.memref_slice %arg7[%dma_wait3A, %dma_wait3A_28] : memref<1280x64xf32, #tpu.memory_space<vmem>> -> memref<128x64xf32, #tpu.memory_space<vmem>>
      %dma_wait3A_30 = arith.constant 0 : i32
      %dma_wait3A_31 = tpu.memref_slice %arg6[%run_scoped3A_13, %dma_wait3A_30] : memref<10x128xi32, #tpu.memory_space<vmem>> -> memref<1x128xi32, #tpu.memory_space<vmem>>
      %dma_wait3A_32 = tpu.memref_squeeze %dma_wait3A_31 : memref<1x128xi32, #tpu.memory_space<vmem>> -> memref<128xi32, #tpu.memory_space<vmem>>
      %dma_wait3A_33 = arith.constant 0 : i32
      %dma_wait3A_34 = arith.constant 0 : i32
      %dma_wait3A_35 = tpu.memref_slice %arg8[%dma_wait3A_33, %dma_wait3A_34] : memref<10240x64xf32, #tpu.memory_space<vmem_shared>> -> memref<10240x64xf32, #tpu.memory_space<vmem_shared>>
      tpu.wait_indirect_dma semaphore(%run_scoped3A_19 : memref<!tpu.dma_semaphore, #tpu.memory_space<semaphore_mem>>) src(%dma_wait3A_29 : memref<128x64xf32, #tpu.memory_space<vmem>>) dst(%dma_wait3A_35 : memref<10240x64xf32, #tpu.memory_space<vmem_shared>>)
      tpu.yield
    }) : () -> ()
    %barrier3A_14 = arith.constant 0 : index
    tpu.barrier barrier_id(%barrier3A_14)
    %mul3A_15 = arith.constant 640 : i32
    %mul3A_16 = arith.muli %arg1, %mul3A_15 : i32
    %mul3A_17 = arith.constant 640 : i32
    %mul3A_18 = arith.muli %arg1, %mul3A_17 : i32
    "tpu.region"() ({
      %run_scoped3A_19 = tpu.sem_alloc : memref<!tpu.dma_semaphore, #tpu.memory_space<semaphore_mem>>
      %dma_start3A = arith.constant 0 : i32
      %dma_start3A_20 = tpu.memref_slice %arg5[%arg0, %mul3A_18, %dma_start3A] : memref<2x10240x64xf32, #tpu.memory_space<hbm>> -> memref<1x640x64xf32, #tpu.memory_space<hbm>>
      %dma_start3A_21 = tpu.memref_squeeze %dma_start3A_20 : memref<1x640x64xf32, #tpu.memory_space<hbm>> -> memref<640x64xf32, #tpu.memory_space<hbm>>
      %dma_start3A_22 = arith.constant 0 : i32
      %dma_start3A_23 = tpu.memref_slice %arg8[%mul3A_16, %dma_start3A_22] : memref<10240x64xf32, #tpu.memory_space<vmem_shared>> -> memref<640x64xf32, #tpu.memory_space<vmem_shared>>
      tpu.enqueue_dma source(%dma_start3A_23 : memref<640x64xf32, #tpu.memory_space<vmem_shared>>) target(%dma_start3A_21 : memref<640x64xf32, #tpu.memory_space<hbm>>) target_semaphore(%run_scoped3A_19 : memref<!tpu.dma_semaphore, #tpu.memory_space<semaphore_mem>>)
      %dma_wait3A = arith.constant 0 : i32
      %dma_wait3A_24 = tpu.memref_slice %arg5[%arg0, %mul3A_18, %dma_wait3A] : memref<2x10240x64xf32, #tpu.memory_space<hbm>> -> memref<1x640x64xf32, #tpu.memory_space<hbm>>
      %dma_wait3A_25 = tpu.memref_squeeze %dma_wait3A_24 : memref<1x640x64xf32, #tpu.memory_space<hbm>> -> memref<640x64xf32, #tpu.memory_space<hbm>>
      %dma_wait3A_26 = arith.constant 0 : i32
      %dma_wait3A_27 = tpu.memref_slice %arg8[%mul3A_16, %dma_wait3A_26] : memref<10240x64xf32, #tpu.memory_space<vmem_shared>> -> memref<640x64xf32, #tpu.memory_space<vmem_shared>>
      tpu.wait_dma2 semaphore(%run_scoped3A_19 : memref<!tpu.dma_semaphore, #tpu.memory_space<semaphore_mem>>) src(%dma_wait3A_27 : memref<640x64xf32, #tpu.memory_space<vmem_shared>>) dst(%dma_wait3A_25 : memref<640x64xf32, #tpu.memory_space<hbm>>)
      tpu.yield
    }) : () -> ()
    return
  }
}

#map = affine_map<(d0, d1) -> (0, 0)>
#map1 = affine_map<(d0, d1) -> (0, 0, 0)>
module attributes {stable_mosaic.version = 14 : i64} {
  func.func @sc_gather(%arg0: i32, %arg1: i32, %arg2: memref<10240x64xf32, #tpu.memory_space<hbm>>, %arg3: memref<32x10x128xi32, #tpu.memory_space<hbm>>, %arg4: memref<40960x64xf32, #tpu.memory_space<hbm>>, %arg5: memref<10x128xi32, #tpu.memory_space<vmem>>, %arg6: memref<1280x64xf32, #tpu.memory_space<vmem>>, %arg7: memref<!tpu.dma_semaphore, #tpu.memory_space<semaphore_mem>>) attributes {dimension_semantics = [#tpu.dimension_semantics<core_parallel>, #tpu.dimension_semantics<subcore_parallel>], iteration_bounds = array<i64: 2, 16>, scalar_prefetch = 0 : i64, scratch_operands = 3 : i64, tpu.core_type = #tpu.core_type<sc_vector_subcore>, window_params = [{transform_indices = #map}, {transform_indices = #map1}, {transform_indices = #map}]} {
    %mul3A = arith.constant 2 : i32
    %mul3A_0 = arith.muli %arg1, %mul3A : i32
    %add3A = arith.addi %mul3A_0, %arg0 : i32
    "tpu.region"() ({
      %run_scoped3A = tpu.sem_alloc : memref<!tpu.dma_semaphore, #tpu.memory_space<semaphore_mem>>
      %dma_start3A_201 = arith.constant 0 : i32
      %dma_start3A_202 = arith.constant 0 : i32
      %dma_start3A_203 = tpu.memref_slice %arg3[%add3A, %dma_start3A_201, %dma_start3A_202] : memref<32x10x128xi32, #tpu.memory_space<hbm>> -> memref<1x10x128xi32, #tpu.memory_space<hbm>>
      %dma_start3A_204 = tpu.memref_squeeze %dma_start3A_203 : memref<1x10x128xi32, #tpu.memory_space<hbm>> -> memref<10x128xi32, #tpu.memory_space<hbm>>
      %dma_start3A_205 = arith.constant 0 : i32
      %dma_start3A_206 = arith.constant 0 : i32
      %dma_start3A_207 = tpu.memref_slice %arg3[%add3A, %dma_start3A_205, %dma_start3A_206] : memref<32x10x128xi32, #tpu.memory_space<hbm>> -> memref<1x10x128xi32, #tpu.memory_space<hbm>>
      %dma_start3A_208 = tpu.memref_squeeze %dma_start3A_207 : memref<1x10x128xi32, #tpu.memory_space<hbm>> -> memref<10x128xi32, #tpu.memory_space<hbm>>
      tpu.enqueue_dma source(%dma_start3A_208 : memref<10x128xi32, #tpu.memory_space<hbm>>) target(%arg5 : memref<10x128xi32, #tpu.memory_space<vmem>>) target_semaphore(%run_scoped3A : memref<!tpu.dma_semaphore, #tpu.memory_space<semaphore_mem>>)
      %dma_wait3A_209 = arith.constant 0 : i32
      %dma_wait3A_210 = arith.constant 0 : i32
      %dma_wait3A_211 = tpu.memref_slice %arg3[%add3A, %dma_wait3A_209, %dma_wait3A_210] : memref<32x10x128xi32, #tpu.memory_space<hbm>> -> memref<1x10x128xi32, #tpu.memory_space<hbm>>
      %dma_wait3A_212 = tpu.memref_squeeze %dma_wait3A_211 : memref<1x10x128xi32, #tpu.memory_space<hbm>> -> memref<10x128xi32, #tpu.memory_space<hbm>>
      %dma_wait3A_213 = arith.constant 0 : i32
      %dma_wait3A_214 = arith.constant 0 : i32
      %dma_wait3A_215 = tpu.memref_slice %arg3[%add3A, %dma_wait3A_213, %dma_wait3A_214] : memref<32x10x128xi32, #tpu.memory_space<hbm>> -> memref<1x10x128xi32, #tpu.memory_space<hbm>>
      %dma_wait3A_216 = tpu.memref_squeeze %dma_wait3A_215 : memref<1x10x128xi32, #tpu.memory_space<hbm>> -> memref<10x128xi32, #tpu.memory_space<hbm>>
      tpu.wait_dma2 semaphore(%run_scoped3A : memref<!tpu.dma_semaphore, #tpu.memory_space<semaphore_mem>>) src(%dma_wait3A_216 : memref<10x128xi32, #tpu.memory_space<hbm>>) dst(%arg5 : memref<10x128xi32, #tpu.memory_space<vmem>>)
      tpu.yield
    }) : () -> ()
    %dma_start3A = arith.constant 0 : i32
    %dma_start3A_1 = arith.constant 0 : i32
    %dma_start3A_2 = arith.constant 0 : i32
    %dma_start3A_3 = tpu.memref_slice %arg6[%dma_start3A_1, %dma_start3A_2] : memref<1280x64xf32, #tpu.memory_space<vmem>> -> memref<128x64xf32, #tpu.memory_space<vmem>>
    %dma_start3A_4 = arith.constant 0 : i32
    %dma_start3A_5 = tpu.memref_slice %arg5[%dma_start3A, %dma_start3A_4] : memref<10x128xi32, #tpu.memory_space<vmem>> -> memref<1x128xi32, #tpu.memory_space<vmem>>
    %dma_start3A_6 = tpu.memref_squeeze %dma_start3A_5 : memref<1x128xi32, #tpu.memory_space<vmem>> -> memref<128xi32, #tpu.memory_space<vmem>>
    %dma_start3A_7 = arith.constant 0 : i32
    %dma_start3A_8 = arith.constant 0 : i32
    %dma_start3A_9 = tpu.memref_slice %arg2[%dma_start3A_7, %dma_start3A_8] : memref<10240x64xf32, #tpu.memory_space<hbm>> -> memref<10240x64xf32, #tpu.memory_space<hbm>>
    tpu.enqueue_indirect_dma source(%dma_start3A_9 : memref<10240x64xf32, #tpu.memory_space<hbm>>) target(%dma_start3A_3 : memref<128x64xf32, #tpu.memory_space<vmem>>) offsets(%dma_start3A_6 : memref<128xi32, #tpu.memory_space<vmem>>) semaphore(%arg7 : memref<!tpu.dma_semaphore, #tpu.memory_space<semaphore_mem>>)
    %dma_start3A_10 = arith.constant 1 : i32
    %dma_start3A_11 = arith.constant 128 : i32
    %dma_start3A_12 = arith.constant 0 : i32
    %dma_start3A_13 = tpu.memref_slice %arg6[%dma_start3A_11, %dma_start3A_12] : memref<1280x64xf32, #tpu.memory_space<vmem>> -> memref<128x64xf32, #tpu.memory_space<vmem>>
    %dma_start3A_14 = arith.constant 0 : i32
    %dma_start3A_15 = tpu.memref_slice %arg5[%dma_start3A_10, %dma_start3A_14] : memref<10x128xi32, #tpu.memory_space<vmem>> -> memref<1x128xi32, #tpu.memory_space<vmem>>
    %dma_start3A_16 = tpu.memref_squeeze %dma_start3A_15 : memref<1x128xi32, #tpu.memory_space<vmem>> -> memref<128xi32, #tpu.memory_space<vmem>>
    %dma_start3A_17 = arith.constant 0 : i32
    %dma_start3A_18 = arith.constant 0 : i32
    %dma_start3A_19 = tpu.memref_slice %arg2[%dma_start3A_17, %dma_start3A_18] : memref<10240x64xf32, #tpu.memory_space<hbm>> -> memref<10240x64xf32, #tpu.memory_space<hbm>>
    tpu.enqueue_indirect_dma source(%dma_start3A_19 : memref<10240x64xf32, #tpu.memory_space<hbm>>) target(%dma_start3A_13 : memref<128x64xf32, #tpu.memory_space<vmem>>) offsets(%dma_start3A_16 : memref<128xi32, #tpu.memory_space<vmem>>) semaphore(%arg7 : memref<!tpu.dma_semaphore, #tpu.memory_space<semaphore_mem>>)
    %dma_start3A_20 = arith.constant 2 : i32
    %dma_start3A_21 = arith.constant 256 : i32
    %dma_start3A_22 = arith.constant 0 : i32
    %dma_start3A_23 = tpu.memref_slice %arg6[%dma_start3A_21, %dma_start3A_22] : memref<1280x64xf32, #tpu.memory_space<vmem>> -> memref<128x64xf32, #tpu.memory_space<vmem>>
    %dma_start3A_24 = arith.constant 0 : i32
    %dma_start3A_25 = tpu.memref_slice %arg5[%dma_start3A_20, %dma_start3A_24] : memref<10x128xi32, #tpu.memory_space<vmem>> -> memref<1x128xi32, #tpu.memory_space<vmem>>
    %dma_start3A_26 = tpu.memref_squeeze %dma_start3A_25 : memref<1x128xi32, #tpu.memory_space<vmem>> -> memref<128xi32, #tpu.memory_space<vmem>>
    %dma_start3A_27 = arith.constant 0 : i32
    %dma_start3A_28 = arith.constant 0 : i32
    %dma_start3A_29 = tpu.memref_slice %arg2[%dma_start3A_27, %dma_start3A_28] : memref<10240x64xf32, #tpu.memory_space<hbm>> -> memref<10240x64xf32, #tpu.memory_space<hbm>>
    tpu.enqueue_indirect_dma source(%dma_start3A_29 : memref<10240x64xf32, #tpu.memory_space<hbm>>) target(%dma_start3A_23 : memref<128x64xf32, #tpu.memory_space<vmem>>) offsets(%dma_start3A_26 : memref<128xi32, #tpu.memory_space<vmem>>) semaphore(%arg7 : memref<!tpu.dma_semaphore, #tpu.memory_space<semaphore_mem>>)
    %dma_start3A_30 = arith.constant 3 : i32
    %dma_start3A_31 = arith.constant 384 : i32
    %dma_start3A_32 = arith.constant 0 : i32
    %dma_start3A_33 = tpu.memref_slice %arg6[%dma_start3A_31, %dma_start3A_32] : memref<1280x64xf32, #tpu.memory_space<vmem>> -> memref<128x64xf32, #tpu.memory_space<vmem>>
    %dma_start3A_34 = arith.constant 0 : i32
    %dma_start3A_35 = tpu.memref_slice %arg5[%dma_start3A_30, %dma_start3A_34] : memref<10x128xi32, #tpu.memory_space<vmem>> -> memref<1x128xi32, #tpu.memory_space<vmem>>
    %dma_start3A_36 = tpu.memref_squeeze %dma_start3A_35 : memref<1x128xi32, #tpu.memory_space<vmem>> -> memref<128xi32, #tpu.memory_space<vmem>>
    %dma_start3A_37 = arith.constant 0 : i32
    %dma_start3A_38 = arith.constant 0 : i32
    %dma_start3A_39 = tpu.memref_slice %arg2[%dma_start3A_37, %dma_start3A_38] : memref<10240x64xf32, #tpu.memory_space<hbm>> -> memref<10240x64xf32, #tpu.memory_space<hbm>>
    tpu.enqueue_indirect_dma source(%dma_start3A_39 : memref<10240x64xf32, #tpu.memory_space<hbm>>) target(%dma_start3A_33 : memref<128x64xf32, #tpu.memory_space<vmem>>) offsets(%dma_start3A_36 : memref<128xi32, #tpu.memory_space<vmem>>) semaphore(%arg7 : memref<!tpu.dma_semaphore, #tpu.memory_space<semaphore_mem>>)
    %dma_start3A_40 = arith.constant 4 : i32
    %dma_start3A_41 = arith.constant 512 : i32
    %dma_start3A_42 = arith.constant 0 : i32
    %dma_start3A_43 = tpu.memref_slice %arg6[%dma_start3A_41, %dma_start3A_42] : memref<1280x64xf32, #tpu.memory_space<vmem>> -> memref<128x64xf32, #tpu.memory_space<vmem>>
    %dma_start3A_44 = arith.constant 0 : i32
    %dma_start3A_45 = tpu.memref_slice %arg5[%dma_start3A_40, %dma_start3A_44] : memref<10x128xi32, #tpu.memory_space<vmem>> -> memref<1x128xi32, #tpu.memory_space<vmem>>
    %dma_start3A_46 = tpu.memref_squeeze %dma_start3A_45 : memref<1x128xi32, #tpu.memory_space<vmem>> -> memref<128xi32, #tpu.memory_space<vmem>>
    %dma_start3A_47 = arith.constant 0 : i32
    %dma_start3A_48 = arith.constant 0 : i32
    %dma_start3A_49 = tpu.memref_slice %arg2[%dma_start3A_47, %dma_start3A_48] : memref<10240x64xf32, #tpu.memory_space<hbm>> -> memref<10240x64xf32, #tpu.memory_space<hbm>>
    tpu.enqueue_indirect_dma source(%dma_start3A_49 : memref<10240x64xf32, #tpu.memory_space<hbm>>) target(%dma_start3A_43 : memref<128x64xf32, #tpu.memory_space<vmem>>) offsets(%dma_start3A_46 : memref<128xi32, #tpu.memory_space<vmem>>) semaphore(%arg7 : memref<!tpu.dma_semaphore, #tpu.memory_space<semaphore_mem>>)
    %dma_start3A_50 = arith.constant 5 : i32
    %dma_start3A_51 = arith.constant 640 : i32
    %dma_start3A_52 = arith.constant 0 : i32
    %dma_start3A_53 = tpu.memref_slice %arg6[%dma_start3A_51, %dma_start3A_52] : memref<1280x64xf32, #tpu.memory_space<vmem>> -> memref<128x64xf32, #tpu.memory_space<vmem>>
    %dma_start3A_54 = arith.constant 0 : i32
    %dma_start3A_55 = tpu.memref_slice %arg5[%dma_start3A_50, %dma_start3A_54] : memref<10x128xi32, #tpu.memory_space<vmem>> -> memref<1x128xi32, #tpu.memory_space<vmem>>
    %dma_start3A_56 = tpu.memref_squeeze %dma_start3A_55 : memref<1x128xi32, #tpu.memory_space<vmem>> -> memref<128xi32, #tpu.memory_space<vmem>>
    %dma_start3A_57 = arith.constant 0 : i32
    %dma_start3A_58 = arith.constant 0 : i32
    %dma_start3A_59 = tpu.memref_slice %arg2[%dma_start3A_57, %dma_start3A_58] : memref<10240x64xf32, #tpu.memory_space<hbm>> -> memref<10240x64xf32, #tpu.memory_space<hbm>>
    tpu.enqueue_indirect_dma source(%dma_start3A_59 : memref<10240x64xf32, #tpu.memory_space<hbm>>) target(%dma_start3A_53 : memref<128x64xf32, #tpu.memory_space<vmem>>) offsets(%dma_start3A_56 : memref<128xi32, #tpu.memory_space<vmem>>) semaphore(%arg7 : memref<!tpu.dma_semaphore, #tpu.memory_space<semaphore_mem>>)
    %dma_start3A_60 = arith.constant 6 : i32
    %dma_start3A_61 = arith.constant 768 : i32
    %dma_start3A_62 = arith.constant 0 : i32
    %dma_start3A_63 = tpu.memref_slice %arg6[%dma_start3A_61, %dma_start3A_62] : memref<1280x64xf32, #tpu.memory_space<vmem>> -> memref<128x64xf32, #tpu.memory_space<vmem>>
    %dma_start3A_64 = arith.constant 0 : i32
    %dma_start3A_65 = tpu.memref_slice %arg5[%dma_start3A_60, %dma_start3A_64] : memref<10x128xi32, #tpu.memory_space<vmem>> -> memref<1x128xi32, #tpu.memory_space<vmem>>
    %dma_start3A_66 = tpu.memref_squeeze %dma_start3A_65 : memref<1x128xi32, #tpu.memory_space<vmem>> -> memref<128xi32, #tpu.memory_space<vmem>>
    %dma_start3A_67 = arith.constant 0 : i32
    %dma_start3A_68 = arith.constant 0 : i32
    %dma_start3A_69 = tpu.memref_slice %arg2[%dma_start3A_67, %dma_start3A_68] : memref<10240x64xf32, #tpu.memory_space<hbm>> -> memref<10240x64xf32, #tpu.memory_space<hbm>>
    tpu.enqueue_indirect_dma source(%dma_start3A_69 : memref<10240x64xf32, #tpu.memory_space<hbm>>) target(%dma_start3A_63 : memref<128x64xf32, #tpu.memory_space<vmem>>) offsets(%dma_start3A_66 : memref<128xi32, #tpu.memory_space<vmem>>) semaphore(%arg7 : memref<!tpu.dma_semaphore, #tpu.memory_space<semaphore_mem>>)
    %dma_start3A_70 = arith.constant 7 : i32
    %dma_start3A_71 = arith.constant 896 : i32
    %dma_start3A_72 = arith.constant 0 : i32
    %dma_start3A_73 = tpu.memref_slice %arg6[%dma_start3A_71, %dma_start3A_72] : memref<1280x64xf32, #tpu.memory_space<vmem>> -> memref<128x64xf32, #tpu.memory_space<vmem>>
    %dma_start3A_74 = arith.constant 0 : i32
    %dma_start3A_75 = tpu.memref_slice %arg5[%dma_start3A_70, %dma_start3A_74] : memref<10x128xi32, #tpu.memory_space<vmem>> -> memref<1x128xi32, #tpu.memory_space<vmem>>
    %dma_start3A_76 = tpu.memref_squeeze %dma_start3A_75 : memref<1x128xi32, #tpu.memory_space<vmem>> -> memref<128xi32, #tpu.memory_space<vmem>>
    %dma_start3A_77 = arith.constant 0 : i32
    %dma_start3A_78 = arith.constant 0 : i32
    %dma_start3A_79 = tpu.memref_slice %arg2[%dma_start3A_77, %dma_start3A_78] : memref<10240x64xf32, #tpu.memory_space<hbm>> -> memref<10240x64xf32, #tpu.memory_space<hbm>>
    tpu.enqueue_indirect_dma source(%dma_start3A_79 : memref<10240x64xf32, #tpu.memory_space<hbm>>) target(%dma_start3A_73 : memref<128x64xf32, #tpu.memory_space<vmem>>) offsets(%dma_start3A_76 : memref<128xi32, #tpu.memory_space<vmem>>) semaphore(%arg7 : memref<!tpu.dma_semaphore, #tpu.memory_space<semaphore_mem>>)
    %dma_start3A_80 = arith.constant 8 : i32
    %dma_start3A_81 = arith.constant 1024 : i32
    %dma_start3A_82 = arith.constant 0 : i32
    %dma_start3A_83 = tpu.memref_slice %arg6[%dma_start3A_81, %dma_start3A_82] : memref<1280x64xf32, #tpu.memory_space<vmem>> -> memref<128x64xf32, #tpu.memory_space<vmem>>
    %dma_start3A_84 = arith.constant 0 : i32
    %dma_start3A_85 = tpu.memref_slice %arg5[%dma_start3A_80, %dma_start3A_84] : memref<10x128xi32, #tpu.memory_space<vmem>> -> memref<1x128xi32, #tpu.memory_space<vmem>>
    %dma_start3A_86 = tpu.memref_squeeze %dma_start3A_85 : memref<1x128xi32, #tpu.memory_space<vmem>> -> memref<128xi32, #tpu.memory_space<vmem>>
    %dma_start3A_87 = arith.constant 0 : i32
    %dma_start3A_88 = arith.constant 0 : i32
    %dma_start3A_89 = tpu.memref_slice %arg2[%dma_start3A_87, %dma_start3A_88] : memref<10240x64xf32, #tpu.memory_space<hbm>> -> memref<10240x64xf32, #tpu.memory_space<hbm>>
    tpu.enqueue_indirect_dma source(%dma_start3A_89 : memref<10240x64xf32, #tpu.memory_space<hbm>>) target(%dma_start3A_83 : memref<128x64xf32, #tpu.memory_space<vmem>>) offsets(%dma_start3A_86 : memref<128xi32, #tpu.memory_space<vmem>>) semaphore(%arg7 : memref<!tpu.dma_semaphore, #tpu.memory_space<semaphore_mem>>)
    %dma_start3A_90 = arith.constant 9 : i32
    %dma_start3A_91 = arith.constant 1152 : i32
    %dma_start3A_92 = arith.constant 0 : i32
    %dma_start3A_93 = tpu.memref_slice %arg6[%dma_start3A_91, %dma_start3A_92] : memref<1280x64xf32, #tpu.memory_space<vmem>> -> memref<128x64xf32, #tpu.memory_space<vmem>>
    %dma_start3A_94 = arith.constant 0 : i32
    %dma_start3A_95 = tpu.memref_slice %arg5[%dma_start3A_90, %dma_start3A_94] : memref<10x128xi32, #tpu.memory_space<vmem>> -> memref<1x128xi32, #tpu.memory_space<vmem>>
    %dma_start3A_96 = tpu.memref_squeeze %dma_start3A_95 : memref<1x128xi32, #tpu.memory_space<vmem>> -> memref<128xi32, #tpu.memory_space<vmem>>
    %dma_start3A_97 = arith.constant 0 : i32
    %dma_start3A_98 = arith.constant 0 : i32
    %dma_start3A_99 = tpu.memref_slice %arg2[%dma_start3A_97, %dma_start3A_98] : memref<10240x64xf32, #tpu.memory_space<hbm>> -> memref<10240x64xf32, #tpu.memory_space<hbm>>
    tpu.enqueue_indirect_dma source(%dma_start3A_99 : memref<10240x64xf32, #tpu.memory_space<hbm>>) target(%dma_start3A_93 : memref<128x64xf32, #tpu.memory_space<vmem>>) offsets(%dma_start3A_96 : memref<128xi32, #tpu.memory_space<vmem>>) semaphore(%arg7 : memref<!tpu.dma_semaphore, #tpu.memory_space<semaphore_mem>>)
    %dma_wait3A = arith.constant 0 : i32
    %dma_wait3A_100 = arith.constant 0 : i32
    %dma_wait3A_101 = arith.constant 0 : i32
    %dma_wait3A_102 = tpu.memref_slice %arg6[%dma_wait3A_100, %dma_wait3A_101] : memref<1280x64xf32, #tpu.memory_space<vmem>> -> memref<128x64xf32, #tpu.memory_space<vmem>>
    %dma_wait3A_103 = arith.constant 0 : i32
    %dma_wait3A_104 = tpu.memref_slice %arg5[%dma_wait3A, %dma_wait3A_103] : memref<10x128xi32, #tpu.memory_space<vmem>> -> memref<1x128xi32, #tpu.memory_space<vmem>>
    %dma_wait3A_105 = tpu.memref_squeeze %dma_wait3A_104 : memref<1x128xi32, #tpu.memory_space<vmem>> -> memref<128xi32, #tpu.memory_space<vmem>>
    %dma_wait3A_106 = arith.constant 0 : i32
    %dma_wait3A_107 = arith.constant 0 : i32
    %dma_wait3A_108 = tpu.memref_slice %arg2[%dma_wait3A_106, %dma_wait3A_107] : memref<10240x64xf32, #tpu.memory_space<hbm>> -> memref<10240x64xf32, #tpu.memory_space<hbm>>
    tpu.wait_indirect_dma semaphore(%arg7 : memref<!tpu.dma_semaphore, #tpu.memory_space<semaphore_mem>>) src(%dma_wait3A_108 : memref<10240x64xf32, #tpu.memory_space<hbm>>) dst(%dma_wait3A_102 : memref<128x64xf32, #tpu.memory_space<vmem>>)
    %dma_wait3A_109 = arith.constant 1 : i32
    %dma_wait3A_110 = arith.constant 128 : i32
    %dma_wait3A_111 = arith.constant 0 : i32
    %dma_wait3A_112 = tpu.memref_slice %arg6[%dma_wait3A_110, %dma_wait3A_111] : memref<1280x64xf32, #tpu.memory_space<vmem>> -> memref<128x64xf32, #tpu.memory_space<vmem>>
    %dma_wait3A_113 = arith.constant 0 : i32
    %dma_wait3A_114 = tpu.memref_slice %arg5[%dma_wait3A_109, %dma_wait3A_113] : memref<10x128xi32, #tpu.memory_space<vmem>> -> memref<1x128xi32, #tpu.memory_space<vmem>>
    %dma_wait3A_115 = tpu.memref_squeeze %dma_wait3A_114 : memref<1x128xi32, #tpu.memory_space<vmem>> -> memref<128xi32, #tpu.memory_space<vmem>>
    %dma_wait3A_116 = arith.constant 0 : i32
    %dma_wait3A_117 = arith.constant 0 : i32
    %dma_wait3A_118 = tpu.memref_slice %arg2[%dma_wait3A_116, %dma_wait3A_117] : memref<10240x64xf32, #tpu.memory_space<hbm>> -> memref<10240x64xf32, #tpu.memory_space<hbm>>
    tpu.wait_indirect_dma semaphore(%arg7 : memref<!tpu.dma_semaphore, #tpu.memory_space<semaphore_mem>>) src(%dma_wait3A_118 : memref<10240x64xf32, #tpu.memory_space<hbm>>) dst(%dma_wait3A_112 : memref<128x64xf32, #tpu.memory_space<vmem>>)
    %dma_wait3A_119 = arith.constant 2 : i32
    %dma_wait3A_120 = arith.constant 256 : i32
    %dma_wait3A_121 = arith.constant 0 : i32
    %dma_wait3A_122 = tpu.memref_slice %arg6[%dma_wait3A_120, %dma_wait3A_121] : memref<1280x64xf32, #tpu.memory_space<vmem>> -> memref<128x64xf32, #tpu.memory_space<vmem>>
    %dma_wait3A_123 = arith.constant 0 : i32
    %dma_wait3A_124 = tpu.memref_slice %arg5[%dma_wait3A_119, %dma_wait3A_123] : memref<10x128xi32, #tpu.memory_space<vmem>> -> memref<1x128xi32, #tpu.memory_space<vmem>>
    %dma_wait3A_125 = tpu.memref_squeeze %dma_wait3A_124 : memref<1x128xi32, #tpu.memory_space<vmem>> -> memref<128xi32, #tpu.memory_space<vmem>>
    %dma_wait3A_126 = arith.constant 0 : i32
    %dma_wait3A_127 = arith.constant 0 : i32
    %dma_wait3A_128 = tpu.memref_slice %arg2[%dma_wait3A_126, %dma_wait3A_127] : memref<10240x64xf32, #tpu.memory_space<hbm>> -> memref<10240x64xf32, #tpu.memory_space<hbm>>
    tpu.wait_indirect_dma semaphore(%arg7 : memref<!tpu.dma_semaphore, #tpu.memory_space<semaphore_mem>>) src(%dma_wait3A_128 : memref<10240x64xf32, #tpu.memory_space<hbm>>) dst(%dma_wait3A_122 : memref<128x64xf32, #tpu.memory_space<vmem>>)
    %dma_wait3A_129 = arith.constant 3 : i32
    %dma_wait3A_130 = arith.constant 384 : i32
    %dma_wait3A_131 = arith.constant 0 : i32
    %dma_wait3A_132 = tpu.memref_slice %arg6[%dma_wait3A_130, %dma_wait3A_131] : memref<1280x64xf32, #tpu.memory_space<vmem>> -> memref<128x64xf32, #tpu.memory_space<vmem>>
    %dma_wait3A_133 = arith.constant 0 : i32
    %dma_wait3A_134 = tpu.memref_slice %arg5[%dma_wait3A_129, %dma_wait3A_133] : memref<10x128xi32, #tpu.memory_space<vmem>> -> memref<1x128xi32, #tpu.memory_space<vmem>>
    %dma_wait3A_135 = tpu.memref_squeeze %dma_wait3A_134 : memref<1x128xi32, #tpu.memory_space<vmem>> -> memref<128xi32, #tpu.memory_space<vmem>>
    %dma_wait3A_136 = arith.constant 0 : i32
    %dma_wait3A_137 = arith.constant 0 : i32
    %dma_wait3A_138 = tpu.memref_slice %arg2[%dma_wait3A_136, %dma_wait3A_137] : memref<10240x64xf32, #tpu.memory_space<hbm>> -> memref<10240x64xf32, #tpu.memory_space<hbm>>
    tpu.wait_indirect_dma semaphore(%arg7 : memref<!tpu.dma_semaphore, #tpu.memory_space<semaphore_mem>>) src(%dma_wait3A_138 : memref<10240x64xf32, #tpu.memory_space<hbm>>) dst(%dma_wait3A_132 : memref<128x64xf32, #tpu.memory_space<vmem>>)
    %dma_wait3A_139 = arith.constant 4 : i32
    %dma_wait3A_140 = arith.constant 512 : i32
    %dma_wait3A_141 = arith.constant 0 : i32
    %dma_wait3A_142 = tpu.memref_slice %arg6[%dma_wait3A_140, %dma_wait3A_141] : memref<1280x64xf32, #tpu.memory_space<vmem>> -> memref<128x64xf32, #tpu.memory_space<vmem>>
    %dma_wait3A_143 = arith.constant 0 : i32
    %dma_wait3A_144 = tpu.memref_slice %arg5[%dma_wait3A_139, %dma_wait3A_143] : memref<10x128xi32, #tpu.memory_space<vmem>> -> memref<1x128xi32, #tpu.memory_space<vmem>>
    %dma_wait3A_145 = tpu.memref_squeeze %dma_wait3A_144 : memref<1x128xi32, #tpu.memory_space<vmem>> -> memref<128xi32, #tpu.memory_space<vmem>>
    %dma_wait3A_146 = arith.constant 0 : i32
    %dma_wait3A_147 = arith.constant 0 : i32
    %dma_wait3A_148 = tpu.memref_slice %arg2[%dma_wait3A_146, %dma_wait3A_147] : memref<10240x64xf32, #tpu.memory_space<hbm>> -> memref<10240x64xf32, #tpu.memory_space<hbm>>
    tpu.wait_indirect_dma semaphore(%arg7 : memref<!tpu.dma_semaphore, #tpu.memory_space<semaphore_mem>>) src(%dma_wait3A_148 : memref<10240x64xf32, #tpu.memory_space<hbm>>) dst(%dma_wait3A_142 : memref<128x64xf32, #tpu.memory_space<vmem>>)
    %dma_wait3A_149 = arith.constant 5 : i32
    %dma_wait3A_150 = arith.constant 640 : i32
    %dma_wait3A_151 = arith.constant 0 : i32
    %dma_wait3A_152 = tpu.memref_slice %arg6[%dma_wait3A_150, %dma_wait3A_151] : memref<1280x64xf32, #tpu.memory_space<vmem>> -> memref<128x64xf32, #tpu.memory_space<vmem>>
    %dma_wait3A_153 = arith.constant 0 : i32
    %dma_wait3A_154 = tpu.memref_slice %arg5[%dma_wait3A_149, %dma_wait3A_153] : memref<10x128xi32, #tpu.memory_space<vmem>> -> memref<1x128xi32, #tpu.memory_space<vmem>>
    %dma_wait3A_155 = tpu.memref_squeeze %dma_wait3A_154 : memref<1x128xi32, #tpu.memory_space<vmem>> -> memref<128xi32, #tpu.memory_space<vmem>>
    %dma_wait3A_156 = arith.constant 0 : i32
    %dma_wait3A_157 = arith.constant 0 : i32
    %dma_wait3A_158 = tpu.memref_slice %arg2[%dma_wait3A_156, %dma_wait3A_157] : memref<10240x64xf32, #tpu.memory_space<hbm>> -> memref<10240x64xf32, #tpu.memory_space<hbm>>
    tpu.wait_indirect_dma semaphore(%arg7 : memref<!tpu.dma_semaphore, #tpu.memory_space<semaphore_mem>>) src(%dma_wait3A_158 : memref<10240x64xf32, #tpu.memory_space<hbm>>) dst(%dma_wait3A_152 : memref<128x64xf32, #tpu.memory_space<vmem>>)
    %dma_wait3A_159 = arith.constant 6 : i32
    %dma_wait3A_160 = arith.constant 768 : i32
    %dma_wait3A_161 = arith.constant 0 : i32
    %dma_wait3A_162 = tpu.memref_slice %arg6[%dma_wait3A_160, %dma_wait3A_161] : memref<1280x64xf32, #tpu.memory_space<vmem>> -> memref<128x64xf32, #tpu.memory_space<vmem>>
    %dma_wait3A_163 = arith.constant 0 : i32
    %dma_wait3A_164 = tpu.memref_slice %arg5[%dma_wait3A_159, %dma_wait3A_163] : memref<10x128xi32, #tpu.memory_space<vmem>> -> memref<1x128xi32, #tpu.memory_space<vmem>>
    %dma_wait3A_165 = tpu.memref_squeeze %dma_wait3A_164 : memref<1x128xi32, #tpu.memory_space<vmem>> -> memref<128xi32, #tpu.memory_space<vmem>>
    %dma_wait3A_166 = arith.constant 0 : i32
    %dma_wait3A_167 = arith.constant 0 : i32
    %dma_wait3A_168 = tpu.memref_slice %arg2[%dma_wait3A_166, %dma_wait3A_167] : memref<10240x64xf32, #tpu.memory_space<hbm>> -> memref<10240x64xf32, #tpu.memory_space<hbm>>
    tpu.wait_indirect_dma semaphore(%arg7 : memref<!tpu.dma_semaphore, #tpu.memory_space<semaphore_mem>>) src(%dma_wait3A_168 : memref<10240x64xf32, #tpu.memory_space<hbm>>) dst(%dma_wait3A_162 : memref<128x64xf32, #tpu.memory_space<vmem>>)
    %dma_wait3A_169 = arith.constant 7 : i32
    %dma_wait3A_170 = arith.constant 896 : i32
    %dma_wait3A_171 = arith.constant 0 : i32
    %dma_wait3A_172 = tpu.memref_slice %arg6[%dma_wait3A_170, %dma_wait3A_171] : memref<1280x64xf32, #tpu.memory_space<vmem>> -> memref<128x64xf32, #tpu.memory_space<vmem>>
    %dma_wait3A_173 = arith.constant 0 : i32
    %dma_wait3A_174 = tpu.memref_slice %arg5[%dma_wait3A_169, %dma_wait3A_173] : memref<10x128xi32, #tpu.memory_space<vmem>> -> memref<1x128xi32, #tpu.memory_space<vmem>>
    %dma_wait3A_175 = tpu.memref_squeeze %dma_wait3A_174 : memref<1x128xi32, #tpu.memory_space<vmem>> -> memref<128xi32, #tpu.memory_space<vmem>>
    %dma_wait3A_176 = arith.constant 0 : i32
    %dma_wait3A_177 = arith.constant 0 : i32
    %dma_wait3A_178 = tpu.memref_slice %arg2[%dma_wait3A_176, %dma_wait3A_177] : memref<10240x64xf32, #tpu.memory_space<hbm>> -> memref<10240x64xf32, #tpu.memory_space<hbm>>
    tpu.wait_indirect_dma semaphore(%arg7 : memref<!tpu.dma_semaphore, #tpu.memory_space<semaphore_mem>>) src(%dma_wait3A_178 : memref<10240x64xf32, #tpu.memory_space<hbm>>) dst(%dma_wait3A_172 : memref<128x64xf32, #tpu.memory_space<vmem>>)
    %dma_wait3A_179 = arith.constant 8 : i32
    %dma_wait3A_180 = arith.constant 1024 : i32
    %dma_wait3A_181 = arith.constant 0 : i32
    %dma_wait3A_182 = tpu.memref_slice %arg6[%dma_wait3A_180, %dma_wait3A_181] : memref<1280x64xf32, #tpu.memory_space<vmem>> -> memref<128x64xf32, #tpu.memory_space<vmem>>
    %dma_wait3A_183 = arith.constant 0 : i32
    %dma_wait3A_184 = tpu.memref_slice %arg5[%dma_wait3A_179, %dma_wait3A_183] : memref<10x128xi32, #tpu.memory_space<vmem>> -> memref<1x128xi32, #tpu.memory_space<vmem>>
    %dma_wait3A_185 = tpu.memref_squeeze %dma_wait3A_184 : memref<1x128xi32, #tpu.memory_space<vmem>> -> memref<128xi32, #tpu.memory_space<vmem>>
    %dma_wait3A_186 = arith.constant 0 : i32
    %dma_wait3A_187 = arith.constant 0 : i32
    %dma_wait3A_188 = tpu.memref_slice %arg2[%dma_wait3A_186, %dma_wait3A_187] : memref<10240x64xf32, #tpu.memory_space<hbm>> -> memref<10240x64xf32, #tpu.memory_space<hbm>>
    tpu.wait_indirect_dma semaphore(%arg7 : memref<!tpu.dma_semaphore, #tpu.memory_space<semaphore_mem>>) src(%dma_wait3A_188 : memref<10240x64xf32, #tpu.memory_space<hbm>>) dst(%dma_wait3A_182 : memref<128x64xf32, #tpu.memory_space<vmem>>)
    %dma_wait3A_189 = arith.constant 9 : i32
    %dma_wait3A_190 = arith.constant 1152 : i32
    %dma_wait3A_191 = arith.constant 0 : i32
    %dma_wait3A_192 = tpu.memref_slice %arg6[%dma_wait3A_190, %dma_wait3A_191] : memref<1280x64xf32, #tpu.memory_space<vmem>> -> memref<128x64xf32, #tpu.memory_space<vmem>>
    %dma_wait3A_193 = arith.constant 0 : i32
    %dma_wait3A_194 = tpu.memref_slice %arg5[%dma_wait3A_189, %dma_wait3A_193] : memref<10x128xi32, #tpu.memory_space<vmem>> -> memref<1x128xi32, #tpu.memory_space<vmem>>
    %dma_wait3A_195 = tpu.memref_squeeze %dma_wait3A_194 : memref<1x128xi32, #tpu.memory_space<vmem>> -> memref<128xi32, #tpu.memory_space<vmem>>
    %dma_wait3A_196 = arith.constant 0 : i32
    %dma_wait3A_197 = arith.constant 0 : i32
    %dma_wait3A_198 = tpu.memref_slice %arg2[%dma_wait3A_196, %dma_wait3A_197] : memref<10240x64xf32, #tpu.memory_space<hbm>> -> memref<10240x64xf32, #tpu.memory_space<hbm>>
    tpu.wait_indirect_dma semaphore(%arg7 : memref<!tpu.dma_semaphore, #tpu.memory_space<semaphore_mem>>) src(%dma_wait3A_198 : memref<10240x64xf32, #tpu.memory_space<hbm>>) dst(%dma_wait3A_192 : memref<128x64xf32, #tpu.memory_space<vmem>>)
    %mul3A_199 = arith.constant 1280 : i32
    %mul3A_200 = arith.muli %add3A, %mul3A_199 : i32
    "tpu.region"() ({
      %run_scoped3A = tpu.sem_alloc : memref<!tpu.dma_semaphore, #tpu.memory_space<semaphore_mem>>
      %dma_start3A_201 = arith.constant 0 : i32
      %dma_start3A_202 = tpu.memref_slice %arg4[%mul3A_200, %dma_start3A_201] : memref<40960x64xf32, #tpu.memory_space<hbm>> -> memref<1280x64xf32, #tpu.memory_space<hbm>>
      %dma_start3A_203 = arith.constant 0 : i32
      %dma_start3A_204 = tpu.memref_slice %arg4[%mul3A_200, %dma_start3A_203] : memref<40960x64xf32, #tpu.memory_space<hbm>> -> memref<1280x64xf32, #tpu.memory_space<hbm>>
      tpu.enqueue_dma source(%arg6 : memref<1280x64xf32, #tpu.memory_space<vmem>>) target(%dma_start3A_204 : memref<1280x64xf32, #tpu.memory_space<hbm>>) target_semaphore(%run_scoped3A : memref<!tpu.dma_semaphore, #tpu.memory_space<semaphore_mem>>)
      %dma_wait3A_205 = arith.constant 0 : i32
      %dma_wait3A_206 = tpu.memref_slice %arg4[%mul3A_200, %dma_wait3A_205] : memref<40960x64xf32, #tpu.memory_space<hbm>> -> memref<1280x64xf32, #tpu.memory_space<hbm>>
      %dma_wait3A_207 = arith.constant 0 : i32
      %dma_wait3A_208 = tpu.memref_slice %arg4[%mul3A_200, %dma_wait3A_207] : memref<40960x64xf32, #tpu.memory_space<hbm>> -> memref<1280x64xf32, #tpu.memory_space<hbm>>
      tpu.wait_dma2 semaphore(%run_scoped3A : memref<!tpu.dma_semaphore, #tpu.memory_space<semaphore_mem>>) src(%arg6 : memref<1280x64xf32, #tpu.memory_space<vmem>>) dst(%dma_wait3A_208 : memref<1280x64xf32, #tpu.memory_space<hbm>>)
      tpu.yield
    }) : () -> ()
    return
  }
}

#map = affine_map<(d0, d1) -> (0, 0)>
#map1 = affine_map<(d0, d1) -> (0, 0, 0)>
module attributes {stable_mosaic.version = 14 : i64} {
  func.func @sc_scatter(%arg0: i32, %arg1: i32, %arg2: memref<40960x64xf32, #tpu.memory_space<hbm>>, %arg3: memref<32x10x128xi32, #tpu.memory_space<hbm>>, %arg4: memref<640x64xf32, #tpu.memory_space<hbm>>, %arg5: memref<2x10240x64xf32, #tpu.memory_space<hbm>>, %arg6: memref<10x128xi32, #tpu.memory_space<vmem>>, %arg7: memref<1280x64xf32, #tpu.memory_space<vmem>>, %arg8: memref<10240x64xf32, #tpu.memory_space<vmem_shared>>) attributes {dimension_semantics = [#tpu.dimension_semantics<core_parallel>, #tpu.dimension_semantics<subcore_parallel>], iteration_bounds = array<i64: 2, 16>, scalar_prefetch = 0 : i64, scratch_operands = 3 : i64, tpu.core_type = #tpu.core_type<sc_vector_subcore>, window_params = [{transform_indices = #map}, {transform_indices = #map1}, {transform_indices = #map}, {transform_indices = #map1}]} {
    %mul3A = arith.constant 2 : i32
    %mul3A_0 = arith.muli %arg1, %mul3A : i32
    %add3A = arith.addi %mul3A_0, %arg0 : i32
    %mul3A_1 = arith.constant 640 : i32
    %mul3A_2 = arith.muli %arg1, %mul3A_1 : i32
    "tpu.region"() ({
      %run_scoped3A_19 = tpu.sem_alloc : memref<!tpu.dma_semaphore, #tpu.memory_space<semaphore_mem>>
      %dma_start3A = arith.constant 0 : i32
      %dma_start3A_20 = tpu.memref_slice %arg8[%mul3A_2, %dma_start3A] : memref<10240x64xf32, #tpu.memory_space<vmem_shared>> -> memref<640x64xf32, #tpu.memory_space<vmem_shared>>
      tpu.enqueue_dma source(%arg4 : memref<640x64xf32, #tpu.memory_space<hbm>>) target(%dma_start3A_20 : memref<640x64xf32, #tpu.memory_space<vmem_shared>>) target_semaphore(%run_scoped3A_19 : memref<!tpu.dma_semaphore, #tpu.memory_space<semaphore_mem>>)
      %dma_wait3A = arith.constant 0 : i32
      %dma_wait3A_21 = tpu.memref_slice %arg8[%mul3A_2, %dma_wait3A] : memref<10240x64xf32, #tpu.memory_space<vmem_shared>> -> memref<640x64xf32, #tpu.memory_space<vmem_shared>>
      tpu.wait_dma2 semaphore(%run_scoped3A_19 : memref<!tpu.dma_semaphore, #tpu.memory_space<semaphore_mem>>) src(%arg4 : memref<640x64xf32, #tpu.memory_space<hbm>>) dst(%dma_wait3A_21 : memref<640x64xf32, #tpu.memory_space<vmem_shared>>)
      tpu.yield
    }) : () -> ()
    "tpu.region"() ({
      %run_scoped3A_19 = tpu.sem_alloc : memref<!tpu.dma_semaphore, #tpu.memory_space<semaphore_mem>>
      %dma_start3A = arith.constant 0 : i32
      %dma_start3A_20 = arith.constant 0 : i32
      %dma_start3A_21 = tpu.memref_slice %arg3[%add3A, %dma_start3A, %dma_start3A_20] : memref<32x10x128xi32, #tpu.memory_space<hbm>> -> memref<1x10x128xi32, #tpu.memory_space<hbm>>
      %dma_start3A_22 = tpu.memref_squeeze %dma_start3A_21 : memref<1x10x128xi32, #tpu.memory_space<hbm>> -> memref<10x128xi32, #tpu.memory_space<hbm>>
      %dma_start3A_23 = arith.constant 0 : i32
      %dma_start3A_24 = arith.constant 0 : i32
      %dma_start3A_25 = tpu.memref_slice %arg3[%add3A, %dma_start3A_23, %dma_start3A_24] : memref<32x10x128xi32, #tpu.memory_space<hbm>> -> memref<1x10x128xi32, #tpu.memory_space<hbm>>
      %dma_start3A_26 = tpu.memref_squeeze %dma_start3A_25 : memref<1x10x128xi32, #tpu.memory_space<hbm>> -> memref<10x128xi32, #tpu.memory_space<hbm>>
      tpu.enqueue_dma source(%dma_start3A_26 : memref<10x128xi32, #tpu.memory_space<hbm>>) target(%arg6 : memref<10x128xi32, #tpu.memory_space<vmem>>) target_semaphore(%run_scoped3A_19 : memref<!tpu.dma_semaphore, #tpu.memory_space<semaphore_mem>>)
      %dma_wait3A = arith.constant 0 : i32
      %dma_wait3A_27 = arith.constant 0 : i32
      %dma_wait3A_28 = tpu.memref_slice %arg3[%add3A, %dma_wait3A, %dma_wait3A_27] : memref<32x10x128xi32, #tpu.memory_space<hbm>> -> memref<1x10x128xi32, #tpu.memory_space<hbm>>
      %dma_wait3A_29 = tpu.memref_squeeze %dma_wait3A_28 : memref<1x10x128xi32, #tpu.memory_space<hbm>> -> memref<10x128xi32, #tpu.memory_space<hbm>>
      %dma_wait3A_30 = arith.constant 0 : i32
      %dma_wait3A_31 = arith.constant 0 : i32
      %dma_wait3A_32 = tpu.memref_slice %arg3[%add3A, %dma_wait3A_30, %dma_wait3A_31] : memref<32x10x128xi32, #tpu.memory_space<hbm>> -> memref<1x10x128xi32, #tpu.memory_space<hbm>>
      %dma_wait3A_33 = tpu.memref_squeeze %dma_wait3A_32 : memref<1x10x128xi32, #tpu.memory_space<hbm>> -> memref<10x128xi32, #tpu.memory_space<hbm>>
      tpu.wait_dma2 semaphore(%run_scoped3A_19 : memref<!tpu.dma_semaphore, #tpu.memory_space<semaphore_mem>>) src(%dma_wait3A_33 : memref<10x128xi32, #tpu.memory_space<hbm>>) dst(%arg6 : memref<10x128xi32, #tpu.memory_space<vmem>>)
      tpu.yield
    }) : () -> ()
    %mul3A_3 = arith.constant 1280 : i32
    %mul3A_4 = arith.muli %add3A, %mul3A_3 : i32
    "tpu.region"() ({
      %run_scoped3A_19 = tpu.sem_alloc : memref<!tpu.dma_semaphore, #tpu.memory_space<semaphore_mem>>
      %dma_start3A = arith.constant 0 : i32
      %dma_start3A_20 = tpu.memref_slice %arg2[%mul3A_4, %dma_start3A] : memref<40960x64xf32, #tpu.memory_space<hbm>> -> memref<1280x64xf32, #tpu.memory_space<hbm>>
      %dma_start3A_21 = arith.constant 0 : i32
      %dma_start3A_22 = tpu.memref_slice %arg2[%mul3A_4, %dma_start3A_21] : memref<40960x64xf32, #tpu.memory_space<hbm>> -> memref<1280x64xf32, #tpu.memory_space<hbm>>
      tpu.enqueue_dma source(%dma_start3A_22 : memref<1280x64xf32, #tpu.memory_space<hbm>>) target(%arg7 : memref<1280x64xf32, #tpu.memory_space<vmem>>) target_semaphore(%run_scoped3A_19 : memref<!tpu.dma_semaphore, #tpu.memory_space<semaphore_mem>>)
      %dma_wait3A = arith.constant 0 : i32
      %dma_wait3A_23 = tpu.memref_slice %arg2[%mul3A_4, %dma_wait3A] : memref<40960x64xf32, #tpu.memory_space<hbm>> -> memref<1280x64xf32, #tpu.memory_space<hbm>>
      %dma_wait3A_24 = arith.constant 0 : i32
      %dma_wait3A_25 = tpu.memref_slice %arg2[%mul3A_4, %dma_wait3A_24] : memref<40960x64xf32, #tpu.memory_space<hbm>> -> memref<1280x64xf32, #tpu.memory_space<hbm>>
      tpu.wait_dma2 semaphore(%run_scoped3A_19 : memref<!tpu.dma_semaphore, #tpu.memory_space<semaphore_mem>>) src(%dma_wait3A_25 : memref<1280x64xf32, #tpu.memory_space<hbm>>) dst(%arg7 : memref<1280x64xf32, #tpu.memory_space<vmem>>)
      tpu.yield
    }) : () -> ()
    %barrier3A = arith.constant 0 : index
    tpu.barrier barrier_id(%barrier3A)
    %run_scoped3A = arith.constant 0 : i32
    "tpu.region"() ({
      %run_scoped3A_19 = tpu.sem_alloc : memref<!tpu.dma_semaphore, #tpu.memory_space<semaphore_mem>>
      %dma_start3A = arith.constant 0 : i32
      %dma_start3A_20 = arith.constant 0 : i32
      %dma_start3A_21 = tpu.memref_slice %arg7[%dma_start3A, %dma_start3A_20] : memref<1280x64xf32, #tpu.memory_space<vmem>> -> memref<128x64xf32, #tpu.memory_space<vmem>>
      %dma_start3A_22 = arith.constant 0 : i32
      %dma_start3A_23 = tpu.memref_slice %arg6[%run_scoped3A, %dma_start3A_22] : memref<10x128xi32, #tpu.memory_space<vmem>> -> memref<1x128xi32, #tpu.memory_space<vmem>>
      %dma_start3A_24 = tpu.memref_squeeze %dma_start3A_23 : memref<1x128xi32, #tpu.memory_space<vmem>> -> memref<128xi32, #tpu.memory_space<vmem>>
      %dma_start3A_25 = arith.constant 0 : i32
      %dma_start3A_26 = arith.constant 0 : i32
      %dma_start3A_27 = tpu.memref_slice %arg8[%dma_start3A_25, %dma_start3A_26] : memref<10240x64xf32, #tpu.memory_space<vmem_shared>> -> memref<10240x64xf32, #tpu.memory_space<vmem_shared>>
      tpu.enqueue_indirect_dma source(%dma_start3A_21 : memref<128x64xf32, #tpu.memory_space<vmem>>) target(%dma_start3A_27 : memref<10240x64xf32, #tpu.memory_space<vmem_shared>>) offsets(%dma_start3A_24 : memref<128xi32, #tpu.memory_space<vmem>>) semaphore(%run_scoped3A_19 : memref<!tpu.dma_semaphore, #tpu.memory_space<semaphore_mem>>) {add = true}
      %dma_wait3A = arith.constant 0 : i32
      %dma_wait3A_28 = arith.constant 0 : i32
      %dma_wait3A_29 = tpu.memref_slice %arg7[%dma_wait3A, %dma_wait3A_28] : memref<1280x64xf32, #tpu.memory_space<vmem>> -> memref<128x64xf32, #tpu.memory_space<vmem>>
      %dma_wait3A_30 = arith.constant 0 : i32
      %dma_wait3A_31 = tpu.memref_slice %arg6[%run_scoped3A, %dma_wait3A_30] : memref<10x128xi32, #tpu.memory_space<vmem>> -> memref<1x128xi32, #tpu.memory_space<vmem>>
      %dma_wait3A_32 = tpu.memref_squeeze %dma_wait3A_31 : memref<1x128xi32, #tpu.memory_space<vmem>> -> memref<128xi32, #tpu.memory_space<vmem>>
      %dma_wait3A_33 = arith.constant 0 : i32
      %dma_wait3A_34 = arith.constant 0 : i32
      %dma_wait3A_35 = tpu.memref_slice %arg8[%dma_wait3A_33, %dma_wait3A_34] : memref<10240x64xf32, #tpu.memory_space<vmem_shared>> -> memref<10240x64xf32, #tpu.memory_space<vmem_shared>>
      tpu.wait_indirect_dma semaphore(%run_scoped3A_19 : memref<!tpu.dma_semaphore, #tpu.memory_space<semaphore_mem>>) src(%dma_wait3A_29 : memref<128x64xf32, #tpu.memory_space<vmem>>) dst(%dma_wait3A_35 : memref<10240x64xf32, #tpu.memory_space<vmem_shared>>)
      tpu.yield
    }) : () -> ()
    %run_scoped3A_5 = arith.constant 1 : i32
    "tpu.region"() ({
      %run_scoped3A_19 = tpu.sem_alloc : memref<!tpu.dma_semaphore, #tpu.memory_space<semaphore_mem>>
      %dma_start3A = arith.constant 128 : i32
      %dma_start3A_20 = arith.constant 0 : i32
      %dma_start3A_21 = tpu.memref_slice %arg7[%dma_start3A, %dma_start3A_20] : memref<1280x64xf32, #tpu.memory_space<vmem>> -> memref<128x64xf32, #tpu.memory_space<vmem>>
      %dma_start3A_22 = arith.constant 0 : i32
      %dma_start3A_23 = tpu.memref_slice %arg6[%run_scoped3A_5, %dma_start3A_22] : memref<10x128xi32, #tpu.memory_space<vmem>> -> memref<1x128xi32, #tpu.memory_space<vmem>>
      %dma_start3A_24 = tpu.memref_squeeze %dma_start3A_23 : memref<1x128xi32, #tpu.memory_space<vmem>> -> memref<128xi32, #tpu.memory_space<vmem>>
      %dma_start3A_25 = arith.constant 0 : i32
      %dma_start3A_26 = arith.constant 0 : i32
      %dma_start3A_27 = tpu.memref_slice %arg8[%dma_start3A_25, %dma_start3A_26] : memref<10240x64xf32, #tpu.memory_space<vmem_shared>> -> memref<10240x64xf32, #tpu.memory_space<vmem_shared>>
      tpu.enqueue_indirect_dma source(%dma_start3A_21 : memref<128x64xf32, #tpu.memory_space<vmem>>) target(%dma_start3A_27 : memref<10240x64xf32, #tpu.memory_space<vmem_shared>>) offsets(%dma_start3A_24 : memref<128xi32, #tpu.memory_space<vmem>>) semaphore(%run_scoped3A_19 : memref<!tpu.dma_semaphore, #tpu.memory_space<semaphore_mem>>) {add = true}
      %dma_wait3A = arith.constant 128 : i32
      %dma_wait3A_28 = arith.constant 0 : i32
      %dma_wait3A_29 = tpu.memref_slice %arg7[%dma_wait3A, %dma_wait3A_28] : memref<1280x64xf32, #tpu.memory_space<vmem>> -> memref<128x64xf32, #tpu.memory_space<vmem>>
      %dma_wait3A_30 = arith.constant 0 : i32
      %dma_wait3A_31 = tpu.memref_slice %arg6[%run_scoped3A_5, %dma_wait3A_30] : memref<10x128xi32, #tpu.memory_space<vmem>> -> memref<1x128xi32, #tpu.memory_space<vmem>>
      %dma_wait3A_32 = tpu.memref_squeeze %dma_wait3A_31 : memref<1x128xi32, #tpu.memory_space<vmem>> -> memref<128xi32, #tpu.memory_space<vmem>>
      %dma_wait3A_33 = arith.constant 0 : i32
      %dma_wait3A_34 = arith.constant 0 : i32
      %dma_wait3A_35 = tpu.memref_slice %arg8[%dma_wait3A_33, %dma_wait3A_34] : memref<10240x64xf32, #tpu.memory_space<vmem_shared>> -> memref<10240x64xf32, #tpu.memory_space<vmem_shared>>
      tpu.wait_indirect_dma semaphore(%run_scoped3A_19 : memref<!tpu.dma_semaphore, #tpu.memory_space<semaphore_mem>>) src(%dma_wait3A_29 : memref<128x64xf32, #tpu.memory_space<vmem>>) dst(%dma_wait3A_35 : memref<10240x64xf32, #tpu.memory_space<vmem_shared>>)
      tpu.yield
    }) : () -> ()
    %run_scoped3A_6 = arith.constant 2 : i32
    "tpu.region"() ({
      %run_scoped3A_19 = tpu.sem_alloc : memref<!tpu.dma_semaphore, #tpu.memory_space<semaphore_mem>>
      %dma_start3A = arith.constant 256 : i32
      %dma_start3A_20 = arith.constant 0 : i32
      %dma_start3A_21 = tpu.memref_slice %arg7[%dma_start3A, %dma_start3A_20] : memref<1280x64xf32, #tpu.memory_space<vmem>> -> memref<128x64xf32, #tpu.memory_space<vmem>>
      %dma_start3A_22 = arith.constant 0 : i32
      %dma_start3A_23 = tpu.memref_slice %arg6[%run_scoped3A_6, %dma_start3A_22] : memref<10x128xi32, #tpu.memory_space<vmem>> -> memref<1x128xi32, #tpu.memory_space<vmem>>
      %dma_start3A_24 = tpu.memref_squeeze %dma_start3A_23 : memref<1x128xi32, #tpu.memory_space<vmem>> -> memref<128xi32, #tpu.memory_space<vmem>>
      %dma_start3A_25 = arith.constant 0 : i32
      %dma_start3A_26 = arith.constant 0 : i32
      %dma_start3A_27 = tpu.memref_slice %arg8[%dma_start3A_25, %dma_start3A_26] : memref<10240x64xf32, #tpu.memory_space<vmem_shared>> -> memref<10240x64xf32, #tpu.memory_space<vmem_shared>>
      tpu.enqueue_indirect_dma source(%dma_start3A_21 : memref<128x64xf32, #tpu.memory_space<vmem>>) target(%dma_start3A_27 : memref<10240x64xf32, #tpu.memory_space<vmem_shared>>) offsets(%dma_start3A_24 : memref<128xi32, #tpu.memory_space<vmem>>) semaphore(%run_scoped3A_19 : memref<!tpu.dma_semaphore, #tpu.memory_space<semaphore_mem>>) {add = true}
      %dma_wait3A = arith.constant 256 : i32
      %dma_wait3A_28 = arith.constant 0 : i32
      %dma_wait3A_29 = tpu.memref_slice %arg7[%dma_wait3A, %dma_wait3A_28] : memref<1280x64xf32, #tpu.memory_space<vmem>> -> memref<128x64xf32, #tpu.memory_space<vmem>>
      %dma_wait3A_30 = arith.constant 0 : i32
      %dma_wait3A_31 = tpu.memref_slice %arg6[%run_scoped3A_6, %dma_wait3A_30] : memref<10x128xi32, #tpu.memory_space<vmem>> -> memref<1x128xi32, #tpu.memory_space<vmem>>
      %dma_wait3A_32 = tpu.memref_squeeze %dma_wait3A_31 : memref<1x128xi32, #tpu.memory_space<vmem>> -> memref<128xi32, #tpu.memory_space<vmem>>
      %dma_wait3A_33 = arith.constant 0 : i32
      %dma_wait3A_34 = arith.constant 0 : i32
      %dma_wait3A_35 = tpu.memref_slice %arg8[%dma_wait3A_33, %dma_wait3A_34] : memref<10240x64xf32, #tpu.memory_space<vmem_shared>> -> memref<10240x64xf32, #tpu.memory_space<vmem_shared>>
      tpu.wait_indirect_dma semaphore(%run_scoped3A_19 : memref<!tpu.dma_semaphore, #tpu.memory_space<semaphore_mem>>) src(%dma_wait3A_29 : memref<128x64xf32, #tpu.memory_space<vmem>>) dst(%dma_wait3A_35 : memref<10240x64xf32, #tpu.memory_space<vmem_shared>>)
      tpu.yield
    }) : () -> ()
    %run_scoped3A_7 = arith.constant 3 : i32
    "tpu.region"() ({
      %run_scoped3A_19 = tpu.sem_alloc : memref<!tpu.dma_semaphore, #tpu.memory_space<semaphore_mem>>
      %dma_start3A = arith.constant 384 : i32
      %dma_start3A_20 = arith.constant 0 : i32
      %dma_start3A_21 = tpu.memref_slice %arg7[%dma_start3A, %dma_start3A_20] : memref<1280x64xf32, #tpu.memory_space<vmem>> -> memref<128x64xf32, #tpu.memory_space<vmem>>
      %dma_start3A_22 = arith.constant 0 : i32
      %dma_start3A_23 = tpu.memref_slice %arg6[%run_scoped3A_7, %dma_start3A_22] : memref<10x128xi32, #tpu.memory_space<vmem>> -> memref<1x128xi32, #tpu.memory_space<vmem>>
      %dma_start3A_24 = tpu.memref_squeeze %dma_start3A_23 : memref<1x128xi32, #tpu.memory_space<vmem>> -> memref<128xi32, #tpu.memory_space<vmem>>
      %dma_start3A_25 = arith.constant 0 : i32
      %dma_start3A_26 = arith.constant 0 : i32
      %dma_start3A_27 = tpu.memref_slice %arg8[%dma_start3A_25, %dma_start3A_26] : memref<10240x64xf32, #tpu.memory_space<vmem_shared>> -> memref<10240x64xf32, #tpu.memory_space<vmem_shared>>
      tpu.enqueue_indirect_dma source(%dma_start3A_21 : memref<128x64xf32, #tpu.memory_space<vmem>>) target(%dma_start3A_27 : memref<10240x64xf32, #tpu.memory_space<vmem_shared>>) offsets(%dma_start3A_24 : memref<128xi32, #tpu.memory_space<vmem>>) semaphore(%run_scoped3A_19 : memref<!tpu.dma_semaphore, #tpu.memory_space<semaphore_mem>>) {add = true}
      %dma_wait3A = arith.constant 384 : i32
      %dma_wait3A_28 = arith.constant 0 : i32
      %dma_wait3A_29 = tpu.memref_slice %arg7[%dma_wait3A, %dma_wait3A_28] : memref<1280x64xf32, #tpu.memory_space<vmem>> -> memref<128x64xf32, #tpu.memory_space<vmem>>
      %dma_wait3A_30 = arith.constant 0 : i32
      %dma_wait3A_31 = tpu.memref_slice %arg6[%run_scoped3A_7, %dma_wait3A_30] : memref<10x128xi32, #tpu.memory_space<vmem>> -> memref<1x128xi32, #tpu.memory_space<vmem>>
      %dma_wait3A_32 = tpu.memref_squeeze %dma_wait3A_31 : memref<1x128xi32, #tpu.memory_space<vmem>> -> memref<128xi32, #tpu.memory_space<vmem>>
      %dma_wait3A_33 = arith.constant 0 : i32
      %dma_wait3A_34 = arith.constant 0 : i32
      %dma_wait3A_35 = tpu.memref_slice %arg8[%dma_wait3A_33, %dma_wait3A_34] : memref<10240x64xf32, #tpu.memory_space<vmem_shared>> -> memref<10240x64xf32, #tpu.memory_space<vmem_shared>>
      tpu.wait_indirect_dma semaphore(%run_scoped3A_19 : memref<!tpu.dma_semaphore, #tpu.memory_space<semaphore_mem>>) src(%dma_wait3A_29 : memref<128x64xf32, #tpu.memory_space<vmem>>) dst(%dma_wait3A_35 : memref<10240x64xf32, #tpu.memory_space<vmem_shared>>)
      tpu.yield
    }) : () -> ()
    %run_scoped3A_8 = arith.constant 4 : i32
    "tpu.region"() ({
      %run_scoped3A_19 = tpu.sem_alloc : memref<!tpu.dma_semaphore, #tpu.memory_space<semaphore_mem>>
      %dma_start3A = arith.constant 512 : i32
      %dma_start3A_20 = arith.constant 0 : i32
      %dma_start3A_21 = tpu.memref_slice %arg7[%dma_start3A, %dma_start3A_20] : memref<1280x64xf32, #tpu.memory_space<vmem>> -> memref<128x64xf32, #tpu.memory_space<vmem>>
      %dma_start3A_22 = arith.constant 0 : i32
      %dma_start3A_23 = tpu.memref_slice %arg6[%run_scoped3A_8, %dma_start3A_22] : memref<10x128xi32, #tpu.memory_space<vmem>> -> memref<1x128xi32, #tpu.memory_space<vmem>>
      %dma_start3A_24 = tpu.memref_squeeze %dma_start3A_23 : memref<1x128xi32, #tpu.memory_space<vmem>> -> memref<128xi32, #tpu.memory_space<vmem>>
      %dma_start3A_25 = arith.constant 0 : i32
      %dma_start3A_26 = arith.constant 0 : i32
      %dma_start3A_27 = tpu.memref_slice %arg8[%dma_start3A_25, %dma_start3A_26] : memref<10240x64xf32, #tpu.memory_space<vmem_shared>> -> memref<10240x64xf32, #tpu.memory_space<vmem_shared>>
      tpu.enqueue_indirect_dma source(%dma_start3A_21 : memref<128x64xf32, #tpu.memory_space<vmem>>) target(%dma_start3A_27 : memref<10240x64xf32, #tpu.memory_space<vmem_shared>>) offsets(%dma_start3A_24 : memref<128xi32, #tpu.memory_space<vmem>>) semaphore(%run_scoped3A_19 : memref<!tpu.dma_semaphore, #tpu.memory_space<semaphore_mem>>) {add = true}
      %dma_wait3A = arith.constant 512 : i32
      %dma_wait3A_28 = arith.constant 0 : i32
      %dma_wait3A_29 = tpu.memref_slice %arg7[%dma_wait3A, %dma_wait3A_28] : memref<1280x64xf32, #tpu.memory_space<vmem>> -> memref<128x64xf32, #tpu.memory_space<vmem>>
      %dma_wait3A_30 = arith.constant 0 : i32
      %dma_wait3A_31 = tpu.memref_slice %arg6[%run_scoped3A_8, %dma_wait3A_30] : memref<10x128xi32, #tpu.memory_space<vmem>> -> memref<1x128xi32, #tpu.memory_space<vmem>>
      %dma_wait3A_32 = tpu.memref_squeeze %dma_wait3A_31 : memref<1x128xi32, #tpu.memory_space<vmem>> -> memref<128xi32, #tpu.memory_space<vmem>>
      %dma_wait3A_33 = arith.constant 0 : i32
      %dma_wait3A_34 = arith.constant 0 : i32
      %dma_wait3A_35 = tpu.memref_slice %arg8[%dma_wait3A_33, %dma_wait3A_34] : memref<10240x64xf32, #tpu.memory_space<vmem_shared>> -> memref<10240x64xf32, #tpu.memory_space<vmem_shared>>
      tpu.wait_indirect_dma semaphore(%run_scoped3A_19 : memref<!tpu.dma_semaphore, #tpu.memory_space<semaphore_mem>>) src(%dma_wait3A_29 : memref<128x64xf32, #tpu.memory_space<vmem>>) dst(%dma_wait3A_35 : memref<10240x64xf32, #tpu.memory_space<vmem_shared>>)
      tpu.yield
    }) : () -> ()
    %run_scoped3A_9 = arith.constant 5 : i32
    "tpu.region"() ({
      %run_scoped3A_19 = tpu.sem_alloc : memref<!tpu.dma_semaphore, #tpu.memory_space<semaphore_mem>>
      %dma_start3A = arith.constant 640 : i32
      %dma_start3A_20 = arith.constant 0 : i32
      %dma_start3A_21 = tpu.memref_slice %arg7[%dma_start3A, %dma_start3A_20] : memref<1280x64xf32, #tpu.memory_space<vmem>> -> memref<128x64xf32, #tpu.memory_space<vmem>>
      %dma_start3A_22 = arith.constant 0 : i32
      %dma_start3A_23 = tpu.memref_slice %arg6[%run_scoped3A_9, %dma_start3A_22] : memref<10x128xi32, #tpu.memory_space<vmem>> -> memref<1x128xi32, #tpu.memory_space<vmem>>
      %dma_start3A_24 = tpu.memref_squeeze %dma_start3A_23 : memref<1x128xi32, #tpu.memory_space<vmem>> -> memref<128xi32, #tpu.memory_space<vmem>>
      %dma_start3A_25 = arith.constant 0 : i32
      %dma_start3A_26 = arith.constant 0 : i32
      %dma_start3A_27 = tpu.memref_slice %arg8[%dma_start3A_25, %dma_start3A_26] : memref<10240x64xf32, #tpu.memory_space<vmem_shared>> -> memref<10240x64xf32, #tpu.memory_space<vmem_shared>>
      tpu.enqueue_indirect_dma source(%dma_start3A_21 : memref<128x64xf32, #tpu.memory_space<vmem>>) target(%dma_start3A_27 : memref<10240x64xf32, #tpu.memory_space<vmem_shared>>) offsets(%dma_start3A_24 : memref<128xi32, #tpu.memory_space<vmem>>) semaphore(%run_scoped3A_19 : memref<!tpu.dma_semaphore, #tpu.memory_space<semaphore_mem>>) {add = true}
      %dma_wait3A = arith.constant 640 : i32
      %dma_wait3A_28 = arith.constant 0 : i32
      %dma_wait3A_29 = tpu.memref_slice %arg7[%dma_wait3A, %dma_wait3A_28] : memref<1280x64xf32, #tpu.memory_space<vmem>> -> memref<128x64xf32, #tpu.memory_space<vmem>>
      %dma_wait3A_30 = arith.constant 0 : i32
      %dma_wait3A_31 = tpu.memref_slice %arg6[%run_scoped3A_9, %dma_wait3A_30] : memref<10x128xi32, #tpu.memory_space<vmem>> -> memref<1x128xi32, #tpu.memory_space<vmem>>
      %dma_wait3A_32 = tpu.memref_squeeze %dma_wait3A_31 : memref<1x128xi32, #tpu.memory_space<vmem>> -> memref<128xi32, #tpu.memory_space<vmem>>
      %dma_wait3A_33 = arith.constant 0 : i32
      %dma_wait3A_34 = arith.constant 0 : i32
      %dma_wait3A_35 = tpu.memref_slice %arg8[%dma_wait3A_33, %dma_wait3A_34] : memref<10240x64xf32, #tpu.memory_space<vmem_shared>> -> memref<10240x64xf32, #tpu.memory_space<vmem_shared>>
      tpu.wait_indirect_dma semaphore(%run_scoped3A_19 : memref<!tpu.dma_semaphore, #tpu.memory_space<semaphore_mem>>) src(%dma_wait3A_29 : memref<128x64xf32, #tpu.memory_space<vmem>>) dst(%dma_wait3A_35 : memref<10240x64xf32, #tpu.memory_space<vmem_shared>>)
      tpu.yield
    }) : () -> ()
    %run_scoped3A_10 = arith.constant 6 : i32
    "tpu.region"() ({
      %run_scoped3A_19 = tpu.sem_alloc : memref<!tpu.dma_semaphore, #tpu.memory_space<semaphore_mem>>
      %dma_start3A = arith.constant 768 : i32
      %dma_start3A_20 = arith.constant 0 : i32
      %dma_start3A_21 = tpu.memref_slice %arg7[%dma_start3A, %dma_start3A_20] : memref<1280x64xf32, #tpu.memory_space<vmem>> -> memref<128x64xf32, #tpu.memory_space<vmem>>
      %dma_start3A_22 = arith.constant 0 : i32
      %dma_start3A_23 = tpu.memref_slice %arg6[%run_scoped3A_10, %dma_start3A_22] : memref<10x128xi32, #tpu.memory_space<vmem>> -> memref<1x128xi32, #tpu.memory_space<vmem>>
      %dma_start3A_24 = tpu.memref_squeeze %dma_start3A_23 : memref<1x128xi32, #tpu.memory_space<vmem>> -> memref<128xi32, #tpu.memory_space<vmem>>
      %dma_start3A_25 = arith.constant 0 : i32
      %dma_start3A_26 = arith.constant 0 : i32
      %dma_start3A_27 = tpu.memref_slice %arg8[%dma_start3A_25, %dma_start3A_26] : memref<10240x64xf32, #tpu.memory_space<vmem_shared>> -> memref<10240x64xf32, #tpu.memory_space<vmem_shared>>
      tpu.enqueue_indirect_dma source(%dma_start3A_21 : memref<128x64xf32, #tpu.memory_space<vmem>>) target(%dma_start3A_27 : memref<10240x64xf32, #tpu.memory_space<vmem_shared>>) offsets(%dma_start3A_24 : memref<128xi32, #tpu.memory_space<vmem>>) semaphore(%run_scoped3A_19 : memref<!tpu.dma_semaphore, #tpu.memory_space<semaphore_mem>>) {add = true}
      %dma_wait3A = arith.constant 768 : i32
      %dma_wait3A_28 = arith.constant 0 : i32
      %dma_wait3A_29 = tpu.memref_slice %arg7[%dma_wait3A, %dma_wait3A_28] : memref<1280x64xf32, #tpu.memory_space<vmem>> -> memref<128x64xf32, #tpu.memory_space<vmem>>
      %dma_wait3A_30 = arith.constant 0 : i32
      %dma_wait3A_31 = tpu.memref_slice %arg6[%run_scoped3A_10, %dma_wait3A_30] : memref<10x128xi32, #tpu.memory_space<vmem>> -> memref<1x128xi32, #tpu.memory_space<vmem>>
      %dma_wait3A_32 = tpu.memref_squeeze %dma_wait3A_31 : memref<1x128xi32, #tpu.memory_space<vmem>> -> memref<128xi32, #tpu.memory_space<vmem>>
      %dma_wait3A_33 = arith.constant 0 : i32
      %dma_wait3A_34 = arith.constant 0 : i32
      %dma_wait3A_35 = tpu.memref_slice %arg8[%dma_wait3A_33, %dma_wait3A_34] : memref<10240x64xf32, #tpu.memory_space<vmem_shared>> -> memref<10240x64xf32, #tpu.memory_space<vmem_shared>>
      tpu.wait_indirect_dma semaphore(%run_scoped3A_19 : memref<!tpu.dma_semaphore, #tpu.memory_space<semaphore_mem>>) src(%dma_wait3A_29 : memref<128x64xf32, #tpu.memory_space<vmem>>) dst(%dma_wait3A_35 : memref<10240x64xf32, #tpu.memory_space<vmem_shared>>)
      tpu.yield
    }) : () -> ()
    %run_scoped3A_11 = arith.constant 7 : i32
    "tpu.region"() ({
      %run_scoped3A_19 = tpu.sem_alloc : memref<!tpu.dma_semaphore, #tpu.memory_space<semaphore_mem>>
      %dma_start3A = arith.constant 896 : i32
      %dma_start3A_20 = arith.constant 0 : i32
      %dma_start3A_21 = tpu.memref_slice %arg7[%dma_start3A, %dma_start3A_20] : memref<1280x64xf32, #tpu.memory_space<vmem>> -> memref<128x64xf32, #tpu.memory_space<vmem>>
      %dma_start3A_22 = arith.constant 0 : i32
      %dma_start3A_23 = tpu.memref_slice %arg6[%run_scoped3A_11, %dma_start3A_22] : memref<10x128xi32, #tpu.memory_space<vmem>> -> memref<1x128xi32, #tpu.memory_space<vmem>>
      %dma_start3A_24 = tpu.memref_squeeze %dma_start3A_23 : memref<1x128xi32, #tpu.memory_space<vmem>> -> memref<128xi32, #tpu.memory_space<vmem>>
      %dma_start3A_25 = arith.constant 0 : i32
      %dma_start3A_26 = arith.constant 0 : i32
      %dma_start3A_27 = tpu.memref_slice %arg8[%dma_start3A_25, %dma_start3A_26] : memref<10240x64xf32, #tpu.memory_space<vmem_shared>> -> memref<10240x64xf32, #tpu.memory_space<vmem_shared>>
      tpu.enqueue_indirect_dma source(%dma_start3A_21 : memref<128x64xf32, #tpu.memory_space<vmem>>) target(%dma_start3A_27 : memref<10240x64xf32, #tpu.memory_space<vmem_shared>>) offsets(%dma_start3A_24 : memref<128xi32, #tpu.memory_space<vmem>>) semaphore(%run_scoped3A_19 : memref<!tpu.dma_semaphore, #tpu.memory_space<semaphore_mem>>) {add = true}
      %dma_wait3A = arith.constant 896 : i32
      %dma_wait3A_28 = arith.constant 0 : i32
      %dma_wait3A_29 = tpu.memref_slice %arg7[%dma_wait3A, %dma_wait3A_28] : memref<1280x64xf32, #tpu.memory_space<vmem>> -> memref<128x64xf32, #tpu.memory_space<vmem>>
      %dma_wait3A_30 = arith.constant 0 : i32
      %dma_wait3A_31 = tpu.memref_slice %arg6[%run_scoped3A_11, %dma_wait3A_30] : memref<10x128xi32, #tpu.memory_space<vmem>> -> memref<1x128xi32, #tpu.memory_space<vmem>>
      %dma_wait3A_32 = tpu.memref_squeeze %dma_wait3A_31 : memref<1x128xi32, #tpu.memory_space<vmem>> -> memref<128xi32, #tpu.memory_space<vmem>>
      %dma_wait3A_33 = arith.constant 0 : i32
      %dma_wait3A_34 = arith.constant 0 : i32
      %dma_wait3A_35 = tpu.memref_slice %arg8[%dma_wait3A_33, %dma_wait3A_34] : memref<10240x64xf32, #tpu.memory_space<vmem_shared>> -> memref<10240x64xf32, #tpu.memory_space<vmem_shared>>
      tpu.wait_indirect_dma semaphore(%run_scoped3A_19 : memref<!tpu.dma_semaphore, #tpu.memory_space<semaphore_mem>>) src(%dma_wait3A_29 : memref<128x64xf32, #tpu.memory_space<vmem>>) dst(%dma_wait3A_35 : memref<10240x64xf32, #tpu.memory_space<vmem_shared>>)
      tpu.yield
    }) : () -> ()
    %run_scoped3A_12 = arith.constant 8 : i32
    "tpu.region"() ({
      %run_scoped3A_19 = tpu.sem_alloc : memref<!tpu.dma_semaphore, #tpu.memory_space<semaphore_mem>>
      %dma_start3A = arith.constant 1024 : i32
      %dma_start3A_20 = arith.constant 0 : i32
      %dma_start3A_21 = tpu.memref_slice %arg7[%dma_start3A, %dma_start3A_20] : memref<1280x64xf32, #tpu.memory_space<vmem>> -> memref<128x64xf32, #tpu.memory_space<vmem>>
      %dma_start3A_22 = arith.constant 0 : i32
      %dma_start3A_23 = tpu.memref_slice %arg6[%run_scoped3A_12, %dma_start3A_22] : memref<10x128xi32, #tpu.memory_space<vmem>> -> memref<1x128xi32, #tpu.memory_space<vmem>>
      %dma_start3A_24 = tpu.memref_squeeze %dma_start3A_23 : memref<1x128xi32, #tpu.memory_space<vmem>> -> memref<128xi32, #tpu.memory_space<vmem>>
      %dma_start3A_25 = arith.constant 0 : i32
      %dma_start3A_26 = arith.constant 0 : i32
      %dma_start3A_27 = tpu.memref_slice %arg8[%dma_start3A_25, %dma_start3A_26] : memref<10240x64xf32, #tpu.memory_space<vmem_shared>> -> memref<10240x64xf32, #tpu.memory_space<vmem_shared>>
      tpu.enqueue_indirect_dma source(%dma_start3A_21 : memref<128x64xf32, #tpu.memory_space<vmem>>) target(%dma_start3A_27 : memref<10240x64xf32, #tpu.memory_space<vmem_shared>>) offsets(%dma_start3A_24 : memref<128xi32, #tpu.memory_space<vmem>>) semaphore(%run_scoped3A_19 : memref<!tpu.dma_semaphore, #tpu.memory_space<semaphore_mem>>) {add = true}
      %dma_wait3A = arith.constant 1024 : i32
      %dma_wait3A_28 = arith.constant 0 : i32
      %dma_wait3A_29 = tpu.memref_slice %arg7[%dma_wait3A, %dma_wait3A_28] : memref<1280x64xf32, #tpu.memory_space<vmem>> -> memref<128x64xf32, #tpu.memory_space<vmem>>
      %dma_wait3A_30 = arith.constant 0 : i32
      %dma_wait3A_31 = tpu.memref_slice %arg6[%run_scoped3A_12, %dma_wait3A_30] : memref<10x128xi32, #tpu.memory_space<vmem>> -> memref<1x128xi32, #tpu.memory_space<vmem>>
      %dma_wait3A_32 = tpu.memref_squeeze %dma_wait3A_31 : memref<1x128xi32, #tpu.memory_space<vmem>> -> memref<128xi32, #tpu.memory_space<vmem>>
      %dma_wait3A_33 = arith.constant 0 : i32
      %dma_wait3A_34 = arith.constant 0 : i32
      %dma_wait3A_35 = tpu.memref_slice %arg8[%dma_wait3A_33, %dma_wait3A_34] : memref<10240x64xf32, #tpu.memory_space<vmem_shared>> -> memref<10240x64xf32, #tpu.memory_space<vmem_shared>>
      tpu.wait_indirect_dma semaphore(%run_scoped3A_19 : memref<!tpu.dma_semaphore, #tpu.memory_space<semaphore_mem>>) src(%dma_wait3A_29 : memref<128x64xf32, #tpu.memory_space<vmem>>) dst(%dma_wait3A_35 : memref<10240x64xf32, #tpu.memory_space<vmem_shared>>)
      tpu.yield
    }) : () -> ()
    %run_scoped3A_13 = arith.constant 9 : i32
    "tpu.region"() ({
      %run_scoped3A_19 = tpu.sem_alloc : memref<!tpu.dma_semaphore, #tpu.memory_space<semaphore_mem>>
      %dma_start3A = arith.constant 1152 : i32
      %dma_start3A_20 = arith.constant 0 : i32
      %dma_start3A_21 = tpu.memref_slice %arg7[%dma_start3A, %dma_start3A_20] : memref<1280x64xf32, #tpu.memory_space<vmem>> -> memref<128x64xf32, #tpu.memory_space<vmem>>
      %dma_start3A_22 = arith.constant 0 : i32
      %dma_start3A_23 = tpu.memref_slice %arg6[%run_scoped3A_13, %dma_start3A_22] : memref<10x128xi32, #tpu.memory_space<vmem>> -> memref<1x128xi32, #tpu.memory_space<vmem>>
      %dma_start3A_24 = tpu.memref_squeeze %dma_start3A_23 : memref<1x128xi32, #tpu.memory_space<vmem>> -> memref<128xi32, #tpu.memory_space<vmem>>
      %dma_start3A_25 = arith.constant 0 : i32
      %dma_start3A_26 = arith.constant 0 : i32
      %dma_start3A_27 = tpu.memref_slice %arg8[%dma_start3A_25, %dma_start3A_26] : memref<10240x64xf32, #tpu.memory_space<vmem_shared>> -> memref<10240x64xf32, #tpu.memory_space<vmem_shared>>
      tpu.enqueue_indirect_dma source(%dma_start3A_21 : memref<128x64xf32, #tpu.memory_space<vmem>>) target(%dma_start3A_27 : memref<10240x64xf32, #tpu.memory_space<vmem_shared>>) offsets(%dma_start3A_24 : memref<128xi32, #tpu.memory_space<vmem>>) semaphore(%run_scoped3A_19 : memref<!tpu.dma_semaphore, #tpu.memory_space<semaphore_mem>>) {add = true}
      %dma_wait3A = arith.constant 1152 : i32
      %dma_wait3A_28 = arith.constant 0 : i32
      %dma_wait3A_29 = tpu.memref_slice %arg7[%dma_wait3A, %dma_wait3A_28] : memref<1280x64xf32, #tpu.memory_space<vmem>> -> memref<128x64xf32, #tpu.memory_space<vmem>>
      %dma_wait3A_30 = arith.constant 0 : i32
      %dma_wait3A_31 = tpu.memref_slice %arg6[%run_scoped3A_13, %dma_wait3A_30] : memref<10x128xi32, #tpu.memory_space<vmem>> -> memref<1x128xi32, #tpu.memory_space<vmem>>
      %dma_wait3A_32 = tpu.memref_squeeze %dma_wait3A_31 : memref<1x128xi32, #tpu.memory_space<vmem>> -> memref<128xi32, #tpu.memory_space<vmem>>
      %dma_wait3A_33 = arith.constant 0 : i32
      %dma_wait3A_34 = arith.constant 0 : i32
      %dma_wait3A_35 = tpu.memref_slice %arg8[%dma_wait3A_33, %dma_wait3A_34] : memref<10240x64xf32, #tpu.memory_space<vmem_shared>> -> memref<10240x64xf32, #tpu.memory_space<vmem_shared>>
      tpu.wait_indirect_dma semaphore(%run_scoped3A_19 : memref<!tpu.dma_semaphore, #tpu.memory_space<semaphore_mem>>) src(%dma_wait3A_29 : memref<128x64xf32, #tpu.memory_space<vmem>>) dst(%dma_wait3A_35 : memref<10240x64xf32, #tpu.memory_space<vmem_shared>>)
      tpu.yield
    }) : () -> ()
    %barrier3A_14 = arith.constant 0 : index
    tpu.barrier barrier_id(%barrier3A_14)
    %mul3A_15 = arith.constant 640 : i32
    %mul3A_16 = arith.muli %arg1, %mul3A_15 : i32
    %mul3A_17 = arith.constant 640 : i32
    %mul3A_18 = arith.muli %arg1, %mul3A_17 : i32
    "tpu.region"() ({
      %run_scoped3A_19 = tpu.sem_alloc : memref<!tpu.dma_semaphore, #tpu.memory_space<semaphore_mem>>
      %dma_start3A = arith.constant 0 : i32
      %dma_start3A_20 = tpu.memref_slice %arg5[%arg0, %mul3A_18, %dma_start3A] : memref<2x10240x64xf32, #tpu.memory_space<hbm>> -> memref<1x640x64xf32, #tpu.memory_space<hbm>>
      %dma_start3A_21 = tpu.memref_squeeze %dma_start3A_20 : memref<1x640x64xf32, #tpu.memory_space<hbm>> -> memref<640x64xf32, #tpu.memory_space<hbm>>
      %dma_start3A_22 = arith.constant 0 : i32
      %dma_start3A_23 = tpu.memref_slice %arg8[%mul3A_16, %dma_start3A_22] : memref<10240x64xf32, #tpu.memory_space<vmem_shared>> -> memref<640x64xf32, #tpu.memory_space<vmem_shared>>
      tpu.enqueue_dma source(%dma_start3A_23 : memref<640x64xf32, #tpu.memory_space<vmem_shared>>) target(%dma_start3A_21 : memref<640x64xf32, #tpu.memory_space<hbm>>) target_semaphore(%run_scoped3A_19 : memref<!tpu.dma_semaphore, #tpu.memory_space<semaphore_mem>>)
      %dma_wait3A = arith.constant 0 : i32
      %dma_wait3A_24 = tpu.memref_slice %arg5[%arg0, %mul3A_18, %dma_wait3A] : memref<2x10240x64xf32, #tpu.memory_space<hbm>> -> memref<1x640x64xf32, #tpu.memory_space<hbm>>
      %dma_wait3A_25 = tpu.memref_squeeze %dma_wait3A_24 : memref<1x640x64xf32, #tpu.memory_space<hbm>> -> memref<640x64xf32, #tpu.memory_space<hbm>>
      %dma_wait3A_26 = arith.constant 0 : i32
      %dma_wait3A_27 = tpu.memref_slice %arg8[%mul3A_16, %dma_wait3A_26] : memref<10240x64xf32, #tpu.memory_space<vmem_shared>> -> memref<640x64xf32, #tpu.memory_space<vmem_shared>>
      tpu.wait_dma2 semaphore(%run_scoped3A_19 : memref<!tpu.dma_semaphore, #tpu.memory_space<semaphore_mem>>) src(%dma_wait3A_27 : memref<640x64xf32, #tpu.memory_space<vmem_shared>>) dst(%dma_wait3A_25 : memref<640x64xf32, #tpu.memory_space<hbm>>)
      tpu.yield
    }) : () -> ()
    return
  }
}

module attributes {stable_mosaic.version = 14 : i64} {
  func.func @_lin_relu_body(%arg0: memref<10240x20xf32, #tpu.memory_space<vmem>>, %arg1: memref<20x64xf32, #tpu.memory_space<vmem>>, %arg2: memref<1x64xf32, #tpu.memory_space<vmem>>, %arg3: memref<10240x64xf32, #tpu.memory_space<vmem>>) attributes {dimension_semantics = [], scalar_prefetch = 0 : i64, scratch_operands = 0 : i64, tpu.core_type = #tpu.core_type<tc>} {
    %get3A = arith.constant 0 : index
    %get3A_0 = arith.constant 0 : index
    %get3A_1 = vector.load %arg0[%get3A, %get3A_0] : memref<10240x20xf32, #tpu.memory_space<vmem>>, vector<10240x20xf32>
    %get3A_2 = arith.constant 0 : index
    %get3A_3 = arith.constant 0 : index
    %get3A_4 = vector.load %arg1[%get3A_2, %get3A_3] : memref<20x64xf32, #tpu.memory_space<vmem>>, vector<20x64xf32>
    %dot_general3A = arith.constant dense<0.000000e+00> : vector<10240x64xf32>
    %dot_general3A_5 = tpu.matmul %get3A_1, %get3A_4, %dot_general3A {dimension_numbers = #tpu.dot_dimension_numbers<[1], [0], [0], [1], [0, 0, 1, 1], [], []>, transpose_lhs_hint = false} : vector<10240x20xf32>, vector<20x64xf32>, vector<10240x64xf32> -> vector<10240x64xf32>
    %get3A_6 = arith.constant 0 : index
    %get3A_7 = arith.constant 0 : index
    %get3A_8 = vector.load %arg2[%get3A_6, %get3A_7] : memref<1x64xf32, #tpu.memory_space<vmem>>, vector<1x64xf32>
    %add3A = vector.broadcast %get3A_8 : vector<1x64xf32> to vector<10240x64xf32>
    %add3A_9 = arith.addf %dot_general3A_5, %add3A : vector<10240x64xf32>
    %max3A = arith.constant 0.000000e+00 : f32
    %max3A_10 = vector.broadcast %max3A : f32 to vector<10240x64xf32>
    %max3A_11 = arith.maximumf %add3A_9, %max3A_10 : vector<10240x64xf32>
    %swap3A = arith.constant 0 : index
    %swap3A_12 = arith.constant 0 : index
    %swap3A_13 = vector.load %arg3[%swap3A, %swap3A_12] : memref<10240x64xf32, #tpu.memory_space<vmem>>, vector<10240x64xf32>
    tpu.vector_store %arg3[%swap3A, %swap3A_12], %max3A_11 {strides = array<i32>} : memref<10240x64xf32, #tpu.memory_space<vmem>>, vector<10240x64xf32>,
    return
  }
}

module attributes {stable_mosaic.version = 14 : i64} {
  func.func @_lin_relu_t_body(%arg0: memref<64x5xf32, #tpu.memory_space<vmem>>, %arg1: memref<5x40960xf32, #tpu.memory_space<vmem>>, %arg2: memref<64x1xf32, #tpu.memory_space<vmem>>, %arg3: memref<64x40960xf32, #tpu.memory_space<vmem>>) attributes {dimension_semantics = [], scalar_prefetch = 0 : i64, scratch_operands = 0 : i64, tpu.core_type = #tpu.core_type<tc>} {
    %get3A = arith.constant 0 : index
    %get3A_0 = arith.constant 0 : index
    %get3A_1 = vector.load %arg0[%get3A, %get3A_0] : memref<64x5xf32, #tpu.memory_space<vmem>>, vector<64x5xf32>
    %get3A_2 = arith.constant 0 : index
    %get3A_3 = arith.constant 0 : index
    %get3A_4 = vector.load %arg1[%get3A_2, %get3A_3] : memref<5x40960xf32, #tpu.memory_space<vmem>>, vector<5x40960xf32>
    %dot_general3A = arith.constant dense<0.000000e+00> : vector<64x40960xf32>
    %dot_general3A_5 = tpu.matmul %get3A_1, %get3A_4, %dot_general3A {dimension_numbers = #tpu.dot_dimension_numbers<[1], [0], [0], [1], [0, 0, 1, 1], [], []>, transpose_lhs_hint = false} : vector<64x5xf32>, vector<5x40960xf32>, vector<64x40960xf32> -> vector<64x40960xf32>
    %get3A_6 = arith.constant 0 : index
    %get3A_7 = arith.constant 0 : index
    %get3A_8 = vector.load %arg2[%get3A_6, %get3A_7] : memref<64x1xf32, #tpu.memory_space<vmem>>, vector<64x1xf32>
    %add3A = vector.broadcast %get3A_8 : vector<64x1xf32> to vector<64x40960xf32>
    %add3A_9 = arith.addf %dot_general3A_5, %add3A : vector<64x40960xf32>
    %max3A = arith.constant 0.000000e+00 : f32
    %max3A_10 = vector.broadcast %max3A : f32 to vector<64x40960xf32>
    %max3A_11 = arith.maximumf %add3A_9, %max3A_10 : vector<64x40960xf32>
    %swap3A = arith.constant 0 : index
    %swap3A_12 = arith.constant 0 : index
    %swap3A_13 = vector.load %arg3[%swap3A, %swap3A_12] : memref<64x40960xf32, #tpu.memory_space<vmem>>, vector<64x40960xf32>
    tpu.vector_store %arg3[%swap3A, %swap3A_12], %max3A_11 {strides = array<i32>} : memref<64x40960xf32, #tpu.memory_space<vmem>>, vector<64x40960xf32>,
    return
  }
}

module attributes {stable_mosaic.version = 14 : i64} {
  func.func @_msg_body(%arg0: i32, %arg1: memref<64x1024xf32, #tpu.memory_space<vmem>>, %arg2: memref<1024x64xf32, #tpu.memory_space<vmem>>, %arg3: memref<4096x64xbf16, #tpu.memory_space<vmem>>, %arg4: memref<64x64xf32, #tpu.memory_space<vmem>>, %arg5: memref<1024x64xf32, #tpu.memory_space<vmem>>) attributes {dimension_semantics = [#tpu.dimension_semantics<arbitrary>], iteration_bounds = array<i64: 40>, scalar_prefetch = 0 : i64, scratch_operands = 0 : i64, tpu.core_type = #tpu.core_type<tc>, window_params = [{transform_indices = @transform_0, window_bounds = array<i64: 64, 1024>}, {transform_indices = @transform_1, window_bounds = array<i64: 1024, 64>}, {pipeline_mode = #tpu.pipeline_mode<synchronous>, transform_indices = @transform_2, window_bounds = array<i64: 4096, 64>}, {pipeline_mode = #tpu.pipeline_mode<synchronous>, transform_indices = @transform_3, window_bounds = array<i64: 64, 64>}, {transform_indices = @transform_4, window_bounds = array<i64: 1024, 64>}]} {
    %get3A = arith.constant 0 : index
    %get3A_0 = arith.constant 0 : index
    %get3A_1 = vector.load %arg1[%get3A, %get3A_0] : memref<64x1024xf32, #tpu.memory_space<vmem>>, vector<64x1024xf32>
    %get3A_2 = arith.constant 0 : index
    %get3A_3 = arith.constant 0 : index
    %get3A_4 = vector.load %arg2[%get3A_2, %get3A_3] : memref<1024x64xf32, #tpu.memory_space<vmem>>, vector<1024x64xf32>
    %transpose3A = tpu.transpose %get3A_4, [1, 0] : vector<1024x64xf32> -> vector<64x1024xf32>
    %broadcast_in_dim3A = vector.shape_cast %get3A_1 : vector<64x1024xf32> to vector<64x1x1024xf32>
    %broadcast_in_dim3A_5 = vector.shape_cast %transpose3A : vector<64x1024xf32> to vector<1x64x1024xf32>
    %mul3A = vector.broadcast %broadcast_in_dim3A : vector<64x1x1024xf32> to vector<64x64x1024xf32>
    %mul3A_6 = vector.broadcast %broadcast_in_dim3A_5 : vector<1x64x1024xf32> to vector<64x64x1024xf32>
    %mul3A_7 = arith.mulf %mul3A, %mul3A_6 : vector<64x64x1024xf32>
    %convert_element_type3A = arith.truncf %mul3A_7 : vector<64x64x1024xf32> to vector<64x64x1024xbf16>
    %reshape3A = vector.shape_cast %convert_element_type3A : vector<64x64x1024xbf16> to vector<4096x1024xbf16>
    %get3A_8 = arith.constant 0 : index
    %get3A_9 = arith.constant 0 : index
    %get3A_10 = vector.load %arg3[%get3A_8, %get3A_9] : memref<4096x64xbf16, #tpu.memory_space<vmem>>, vector<4096x64xbf16>
    %dot_general3A = arith.constant dense<0.000000e+00> : vector<1024x64xf32>
    %dot_general3A_11 = tpu.matmul %reshape3A, %get3A_10, %dot_general3A {dimension_numbers = #tpu.dot_dimension_numbers<[0], [0], [1], [1], [0, 1, 1, 1], [], []>, transpose_lhs_hint = false} : vector<4096x1024xbf16>, vector<4096x64xbf16>, vector<1024x64xf32> -> vector<1024x64xf32>
    %get3A_12 = arith.constant 0 : index
    %get3A_13 = arith.constant 0 : index
    %get3A_14 = vector.load %arg4[%get3A_12, %get3A_13] : memref<64x64xf32, #tpu.memory_space<vmem>>, vector<64x64xf32>
    %dot_general3A_15 = arith.constant dense<0.000000e+00> : vector<1024x64xf32>
    %dot_general3A_16 = tpu.matmul %get3A_4, %get3A_14, %dot_general3A_15 {dimension_numbers = #tpu.dot_dimension_numbers<[1], [0], [0], [1], [0, 0, 1, 1], [], []>, precision = #tpu.contract_precision<fp32>, transpose_lhs_hint = false} : vector<1024x64xf32>, vector<64x64xf32>, vector<1024x64xf32> -> vector<1024x64xf32>
    %add3A = arith.addf %dot_general3A_11, %dot_general3A_16 : vector<1024x64xf32>
    %swap3A = arith.constant 0 : index
    %swap3A_17 = arith.constant 0 : index
    %swap3A_18 = vector.load %arg5[%swap3A, %swap3A_17] : memref<1024x64xf32, #tpu.memory_space<vmem>>, vector<1024x64xf32>
    tpu.vector_store %arg5[%swap3A, %swap3A_17], %add3A {strides = array<i32>} : memref<1024x64xf32, #tpu.memory_space<vmem>>, vector<1024x64xf32>,
    return
  }
  func.func @transform_0(%arg0: i32) -> (i32, i32) {
    %c0_i32 = arith.constant 0 : i32
    %c0_i32_0 = arith.constant 0 : i32
    return %c0_i32, %arg0 : i32, i32
  }
  func.func @transform_1(%arg0: i32) -> (i32, i32) {
    %c0_i32 = arith.constant 0 : i32
    %c0_i32_0 = arith.constant 0 : i32
    return %arg0, %c0_i32 : i32, i32
  }
  func.func @transform_2(%arg0: i32) -> (i32, i32) {
    %c0_i32 = arith.constant 0 : i32
    %c0_i32_0 = arith.constant 0 : i32
    %c0_i32_1 = arith.constant 0 : i32
    return %c0_i32, %c0_i32_0 : i32, i32
  }
  func.func @transform_3(%arg0: i32) -> (i32, i32) {
    %c0_i32 = arith.constant 0 : i32
    %c0_i32_0 = arith.constant 0 : i32
    %c0_i32_1 = arith.constant 0 : i32
    return %c0_i32, %c0_i32_0 : i32, i32
  }
  func.func @transform_4(%arg0: i32) -> (i32, i32) {
    %c0_i32 = arith.constant 0 : i32
    %c0_i32_0 = arith.constant 0 : i32
    return %arg0, %c0_i32 : i32, i32
  }
}

module attributes {stable_mosaic.version = 14 : i64} {
  func.func @_update_body(%arg0: memref<10240x64xf32, #tpu.memory_space<vmem>>, %arg1: memref<64x64xf32, #tpu.memory_space<vmem>>, %arg2: memref<1x64xf32, #tpu.memory_space<vmem>>, %arg3: memref<10240x64xf32, #tpu.memory_space<vmem>>, %arg4: memref<10240x64xf32, #tpu.memory_space<vmem>>, %arg5: memref<10240x16xf32, #tpu.memory_space<vmem>>, %arg6: memref<10240x16xf32, #tpu.memory_space<vmem>>, %arg7: memref<10240x64xf32, #tpu.memory_space<vmem>>) attributes {dimension_semantics = [], scalar_prefetch = 0 : i64, scratch_operands = 0 : i64, tpu.core_type = #tpu.core_type<tc>} {
    %get3A = arith.constant 0 : index
    %get3A_0 = arith.constant 0 : index
    %get3A_1 = vector.load %arg5[%get3A, %get3A_0] : memref<10240x16xf32, #tpu.memory_space<vmem>>, vector<10240x16xf32>
    %get3A_2 = arith.constant 0 : index
    %get3A_3 = arith.constant 0 : index
    %get3A_4 = vector.load %arg6[%get3A_2, %get3A_3] : memref<10240x16xf32, #tpu.memory_space<vmem>>, vector<10240x16xf32>
    %add3A = arith.addf %get3A_1, %get3A_4 : vector<10240x16xf32>
    %max3A = arith.constant 1.000000e+00 : f32
    %max3A_5 = vector.broadcast %max3A : f32 to vector<10240x16xf32>
    %max3A_6 = arith.maximumf %add3A, %max3A_5 : vector<10240x16xf32>
    %slice3A = vector.extract_strided_slice %max3A_6 {offsets = [0, 0], sizes = [10240, 1], strides = [1, 1]} : vector<10240x16xf32> to vector<10240x1xf32>
    %get3A_7 = arith.constant 0 : index
    %get3A_8 = arith.constant 0 : index
    %get3A_9 = vector.load %arg3[%get3A_7, %get3A_8] : memref<10240x64xf32, #tpu.memory_space<vmem>>, vector<10240x64xf32>
    %get3A_10 = arith.constant 0 : index
    %get3A_11 = arith.constant 0 : index
    %get3A_12 = vector.load %arg4[%get3A_10, %get3A_11] : memref<10240x64xf32, #tpu.memory_space<vmem>>, vector<10240x64xf32>
    %add3A_13 = arith.addf %get3A_9, %get3A_12 : vector<10240x64xf32>
    %div3A = vector.broadcast %slice3A : vector<10240x1xf32> to vector<10240x64xf32>
    %div3A_14 = arith.divf %add3A_13, %div3A : vector<10240x64xf32>
    %get3A_15 = arith.constant 0 : index
    %get3A_16 = arith.constant 0 : index
    %get3A_17 = vector.load %arg0[%get3A_15, %get3A_16] : memref<10240x64xf32, #tpu.memory_space<vmem>>, vector<10240x64xf32>
    %get3A_18 = arith.constant 0 : index
    %get3A_19 = arith.constant 0 : index
    %get3A_20 = vector.load %arg1[%get3A_18, %get3A_19] : memref<64x64xf32, #tpu.memory_space<vmem>>, vector<64x64xf32>
    %dot_general3A = arith.constant dense<0.000000e+00> : vector<10240x64xf32>
    %dot_general3A_21 = tpu.matmul %get3A_17, %get3A_20, %dot_general3A {dimension_numbers = #tpu.dot_dimension_numbers<[1], [0], [0], [1], [0, 0, 1, 1], [], []>, transpose_lhs_hint = false} : vector<10240x64xf32>, vector<64x64xf32>, vector<10240x64xf32> -> vector<10240x64xf32>
    %add3A_22 = arith.addf %dot_general3A_21, %div3A_14 : vector<10240x64xf32>
    %get3A_23 = arith.constant 0 : index
    %get3A_24 = arith.constant 0 : index
    %get3A_25 = vector.load %arg2[%get3A_23, %get3A_24] : memref<1x64xf32, #tpu.memory_space<vmem>>, vector<1x64xf32>
    %add3A_26 = vector.broadcast %get3A_25 : vector<1x64xf32> to vector<10240x64xf32>
    %add3A_27 = arith.addf %add3A_22, %add3A_26 : vector<10240x64xf32>
    %max3A_28 = arith.constant 0.000000e+00 : f32
    %max3A_29 = vector.broadcast %max3A_28 : f32 to vector<10240x64xf32>
    %max3A_30 = arith.maximumf %add3A_27, %max3A_29 : vector<10240x64xf32>
    %swap3A = arith.constant 0 : index
    %swap3A_31 = arith.constant 0 : index
    %swap3A_32 = vector.load %arg7[%swap3A, %swap3A_31] : memref<10240x64xf32, #tpu.memory_space<vmem>>, vector<10240x64xf32>
    tpu.vector_store %arg7[%swap3A, %swap3A_31], %max3A_30 {strides = array<i32>} : memref<10240x64xf32, #tpu.memory_space<vmem>>, vector<10240x64xf32>,
    return
  }
}

module attributes {stable_mosaic.version = 14 : i64} {
  func.func @_head_body(%arg0: memref<10240x64xf32, #tpu.memory_space<vmem>>, %arg1: memref<1x5xf32, #tpu.memory_space<vmem>>, %arg2: memref<64x384xf32, #tpu.memory_space<vmem>>, %arg3: memref<5x384xf32, #tpu.memory_space<vmem>>, %arg4: memref<1x384xf32, #tpu.memory_space<vmem>>, %arg5: memref<384x384xf32, #tpu.memory_space<vmem>>, %arg6: memref<1x384xf32, #tpu.memory_space<vmem>>, %arg7: memref<384x1xf32, #tpu.memory_space<vmem>>, %arg8: memref<1x1xf32, #tpu.memory_space<vmem>>, %arg9: memref<1x1xf32, #tpu.memory_space<vmem>>) attributes {dimension_semantics = [], scalar_prefetch = 0 : i64, scratch_operands = 0 : i64, tpu.core_type = #tpu.core_type<tc>} {
    %iota3A = tpu.iota {dimensions = array<i32: 0>} : vector<10240x64xi32>
    %lt3A = arith.constant 10000 : i32
    %lt3A_0 = vector.broadcast %lt3A : i32 to vector<10240x64xi32>
    %lt3A_1 = arith.cmpi slt, %iota3A, %lt3A_0 : vector<10240x64xi32>
    %get3A = arith.constant 0 : index
    %get3A_2 = arith.constant 0 : index
    %get3A_3 = vector.load %arg0[%get3A, %get3A_2] : memref<10240x64xf32, #tpu.memory_space<vmem>>, vector<10240x64xf32>
    %jit3A = arith.constant 0.000000e+00 : f32
    %broadcast_in_dim3A = vector.broadcast %jit3A : f32 to vector<10240x64xf32>
    %select_n3A = arith.select %lt3A_1, %get3A_3, %broadcast_in_dim3A : vector<10240x64xi1>, vector<10240x64xf32>
    %reduce_sum3A = arith.constant dense<0.000000e+00> : vector<64xf32>
    %reduce_sum3A_4 = vector.multi_reduction <add>, %select_n3A, %reduce_sum3A [0] : vector<10240x64xf32> to vector<64xf32>
    %broadcast_in_dim3A_5 = vector.shape_cast %reduce_sum3A_4 : vector<64xf32> to vector<1x64xf32>
    %get3A_6 = arith.constant 0 : index
    %get3A_7 = arith.constant 0 : index
    %get3A_8 = vector.load %arg2[%get3A_6, %get3A_7] : memref<64x384xf32, #tpu.memory_space<vmem>>, vector<64x384xf32>
    %dot_general3A = arith.constant dense<0.000000e+00> : vector<1x384xf32>
    %dot_general3A_9 = tpu.matmul %broadcast_in_dim3A_5, %get3A_8, %dot_general3A {dimension_numbers = #tpu.dot_dimension_numbers<[1], [0], [0], [1], [0, 0, 1, 1], [], []>, transpose_lhs_hint = false} : vector<1x64xf32>, vector<64x384xf32>, vector<1x384xf32> -> vector<1x384xf32>
    %get3A_10 = arith.constant 0 : index
    %get3A_11 = arith.constant 0 : index
    %get3A_12 = vector.load %arg1[%get3A_10, %get3A_11] : memref<1x5xf32, #tpu.memory_space<vmem>>, vector<1x5xf32>
    %get3A_13 = arith.constant 0 : index
    %get3A_14 = arith.constant 0 : index
    %get3A_15 = vector.load %arg3[%get3A_13, %get3A_14] : memref<5x384xf32, #tpu.memory_space<vmem>>, vector<5x384xf32>
    %dot_general3A_16 = arith.constant dense<0.000000e+00> : vector<1x384xf32>
    %dot_general3A_17 = tpu.matmul %get3A_12, %get3A_15, %dot_general3A_16 {dimension_numbers = #tpu.dot_dimension_numbers<[1], [0], [0], [1], [0, 0, 1, 1], [], []>, transpose_lhs_hint = false} : vector<1x5xf32>, vector<5x384xf32>, vector<1x384xf32> -> vector<1x384xf32>
    %add3A = arith.addf %dot_general3A_9, %dot_general3A_17 : vector<1x384xf32>
    %get3A_18 = arith.constant 0 : index
    %get3A_19 = arith.constant 0 : index
    %get3A_20 = vector.load %arg4[%get3A_18, %get3A_19] : memref<1x384xf32, #tpu.memory_space<vmem>>, vector<1x384xf32>
    %add3A_21 = arith.addf %add3A, %get3A_20 : vector<1x384xf32>
    %max3A = arith.constant 0.000000e+00 : f32
    %max3A_22 = vector.broadcast %max3A : f32 to vector<1x384xf32>
    %max3A_23 = arith.maximumf %add3A_21, %max3A_22 : vector<1x384xf32>
    %get3A_24 = arith.constant 0 : index
    %get3A_25 = arith.constant 0 : index
    %get3A_26 = vector.load %arg5[%get3A_24, %get3A_25] : memref<384x384xf32, #tpu.memory_space<vmem>>, vector<384x384xf32>
    %dot_general3A_27 = arith.constant dense<0.000000e+00> : vector<1x384xf32>
    %dot_general3A_28 = tpu.matmul %max3A_23, %get3A_26, %dot_general3A_27 {dimension_numbers = #tpu.dot_dimension_numbers<[1], [0], [0], [1], [0, 0, 1, 1], [], []>, transpose_lhs_hint = false} : vector<1x384xf32>, vector<384x384xf32>, vector<1x384xf32> -> vector<1x384xf32>
    %get3A_29 = arith.constant 0 : index
    %get3A_30 = arith.constant 0 : index
    %get3A_31 = vector.load %arg6[%get3A_29, %get3A_30] : memref<1x384xf32, #tpu.memory_space<vmem>>, vector<1x384xf32>
    %add3A_32 = arith.addf %dot_general3A_28, %get3A_31 : vector<1x384xf32>
    %max3A_33 = arith.constant 0.000000e+00 : f32
    %max3A_34 = vector.broadcast %max3A_33 : f32 to vector<1x384xf32>
    %max3A_35 = arith.maximumf %add3A_32, %max3A_34 : vector<1x384xf32>
    %get3A_36 = arith.constant 0 : index
    %get3A_37 = arith.constant 0 : index
    %get3A_38 = vector.load %arg5[%get3A_36, %get3A_37] : memref<384x384xf32, #tpu.memory_space<vmem>>, vector<384x384xf32>
    %dot_general3A_39 = arith.constant dense<0.000000e+00> : vector<1x384xf32>
    %dot_general3A_40 = tpu.matmul %max3A_35, %get3A_38, %dot_general3A_39 {dimension_numbers = #tpu.dot_dimension_numbers<[1], [0], [0], [1], [0, 0, 1, 1], [], []>, transpose_lhs_hint = false} : vector<1x384xf32>, vector<384x384xf32>, vector<1x384xf32> -> vector<1x384xf32>
    %get3A_41 = arith.constant 0 : index
    %get3A_42 = arith.constant 0 : index
    %get3A_43 = vector.load %arg6[%get3A_41, %get3A_42] : memref<1x384xf32, #tpu.memory_space<vmem>>, vector<1x384xf32>
    %add3A_44 = arith.addf %dot_general3A_40, %get3A_43 : vector<1x384xf32>
    %max3A_45 = arith.constant 0.000000e+00 : f32
    %max3A_46 = vector.broadcast %max3A_45 : f32 to vector<1x384xf32>
    %max3A_47 = arith.maximumf %add3A_44, %max3A_46 : vector<1x384xf32>
    %get3A_48 = arith.constant 0 : index
    %get3A_49 = arith.constant 0 : index
    %get3A_50 = vector.load %arg5[%get3A_48, %get3A_49] : memref<384x384xf32, #tpu.memory_space<vmem>>, vector<384x384xf32>
    %dot_general3A_51 = arith.constant dense<0.000000e+00> : vector<1x384xf32>
    %dot_general3A_52 = tpu.matmul %max3A_47, %get3A_50, %dot_general3A_51 {dimension_numbers = #tpu.dot_dimension_numbers<[1], [0], [0], [1], [0, 0, 1, 1], [], []>, transpose_lhs_hint = false} : vector<1x384xf32>, vector<384x384xf32>, vector<1x384xf32> -> vector<1x384xf32>
    %get3A_53 = arith.constant 0 : index
    %get3A_54 = arith.constant 0 : index
    %get3A_55 = vector.load %arg6[%get3A_53, %get3A_54] : memref<1x384xf32, #tpu.memory_space<vmem>>, vector<1x384xf32>
    %add3A_56 = arith.addf %dot_general3A_52, %get3A_55 : vector<1x384xf32>
    %max3A_57 = arith.constant 0.000000e+00 : f32
    %max3A_58 = vector.broadcast %max3A_57 : f32 to vector<1x384xf32>
    %max3A_59 = arith.maximumf %add3A_56, %max3A_58 : vector<1x384xf32>
    %get3A_60 = arith.constant 0 : index
    %get3A_61 = arith.constant 0 : index
    %get3A_62 = vector.load %arg5[%get3A_60, %get3A_61] : memref<384x384xf32, #tpu.memory_space<vmem>>, vector<384x384xf32>
    %dot_general3A_63 = arith.constant dense<0.000000e+00> : vector<1x384xf32>
    %dot_general3A_64 = tpu.matmul %max3A_59, %get3A_62, %dot_general3A_63 {dimension_numbers = #tpu.dot_dimension_numbers<[1], [0], [0], [1], [0, 0, 1, 1], [], []>, transpose_lhs_hint = false} : vector<1x384xf32>, vector<384x384xf32>, vector<1x384xf32> -> vector<1x384xf32>
    %get3A_65 = arith.constant 0 : index
    %get3A_66 = arith.constant 0 : index
    %get3A_67 = vector.load %arg6[%get3A_65, %get3A_66] : memref<1x384xf32, #tpu.memory_space<vmem>>, vector<1x384xf32>
    %add3A_68 = arith.addf %dot_general3A_64, %get3A_67 : vector<1x384xf32>
    %max3A_69 = arith.constant 0.000000e+00 : f32
    %max3A_70 = vector.broadcast %max3A_69 : f32 to vector<1x384xf32>
    %max3A_71 = arith.maximumf %add3A_68, %max3A_70 : vector<1x384xf32>
    %get3A_72 = arith.constant 0 : index
    %get3A_73 = arith.constant 0 : index
    %get3A_74 = vector.load %arg5[%get3A_72, %get3A_73] : memref<384x384xf32, #tpu.memory_space<vmem>>, vector<384x384xf32>
    %dot_general3A_75 = arith.constant dense<0.000000e+00> : vector<1x384xf32>
    %dot_general3A_76 = tpu.matmul %max3A_71, %get3A_74, %dot_general3A_75 {dimension_numbers = #tpu.dot_dimension_numbers<[1], [0], [0], [1], [0, 0, 1, 1], [], []>, transpose_lhs_hint = false} : vector<1x384xf32>, vector<384x384xf32>, vector<1x384xf32> -> vector<1x384xf32>
    %get3A_77 = arith.constant 0 : index
    %get3A_78 = arith.constant 0 : index
    %get3A_79 = vector.load %arg6[%get3A_77, %get3A_78] : memref<1x384xf32, #tpu.memory_space<vmem>>, vector<1x384xf32>
    %add3A_80 = arith.addf %dot_general3A_76, %get3A_79 : vector<1x384xf32>
    %max3A_81 = arith.constant 0.000000e+00 : f32
    %max3A_82 = vector.broadcast %max3A_81 : f32 to vector<1x384xf32>
    %max3A_83 = arith.maximumf %add3A_80, %max3A_82 : vector<1x384xf32>
    %get3A_84 = arith.constant 0 : index
    %get3A_85 = arith.constant 0 : index
    %get3A_86 = vector.load %arg5[%get3A_84, %get3A_85] : memref<384x384xf32, #tpu.memory_space<vmem>>, vector<384x384xf32>
    %dot_general3A_87 = arith.constant dense<0.000000e+00> : vector<1x384xf32>
    %dot_general3A_88 = tpu.matmul %max3A_83, %get3A_86, %dot_general3A_87 {dimension_numbers = #tpu.dot_dimension_numbers<[1], [0], [0], [1], [0, 0, 1, 1], [], []>, transpose_lhs_hint = false} : vector<1x384xf32>, vector<384x384xf32>, vector<1x384xf32> -> vector<1x384xf32>
    %get3A_89 = arith.constant 0 : index
    %get3A_90 = arith.constant 0 : index
    %get3A_91 = vector.load %arg6[%get3A_89, %get3A_90] : memref<1x384xf32, #tpu.memory_space<vmem>>, vector<1x384xf32>
    %add3A_92 = arith.addf %dot_general3A_88, %get3A_91 : vector<1x384xf32>
    %max3A_93 = arith.constant 0.000000e+00 : f32
    %max3A_94 = vector.broadcast %max3A_93 : f32 to vector<1x384xf32>
    %max3A_95 = arith.maximumf %add3A_92, %max3A_94 : vector<1x384xf32>
    %get3A_96 = arith.constant 0 : index
    %get3A_97 = arith.constant 0 : index
    %get3A_98 = vector.load %arg7[%get3A_96, %get3A_97] : memref<384x1xf32, #tpu.memory_space<vmem>>, vector<384x1xf32>
    %dot_general3A_99 = arith.constant dense<0.000000e+00> : vector<1x1xf32>
    %dot_general3A_100 = tpu.matmul %max3A_95, %get3A_98, %dot_general3A_99 {dimension_numbers = #tpu.dot_dimension_numbers<[1], [0], [0], [1], [0, 0, 1, 1], [], []>, transpose_lhs_hint = false} : vector<1x384xf32>, vector<384x1xf32>, vector<1x1xf32> -> vector<1x1xf32>
    %get3A_101 = arith.constant 0 : index
    %get3A_102 = arith.constant 0 : index
    %get3A_103 = vector.load %arg8[%get3A_101, %get3A_102] : memref<1x1xf32, #tpu.memory_space<vmem>>, vector<1x1xf32>
    %add3A_104 = arith.addf %dot_general3A_100, %get3A_103 : vector<1x1xf32>
    %swap3A = arith.constant 0 : index
    %swap3A_105 = arith.constant 0 : index
    %swap3A_106 = vector.load %arg9[%swap3A, %swap3A_105] : memref<1x1xf32, #tpu.memory_space<vmem>>, vector<1x1xf32>
    tpu.vector_store %arg9[%swap3A, %swap3A_105], %add3A_104 {strides = array<i32>} : memref<1x1xf32, #tpu.memory_space<vmem>>, vector<1x1xf32>,
    return
  }
}

</mosaic_0001>

<sc_bundles>
// kernel: kernel.18.cloned.1.call-start
scs
__scs_entry_jumppad:
0x0: {  	(pc) =	sbr.rel $0x88, $3  }
0x1: {  	(tag) =	ssettag $0x0;
	lr =	simm.s32 $0x1  }
0x2: {  	[smem:$0x3F8D] =	sst lr;
	_ =	strace $0xD0000000  }
0x3: {  	_ = 	snop  }
0x4: {  	_ = 	snop  }
0x5: {  	_ = 	snop  }
0x6: {  	_ = 	snop  }
0x7: {  	_ = 	snop  }
__scs_overlays_trampoline_lowered:
0x8: {  	[smem:$0x3F9C] =	sst s0  }
0x9: {  	[smem:$0x3F9D] =	sst s1  }
0xa: {  	[smem:$0x3F9E] =	sst s2  }
0xb: {  	[smem:$0x3F9F] =	sst s3  }
0xc: {  	[smem:$0x3FA0] =	sst s4  }
0xd: {  	[smem:$0x3FA1] =	sst s5  }
0xe: {  	[smem:$0x3FA2] =	sst s6  }
0xf: {  	[smem:$0x3FA3] =	sst s7  }
0x10: {  	[smem:$0x3FA4] =	sst s8  }
0x11: {  	[smem:$0x3FA5] =	sst s9;
	s0 =	simm.s32 @!p0 $0x0  }
0x12: {  	s1 =	sld [smem:$0x3F8B];
	s0 =	simm.s32 @p0 $0x1  }
0x13: {  	[smem:$0x3FA6] =	sst s0;
	s0 =	simm.s32 @!p1 $0x0  }
0x14: {  	s2 =	sld [smem:$0x3F8A];
	s0 =	simm.s32 @p1 $0x1  }
0x15: {  	[smem:$0x3FA7] =	sst s0;
	s0 =	simm.s32 @!p2 $0x0  }
0x16: {  	s3 =	sld [smem:$0x3FDB];
	s0 =	simm.s32 @p2 $0x1  }
0x17: {  	s4 =	simm.s32 $0x1BF5;
	[smem:$0x3FA9] =	sst s0  }
0x18: {  	s0 =	sld [smem:$0x3F8C];
	_ =	swait.ge [sflag:s4], $0x0  }
0x19: {  	s7 =	sld [smem:$0x3F8D]  }
0x1a: {  	s8 =	sadd.s32 $0xFFFFE003, lr  }
0x1b: {  	s9 =	sadd.s32 $0xFFFFFEF7, lr;
	s5 =	simm.s32 $0xFFFFFFFF;
	p2 =	slt.u32 s8, $0xFFFFF086  }
0x1c: {  	p1 =	slt.u32 s9, $0xF7A;
	s5 =	simm.s32 @!p2 $0x0  }
0x1d: {  	s5 =	simm.s32 @p1 $0x1;
	p0 =	seq.s32 s7, s2  }
0x1e: {  	s7 =	smul.u32 @!p0 $0xF7A, s2;
	p2 =	seq.s32 @!p0 s5, $0x0  }
0x1f: {  	s9 =	smul.u32 $0xF7A, s1;
	s8 =	simm.s32 @!p0 $0x1BF5;
	p2 =	por !p2, p0  }
0x20: {  	[sflag:s8] =	ssyncset.s32 @!p0 $0xFFFFF086;
	s6 =	sadd.s32 @!p0 s3, s7;
	s7 =	simm.s32 @!p0 $0x108  }
0x21: {  	s3 =	sadd.s32 s3, s9;
	s6 =	sadd.s32 @!p0 $0x88, s6;
	s7 =	simm.s32 @p2 $0x1082  }
0x22: {  	[simem:s7], [sflag:s8] =	dma.local @!p0 [hbm:s6], $0xF7A  }
0x23: {  	s9 =	sor.u32 $0xD0000000, s2;
	s6 =	simm.s32 $0x108;
	_ =	swait.ge @!p0 [sflag:s8], $0x0  }
0x24: {  	s3 =	sadd.s32 $0x88, s3;
	s6 =	simm.s32 @!p1 $0x1082;
	[sflag:s4] =	ssyncset.s32 $0xFFFFF086  }
0x25: {  	[simem:s6], [sflag:s4] =	dma.local [hbm:s3], $0xF7A  }
0x26: {  	[smem:$0x3F8D] =	sst s1;
	(tag) =	ssettag s2;
	_ =	strace s9  }
0x27: {  	s1 =	sld [smem:$0x3F9D]  }
0x28: {  	s2 =	sld [smem:$0x3F9E]  }
0x29: {  	s4 =	sld [smem:$0x3FA0]  }
0x2a: {  	p0 =	seq.s32 s5, $0x0;
	s5 =	sld [smem:$0x3FA1]  }
0x2b: {  	s6 =	sld [smem:$0x3FA2]  }
0x2c: {  	s7 =	sld [smem:$0x3FA3]  }
0x2d: {  	s3 =	simm.s32 $0x108;
	s8 =	sld [smem:$0x3FA4]  }
0x2e: {  	s3 =	simm.s32 @!p0 $0x1082;
	s9 =	sld [smem:$0x3FA5]  }
0x2f: {  	lr =	sadd.s32 s0, s3;
	s0 =	sld [smem:$0x3F9C]  }
0x30: {  	s3 =	sld [smem:$0x3F9F]  }
0x31: {  	[smem:$0x3FA8] =	sst s10  }
0x32: {  	s10 =	sld [smem:$0x3FA6];
	_ =	sdelay $0x3  }
0x33: {  	p0 =	seq.s32 s10, $0x1;
	s10 =	sld [smem:$0x3FA8];
	_ =	sdelay $0x3  }
0x34: {  	[smem:$0x3FA8] =	sst s10  }
0x35: {  	s10 =	sld [smem:$0x3FA7];
	_ =	sdelay $0x3  }
0x36: {  	p1 =	seq.s32 s10, $0x1;
	s10 =	sld [smem:$0x3FA8];
	_ =	sdelay $0x3  }
0x37: {  	[smem:$0x3FA8] =	sst s10  }
0x38: {  	s10 =	sld [smem:$0x3FA9]  }
0x39: {  	_ = 	snop;
	(pc) =	sbr.ind lr, $3  }
0x3a: {  	_ = 	snop  }
0x3b: {  	_ = 	snop  }
0x3c: {  	p2 =	seq.s32 s10, $0x1;
	s10 =	sld [smem:$0x3FA8]  }
0x3d: {  	_ =	shalt  }
0x3e: {  	_ =	shalt  }
0x3f: {  	_ =	shalt  }
0x40: {  	_ =	shalt  }
0x41: {  	_ =	shalt  }
0x42: {  	_ =	shalt  }
0x43: {  	_ =	shalt  }
0x44: {  	_ =	shalt  }
0x45: {  	_ =	shalt  }
0x46: {  	_ =	shalt  }
0x47: {  	_ =	shalt  }
0x48: {  	_ =	shalt  }
0x49: {  	_ =	shalt  }
0x4a: {  	_ =	shalt  }
0x4b: {  	_ =	shalt  }
0x4c: {  	_ =	shalt  }
0x4d: {  	_ =	shalt  }
0x4e: {  	_ =	shalt  }
0x4f: {  	_ =	shalt  }
0x50: {  	_ =	shalt  }
0x51: {  	_ =	shalt  }
0x52: {  	_ =	shalt  }
0x53: {  	_ =	shalt  }
0x54: {  	_ =	shalt  }
0x55: {  	_ =	shalt  }
0x56: {  	_ =	shalt  }
0x57: {  	_ =	shalt  }
0x58: {  	_ =	shalt  }
0x59: {  	_ =	shalt  }
0x5a: {  	_ =	shalt  }
0x5b: {  	_ =	shalt  }
0x5c: {  	_ =	shalt  }
0x5d: {  	_ =	shalt  }
0x5e: {  	_ =	shalt  }
0x5f: {  	_ =	shalt  }
0x60: {  	_ =	shalt  }
0x61: {  	_ =	shalt  }
0x62: {  	_ =	shalt  }
0x63: {  	_ =	shalt  }
0x64: {  	_ =	shalt  }
0x65: {  	_ =	shalt  }
0x66: {  	_ =	shalt  }
0x67: {  	_ =	shalt  }
0x68: {  	_ =	shalt  }
0x69: {  	_ =	shalt  }
0x6a: {  	_ =	shalt  }
0x6b: {  	_ =	shalt  }
0x6c: {  	_ =	shalt  }
0x6d: {  	_ =	shalt  }
0x6e: {  	_ =	shalt  }
0x6f: {  	_ =	shalt  }
0x70: {  	_ =	shalt  }
0x71: {  	_ =	shalt  }
0x72: {  	_ =	shalt  }
0x73: {  	_ =	shalt  }
0x74: {  	_ =	shalt  }
0x75: {  	_ =	shalt  }
0x76: {  	_ =	shalt  }
0x77: {  	_ =	shalt  }
0x78: {  	_ =	shalt  }
0x79: {  	_ =	shalt  }
0x7a: {  	_ =	shalt  }
0x7b: {  	_ =	shalt  }
0x7c: {  	_ =	shalt  }
0x7d: {  	_ =	shalt  }
0x7e: {  	_ =	shalt  }
0x7f: {  	_ =	shalt  }
0x80: {  	_ =	shalt  }
0x81: {  	_ =	shalt  }
0x82: {  	_ =	shalt  }
0x83: {  	_ =	shalt  }
0x84: {  	_ =	shalt  }
0x85: {  	_ =	shalt  }
0x86: {  	_ =	shalt  }
0x87: {  	_ =	shalt  }
.Lfunc_end0:
.L_simem_size_0:
called_computation_lowered:
.L_overlay_start_0:
0x88: {  	s2 =	sld [smem:$0x3FD9]  }
0x89: {  	s3 =	sld [smem:$0x3FFE];
	_ =	sdelay $0x1  }
0x8a: {  	s1 =	srdreg.scid  }
0x8b: {  	s0 =	sand.u32 $0x1, s1  }
0x8c: {  	s17 =	sshll.u32 s0, $0xA;
	s2 =	sadd.s32 s3, s2  }
0x8d: {  	s2 =	sadd.s32 s2, s17  }
0x8e: {  	[smem:$0x3FB4] =	sst s2  }
0x8f: {  	_ = 	snop  }
0x90: {  	(tm) =	ssettm $0x1  }
0x91: {  	s18 =	sld [smem:$0x3FFB];
	_ =	sdelay $0x3  }
0x92: {  	_ =	strace s18  }
0x93: {  	s2 =	sld [smem:$0x3FFC];
	_ =	sdelay $0x3  }
0x94: {  	_ =	strace s2  }
0x95: {  	s2 =	sld [smem:$0x3FFD];
	_ =	sdelay $0x3  }
0x96: {  	_ =	strace s2  }
0x97: {  	_ =	strace $0x8FFFFFFF  }
0x98: {  	s19 =	sld [smem:$0x3FDB];
	_ =	sdelay $0x1  }
0x99: {  	s20 =	simm.s32 $_scs_section_size  }
0x9a: {  	s4 =	simm.s32 $_size__tile_overlayer_lowered;
	s5 =	simm.s32 $_tile_overlayer_lowered  }
0x9b: {  	s6 =	simm.s32 $0x1BFF;
	s21 =	sshll.u32 s5, $0x1;
	s3 =	sadd.s32 s20, s19  }
0x9c: {  	s22 =	simm.s32 $0x0;
	s4 =	sshll.u32 s4, $0x1;
	s5 =	sadd.s32 s21, s3  }
0x9d: {  	[timem:s22], [sflag:s6] =	dma.local [hbm:s5], s4  }
0x9e: {  	_ =	swait.ge [sflag:s6], s4  }
0x9f: {  	s4 =	ssub.s32 $0x0, s4;
	[sflag:s6] =	ssyncset.done $0x0  }
0xa0: {  	[sflag:s6] =	ssyncadd.s32 s4;
	_ =	sdelay $0x1  }
0xa1: {  	s23 =	simm.s32 $0x1B8B  }
0xa2: {  	_ =	swait.ge [sflag:s23], $0x1  }
0xa3: {  	[sflag:s23] =	ssyncset.done $0x0  }
0xa4: {  	[sflag:s23] =	ssyncadd.s32 $0xFFFFFFFF  }
0xa5: {  	s4 =	sld [smem:$0x0]  }
0xa6: {  	s5 =	sand.u32 $0xFFFFFFFE, s1  }
0xa7: {  	p0 =	sne.s32 s1, s5  }
0xa8: {  	s5 =	sshll.u32 @p0 s5, $0xE  }
0xa9: {  	s5 =	sadd.s32 @p0 $0x11B8D, s5;
	s6 =	sshll.u32 @p0 s4, $0x11  }
0xaa: {  	s5 =	sor.u32 @p0 s6, s5  }
0xab: {  	[sflag:s5] =	ssyncadd.remote.s32 @p0 $0x1;
	_ =	sdelay $0x1  }
0xac: {  	s5 =	simm.s32 @p0 $0x1B8D  }
0xad: {  	_ =	swait.eq @p0 [sflag:s5], $0x1  }
0xae: {  	[sflag:s5] =	ssyncadd.s32 @p0 $0xFFFFFFFF  }
0xaf: {  	s6 =	sshll.u32 @!p0 s1, $0xE  }
0xb0: {  	s6 =	sor.u32 @!p0 $0x4000, s6;
	s5 =	simm.s32 @!p0 $0x1B8D  }
0xb1: {  	s4 =	sshll.u32 @!p0 s4, $0x11;
	s6 =	sadd.s32 @!p0 $0x11B8D, s6;
	_ =	swait.eq @!p0 [sflag:s5], $0x1  }
0xb2: {  	s4 =	sor.u32 @!p0 s4, s6;
	[sflag:s5] =	ssyncadd.s32 @!p0 $0xFFFFFFFF  }
0xb3: {  	s25 =	simm.s32 $0x1B8E;
	s24 =	sld [smem:$0x3FFE];
	[sflag:s4] =	ssyncadd.remote.s32 @!p0 $0x1  }
0xb4: {  	s26 =	simm.s32 $execute0_lowered;
	[smem:$0x3FD2] =	sst s25  }
0xb5: {  	s5 =	sshll.u32 s26, $0x1;
	_ =	strace $0x80000049;
	[dreg:$0x1] =	wrdreg $0xFFFFFFFF  }
0xb6: {  	s28 =	simm.s32 $_size_execute0_lowered;
	s3 =	sadd.s32 s3, s5;
	[dreg:$0x0] =	wrdreg $0x0  }
0xb7: {  	s5 =	sshll.u32 s28, $0x1;
	[dreg:$0x2] =	wrdreg s3  }
0xb8: {  	[dreg:$0x3] =	wrdreg s5  }
0xb9: {  	[dreg:$0x4] =	wrdreg $0xC0  }
0xba: {  	_ =	task [dreg:s22], $0x5FFFF  }
0xbb: {  	[dreg:$0x1] =	wrdreg $0xFFFFFFFF  }
0xbc: {  	[dreg:$0x0] =	wrdreg $0x60  }
0xbd: {  	[dreg:$0x2] =	wrdreg s24  }
0xbe: {  	[dreg:$0x3] =	wrdreg $0xD000  }
0xbf: {  	[dreg:$0x4] =	wrdreg $0x9  }
0xc0: {  	_ =	task.clear_ibuf [dreg:s22], $0x5FFFF;
	_ =	strace $0x90000049  }
0xc1: {  	s29 =	simm.s32 $0x9;
	_ =	strace $0x8000004B  }
0xc2: {  	_ =	swait.ge [sflag:s29], $0x1  }
0xc3: {  	[sflag:s29] =	ssyncadd.s32 $0xFFFFFFFF  }
0xc4: {  	_ =	strace $0x9000004B  }
0xc5: {  	_ =	sfence  }
0xc6: {  	s30 =	sld [smem:$0x0];
	_ =	sdelay $0x2  }
0xc7: {  	s31 =	sshll.u32 s1, $0xD;
	s1 =	sshrl.u32 s1, $0x2  }
0xc8: {  	s4 =	sand.u32 $0x4000, s31;
	s1 =	sadd.s32 s1, s30  }
0xc9: {  	s0 =	sor.u32 s4, s0;
	s1 =	sshll.u32 s1, $0x11  }
0xca: {  	s0 =	sor.u32 s1, s0  }
0xcb: {  	s0 =	sadd.s32 $0x8F2B, s0  }
0xcc: {  	[sflag:s0] =	ssyncadd.remote.s32 $0x1  }
0xcd: {  	_ =	sfence.sel $0xFFFF  }
0xce: {  	[dreg:$0x0] =	wrdreg $0xFFFFFFFF;
	(pc) =	sbr.abs _section_cstart, $3  }
0xcf: {  	[dreg:$0x1] =	wrdreg $0xFFFFFFFF  }
0xd0: {  	_ =	task.clear_ibuf [dreg:s22], $0x2FFFF;
	_ =	strace $0x9FFFFFFF  }
0xd1: {  	(tm) =	ssettm $0x7FFFFFFF  }
tec
execute0_lowered:
.L_overlay_start_1:
0x0: {  	(tag) =	ssettag $0x1  }
0x1: {  	s20 =	rddreg [dreg:$0x0]  }
0x2: {  	s2 =	rddreg [dreg:$0x1]  }
0x3: {  	s0 =	rddreg [dreg:$0x2];
	s4 =	srdreg.scid  }
0x4: {  	s1 =	stileid.u32;
	s3 =	simm.s32 $0x0;
	s21 =	sand.u32 $0x1, s4  }
0x5: {  	s30 =	sshll.u32 s1, $0x1;
	[smem:$0x7FF] =	sst s3;
	s22 =	smul.u32 $0x2800, s1  }
0x6: {  	s5 =	sshll.u32 s1, $0x6;
	s4 =	sor.u32 s21, s30;
	_ =	strace $0x8000004A  }
0x7: {  	s5 =	sor.u32 $0x1C01, s5;
	s8 =	smul.u32 $0xA0, s4;
	s6 =	sadd.s32 s22, s2  }
0x8: {  	s4 =	sadd.s32 $0x94000, s20;
	s7 =	sshrl.u32 s6, $0x3;
	s6 =	simm.s32 $0x1  }
0x9: {  	[spmem:s7], [sflag:s5] =	dma.local [hbm:s4], $0x500  }
0xa: {  	_ =	swait.ge [sflag:s6], $0x500  }
0xb: {  	s8 =	sadd.s32 s8, s20;
	[sflag:s6] =	ssyncset.done $0x0  }
0xc: {  	s8 =	sadd.s32 $0x92C00, s8;
	[sflag:s6] =	ssyncadd.s32 $0xFFFFFB00  }
0xd: {  	[tilespmem:s3], [sflag:$0x1] =	stream.linear.gather [hbm4b:s8+s3], $0x500, $0x38;
	[tilespmem:$0x3500] =	vst v63  }
0xe: {  	_ =	swait.ge [sflag:s6], $0x500  }
0xf: {  	[sflag:s6] =	ssyncset.done $0x0  }
0x10: {  	s10 =	simm.s32 $0x500;
	s9 =	sadd.s32 $0x94600, s20;
	[sflag:s6] =	ssyncadd.s32 $0xFFFFFB00  }
0x11: {  	[tilespmem:s10], [sflag:$0x1] =	stream.linear.gather [hbm4b:s9+s3], $0x800, $0x38;
	[tilespmem:$0x3500] =	vst v63  }
0x12: {  	_ =	swait.ge [sflag:s6], $0x800  }
0x13: {  	[sflag:s6] =	ssyncset.done $0x0  }
0x14: {  	[sflag:s6] =	ssyncadd.s32 $0xFFFFF800  }
0x15: {  	s11 =	simm.s32 $0x80;
	[bflag:$0x0] =	sbarrier.arrive $0xFFFF  }
0x16: {  	[spmem:s2] =	stream.indirect.scatter.add.f32 [tilespmem:s10], [sflag:$0x1], $0x10, s3, s11, $0xb8;
	[tilespmem:$0x3500] =	vst v63  }
0x17: {  	_ =	swait.ge [sflag:s6], $0x800  }
0x18: {  	[sflag:s6] =	ssyncset.done $0x0  }
0x19: {  	[sflag:s6] =	ssyncadd.s32 $0xFFFFF800  }
0x1a: {  	[spmem:s2] =	stream.indirect.scatter.add.f32 [tilespmem:s10], [sflag:$0x1], $0x10, s11, s11, $0xb8;
	[tilespmem:$0x3500] =	vst v63  }
0x1b: {  	_ =	swait.ge [sflag:s6], $0x800  }
0x1c: {  	[sflag:s6] =	ssyncset.done $0x0  }
0x1d: {  	s12 =	simm.s32 $0x100;
	[sflag:s6] =	ssyncadd.s32 $0xFFFFF800  }
0x1e: {  	[spmem:s2] =	stream.indirect.scatter.add.f32 [tilespmem:s10], [sflag:$0x1], $0x10, s12, s11, $0xb8;
	[tilespmem:$0x3500] =	vst v63  }
0x1f: {  	_ =	swait.ge [sflag:s6], $0x800  }
0x20: {  	[sflag:s6] =	ssyncset.done $0x0  }
0x21: {  	s13 =	simm.s32 $0x180;
	[sflag:s6] =	ssyncadd.s32 $0xFFFFF800  }
0x22: {  	[spmem:s2] =	stream.indirect.scatter.add.f32 [tilespmem:s10], [sflag:$0x1], $0x10, s13, s11, $0xb8;
	[tilespmem:$0x3500] =	vst v63  }
0x23: {  	_ =	swait.ge [sflag:s6], $0x800  }
0x24: {  	[sflag:s6] =	ssyncset.done $0x0  }
0x25: {  	s14 =	simm.s32 $0x200;
	[sflag:s6] =	ssyncadd.s32 $0xFFFFF800  }
0x26: {  	[spmem:s2] =	stream.indirect.scatter.add.f32 [tilespmem:s10], [sflag:$0x1], $0x10, s14, s11, $0xb8;
	[tilespmem:$0x3500] =	vst v63  }
0x27: {  	_ =	swait.ge [sflag:s6], $0x800  }
0x28: {  	[sflag:s6] =	ssyncset.done $0x0  }
0x29: {  	s15 =	simm.s32 $0x280;
	[sflag:s6] =	ssyncadd.s32 $0xFFFFF800  }
0x2a: {  	[spmem:s2] =	stream.indirect.scatter.add.f32 [tilespmem:s10], [sflag:$0x1], $0x10, s15, s11, $0xb8;
	[tilespmem:$0x3500] =	vst v63  }
0x2b: {  	_ =	swait.ge [sflag:s6], $0x800  }
0x2c: {  	[sflag:s6] =	ssyncset.done $0x0  }
0x2d: {  	s16 =	simm.s32 $0x300;
	[sflag:s6] =	ssyncadd.s32 $0xFFFFF800  }
0x2e: {  	[spmem:s2] =	stream.indirect.scatter.add.f32 [tilespmem:s10], [sflag:$0x1], $0x10, s16, s11, $0xb8;
	[tilespmem:$0x3500] =	vst v63  }
0x2f: {  	_ =	swait.ge [sflag:s6], $0x800  }
0x30: {  	[sflag:s6] =	ssyncset.done $0x0  }
0x31: {  	s17 =	simm.s32 $0x380;
	[sflag:s6] =	ssyncadd.s32 $0xFFFFF800  }
0x32: {  	[spmem:s2] =	stream.indirect.scatter.add.f32 [tilespmem:s10], [sflag:$0x1], $0x10, s17, s11, $0xb8;
	[tilespmem:$0x3500] =	vst v63  }
0x33: {  	_ =	swait.ge [sflag:s6], $0x800  }
0x34: {  	[sflag:s6] =	ssyncset.done $0x0  }
0x35: {  	s18 =	simm.s32 $0x400;
	[sflag:s6] =	ssyncadd.s32 $0xFFFFF800  }
0x36: {  	[spmem:s2] =	stream.indirect.scatter.add.f32 [tilespmem:s10], [sflag:$0x1], $0x10, s18, s11, $0xb8;
	[tilespmem:$0x3500] =	vst v63  }
0x37: {  	s23 =	smul.u32 $0x28000, s21;
	s21 =	ssub.s32 $0x2, s21;
	_ =	swait.ge [sflag:s6], $0x800  }
0x38: {  	s31 =	sshrl.u32 s21, $0x1;
	[sflag:s6] =	ssyncset.done $0x0  }
0x39: {  	s19 =	simm.s32 $0x480;
	s21 =	ssub.s32 s21, s31;
	[sflag:s6] =	ssyncadd.s32 $0xFFFFF800  }
0x3a: {  	[spmem:s2] =	stream.indirect.scatter.add.f32 [tilespmem:s10], [sflag:$0x1], $0x10, s19, s11, $0xb8;
	[tilespmem:$0x3500] =	vst v63  }
0x3b: {  	s22 =	sadd.s32 s22, s23;
	s21 =	smax.u32 s21, $0x1;
	_ =	swait.ge [sflag:s6], $0x800  }
0x3c: {  	s22 =	sshrl.u32 s22, $0x3;
	p0 =	sne.s32 s21, $0x1;
	[sflag:s6] =	ssyncset.done $0x0  }
.Ltmp0:
0x3d: {  	s20 =	sadd.s32 s22, s20;
	[sflag:s6] =	ssyncadd.s32 $0xFFFFF800;
	(pc) =	sbr.rel @!p0 .LBB2_2-.Ltmp0, $4  }
0x3e: {  	s20 =	sadd.s32 $0x94800, s20;
	[bflag:$0x0] =	sbarrier.arrive $0xFFFF  }
0x3f: {  	[hbm:s20], [sflag:s5] =	dma.local [spmem:s7], $0x500  }
0x40: {  	_ =	swait.ge [sflag:s6], $0x500  }
0x41: {  	s21 =	sadd.s32 $0xFFFFFFFF, s21;
	[sflag:s6] =	ssyncset.done $0x0  }
.LBB2_1:
0x42: {  	p0 =	sne.s32 s21, $0x1;
	s21 =	sadd.s32 $0xFFFFFFFF, s21;
	[sflag:s6] =	ssyncadd.s32 $0xFFFFFB00  }
0x43: {  	[spmem:s7], [sflag:s5] =	dma.local [hbm:s4], $0x500  }
0x44: {  	_ =	swait.ge [sflag:s6], $0x500  }
0x45: {  	[sflag:s6] =	ssyncset.done $0x0  }
0x46: {  	[sflag:s6] =	ssyncadd.s32 $0xFFFFFB00  }
0x47: {  	[tilespmem:s3], [sflag:$0x1] =	stream.linear.gather [hbm4b:s8+s3], $0x500, $0x38;
	[tilespmem:$0x3500] =	vst v63  }
0x48: {  	_ =	swait.ge [sflag:s6], $0x500  }
0x49: {  	[sflag:s6] =	ssyncset.done $0x0  }
0x4a: {  	[sflag:s6] =	ssyncadd.s32 $0xFFFFFB00  }
0x4b: {  	[tilespmem:s10], [sflag:$0x1] =	stream.linear.gather [hbm4b:s9+s3], $0x800, $0x38;
	[tilespmem:$0x3500] =	vst v63  }
0x4c: {  	_ =	swait.ge [sflag:s6], $0x800  }
0x4d: {  	[sflag:s6] =	ssyncset.done $0x0  }
0x4e: {  	[sflag:s6] =	ssyncadd.s32 $0xFFFFF800  }
0x4f: {  	[bflag:$0x0] =	sbarrier.arrive $0xFFFF  }
0x50: {  	[spmem:s2] =	stream.indirect.scatter.add.f32 [tilespmem:s10], [sflag:$0x1], $0x10, s3, s11, $0xb8;
	[tilespmem:$0x3500] =	vst v63  }
0x51: {  	_ =	swait.ge [sflag:s6], $0x800  }
0x52: {  	[sflag:s6] =	ssyncset.done $0x0  }
0x53: {  	[sflag:s6] =	ssyncadd.s32 $0xFFFFF800  }
0x54: {  	[spmem:s2] =	stream.indirect.scatter.add.f32 [tilespmem:s10], [sflag:$0x1], $0x10, s11, s11, $0xb8;
	[tilespmem:$0x3500] =	vst v63  }
0x55: {  	_ =	swait.ge [sflag:s6], $0x800  }
0x56: {  	[sflag:s6] =	ssyncset.done $0x0  }
0x57: {  	[sflag:s6] =	ssyncadd.s32 $0xFFFFF800  }
0x58: {  	[spmem:s2] =	stream.indirect.scatter.add.f32 [tilespmem:s10], [sflag:$0x1], $0x10, s12, s11, $0xb8;
	[tilespmem:$0x3500] =	vst v63  }
0x59: {  	_ =	swait.ge [sflag:s6], $0x800  }
0x5a: {  	[sflag:s6] =	ssyncset.done $0x0  }
0x5b: {  	[sflag:s6] =	ssyncadd.s32 $0xFFFFF800  }
0x5c: {  	[spmem:s2] =	stream.indirect.scatter.add.f32 [tilespmem:s10], [sflag:$0x1], $0x10, s13, s11, $0xb8;
	[tilespmem:$0x3500] =	vst v63  }
0x5d: {  	_ =	swait.ge [sflag:s6], $0x800  }
0x5e: {  	[sflag:s6] =	ssyncset.done $0x0  }
0x5f: {  	[sflag:s6] =	ssyncadd.s32 $0xFFFFF800  }
0x60: {  	[spmem:s2] =	stream.indirect.scatter.add.f32 [tilespmem:s10], [sflag:$0x1], $0x10, s14, s11, $0xb8;
	[tilespmem:$0x3500] =	vst v63  }
0x61: {  	_ =	swait.ge [sflag:s6], $0x800  }
0x62: {  	[sflag:s6] =	ssyncset.done $0x0  }
0x63: {  	[sflag:s6] =	ssyncadd.s32 $0xFFFFF800  }
0x64: {  	[spmem:s2] =	stream.indirect.scatter.add.f32 [tilespmem:s10], [sflag:$0x1], $0x10, s15, s11, $0xb8;
	[tilespmem:$0x3500] =	vst v63  }
0x65: {  	_ =	swait.ge [sflag:s6], $0x800  }
0x66: {  	[sflag:s6] =	ssyncset.done $0x0  }
0x67: {  	[sflag:s6] =	ssyncadd.s32 $0xFFFFF800  }
0x68: {  	[spmem:s2] =	stream.indirect.scatter.add.f32 [tilespmem:s10], [sflag:$0x1], $0x10, s16, s11, $0xb8;
	[tilespmem:$0x3500] =	vst v63  }
0x69: {  	_ =	swait.ge [sflag:s6], $0x800  }
0x6a: {  	[sflag:s6] =	ssyncset.done $0x0  }
0x6b: {  	[sflag:s6] =	ssyncadd.s32 $0xFFFFF800  }
0x6c: {  	[spmem:s2] =	stream.indirect.scatter.add.f32 [tilespmem:s10], [sflag:$0x1], $0x10, s17, s11, $0xb8;
	[tilespmem:$0x3500] =	vst v63  }
0x6d: {  	_ =	swait.ge [sflag:s6], $0x800  }
0x6e: {  	[sflag:s6] =	ssyncset.done $0x0  }
0x6f: {  	[sflag:s6] =	ssyncadd.s32 $0xFFFFF800  }
0x70: {  	[spmem:s2] =	stream.indirect.scatter.add.f32 [tilespmem:s10], [sflag:$0x1], $0x10, s18, s11, $0xb8;
	[tilespmem:$0x3500] =	vst v63  }
0x71: {  	_ =	swait.ge [sflag:s6], $0x800  }
0x72: {  	[sflag:s6] =	ssyncset.done $0x0  }
0x73: {  	[sflag:s6] =	ssyncadd.s32 $0xFFFFF800  }
0x74: {  	[spmem:s2] =	stream.indirect.scatter.add.f32 [tilespmem:s10], [sflag:$0x1], $0x10, s19, s11, $0xb8;
	[tilespmem:$0x3500] =	vst v63  }
0x75: {  	_ =	swait.ge [sflag:s6], $0x800  }
0x76: {  	[sflag:s6] =	ssyncset.done $0x0  }
.Ltmp1:
0x77: {  	[sflag:s6] =	ssyncadd.s32 $0xFFFFF800;
	(pc) =	sbr.rel @p0 .LBB2_1-.Ltmp1, $4  }
0x78: {  	[bflag:$0x0] =	sbarrier.arrive $0xFFFF  }
0x79: {  	[hbm:s20], [sflag:s5] =	dma.local [spmem:s7], $0x500  }
0x7a: {  	_ =	swait.ge [sflag:s6], $0x500  }
0x7b: {  	[sflag:s6] =	ssyncset.done $0x0  }
.LBB2_2:
0x7c: {  	[sflag:s6] =	ssyncadd.s32 $0xFFFFFB00  }
0x7d: {  	_ =	sfence.sel $0x180000  }
0x7e: {  	[bflag:$0x0] =	sbarrier.arrive $0xFFFF  }
0x7f: {  	p0 =	sne.s32 s1, $0x0;
	_ =	strace $0x9000004A  }
0x80: {  	s0 =	sadd.s32 @!p0 $0x100000, s0;
	[bflag:$0x2] =	sbarrier.arrive $0xFFFF  }
0x81: {  	[sflag:s0] =	ssyncadd.tile.s32 @!p0 $0x1;
	_ =	shalt  }
.Lfunc_end2:
_tile_overlayer_lowered:
.L_overlay_start_2:
0x82: {  	(tag) =	ssettag $0x2  }
0x83: {  	s0 =	rddreg [dreg:$0x0];
	s2 =	stileid.u32  }
0x84: {  	s1 =	rddreg [dreg:$0x1];
	p0 =	sne.s32 s2, $0x0  }
0x85: {  	s3 =	rddreg [dreg:$0x2];
	[bflag:$0x3] =	sbarrier.arrive $0xFFFF;
	s2 =	simm.s32 @!p0 $0x1C01  }
0x86: {  	[timem:s3], [sflag:s2] =	dma.local @!p0 [hbm:s0], s1  }
0x87: {  	s0 =	simm.s32 @!p0 $0x1  }
0x88: {  	_ =	swait.ge @!p0 [sflag:s0], s1  }
0x89: {  	s1 =	ssub.s32 @!p0 $0x0, s1;
	[sflag:s0] =	ssyncset.done @!p0 $0x0  }
0x8a: {  	[sflag:s0] =	ssyncadd.s32 @!p0 s1  }
0x8b: {  	[bflag:$0x3] =	sbarrier.arrive $0xFFFF  }
0x8c: {  	_ =	shalt  }

// kernel: kernel.21.cloned.1.call-start
scs
__scs_entry_jumppad:
0x0: {  	(pc) =	sbr.rel $0x88, $3  }
0x1: {  	(tag) =	ssettag $0x0;
	lr =	simm.s32 $0x1  }
0x2: {  	[smem:$0x3F8D] =	sst lr;
	_ =	strace $0xD0000000  }
0x3: {  	_ = 	snop  }
0x4: {  	_ = 	snop  }
0x5: {  	_ = 	snop  }
0x6: {  	_ = 	snop  }
0x7: {  	_ = 	snop  }
__scs_overlays_trampoline_lowered:
0x8: {  	[smem:$0x3F9C] =	sst s0  }
0x9: {  	[smem:$0x3F9D] =	sst s1  }
0xa: {  	[smem:$0x3F9E] =	sst s2  }
0xb: {  	[smem:$0x3F9F] =	sst s3  }
0xc: {  	[smem:$0x3FA0] =	sst s4  }
0xd: {  	[smem:$0x3FA1] =	sst s5  }
0xe: {  	[smem:$0x3FA2] =	sst s6  }
0xf: {  	[smem:$0x3FA3] =	sst s7  }
0x10: {  	[smem:$0x3FA4] =	sst s8  }
0x11: {  	[smem:$0x3FA5] =	sst s9;
	s0 =	simm.s32 @!p0 $0x0  }
0x12: {  	s1 =	sld [smem:$0x3F8B];
	s0 =	simm.s32 @p0 $0x1  }
0x13: {  	[smem:$0x3FA6] =	sst s0;
	s0 =	simm.s32 @!p1 $0x0  }
0x14: {  	s2 =	sld [smem:$0x3F8A];
	s0 =	simm.s32 @p1 $0x1  }
0x15: {  	[smem:$0x3FA7] =	sst s0;
	s0 =	simm.s32 @!p2 $0x0  }
0x16: {  	s3 =	sld [smem:$0x3FDB];
	s0 =	simm.s32 @p2 $0x1  }
0x17: {  	s4 =	simm.s32 $0x1BF5;
	[smem:$0x3FA9] =	sst s0  }
0x18: {  	s0 =	sld [smem:$0x3F8C];
	_ =	swait.ge [sflag:s4], $0x0  }
0x19: {  	s7 =	sld [smem:$0x3F8D]  }
0x1a: {  	s8 =	sadd.s32 $0xFFFFE003, lr  }
0x1b: {  	s9 =	sadd.s32 $0xFFFFFEF7, lr;
	s5 =	simm.s32 $0xFFFFFFFF;
	p2 =	slt.u32 s8, $0xFFFFF086  }
0x1c: {  	p1 =	slt.u32 s9, $0xF7A;
	s5 =	simm.s32 @!p2 $0x0  }
0x1d: {  	s5 =	simm.s32 @p1 $0x1;
	p0 =	seq.s32 s7, s2  }
0x1e: {  	s7 =	smul.u32 @!p0 $0xF7A, s2;
	p2 =	seq.s32 @!p0 s5, $0x0  }
0x1f: {  	s9 =	smul.u32 $0xF7A, s1;
	s8 =	simm.s32 @!p0 $0x1BF5;
	p2 =	por !p2, p0  }
0x20: {  	[sflag:s8] =	ssyncset.s32 @!p0 $0xFFFFF086;
	s6 =	sadd.s32 @!p0 s3, s7;
	s7 =	simm.s32 @!p0 $0x108  }
0x21: {  	s3 =	sadd.s32 s3, s9;
	s6 =	sadd.s32 @!p0 $0x88, s6;
	s7 =	simm.s32 @p2 $0x1082  }
0x22: {  	[simem:s7], [sflag:s8] =	dma.local @!p0 [hbm:s6], $0xF7A  }
0x23: {  	s9 =	sor.u32 $0xD0000000, s2;
	s6 =	simm.s32 $0x108;
	_ =	swait.ge @!p0 [sflag:s8], $0x0  }
0x24: {  	s3 =	sadd.s32 $0x88, s3;
	s6 =	simm.s32 @!p1 $0x1082;
	[sflag:s4] =	ssyncset.s32 $0xFFFFF086  }
0x25: {  	[simem:s6], [sflag:s4] =	dma.local [hbm:s3], $0xF7A  }
0x26: {  	[smem:$0x3F8D] =	sst s1;
	(tag) =	ssettag s2;
	_ =	strace s9  }
0x27: {  	s1 =	sld [smem:$0x3F9D]  }
0x28: {  	s2 =	sld [smem:$0x3F9E]  }
0x29: {  	s4 =	sld [smem:$0x3FA0]  }
0x2a: {  	p0 =	seq.s32 s5, $0x0;
	s5 =	sld [smem:$0x3FA1]  }
0x2b: {  	s6 =	sld [smem:$0x3FA2]  }
0x2c: {  	s7 =	sld [smem:$0x3FA3]  }
0x2d: {  	s3 =	simm.s32 $0x108;
	s8 =	sld [smem:$0x3FA4]  }
0x2e: {  	s3 =	simm.s32 @!p0 $0x1082;
	s9 =	sld [smem:$0x3FA5]  }
0x2f: {  	lr =	sadd.s32 s0, s3;
	s0 =	sld [smem:$0x3F9C]  }
0x30: {  	s3 =	sld [smem:$0x3F9F]  }
0x31: {  	[smem:$0x3FA8] =	sst s10  }
0x32: {  	s10 =	sld [smem:$0x3FA6];
	_ =	sdelay $0x3  }
0x33: {  	p0 =	seq.s32 s10, $0x1;
	s10 =	sld [smem:$0x3FA8];
	_ =	sdelay $0x3  }
0x34: {  	[smem:$0x3FA8] =	sst s10  }
0x35: {  	s10 =	sld [smem:$0x3FA7];
	_ =	sdelay $0x3  }
0x36: {  	p1 =	seq.s32 s10, $0x1;
	s10 =	sld [smem:$0x3FA8];
	_ =	sdelay $0x3  }
0x37: {  	[smem:$0x3FA8] =	sst s10  }
0x38: {  	s10 =	sld [smem:$0x3FA9]  }
0x39: {  	_ = 	snop;
	(pc) =	sbr.ind lr, $3  }
0x3a: {  	_ = 	snop  }
0x3b: {  	_ = 	snop  }
0x3c: {  	p2 =	seq.s32 s10, $0x1;
	s10 =	sld [smem:$0x3FA8]  }
0x3d: {  	_ =	shalt  }
0x3e: {  	_ =	shalt  }
0x3f: {  	_ =	shalt  }
0x40: {  	_ =	shalt  }
0x41: {  	_ =	shalt  }
0x42: {  	_ =	shalt  }
0x43: {  	_ =	shalt  }
0x44: {  	_ =	shalt  }
0x45: {  	_ =	shalt  }
0x46: {  	_ =	shalt  }
0x47: {  	_ =	shalt  }
0x48: {  	_ =	shalt  }
0x49: {  	_ =	shalt  }
0x4a: {  	_ =	shalt  }
0x4b: {  	_ =	shalt  }
0x4c: {  	_ =	shalt  }
0x4d: {  	_ =	shalt  }
0x4e: {  	_ =	shalt  }
0x4f: {  	_ =	shalt  }
0x50: {  	_ =	shalt  }
0x51: {  	_ =	shalt  }
0x52: {  	_ =	shalt  }
0x53: {  	_ =	shalt  }
0x54: {  	_ =	shalt  }
0x55: {  	_ =	shalt  }
0x56: {  	_ =	shalt  }
0x57: {  	_ =	shalt  }
0x58: {  	_ =	shalt  }
0x59: {  	_ =	shalt  }
0x5a: {  	_ =	shalt  }
0x5b: {  	_ =	shalt  }
0x5c: {  	_ =	shalt  }
0x5d: {  	_ =	shalt  }
0x5e: {  	_ =	shalt  }
0x5f: {  	_ =	shalt  }
0x60: {  	_ =	shalt  }
0x61: {  	_ =	shalt  }
0x62: {  	_ =	shalt  }
0x63: {  	_ =	shalt  }
0x64: {  	_ =	shalt  }
0x65: {  	_ =	shalt  }
0x66: {  	_ =	shalt  }
0x67: {  	_ =	shalt  }
0x68: {  	_ =	shalt  }
0x69: {  	_ =	shalt  }
0x6a: {  	_ =	shalt  }
0x6b: {  	_ =	shalt  }
0x6c: {  	_ =	shalt  }
0x6d: {  	_ =	shalt  }
0x6e: {  	_ =	shalt  }
0x6f: {  	_ =	shalt  }
0x70: {  	_ =	shalt  }
0x71: {  	_ =	shalt  }
0x72: {  	_ =	shalt  }
0x73: {  	_ =	shalt  }
0x74: {  	_ =	shalt  }
0x75: {  	_ =	shalt  }
0x76: {  	_ =	shalt  }
0x77: {  	_ =	shalt  }
0x78: {  	_ =	shalt  }
0x79: {  	_ =	shalt  }
0x7a: {  	_ =	shalt  }
0x7b: {  	_ =	shalt  }
0x7c: {  	_ =	shalt  }
0x7d: {  	_ =	shalt  }
0x7e: {  	_ =	shalt  }
0x7f: {  	_ =	shalt  }
0x80: {  	_ =	shalt  }
0x81: {  	_ =	shalt  }
0x82: {  	_ =	shalt  }
0x83: {  	_ =	shalt  }
0x84: {  	_ =	shalt  }
0x85: {  	_ =	shalt  }
0x86: {  	_ =	shalt  }
0x87: {  	_ =	shalt  }
.Lfunc_end0:
.L_simem_size_0:
called_computation.1_lowered:
.L_overlay_start_0:
0x88: {  	s2 =	sld [smem:$0x3FD9]  }
0x89: {  	s3 =	sld [smem:$0x3FFE];
	_ =	sdelay $0x1  }
0x8a: {  	s1 =	srdreg.scid  }
0x8b: {  	s0 =	sand.u32 $0x1, s1  }
0x8c: {  	s16 =	sshll.u32 s0, $0xA;
	s2 =	sadd.s32 s3, s2  }
0x8d: {  	s2 =	sadd.s32 s2, s16  }
0x8e: {  	[smem:$0x3FB4] =	sst s2  }
0x8f: {  	_ = 	snop  }
0x90: {  	(tm) =	ssettm $0x1  }
0x91: {  	s17 =	sld [smem:$0x3FFB];
	_ =	sdelay $0x3  }
0x92: {  	_ =	strace s17  }
0x93: {  	s2 =	sld [smem:$0x3FFC];
	_ =	sdelay $0x3  }
0x94: {  	_ =	strace s2  }
0x95: {  	s2 =	sld [smem:$0x3FFD];
	_ =	sdelay $0x3  }
0x96: {  	_ =	strace s2  }
0x97: {  	_ =	strace $0x8FFFFFFF  }
0x98: {  	s18 =	sld [smem:$0x3FDB];
	_ =	sdelay $0x1  }
0x99: {  	s19 =	simm.s32 $_scs_section_size  }
0x9a: {  	s4 =	simm.s32 $_size__tile_overlayer_lowered;
	s5 =	simm.s32 $_tile_overlayer_lowered  }
0x9b: {  	s22 =	simm.s32 $0x1BFF;
	s21 =	sshll.u32 s5, $0x1;
	s2 =	sadd.s32 s19, s18  }
0x9c: {  	s6 =	simm.s32 $0x0;
	s20 =	sshll.u32 s4, $0x1;
	s4 =	sadd.s32 s21, s2  }
0x9d: {  	[timem:s6], [sflag:s22] =	dma.local [hbm:s4], s20  }
0x9e: {  	_ =	swait.ge [sflag:s22], s20  }
0x9f: {  	s3 =	ssub.s32 $0x0, s20;
	[sflag:s22] =	ssyncset.done $0x0  }
0xa0: {  	[sflag:s22] =	ssyncadd.s32 s3;
	_ =	sdelay $0x1  }
0xa1: {  	s23 =	simm.s32 $0x1B8B  }
0xa2: {  	_ =	swait.ge [sflag:s23], $0x1  }
0xa3: {  	[sflag:s23] =	ssyncset.done $0x0  }
0xa4: {  	s25 =	simm.s32 $0x1B8E;
	s24 =	sld [smem:$0x3FFE];
	[sflag:s23] =	ssyncadd.s32 $0xFFFFFFFF  }
0xa5: {  	s26 =	simm.s32 $execute0_lowered;
	[smem:$0x3FD2] =	sst s25  }
0xa6: {  	s4 =	sshll.u32 s26, $0x1;
	_ =	strace $0x80000046;
	[dreg:$0x1] =	wrdreg $0xFFFFFFFF  }
0xa7: {  	s28 =	simm.s32 $_size_execute0_lowered;
	s2 =	sadd.s32 s2, s4;
	[dreg:$0x0] =	wrdreg $0x0  }
0xa8: {  	s4 =	sshll.u32 s28, $0x1;
	[dreg:$0x2] =	wrdreg s2  }
0xa9: {  	[dreg:$0x3] =	wrdreg s4  }
0xaa: {  	[dreg:$0x4] =	wrdreg $0xC0  }
0xab: {  	_ =	task [dreg:s6], $0x5FFFF  }
0xac: {  	[dreg:$0x1] =	wrdreg $0xFFFFFFFF  }
0xad: {  	[dreg:$0x0] =	wrdreg $0x60  }
0xae: {  	[dreg:$0x2] =	wrdreg s24  }
0xaf: {  	[dreg:$0x3] =	wrdreg $0xA  }
0xb0: {  	_ =	task.clear_ibuf [dreg:s6], $0x4FFFF;
	_ =	strace $0x90000046  }
0xb1: {  	s29 =	simm.s32 $0xA;
	_ =	strace $0x80000048  }
0xb2: {  	_ =	swait.ge [sflag:s29], $0x1  }
0xb3: {  	[sflag:s29] =	ssyncadd.s32 $0xFFFFFFFF  }
0xb4: {  	_ =	strace $0x90000048  }
0xb5: {  	_ =	sfence  }
0xb6: {  	s30 =	sld [smem:$0x0];
	_ =	sdelay $0x2  }
0xb7: {  	s31 =	sshll.u32 s1, $0xD;
	s1 =	sshrl.u32 s1, $0x2  }
0xb8: {  	s3 =	sand.u32 $0x4000, s31;
	s1 =	sadd.s32 s1, s30  }
0xb9: {  	s0 =	sor.u32 s3, s0;
	s1 =	sshll.u32 s1, $0x11  }
0xba: {  	s0 =	sor.u32 s1, s0  }
0xbb: {  	s0 =	sadd.s32 $0x8F2B, s0  }
0xbc: {  	[sflag:s0] =	ssyncadd.remote.s32 $0x1  }
0xbd: {  	_ =	sfence.sel $0xFFFF  }
0xbe: {  	[dreg:$0x0] =	wrdreg $0xFFFFFFFF;
	(pc) =	sbr.abs _section_cstart, $3  }
0xbf: {  	[dreg:$0x1] =	wrdreg $0xFFFFFFFF  }
0xc0: {  	_ =	task.clear_ibuf [dreg:s6], $0x2FFFF;
	_ =	strace $0x9FFFFFFF  }
0xc1: {  	(tm) =	ssettm $0x7FFFFFFF  }
tec
execute0_lowered:
.L_overlay_start_1:
0x0: {  	(tag) =	ssettag $0x1  }
0x1: {  	s1 =	srdreg.scid;
	s0 =	stileid.u32  }
0x2: {  	s28 =	sand.u32 $0x1, s1;
	s31 =	sshll.u32 s0, $0x1  }
0x3: {  	s29 =	sor.u32 s28, s31  }
0x4: {  	s26 =	rddreg [dreg:$0x0];
	s3 =	smul.u32 $0xA0, s29  }
0x5: {  	s2 =	simm.s32 $0x0;
	s1 =	rddreg [dreg:$0x1]  }
0x6: {  	[smem:$0x7FF] =	sst s2;
	s3 =	sadd.s32 s3, s26  }
0x7: {  	_ =	strace $0x80000047;
	s4 =	sadd.s32 $0x41800, s3;
	s3 =	simm.s32 $0x2  }
0x8: {  	[tilespmem:s2], [sflag:$0x2] =	stream.linear.gather [hbm4b:s4+s2], $0x500, $0x38;
	[tilespmem:$0x14500] =	vst v63  }
0x9: {  	_ =	swait.ge [sflag:s3], $0x500  }
0xa: {  	s6 =	simm.s32 $0x80;
	[sflag:s3] =	ssyncset.done $0x0  }
0xb: {  	s7 =	simm.s32 $0x500;
	s5 =	sadd.s32 $0x2D800, s26;
	[sflag:s3] =	ssyncadd.s32 $0xFFFFFB00  }
0xc: {  	[tilespmem:s7], [sflag:$0x1] =	stream.indirect.gather [hbm4b:s5+s6], $0x40, s2, s6, $0xb8;
	[tilespmem:$0x14500] =	vst v63  }
0xd: {  	s8 =	simm.s32 $0x2500  }
0xe: {  	[tilespmem:s8], [sflag:$0x1] =	stream.indirect.gather [hbm4b:s5+s6], $0x40, s6, s6, $0xb8;
	[tilespmem:$0x14500] =	vst v63  }
0xf: {  	s9 =	simm.s32 $0x100;
	s10 =	simm.s32 $0x4500  }
0x10: {  	[tilespmem:s10], [sflag:$0x1] =	stream.indirect.gather [hbm4b:s5+s6], $0x40, s9, s6, $0xb8;
	[tilespmem:$0x14500] =	vst v63  }
0x11: {  	s11 =	simm.s32 $0x180;
	s12 =	simm.s32 $0x6500  }
0x12: {  	[tilespmem:s12], [sflag:$0x1] =	stream.indirect.gather [hbm4b:s5+s6], $0x40, s11, s6, $0xb8;
	[tilespmem:$0x14500] =	vst v63  }
0x13: {  	s13 =	simm.s32 $0x200;
	s14 =	simm.s32 $0x8500  }
0x14: {  	[tilespmem:s14], [sflag:$0x1] =	stream.indirect.gather [hbm4b:s5+s6], $0x40, s13, s6, $0xb8;
	[tilespmem:$0x14500] =	vst v63  }
0x15: {  	s15 =	simm.s32 $0x280;
	s16 =	simm.s32 $0xA500  }
0x16: {  	[tilespmem:s16], [sflag:$0x1] =	stream.indirect.gather [hbm4b:s5+s6], $0x40, s15, s6, $0xb8;
	[tilespmem:$0x14500] =	vst v63  }
0x17: {  	s17 =	simm.s32 $0x300;
	s18 =	simm.s32 $0xC500  }
0x18: {  	[tilespmem:s18], [sflag:$0x1] =	stream.indirect.gather [hbm4b:s5+s6], $0x40, s17, s6, $0xb8;
	[tilespmem:$0x14500] =	vst v63  }
0x19: {  	s19 =	simm.s32 $0x380;
	s20 =	simm.s32 $0xE500  }
0x1a: {  	[tilespmem:s20], [sflag:$0x1] =	stream.indirect.gather [hbm4b:s5+s6], $0x40, s19, s6, $0xb8;
	[tilespmem:$0x14500] =	vst v63  }
0x1b: {  	s21 =	simm.s32 $0x400;
	s22 =	simm.s32 $0x10500  }
0x1c: {  	[tilespmem:s22], [sflag:$0x1] =	stream.indirect.gather [hbm4b:s5+s6], $0x40, s21, s6, $0xb8;
	[tilespmem:$0x14500] =	vst v63  }
0x1d: {  	s23 =	simm.s32 $0x480;
	s24 =	simm.s32 $0x12500;
	s25 =	simm.s32 $0x1  }
0x1e: {  	[tilespmem:s24], [sflag:$0x1] =	stream.indirect.gather [hbm4b:s5+s6], $0x40, s23, s6, $0xb8;
	[tilespmem:$0x14500] =	vst v63  }
0x1f: {  	_ =	swait.ge [sflag:s25], $0x2000  }
0x20: {  	[sflag:s25] =	ssyncset.done $0x0  }
0x21: {  	[sflag:s25] =	ssyncadd.s32 $0xFFFFE000  }
0x22: {  	_ =	swait.ge [sflag:s25], $0x2000  }
0x23: {  	[sflag:s25] =	ssyncset.done $0x0  }
0x24: {  	[sflag:s25] =	ssyncadd.s32 $0xFFFFE000  }
0x25: {  	_ =	swait.ge [sflag:s25], $0x2000  }
0x26: {  	[sflag:s25] =	ssyncset.done $0x0  }
0x27: {  	[sflag:s25] =	ssyncadd.s32 $0xFFFFE000  }
0x28: {  	_ =	swait.ge [sflag:s25], $0x2000  }
0x29: {  	[sflag:s25] =	ssyncset.done $0x0  }
0x2a: {  	[sflag:s25] =	ssyncadd.s32 $0xFFFFE000  }
0x2b: {  	_ =	swait.ge [sflag:s25], $0x2000  }
0x2c: {  	[sflag:s25] =	ssyncset.done $0x0  }
0x2d: {  	[sflag:s25] =	ssyncadd.s32 $0xFFFFE000  }
0x2e: {  	_ =	swait.ge [sflag:s25], $0x2000  }
0x2f: {  	[sflag:s25] =	ssyncset.done $0x0  }
0x30: {  	[sflag:s25] =	ssyncadd.s32 $0xFFFFE000  }
0x31: {  	_ =	swait.ge [sflag:s25], $0x2000  }
0x32: {  	[sflag:s25] =	ssyncset.done $0x0  }
0x33: {  	[sflag:s25] =	ssyncadd.s32 $0xFFFFE000  }
0x34: {  	_ =	swait.ge [sflag:s25], $0x2000  }
0x35: {  	[sflag:s25] =	ssyncset.done $0x0  }
0x36: {  	s28 =	ssub.s32 $0x2, s28;
	[sflag:s25] =	ssyncadd.s32 $0xFFFFE000  }
0x37: {  	s30 =	sshrl.u32 s28, $0x1;
	_ =	swait.ge [sflag:s25], $0x2000  }
0x38: {  	s28 =	ssub.s32 s28, s30;
	[sflag:s25] =	ssyncset.done $0x0  }
0x39: {  	s29 =	smul.u32 $0x2800, s29;
	s28 =	smax.u32 s28, $0x1;
	[sflag:s25] =	ssyncadd.s32 $0xFFFFE000  }
0x3a: {  	p0 =	sne.s32 s28, $0x1;
	_ =	swait.ge [sflag:s25], $0x2000  }
.Ltmp0:
0x3b: {  	s26 =	sadd.s32 s29, s26;
	[sflag:s25] =	ssyncset.done $0x0;
	(pc) =	sbr.rel @!p0 .LBB2_2-.Ltmp0, $4  }
0x3c: {  	s26 =	sadd.s32 $0x42C00, s26;
	[sflag:s25] =	ssyncadd.s32 $0xFFFFE000  }
0x3d: {  	[hbm4b:s26+s2] =	stream.linear.scatter [tilespmem:s7], [sflag:$0x2], $0x14000, $0x38;
	[tilespmem:$0x14500] =	vst v63  }
0x3e: {  	_ =	swait.ge [sflag:s3], $0x14000  }
0x3f: {  	s28 =	sadd.s32 $0xFFFFFFFF, s28;
	[sflag:s3] =	ssyncset.done $0x0  }
.LBB2_1:
0x40: {  	p0 =	sne.s32 s28, $0x1;
	s28 =	sadd.s32 $0xFFFFFFFF, s28;
	[sflag:s3] =	ssyncadd.s32 $0xFFFEC000  }
0x41: {  	[tilespmem:s2], [sflag:$0x2] =	stream.linear.gather [hbm4b:s4+s2], $0x500, $0x38;
	[tilespmem:$0x14500] =	vst v63  }
0x42: {  	_ =	swait.ge [sflag:s3], $0x500  }
0x43: {  	[sflag:s3] =	ssyncset.done $0x0  }
0x44: {  	[sflag:s3] =	ssyncadd.s32 $0xFFFFFB00  }
0x45: {  	[tilespmem:s7], [sflag:$0x1] =	stream.indirect.gather [hbm4b:s5+s6], $0x40, s2, s6, $0xb8;
	[tilespmem:$0x14500] =	vst v63  }
0x46: {  	_ = 	snop  }
0x47: {  	[tilespmem:s8], [sflag:$0x1] =	stream.indirect.gather [hbm4b:s5+s6], $0x40, s6, s6, $0xb8;
	[tilespmem:$0x14500] =	vst v63  }
0x48: {  	_ = 	snop  }
0x49: {  	[tilespmem:s10], [sflag:$0x1] =	stream.indirect.gather [hbm4b:s5+s6], $0x40, s9, s6, $0xb8;
	[tilespmem:$0x14500] =	vst v63  }
0x4a: {  	_ = 	snop  }
0x4b: {  	[tilespmem:s12], [sflag:$0x1] =	stream.indirect.gather [hbm4b:s5+s6], $0x40, s11, s6, $0xb8;
	[tilespmem:$0x14500] =	vst v63  }
0x4c: {  	_ = 	snop  }
0x4d: {  	[tilespmem:s14], [sflag:$0x1] =	stream.indirect.gather [hbm4b:s5+s6], $0x40, s13, s6, $0xb8;
	[tilespmem:$0x14500] =	vst v63  }
0x4e: {  	_ = 	snop  }
0x4f: {  	[tilespmem:s16], [sflag:$0x1] =	stream.indirect.gather [hbm4b:s5+s6], $0x40, s15, s6, $0xb8;
	[tilespmem:$0x14500] =	vst v63  }
0x50: {  	_ = 	snop  }
0x51: {  	[tilespmem:s18], [sflag:$0x1] =	stream.indirect.gather [hbm4b:s5+s6], $0x40, s17, s6, $0xb8;
	[tilespmem:$0x14500] =	vst v63  }
0x52: {  	_ = 	snop  }
0x53: {  	[tilespmem:s20], [sflag:$0x1] =	stream.indirect.gather [hbm4b:s5+s6], $0x40, s19, s6, $0xb8;
	[tilespmem:$0x14500] =	vst v63  }
0x54: {  	_ = 	snop  }
0x55: {  	[tilespmem:s22], [sflag:$0x1] =	stream.indirect.gather [hbm4b:s5+s6], $0x40, s21, s6, $0xb8;
	[tilespmem:$0x14500] =	vst v63  }
0x56: {  	_ = 	snop  }
0x57: {  	[tilespmem:s24], [sflag:$0x1] =	stream.indirect.gather [hbm4b:s5+s6], $0x40, s23, s6, $0xb8;
	[tilespmem:$0x14500] =	vst v63  }
0x58: {  	_ =	swait.ge [sflag:s25], $0x2000  }
0x59: {  	[sflag:s25] =	ssyncset.done $0x0  }
0x5a: {  	[sflag:s25] =	ssyncadd.s32 $0xFFFFE000  }
0x5b: {  	_ =	swait.ge [sflag:s25], $0x2000  }
0x5c: {  	[sflag:s25] =	ssyncset.done $0x0  }
0x5d: {  	[sflag:s25] =	ssyncadd.s32 $0xFFFFE000  }
0x5e: {  	_ =	swait.ge [sflag:s25], $0x2000  }
0x5f: {  	[sflag:s25] =	ssyncset.done $0x0  }
0x60: {  	[sflag:s25] =	ssyncadd.s32 $0xFFFFE000  }
0x61: {  	_ =	swait.ge [sflag:s25], $0x2000  }
0x62: {  	[sflag:s25] =	ssyncset.done $0x0  }
0x63: {  	[sflag:s25] =	ssyncadd.s32 $0xFFFFE000  }
0x64: {  	_ =	swait.ge [sflag:s25], $0x2000  }
0x65: {  	[sflag:s25] =	ssyncset.done $0x0  }
0x66: {  	[sflag:s25] =	ssyncadd.s32 $0xFFFFE000  }
0x67: {  	_ =	swait.ge [sflag:s25], $0x2000  }
0x68: {  	[sflag:s25] =	ssyncset.done $0x0  }
0x69: {  	[sflag:s25] =	ssyncadd.s32 $0xFFFFE000  }
0x6a: {  	_ =	swait.ge [sflag:s25], $0x2000  }
0x6b: {  	[sflag:s25] =	ssyncset.done $0x0  }
0x6c: {  	[sflag:s25] =	ssyncadd.s32 $0xFFFFE000  }
0x6d: {  	_ =	swait.ge [sflag:s25], $0x2000  }
0x6e: {  	[sflag:s25] =	ssyncset.done $0x0  }
0x6f: {  	[sflag:s25] =	ssyncadd.s32 $0xFFFFE000  }
0x70: {  	_ =	swait.ge [sflag:s25], $0x2000  }
0x71: {  	[sflag:s25] =	ssyncset.done $0x0  }
0x72: {  	[sflag:s25] =	ssyncadd.s32 $0xFFFFE000  }
0x73: {  	_ =	swait.ge [sflag:s25], $0x2000  }
.Ltmp1:
0x74: {  	[sflag:s25] =	ssyncset.done $0x0;
	(pc) =	sbr.rel @p0 .LBB2_1-.Ltmp1, $4  }
0x75: {  	[sflag:s25] =	ssyncadd.s32 $0xFFFFE000  }
0x76: {  	[hbm4b:s26+s2] =	stream.linear.scatter [tilespmem:s7], [sflag:$0x2], $0x14000, $0x38;
	[tilespmem:$0x14500] =	vst v63  }
0x77: {  	_ =	swait.ge [sflag:s3], $0x14000  }
0x78: {  	[sflag:s3] =	ssyncset.done $0x0  }
.LBB2_2:
0x79: {  	[sflag:s3] =	ssyncadd.s32 $0xFFFEC000  }
0x7a: {  	_ =	sfence.sel $0x180000  }
0x7b: {  	[bflag:$0x0] =	sbarrier.arrive $0xFFFF  }
0x7c: {  	p0 =	sne.s32 s0, $0x0;
	_ =	strace $0x90000047  }
0x7d: {  	s0 =	sadd.s32 @!p0 $0x100000, s1;
	[bflag:$0x2] =	sbarrier.arrive $0xFFFF  }
0x7e: {  	[sflag:s0] =	ssyncadd.tile.s32 @!p0 $0x1;
	_ =	shalt  }
.Lfunc_end2:
_tile_overlayer_lowered:
.L_overlay_start_2:
0x7f: {  	(tag) =	ssettag $0x2  }
0x80: {  	s0 =	rddreg [dreg:$0x0];
	s2 =	stileid.u32  }
0x81: {  	s1 =	rddreg [dreg:$0x1];
	p0 =	sne.s32 s2, $0x0  }
0x82: {  	s3 =	rddreg [dreg:$0x2];
	[bflag:$0x3] =	sbarrier.arrive $0xFFFF;
	s2 =	simm.s32 @!p0 $0x1C02  }
0x83: {  	[timem:s3], [sflag:s2] =	dma.local @!p0 [hbm:s0], s1  }
0x84: {  	s0 =	simm.s32 @!p0 $0x2  }
0x85: {  	_ =	swait.ge @!p0 [sflag:s0], s1  }
0x86: {  	s1 =	ssub.s32 @!p0 $0x0, s1;
	[sflag:s0] =	ssyncset.done @!p0 $0x0  }
0x87: {  	[sflag:s0] =	ssyncadd.s32 @!p0 s1  }
0x88: {  	[bflag:$0x3] =	sbarrier.arrive $0xFFFF  }
0x89: {  	_ =	shalt  }

// kernel: kernel.24.cloned.1.call-start
scs
__scs_entry_jumppad:
0x0: {  	(pc) =	sbr.rel $0x88, $3  }
0x1: {  	(tag) =	ssettag $0x0;
	lr =	simm.s32 $0x1  }
0x2: {  	[smem:$0x3F8D] =	sst lr;
	_ =	strace $0xD0000000  }
0x3: {  	_ = 	snop  }
0x4: {  	_ = 	snop  }
0x5: {  	_ = 	snop  }
0x6: {  	_ = 	snop  }
0x7: {  	_ = 	snop  }
__scs_overlays_trampoline_lowered:
0x8: {  	[smem:$0x3F9C] =	sst s0  }
0x9: {  	[smem:$0x3F9D] =	sst s1  }
0xa: {  	[smem:$0x3F9E] =	sst s2  }
0xb: {  	[smem:$0x3F9F] =	sst s3  }
0xc: {  	[smem:$0x3FA0] =	sst s4  }
0xd: {  	[smem:$0x3FA1] =	sst s5  }
0xe: {  	[smem:$0x3FA2] =	sst s6  }
0xf: {  	[smem:$0x3FA3] =	sst s7  }
0x10: {  	[smem:$0x3FA4] =	sst s8  }
0x11: {  	[smem:$0x3FA5] =	sst s9;
	s0 =	simm.s32 @!p0 $0x0  }
0x12: {  	s1 =	sld [smem:$0x3F8B];
	s0 =	simm.s32 @p0 $0x1  }
0x13: {  	[smem:$0x3FA6] =	sst s0;
	s0 =	simm.s32 @!p1 $0x0  }
0x14: {  	s2 =	sld [smem:$0x3F8A];
	s0 =	simm.s32 @p1 $0x1  }
0x15: {  	[smem:$0x3FA7] =	sst s0;
	s0 =	simm.s32 @!p2 $0x0  }
0x16: {  	s3 =	sld [smem:$0x3FDB];
	s0 =	simm.s32 @p2 $0x1  }
0x17: {  	s4 =	simm.s32 $0x1BF5;
	[smem:$0x3FA9] =	sst s0  }
0x18: {  	s0 =	sld [smem:$0x3F8C];
	_ =	swait.ge [sflag:s4], $0x0  }
0x19: {  	s7 =	sld [smem:$0x3F8D]  }
0x1a: {  	s8 =	sadd.s32 $0xFFFFE003, lr  }
0x1b: {  	s9 =	sadd.s32 $0xFFFFFEF7, lr;
	s5 =	simm.s32 $0xFFFFFFFF;
	p2 =	slt.u32 s8, $0xFFFFF086  }
0x1c: {  	p1 =	slt.u32 s9, $0xF7A;
	s5 =	simm.s32 @!p2 $0x0  }
0x1d: {  	s5 =	simm.s32 @p1 $0x1;
	p0 =	seq.s32 s7, s2  }
0x1e: {  	s7 =	smul.u32 @!p0 $0xF7A, s2;
	p2 =	seq.s32 @!p0 s5, $0x0  }
0x1f: {  	s9 =	smul.u32 $0xF7A, s1;
	s8 =	simm.s32 @!p0 $0x1BF5;
	p2 =	por !p2, p0  }
0x20: {  	[sflag:s8] =	ssyncset.s32 @!p0 $0xFFFFF086;
	s6 =	sadd.s32 @!p0 s3, s7;
	s7 =	simm.s32 @!p0 $0x108  }
0x21: {  	s3 =	sadd.s32 s3, s9;
	s6 =	sadd.s32 @!p0 $0x88, s6;
	s7 =	simm.s32 @p2 $0x1082  }
0x22: {  	[simem:s7], [sflag:s8] =	dma.local @!p0 [hbm:s6], $0xF7A  }
0x23: {  	s9 =	sor.u32 $0xD0000000, s2;
	s6 =	simm.s32 $0x108;
	_ =	swait.ge @!p0 [sflag:s8], $0x0  }
0x24: {  	s3 =	sadd.s32 $0x88, s3;
	s6 =	simm.s32 @!p1 $0x1082;
	[sflag:s4] =	ssyncset.s32 $0xFFFFF086  }
0x25: {  	[simem:s6], [sflag:s4] =	dma.local [hbm:s3], $0xF7A  }
0x26: {  	[smem:$0x3F8D] =	sst s1;
	(tag) =	ssettag s2;
	_ =	strace s9  }
0x27: {  	s1 =	sld [smem:$0x3F9D]  }
0x28: {  	s2 =	sld [smem:$0x3F9E]  }
0x29: {  	s4 =	sld [smem:$0x3FA0]  }
0x2a: {  	p0 =	seq.s32 s5, $0x0;
	s5 =	sld [smem:$0x3FA1]  }
0x2b: {  	s6 =	sld [smem:$0x3FA2]  }
0x2c: {  	s7 =	sld [smem:$0x3FA3]  }
0x2d: {  	s3 =	simm.s32 $0x108;
	s8 =	sld [smem:$0x3FA4]  }
0x2e: {  	s3 =	simm.s32 @!p0 $0x1082;
	s9 =	sld [smem:$0x3FA5]  }
0x2f: {  	lr =	sadd.s32 s0, s3;
	s0 =	sld [smem:$0x3F9C]  }
0x30: {  	s3 =	sld [smem:$0x3F9F]  }
0x31: {  	[smem:$0x3FA8] =	sst s10  }
0x32: {  	s10 =	sld [smem:$0x3FA6];
	_ =	sdelay $0x3  }
0x33: {  	p0 =	seq.s32 s10, $0x1;
	s10 =	sld [smem:$0x3FA8];
	_ =	sdelay $0x3  }
0x34: {  	[smem:$0x3FA8] =	sst s10  }
0x35: {  	s10 =	sld [smem:$0x3FA7];
	_ =	sdelay $0x3  }
0x36: {  	p1 =	seq.s32 s10, $0x1;
	s10 =	sld [smem:$0x3FA8];
	_ =	sdelay $0x3  }
0x37: {  	[smem:$0x3FA8] =	sst s10  }
0x38: {  	s10 =	sld [smem:$0x3FA9]  }
0x39: {  	_ = 	snop;
	(pc) =	sbr.ind lr, $3  }
0x3a: {  	_ = 	snop  }
0x3b: {  	_ = 	snop  }
0x3c: {  	p2 =	seq.s32 s10, $0x1;
	s10 =	sld [smem:$0x3FA8]  }
0x3d: {  	_ =	shalt  }
0x3e: {  	_ =	shalt  }
0x3f: {  	_ =	shalt  }
0x40: {  	_ =	shalt  }
0x41: {  	_ =	shalt  }
0x42: {  	_ =	shalt  }
0x43: {  	_ =	shalt  }
0x44: {  	_ =	shalt  }
0x45: {  	_ =	shalt  }
0x46: {  	_ =	shalt  }
0x47: {  	_ =	shalt  }
0x48: {  	_ =	shalt  }
0x49: {  	_ =	shalt  }
0x4a: {  	_ =	shalt  }
0x4b: {  	_ =	shalt  }
0x4c: {  	_ =	shalt  }
0x4d: {  	_ =	shalt  }
0x4e: {  	_ =	shalt  }
0x4f: {  	_ =	shalt  }
0x50: {  	_ =	shalt  }
0x51: {  	_ =	shalt  }
0x52: {  	_ =	shalt  }
0x53: {  	_ =	shalt  }
0x54: {  	_ =	shalt  }
0x55: {  	_ =	shalt  }
0x56: {  	_ =	shalt  }
0x57: {  	_ =	shalt  }
0x58: {  	_ =	shalt  }
0x59: {  	_ =	shalt  }
0x5a: {  	_ =	shalt  }
0x5b: {  	_ =	shalt  }
0x5c: {  	_ =	shalt  }
0x5d: {  	_ =	shalt  }
0x5e: {  	_ =	shalt  }
0x5f: {  	_ =	shalt  }
0x60: {  	_ =	shalt  }
0x61: {  	_ =	shalt  }
0x62: {  	_ =	shalt  }
0x63: {  	_ =	shalt  }
0x64: {  	_ =	shalt  }
0x65: {  	_ =	shalt  }
0x66: {  	_ =	shalt  }
0x67: {  	_ =	shalt  }
0x68: {  	_ =	shalt  }
0x69: {  	_ =	shalt  }
0x6a: {  	_ =	shalt  }
0x6b: {  	_ =	shalt  }
0x6c: {  	_ =	shalt  }
0x6d: {  	_ =	shalt  }
0x6e: {  	_ =	shalt  }
0x6f: {  	_ =	shalt  }
0x70: {  	_ =	shalt  }
0x71: {  	_ =	shalt  }
0x72: {  	_ =	shalt  }
0x73: {  	_ =	shalt  }
0x74: {  	_ =	shalt  }
0x75: {  	_ =	shalt  }
0x76: {  	_ =	shalt  }
0x77: {  	_ =	shalt  }
0x78: {  	_ =	shalt  }
0x79: {  	_ =	shalt  }
0x7a: {  	_ =	shalt  }
0x7b: {  	_ =	shalt  }
0x7c: {  	_ =	shalt  }
0x7d: {  	_ =	shalt  }
0x7e: {  	_ =	shalt  }
0x7f: {  	_ =	shalt  }
0x80: {  	_ =	shalt  }
0x81: {  	_ =	shalt  }
0x82: {  	_ =	shalt  }
0x83: {  	_ =	shalt  }
0x84: {  	_ =	shalt  }
0x85: {  	_ =	shalt  }
0x86: {  	_ =	shalt  }
0x87: {  	_ =	shalt  }
.Lfunc_end0:
.L_simem_size_0:
called_computation.2_lowered:
.L_overlay_start_0:
0x88: {  	s2 =	sld [smem:$0x3FD9]  }
0x89: {  	s3 =	sld [smem:$0x3FFE];
	_ =	sdelay $0x1  }
0x8a: {  	s1 =	srdreg.scid  }
0x8b: {  	s0 =	sand.u32 $0x1, s1  }
0x8c: {  	s17 =	sshll.u32 s0, $0xA;
	s2 =	sadd.s32 s3, s2  }
0x8d: {  	s2 =	sadd.s32 s2, s17  }
0x8e: {  	[smem:$0x3FB4] =	sst s2  }
0x8f: {  	_ = 	snop  }
0x90: {  	(tm) =	ssettm $0x1  }
0x91: {  	s18 =	sld [smem:$0x3FFB];
	_ =	sdelay $0x3  }
0x92: {  	_ =	strace s18  }
0x93: {  	s2 =	sld [smem:$0x3FFC];
	_ =	sdelay $0x3  }
0x94: {  	_ =	strace s2  }
0x95: {  	s2 =	sld [smem:$0x3FFD];
	_ =	sdelay $0x3  }
0x96: {  	_ =	strace s2  }
0x97: {  	_ =	strace $0x8FFFFFFF  }
0x98: {  	s19 =	sld [smem:$0x3FDB];
	_ =	sdelay $0x1  }
0x99: {  	s20 =	simm.s32 $_scs_section_size  }
0x9a: {  	s4 =	simm.s32 $_size__tile_overlayer_lowered;
	s5 =	simm.s32 $_tile_overlayer_lowered  }
0x9b: {  	s6 =	simm.s32 $0x1BFF;
	s21 =	sshll.u32 s5, $0x1;
	s3 =	sadd.s32 s20, s19  }
0x9c: {  	s22 =	simm.s32 $0x0;
	s4 =	sshll.u32 s4, $0x1;
	s5 =	sadd.s32 s21, s3  }
0x9d: {  	[timem:s22], [sflag:s6] =	dma.local [hbm:s5], s4  }
0x9e: {  	_ =	swait.ge [sflag:s6], s4  }
0x9f: {  	s4 =	ssub.s32 $0x0, s4;
	[sflag:s6] =	ssyncset.done $0x0  }
0xa0: {  	[sflag:s6] =	ssyncadd.s32 s4;
	_ =	sdelay $0x1  }
0xa1: {  	s23 =	simm.s32 $0x1B8B  }
0xa2: {  	_ =	swait.ge [sflag:s23], $0x1  }
0xa3: {  	[sflag:s23] =	ssyncset.done $0x0  }
0xa4: {  	[sflag:s23] =	ssyncadd.s32 $0xFFFFFFFF  }
0xa5: {  	s4 =	sld [smem:$0x0]  }
0xa6: {  	s5 =	sand.u32 $0xFFFFFFFE, s1  }
0xa7: {  	p0 =	sne.s32 s1, s5  }
0xa8: {  	s5 =	sshll.u32 @p0 s5, $0xE  }
0xa9: {  	s5 =	sadd.s32 @p0 $0x11B8D, s5;
	s6 =	sshll.u32 @p0 s4, $0x11  }
0xaa: {  	s5 =	sor.u32 @p0 s6, s5  }
0xab: {  	[sflag:s5] =	ssyncadd.remote.s32 @p0 $0x1;
	_ =	sdelay $0x1  }
0xac: {  	s5 =	simm.s32 @p0 $0x1B8D  }
0xad: {  	_ =	swait.eq @p0 [sflag:s5], $0x1  }
0xae: {  	[sflag:s5] =	ssyncadd.s32 @p0 $0xFFFFFFFF  }
0xaf: {  	s6 =	sshll.u32 @!p0 s1, $0xE  }
0xb0: {  	s6 =	sor.u32 @!p0 $0x4000, s6;
	s5 =	simm.s32 @!p0 $0x1B8D  }
0xb1: {  	s4 =	sshll.u32 @!p0 s4, $0x11;
	s6 =	sadd.s32 @!p0 $0x11B8D, s6;
	_ =	swait.eq @!p0 [sflag:s5], $0x1  }
0xb2: {  	s4 =	sor.u32 @!p0 s4, s6;
	[sflag:s5] =	ssyncadd.s32 @!p0 $0xFFFFFFFF  }
0xb3: {  	s25 =	simm.s32 $0x1B8E;
	s24 =	sld [smem:$0x3FFE];
	[sflag:s4] =	ssyncadd.remote.s32 @!p0 $0x1  }
0xb4: {  	s26 =	simm.s32 $execute0_lowered;
	[smem:$0x3FD2] =	sst s25  }
0xb5: {  	s5 =	sshll.u32 s26, $0x1;
	_ =	strace $0x8000004C;
	[dreg:$0x1] =	wrdreg $0xFFFFFFFF  }
0xb6: {  	s28 =	simm.s32 $_size_execute0_lowered;
	s3 =	sadd.s32 s3, s5;
	[dreg:$0x0] =	wrdreg $0x0  }
0xb7: {  	s5 =	sshll.u32 s28, $0x1;
	[dreg:$0x2] =	wrdreg s3  }
0xb8: {  	[dreg:$0x3] =	wrdreg s5  }
0xb9: {  	[dreg:$0x4] =	wrdreg $0xC0  }
0xba: {  	_ =	task [dreg:s22], $0x5FFFF  }
0xbb: {  	[dreg:$0x1] =	wrdreg $0xFFFFFFFF  }
0xbc: {  	[dreg:$0x0] =	wrdreg $0x60  }
0xbd: {  	[dreg:$0x2] =	wrdreg s24  }
0xbe: {  	[dreg:$0x3] =	wrdreg $0x145000  }
0xbf: {  	[dreg:$0x4] =	wrdreg $0xA  }
0xc0: {  	_ =	task.clear_ibuf [dreg:s22], $0x5FFFF;
	_ =	strace $0x9000004C  }
0xc1: {  	s29 =	simm.s32 $0xA;
	_ =	strace $0x8000004E  }
0xc2: {  	_ =	swait.ge [sflag:s29], $0x1  }
0xc3: {  	[sflag:s29] =	ssyncadd.s32 $0xFFFFFFFF  }
0xc4: {  	_ =	strace $0x9000004E  }
0xc5: {  	_ =	sfence  }
0xc6: {  	s30 =	sld [smem:$0x0];
	_ =	sdelay $0x2  }
0xc7: {  	s31 =	sshll.u32 s1, $0xD;
	s1 =	sshrl.u32 s1, $0x2  }
0xc8: {  	s4 =	sand.u32 $0x4000, s31;
	s1 =	sadd.s32 s1, s30  }
0xc9: {  	s0 =	sor.u32 s4, s0;
	s1 =	sshll.u32 s1, $0x11  }
0xca: {  	s0 =	sor.u32 s1, s0  }
0xcb: {  	s0 =	sadd.s32 $0x8F2B, s0  }
0xcc: {  	[sflag:s0] =	ssyncadd.remote.s32 $0x1  }
0xcd: {  	_ =	sfence.sel $0xFFFF  }
0xce: {  	[dreg:$0x0] =	wrdreg $0xFFFFFFFF;
	(pc) =	sbr.abs _section_cstart, $3  }
0xcf: {  	[dreg:$0x1] =	wrdreg $0xFFFFFFFF  }
0xd0: {  	_ =	task.clear_ibuf [dreg:s22], $0x2FFFF;
	_ =	strace $0x9FFFFFFF  }
0xd1: {  	(tm) =	ssettm $0x7FFFFFFF  }
tec
execute0_lowered:
.L_overlay_start_1:
0x0: {  	(tag) =	ssettag $0x1  }
0x1: {  	s30 =	rddreg [dreg:$0x0]  }
0x2: {  	s2 =	rddreg [dreg:$0x1];
	s0 =	srdreg.scid  }
0x3: {  	s1 =	stileid.u32;
	s3 =	simm.s32 $0x0;
	s31 =	sand.u32 $0x1, s0  }
0x4: {  	s25 =	sshll.u32 s1, $0x1;
	[smem:$0x7FF] =	sst s3;
	s0 =	smul.u32 $0xA000, s1  }
0x5: {  	s4 =	sadd.s32 $0x2D800, s30;
	s5 =	sshll.u32 s1, $0x6;
	s8 =	sor.u32 s31, s25  }
0x6: {  	_ =	strace $0x8000004D;
	s5 =	sor.u32 $0x1C01, s5;
	s6 =	sadd.s32 s0, s2  }
0x7: {  	s9 =	smul.u32 $0xA0, s8;
	s7 =	sshrl.u32 s6, $0x3;
	s6 =	simm.s32 $0x1  }
0x8: {  	[spmem:s7], [sflag:s5] =	dma.local [hbm:s4], $0x1400  }
0x9: {  	_ =	swait.ge [sflag:s6], $0x1400  }
0xa: {  	s9 =	sadd.s32 s9, s30;
	[sflag:s6] =	ssyncset.done $0x0  }
0xb: {  	s10 =	smul.u32 $0x2800, s8;
	s8 =	sadd.s32 $0x92C00, s9;
	[sflag:s6] =	ssyncadd.s32 $0xFFFFEC00  }
0xc: {  	[tilespmem:s3], [sflag:$0x1] =	stream.linear.gather [hbm4b:s8+s3], $0x500, $0x38;
	[tilespmem:$0x1E500] =	vst v63  }
0xd: {  	_ =	swait.ge [sflag:s6], $0x500  }
0xe: {  	s26 =	sadd.s32 s10, s30;
	[sflag:s6] =	ssyncset.done $0x0  }
0xf: {  	s10 =	simm.s32 $0x500;
	s9 =	sadd.s32 $0x42C00, s26;
	[sflag:s6] =	ssyncadd.s32 $0xFFFFFB00  }
0x10: {  	[tilespmem:s10], [sflag:$0x1] =	stream.linear.gather [hbm4b:s9+s3], $0x14000, $0x38;
	[tilespmem:$0x1E500] =	vst v63  }
0x11: {  	_ =	swait.ge [sflag:s6], $0x14000  }
0x12: {  	[sflag:s6] =	ssyncset.done $0x0  }
0x13: {  	[sflag:s6] =	ssyncadd.s32 $0xFFFEC000  }
0x14: {  	s11 =	simm.s32 $0x80;
	[bflag:$0x0] =	sbarrier.arrive $0xFFFF  }
0x15: {  	[spmem:s2] =	stream.indirect.scatter.add.f32 [tilespmem:s10], [sflag:$0x1], $0x40, s3, s11, $0xb8;
	[tilespmem:$0x1E500] =	vst v63  }
0x16: {  	_ =	swait.ge [sflag:s6], $0x2000  }
0x17: {  	[sflag:s6] =	ssyncset.done $0x0  }
0x18: {  	s12 =	simm.s32 $0x2500;
	[sflag:s6] =	ssyncadd.s32 $0xFFFFE000  }
0x19: {  	[spmem:s2] =	stream.indirect.scatter.add.f32 [tilespmem:s12], [sflag:$0x1], $0x40, s11, s11, $0xb8;
	[tilespmem:$0x1E500] =	vst v63  }
0x1a: {  	_ =	swait.ge [sflag:s6], $0x2000  }
0x1b: {  	[sflag:s6] =	ssyncset.done $0x0  }
0x1c: {  	s13 =	simm.s32 $0x100;
	s14 =	simm.s32 $0x4500;
	[sflag:s6] =	ssyncadd.s32 $0xFFFFE000  }
0x1d: {  	[spmem:s2] =	stream.indirect.scatter.add.f32 [tilespmem:s14], [sflag:$0x1], $0x40, s13, s11, $0xb8;
	[tilespmem:$0x1E500] =	vst v63  }
0x1e: {  	_ =	swait.ge [sflag:s6], $0x2000  }
0x1f: {  	[sflag:s6] =	ssyncset.done $0x0  }
0x20: {  	s15 =	simm.s32 $0x180;
	s16 =	simm.s32 $0x6500;
	[sflag:s6] =	ssyncadd.s32 $0xFFFFE000  }
0x21: {  	[spmem:s2] =	stream.indirect.scatter.add.f32 [tilespmem:s16], [sflag:$0x1], $0x40, s15, s11, $0xb8;
	[tilespmem:$0x1E500] =	vst v63  }
0x22: {  	_ =	swait.ge [sflag:s6], $0x2000  }
0x23: {  	[sflag:s6] =	ssyncset.done $0x0  }
0x24: {  	s17 =	simm.s32 $0x200;
	s18 =	simm.s32 $0x8500;
	[sflag:s6] =	ssyncadd.s32 $0xFFFFE000  }
0x25: {  	[spmem:s2] =	stream.indirect.scatter.add.f32 [tilespmem:s18], [sflag:$0x1], $0x40, s17, s11, $0xb8;
	[tilespmem:$0x1E500] =	vst v63  }
0x26: {  	_ =	swait.ge [sflag:s6], $0x2000  }
0x27: {  	[sflag:s6] =	ssyncset.done $0x0  }
0x28: {  	s19 =	simm.s32 $0x280;
	s20 =	simm.s32 $0xA500;
	[sflag:s6] =	ssyncadd.s32 $0xFFFFE000  }
0x29: {  	[spmem:s2] =	stream.indirect.scatter.add.f32 [tilespmem:s20], [sflag:$0x1], $0x40, s19, s11, $0xb8;
	[tilespmem:$0x1E500] =	vst v63  }
0x2a: {  	_ =	swait.ge [sflag:s6], $0x2000  }
0x2b: {  	[sflag:s6] =	ssyncset.done $0x0  }
0x2c: {  	s21 =	simm.s32 $0x300;
	s22 =	simm.s32 $0xC500;
	[sflag:s6] =	ssyncadd.s32 $0xFFFFE000  }
0x2d: {  	[spmem:s2] =	stream.indirect.scatter.add.f32 [tilespmem:s22], [sflag:$0x1], $0x40, s21, s11, $0xb8;
	[tilespmem:$0x1E500] =	vst v63  }
0x2e: {  	_ =	swait.ge [sflag:s6], $0x2000  }
0x2f: {  	[sflag:s6] =	ssyncset.done $0x0  }
0x30: {  	s23 =	simm.s32 $0x380;
	s24 =	simm.s32 $0xE500;
	[sflag:s6] =	ssyncadd.s32 $0xFFFFE000  }
0x31: {  	[spmem:s2] =	stream.indirect.scatter.add.f32 [tilespmem:s24], [sflag:$0x1], $0x40, s23, s11, $0xb8;
	[tilespmem:$0x1E500] =	vst v63  }
0x32: {  	_ =	swait.ge [sflag:s6], $0x2000  }
0x33: {  	s25 =	simm.s32 $0x400;
	[sflag:s6] =	ssyncset.done $0x0  }
0x34: {  	s1 =	smul.u32 $0xA0000, s31;
	s26 =	simm.s32 $0x10500;
	[sflag:s6] =	ssyncadd.s32 $0xFFFFE000  }
0x35: {  	[spmem:s2] =	stream.indirect.scatter.add.f32 [tilespmem:s26], [sflag:$0x1], $0x40, s25, s11, $0xb8;
	[tilespmem:$0x1E500] =	vst v63  }
0x36: {  	s0 =	sadd.s32 s0, s1;
	s1 =	ssub.s32 $0x2, s31;
	_ =	swait.ge [sflag:s6], $0x2000  }
0x37: {  	s28 =	simm.s32 $0x480;
	s31 =	sshrl.u32 s1, $0x1;
	[sflag:s6] =	ssyncset.done $0x0  }
0x38: {  	s29 =	simm.s32 $0x12500;
	s1 =	ssub.s32 s1, s31;
	[sflag:s6] =	ssyncadd.s32 $0xFFFFE000  }
0x39: {  	[spmem:s2] =	stream.indirect.scatter.add.f32 [tilespmem:s29], [sflag:$0x1], $0x40, s28, s11, $0xb8;
	[tilespmem:$0x1E500] =	vst v63  }
0x3a: {  	s1 =	smax.u32 s1, $0x1;
	_ =	swait.ge [sflag:s6], $0x2000  }
0x3b: {  	s0 =	sshrl.u32 s0, $0x3;
	p0 =	sne.s32 s1, $0x1;
	[sflag:s6] =	ssyncset.done $0x0  }
.Ltmp0:
0x3c: {  	s0 =	sadd.s32 s0, s30;
	[sflag:s6] =	ssyncadd.s32 $0xFFFFE000;
	(pc) =	sbr.rel @!p0 .LBB2_2-.Ltmp0, $4  }
0x3d: {  	s30 =	sadd.s32 $0x9E800, s0;
	[bflag:$0x0] =	sbarrier.arrive $0xFFFF  }
0x3e: {  	[hbm:s30], [sflag:s5] =	dma.local [spmem:s7], $0x1400  }
0x3f: {  	_ =	swait.ge [sflag:s6], $0x1400  }
0x40: {  	s31 =	sadd.s32 $0xFFFFFFFF, s1;
	[sflag:s6] =	ssyncset.done $0x0  }
.LBB2_1:
0x41: {  	p0 =	sne.s32 s31, $0x1;
	s31 =	sadd.s32 $0xFFFFFFFF, s31;
	[sflag:s6] =	ssyncadd.s32 $0xFFFFEC00  }
0x42: {  	[spmem:s7], [sflag:s5] =	dma.local [hbm:s4], $0x1400  }
0x43: {  	_ =	swait.ge [sflag:s6], $0x1400  }
0x44: {  	[sflag:s6] =	ssyncset.done $0x0  }
0x45: {  	[sflag:s6] =	ssyncadd.s32 $0xFFFFEC00  }
0x46: {  	[tilespmem:s3], [sflag:$0x1] =	stream.linear.gather [hbm4b:s8+s3], $0x500, $0x38;
	[tilespmem:$0x1E500] =	vst v63  }
0x47: {  	_ =	swait.ge [sflag:s6], $0x500  }
0x48: {  	[sflag:s6] =	ssyncset.done $0x0  }
0x49: {  	[sflag:s6] =	ssyncadd.s32 $0xFFFFFB00  }
0x4a: {  	[tilespmem:s10], [sflag:$0x1] =	stream.linear.gather [hbm4b:s9+s3], $0x14000, $0x38;
	[tilespmem:$0x1E500] =	vst v63  }
0x4b: {  	_ =	swait.ge [sflag:s6], $0x14000  }
0x4c: {  	[sflag:s6] =	ssyncset.done $0x0  }
0x4d: {  	[sflag:s6] =	ssyncadd.s32 $0xFFFEC000  }
0x4e: {  	[bflag:$0x0] =	sbarrier.arrive $0xFFFF  }
0x4f: {  	[spmem:s2] =	stream.indirect.scatter.add.f32 [tilespmem:s10], [sflag:$0x1], $0x40, s3, s11, $0xb8;
	[tilespmem:$0x1E500] =	vst v63  }
0x50: {  	_ =	swait.ge [sflag:s6], $0x2000  }
0x51: {  	[sflag:s6] =	ssyncset.done $0x0  }
0x52: {  	[sflag:s6] =	ssyncadd.s32 $0xFFFFE000  }
0x53: {  	[spmem:s2] =	stream.indirect.scatter.add.f32 [tilespmem:s12], [sflag:$0x1], $0x40, s11, s11, $0xb8;
	[tilespmem:$0x1E500] =	vst v63  }
0x54: {  	_ =	swait.ge [sflag:s6], $0x2000  }
0x55: {  	[sflag:s6] =	ssyncset.done $0x0  }
0x56: {  	[sflag:s6] =	ssyncadd.s32 $0xFFFFE000  }
0x57: {  	[spmem:s2] =	stream.indirect.scatter.add.f32 [tilespmem:s14], [sflag:$0x1], $0x40, s13, s11, $0xb8;
	[tilespmem:$0x1E500] =	vst v63  }
0x58: {  	_ =	swait.ge [sflag:s6], $0x2000  }
0x59: {  	[sflag:s6] =	ssyncset.done $0x0  }
0x5a: {  	[sflag:s6] =	ssyncadd.s32 $0xFFFFE000  }
0x5b: {  	[spmem:s2] =	stream.indirect.scatter.add.f32 [tilespmem:s16], [sflag:$0x1], $0x40, s15, s11, $0xb8;
	[tilespmem:$0x1E500] =	vst v63  }
0x5c: {  	_ =	swait.ge [sflag:s6], $0x2000  }
0x5d: {  	[sflag:s6] =	ssyncset.done $0x0  }
0x5e: {  	[sflag:s6] =	ssyncadd.s32 $0xFFFFE000  }
0x5f: {  	[spmem:s2] =	stream.indirect.scatter.add.f32 [tilespmem:s18], [sflag:$0x1], $0x40, s17, s11, $0xb8;
	[tilespmem:$0x1E500] =	vst v63  }
0x60: {  	_ =	swait.ge [sflag:s6], $0x2000  }
0x61: {  	[sflag:s6] =	ssyncset.done $0x0  }
0x62: {  	[sflag:s6] =	ssyncadd.s32 $0xFFFFE000  }
0x63: {  	[spmem:s2] =	stream.indirect.scatter.add.f32 [tilespmem:s20], [sflag:$0x1], $0x40, s19, s11, $0xb8;
	[tilespmem:$0x1E500] =	vst v63  }
0x64: {  	_ =	swait.ge [sflag:s6], $0x2000  }
0x65: {  	[sflag:s6] =	ssyncset.done $0x0  }
0x66: {  	[sflag:s6] =	ssyncadd.s32 $0xFFFFE000  }
0x67: {  	[spmem:s2] =	stream.indirect.scatter.add.f32 [tilespmem:s22], [sflag:$0x1], $0x40, s21, s11, $0xb8;
	[tilespmem:$0x1E500] =	vst v63  }
0x68: {  	_ =	swait.ge [sflag:s6], $0x2000  }
0x69: {  	[sflag:s6] =	ssyncset.done $0x0  }
0x6a: {  	[sflag:s6] =	ssyncadd.s32 $0xFFFFE000  }
0x6b: {  	[spmem:s2] =	stream.indirect.scatter.add.f32 [tilespmem:s24], [sflag:$0x1], $0x40, s23, s11, $0xb8;
	[tilespmem:$0x1E500] =	vst v63  }
0x6c: {  	_ =	swait.ge [sflag:s6], $0x2000  }
0x6d: {  	[sflag:s6] =	ssyncset.done $0x0  }
0x6e: {  	[sflag:s6] =	ssyncadd.s32 $0xFFFFE000  }
0x6f: {  	[spmem:s2] =	stream.indirect.scatter.add.f32 [tilespmem:s26], [sflag:$0x1], $0x40, s25, s11, $0xb8;
	[tilespmem:$0x1E500] =	vst v63  }
0x70: {  	_ =	swait.ge [sflag:s6], $0x2000  }
0x71: {  	[sflag:s6] =	ssyncset.done $0x0  }
0x72: {  	[sflag:s6] =	ssyncadd.s32 $0xFFFFE000  }
0x73: {  	[spmem:s2] =	stream.indirect.scatter.add.f32 [tilespmem:s29], [sflag:$0x1], $0x40, s28, s11, $0xb8;
	[tilespmem:$0x1E500] =	vst v63  }
0x74: {  	_ =	swait.ge [sflag:s6], $0x2000  }
0x75: {  	[sflag:s6] =	ssyncset.done $0x0  }
.Ltmp1:
0x76: {  	[sflag:s6] =	ssyncadd.s32 $0xFFFFE000;
	(pc) =	sbr.rel @p0 .LBB2_1-.Ltmp1, $4  }
0x77: {  	[bflag:$0x0] =	sbarrier.arrive $0xFFFF  }
0x78: {  	[hbm:s30], [sflag:s5] =	dma.local [spmem:s7], $0x1400  }
0x79: {  	_ =	swait.ge [sflag:s6], $0x1400  }
0x7a: {  	[sflag:s6] =	ssyncset.done $0x0  }
.LBB2_2:
0x7b: {  	[sflag:s6] =	ssyncadd.s32 $0xFFFFEC00  }
0x7c: {  	_ =	sfence.sel $0x180000  }
0x7d: {  	[bflag:$0x0] =	sbarrier.arrive $0xFFFF  }
0x7e: {  	_ =	strace $0x9000004D  }
0x7f: {  	s0 =	stileid.u32;
	[bflag:$0x2] =	sbarrier.arrive $0xFFFF  }
0x80: {  	p0 =	sne.s32 s0, $0x0;
	s0 =	rddreg [dreg:$0x2]  }
0x81: {  	s0 =	sadd.s32 @!p0 $0x100000, s0  }
0x82: {  	[sflag:s0] =	ssyncadd.tile.s32 @!p0 $0x1;
	_ =	shalt  }
.Lfunc_end2:
_tile_overlayer_lowered:
.L_overlay_start_2:
0x83: {  	(tag) =	ssettag $0x2  }
0x84: {  	s0 =	rddreg [dreg:$0x0];
	s2 =	stileid.u32  }
0x85: {  	s1 =	rddreg [dreg:$0x1];
	p0 =	sne.s32 s2, $0x0  }
0x86: {  	s3 =	rddreg [dreg:$0x2];
	[bflag:$0x3] =	sbarrier.arrive $0xFFFF;
	s2 =	simm.s32 @!p0 $0x1C01  }
0x87: {  	[timem:s3], [sflag:s2] =	dma.local @!p0 [hbm:s0], s1  }
0x88: {  	s0 =	simm.s32 @!p0 $0x1  }
0x89: {  	_ =	swait.ge @!p0 [sflag:s0], s1  }
0x8a: {  	s1 =	ssub.s32 @!p0 $0x0, s1;
	[sflag:s0] =	ssyncset.done @!p0 $0x0  }
0x8b: {  	[sflag:s0] =	ssyncadd.s32 @!p0 s1  }
0x8c: {  	[bflag:$0x3] =	sbarrier.arrive $0xFFFF  }
0x8d: {  	_ =	shalt  }

// kernel: kernel.27.cloned.1.call-start
scs
__scs_entry_jumppad:
0x0: {  	(pc) =	sbr.rel $0x88, $3  }
0x1: {  	(tag) =	ssettag $0x0;
	lr =	simm.s32 $0x1  }
0x2: {  	[smem:$0x3F8D] =	sst lr;
	_ =	strace $0xD0000000  }
0x3: {  	_ = 	snop  }
0x4: {  	_ = 	snop  }
0x5: {  	_ = 	snop  }
0x6: {  	_ = 	snop  }
0x7: {  	_ = 	snop  }
__scs_overlays_trampoline_lowered:
0x8: {  	[smem:$0x3F9C] =	sst s0  }
0x9: {  	[smem:$0x3F9D] =	sst s1  }
0xa: {  	[smem:$0x3F9E] =	sst s2  }
0xb: {  	[smem:$0x3F9F] =	sst s3  }
0xc: {  	[smem:$0x3FA0] =	sst s4  }
0xd: {  	[smem:$0x3FA1] =	sst s5  }
0xe: {  	[smem:$0x3FA2] =	sst s6  }
0xf: {  	[smem:$0x3FA3] =	sst s7  }
0x10: {  	[smem:$0x3FA4] =	sst s8  }
0x11: {  	[smem:$0x3FA5] =	sst s9;
	s0 =	simm.s32 @!p0 $0x0  }
0x12: {  	s1 =	sld [smem:$0x3F8B];
	s0 =	simm.s32 @p0 $0x1  }
0x13: {  	[smem:$0x3FA6] =	sst s0;
	s0 =	simm.s32 @!p1 $0x0  }
0x14: {  	s2 =	sld [smem:$0x3F8A];
	s0 =	simm.s32 @p1 $0x1  }
0x15: {  	[smem:$0x3FA7] =	sst s0;
	s0 =	simm.s32 @!p2 $0x0  }
0x16: {  	s3 =	sld [smem:$0x3FDB];
	s0 =	simm.s32 @p2 $0x1  }
0x17: {  	s4 =	simm.s32 $0x1BF5;
	[smem:$0x3FA9] =	sst s0  }
0x18: {  	s0 =	sld [smem:$0x3F8C];
	_ =	swait.ge [sflag:s4], $0x0  }
0x19: {  	s7 =	sld [smem:$0x3F8D]  }
0x1a: {  	s8 =	sadd.s32 $0xFFFFE003, lr  }
0x1b: {  	s9 =	sadd.s32 $0xFFFFFEF7, lr;
	s5 =	simm.s32 $0xFFFFFFFF;
	p2 =	slt.u32 s8, $0xFFFFF086  }
0x1c: {  	p1 =	slt.u32 s9, $0xF7A;
	s5 =	simm.s32 @!p2 $0x0  }
0x1d: {  	s5 =	simm.s32 @p1 $0x1;
	p0 =	seq.s32 s7, s2  }
0x1e: {  	s7 =	smul.u32 @!p0 $0xF7A, s2;
	p2 =	seq.s32 @!p0 s5, $0x0  }
0x1f: {  	s9 =	smul.u32 $0xF7A, s1;
	s8 =	simm.s32 @!p0 $0x1BF5;
	p2 =	por !p2, p0  }
0x20: {  	[sflag:s8] =	ssyncset.s32 @!p0 $0xFFFFF086;
	s6 =	sadd.s32 @!p0 s3, s7;
	s7 =	simm.s32 @!p0 $0x108  }
0x21: {  	s3 =	sadd.s32 s3, s9;
	s6 =	sadd.s32 @!p0 $0x88, s6;
	s7 =	simm.s32 @p2 $0x1082  }
0x22: {  	[simem:s7], [sflag:s8] =	dma.local @!p0 [hbm:s6], $0xF7A  }
0x23: {  	s9 =	sor.u32 $0xD0000000, s2;
	s6 =	simm.s32 $0x108;
	_ =	swait.ge @!p0 [sflag:s8], $0x0  }
0x24: {  	s3 =	sadd.s32 $0x88, s3;
	s6 =	simm.s32 @!p1 $0x1082;
	[sflag:s4] =	ssyncset.s32 $0xFFFFF086  }
0x25: {  	[simem:s6], [sflag:s4] =	dma.local [hbm:s3], $0xF7A  }
0x26: {  	[smem:$0x3F8D] =	sst s1;
	(tag) =	ssettag s2;
	_ =	strace s9  }
0x27: {  	s1 =	sld [smem:$0x3F9D]  }
0x28: {  	s2 =	sld [smem:$0x3F9E]  }
0x29: {  	s4 =	sld [smem:$0x3FA0]  }
0x2a: {  	p0 =	seq.s32 s5, $0x0;
	s5 =	sld [smem:$0x3FA1]  }
0x2b: {  	s6 =	sld [smem:$0x3FA2]  }
0x2c: {  	s7 =	sld [smem:$0x3FA3]  }
0x2d: {  	s3 =	simm.s32 $0x108;
	s8 =	sld [smem:$0x3FA4]  }
0x2e: {  	s3 =	simm.s32 @!p0 $0x1082;
	s9 =	sld [smem:$0x3FA5]  }
0x2f: {  	lr =	sadd.s32 s0, s3;
	s0 =	sld [smem:$0x3F9C]  }
0x30: {  	s3 =	sld [smem:$0x3F9F]  }
0x31: {  	[smem:$0x3FA8] =	sst s10  }
0x32: {  	s10 =	sld [smem:$0x3FA6];
	_ =	sdelay $0x3  }
0x33: {  	p0 =	seq.s32 s10, $0x1;
	s10 =	sld [smem:$0x3FA8];
	_ =	sdelay $0x3  }
0x34: {  	[smem:$0x3FA8] =	sst s10  }
0x35: {  	s10 =	sld [smem:$0x3FA7];
	_ =	sdelay $0x3  }
0x36: {  	p1 =	seq.s32 s10, $0x1;
	s10 =	sld [smem:$0x3FA8];
	_ =	sdelay $0x3  }
0x37: {  	[smem:$0x3FA8] =	sst s10  }
0x38: {  	s10 =	sld [smem:$0x3FA9]  }
0x39: {  	_ = 	snop;
	(pc) =	sbr.ind lr, $3  }
0x3a: {  	_ = 	snop  }
0x3b: {  	_ = 	snop  }
0x3c: {  	p2 =	seq.s32 s10, $0x1;
	s10 =	sld [smem:$0x3FA8]  }
0x3d: {  	_ =	shalt  }
0x3e: {  	_ =	shalt  }
0x3f: {  	_ =	shalt  }
0x40: {  	_ =	shalt  }
0x41: {  	_ =	shalt  }
0x42: {  	_ =	shalt  }
0x43: {  	_ =	shalt  }
0x44: {  	_ =	shalt  }
0x45: {  	_ =	shalt  }
0x46: {  	_ =	shalt  }
0x47: {  	_ =	shalt  }
0x48: {  	_ =	shalt  }
0x49: {  	_ =	shalt  }
0x4a: {  	_ =	shalt  }
0x4b: {  	_ =	shalt  }
0x4c: {  	_ =	shalt  }
0x4d: {  	_ =	shalt  }
0x4e: {  	_ =	shalt  }
0x4f: {  	_ =	shalt  }
0x50: {  	_ =	shalt  }
0x51: {  	_ =	shalt  }
0x52: {  	_ =	shalt  }
0x53: {  	_ =	shalt  }
0x54: {  	_ =	shalt  }
0x55: {  	_ =	shalt  }
0x56: {  	_ =	shalt  }
0x57: {  	_ =	shalt  }
0x58: {  	_ =	shalt  }
0x59: {  	_ =	shalt  }
0x5a: {  	_ =	shalt  }
0x5b: {  	_ =	shalt  }
0x5c: {  	_ =	shalt  }
0x5d: {  	_ =	shalt  }
0x5e: {  	_ =	shalt  }
0x5f: {  	_ =	shalt  }
0x60: {  	_ =	shalt  }
0x61: {  	_ =	shalt  }
0x62: {  	_ =	shalt  }
0x63: {  	_ =	shalt  }
0x64: {  	_ =	shalt  }
0x65: {  	_ =	shalt  }
0x66: {  	_ =	shalt  }
0x67: {  	_ =	shalt  }
0x68: {  	_ =	shalt  }
0x69: {  	_ =	shalt  }
0x6a: {  	_ =	shalt  }
0x6b: {  	_ =	shalt  }
0x6c: {  	_ =	shalt  }
0x6d: {  	_ =	shalt  }
0x6e: {  	_ =	shalt  }
0x6f: {  	_ =	shalt  }
0x70: {  	_ =	shalt  }
0x71: {  	_ =	shalt  }
0x72: {  	_ =	shalt  }
0x73: {  	_ =	shalt  }
0x74: {  	_ =	shalt  }
0x75: {  	_ =	shalt  }
0x76: {  	_ =	shalt  }
0x77: {  	_ =	shalt  }
0x78: {  	_ =	shalt  }
0x79: {  	_ =	shalt  }
0x7a: {  	_ =	shalt  }
0x7b: {  	_ =	shalt  }
0x7c: {  	_ =	shalt  }
0x7d: {  	_ =	shalt  }
0x7e: {  	_ =	shalt  }
0x7f: {  	_ =	shalt  }
0x80: {  	_ =	shalt  }
0x81: {  	_ =	shalt  }
0x82: {  	_ =	shalt  }
0x83: {  	_ =	shalt  }
0x84: {  	_ =	shalt  }
0x85: {  	_ =	shalt  }
0x86: {  	_ =	shalt  }
0x87: {  	_ =	shalt  }
.Lfunc_end0:
.L_simem_size_0:
called_computation.3_lowered:
.L_overlay_start_0:
0x88: {  	s2 =	sld [smem:$0x3FD9]  }
0x89: {  	s3 =	sld [smem:$0x3FFE];
	_ =	sdelay $0x1  }
0x8a: {  	s1 =	srdreg.scid  }
0x8b: {  	s0 =	sand.u32 $0x1, s1  }
0x8c: {  	s16 =	sshll.u32 s0, $0xA;
	s2 =	sadd.s32 s3, s2  }
0x8d: {  	s2 =	sadd.s32 s2, s16  }
0x8e: {  	[smem:$0x3FB4] =	sst s2  }
0x8f: {  	_ = 	snop  }
0x90: {  	(tm) =	ssettm $0x1  }
0x91: {  	s17 =	sld [smem:$0x3FFB];
	_ =	sdelay $0x3  }
0x92: {  	_ =	strace s17  }
0x93: {  	s2 =	sld [smem:$0x3FFC];
	_ =	sdelay $0x3  }
0x94: {  	_ =	strace s2  }
0x95: {  	s2 =	sld [smem:$0x3FFD];
	_ =	sdelay $0x3  }
0x96: {  	_ =	strace s2  }
0x97: {  	_ =	strace $0x8FFFFFFF  }
0x98: {  	s18 =	sld [smem:$0x3FDB];
	_ =	sdelay $0x1  }
0x99: {  	s19 =	simm.s32 $_scs_section_size  }
0x9a: {  	s4 =	simm.s32 $_size__tile_overlayer_lowered;
	s5 =	simm.s32 $_tile_overlayer_lowered  }
0x9b: {  	s22 =	simm.s32 $0x1BFF;
	s21 =	sshll.u32 s5, $0x1;
	s2 =	sadd.s32 s19, s18  }
0x9c: {  	s6 =	simm.s32 $0x0;
	s20 =	sshll.u32 s4, $0x1;
	s4 =	sadd.s32 s21, s2  }
0x9d: {  	[timem:s6], [sflag:s22] =	dma.local [hbm:s4], s20  }
0x9e: {  	_ =	swait.ge [sflag:s22], s20  }
0x9f: {  	s3 =	ssub.s32 $0x0, s20;
	[sflag:s22] =	ssyncset.done $0x0  }
0xa0: {  	[sflag:s22] =	ssyncadd.s32 s3;
	_ =	sdelay $0x1  }
0xa1: {  	s23 =	simm.s32 $0x1B8B  }
0xa2: {  	_ =	swait.ge [sflag:s23], $0x1  }
0xa3: {  	[sflag:s23] =	ssyncset.done $0x0  }
0xa4: {  	s25 =	simm.s32 $0x1B8E;
	s24 =	sld [smem:$0x3FFE];
	[sflag:s23] =	ssyncadd.s32 $0xFFFFFFFF  }
0xa5: {  	s26 =	simm.s32 $execute0_lowered;
	[smem:$0x3FD2] =	sst s25  }
0xa6: {  	s4 =	sshll.u32 s26, $0x1;
	_ =	strace $0x8000004F;
	[dreg:$0x1] =	wrdreg $0xFFFFFFFF  }
0xa7: {  	s28 =	simm.s32 $_size_execute0_lowered;
	s2 =	sadd.s32 s2, s4;
	[dreg:$0x0] =	wrdreg $0x0  }
0xa8: {  	s4 =	sshll.u32 s28, $0x1;
	[dreg:$0x2] =	wrdreg s2  }
0xa9: {  	[dreg:$0x3] =	wrdreg s4  }
0xaa: {  	[dreg:$0x4] =	wrdreg $0xC0  }
0xab: {  	_ =	task [dreg:s6], $0x5FFFF  }
0xac: {  	[dreg:$0x1] =	wrdreg $0xFFFFFFFF  }
0xad: {  	[dreg:$0x0] =	wrdreg $0x60  }
0xae: {  	[dreg:$0x2] =	wrdreg s24  }
0xaf: {  	[dreg:$0x3] =	wrdreg $0x9  }
0xb0: {  	_ =	task.clear_ibuf [dreg:s6], $0x4FFFF;
	_ =	strace $0x9000004F  }
0xb1: {  	s29 =	simm.s32 $0x9;
	_ =	strace $0x80000051  }
0xb2: {  	_ =	swait.ge [sflag:s29], $0x1  }
0xb3: {  	[sflag:s29] =	ssyncadd.s32 $0xFFFFFFFF  }
0xb4: {  	_ =	strace $0x90000051  }
0xb5: {  	_ =	sfence  }
0xb6: {  	s30 =	sld [smem:$0x0];
	_ =	sdelay $0x2  }
0xb7: {  	s31 =	sshll.u32 s1, $0xD;
	s1 =	sshrl.u32 s1, $0x2  }
0xb8: {  	s3 =	sand.u32 $0x4000, s31;
	s1 =	sadd.s32 s1, s30  }
0xb9: {  	s0 =	sor.u32 s3, s0;
	s1 =	sshll.u32 s1, $0x11  }
0xba: {  	s0 =	sor.u32 s1, s0  }
0xbb: {  	s0 =	sadd.s32 $0x8F2B, s0  }
0xbc: {  	[sflag:s0] =	ssyncadd.remote.s32 $0x1  }
0xbd: {  	_ =	sfence.sel $0xFFFF  }
0xbe: {  	[dreg:$0x0] =	wrdreg $0xFFFFFFFF;
	(pc) =	sbr.abs _section_cstart, $3  }
0xbf: {  	[dreg:$0x1] =	wrdreg $0xFFFFFFFF  }
0xc0: {  	_ =	task.clear_ibuf [dreg:s6], $0x2FFFF;
	_ =	strace $0x9FFFFFFF  }
0xc1: {  	(tm) =	ssettm $0x7FFFFFFF  }
tec
execute0_lowered:
.L_overlay_start_1:
0x0: {  	(tag) =	ssettag $0x1  }
0x1: {  	s1 =	srdreg.scid;
	s0 =	stileid.u32  }
0x2: {  	s28 =	sand.u32 $0x1, s1;
	s31 =	sshll.u32 s0, $0x1  }
0x3: {  	s29 =	sor.u32 s28, s31  }
0x4: {  	s26 =	rddreg [dreg:$0x0];
	s3 =	smul.u32 $0xA0, s29  }
0x5: {  	s2 =	simm.s32 $0x0;
	s1 =	rddreg [dreg:$0x1]  }
0x6: {  	[smem:$0x7FF] =	sst s2;
	s3 =	sadd.s32 s3, s26  }
0x7: {  	_ =	strace $0x80000050;
	s4 =	sadd.s32 $0x41800, s3;
	s3 =	simm.s32 $0x2  }
0x8: {  	[tilespmem:s2], [sflag:$0x2] =	stream.linear.gather [hbm4b:s4+s2], $0x500, $0x38;
	[tilespmem:$0x14500] =	vst v63  }
0x9: {  	_ =	swait.ge [sflag:s3], $0x500  }
0xa: {  	s6 =	simm.s32 $0x80;
	[sflag:s3] =	ssyncset.done $0x0  }
0xb: {  	s7 =	simm.s32 $0x500;
	s5 =	sadd.s32 $0x94000, s26;
	[sflag:s3] =	ssyncadd.s32 $0xFFFFFB00  }
0xc: {  	[tilespmem:s7], [sflag:$0x1] =	stream.indirect.gather [hbm4b:s5+s6], $0x40, s2, s6, $0xb8;
	[tilespmem:$0x14500] =	vst v63  }
0xd: {  	s8 =	simm.s32 $0x2500  }
0xe: {  	[tilespmem:s8], [sflag:$0x1] =	stream.indirect.gather [hbm4b:s5+s6], $0x40, s6, s6, $0xb8;
	[tilespmem:$0x14500] =	vst v63  }
0xf: {  	s9 =	simm.s32 $0x100;
	s10 =	simm.s32 $0x4500  }
0x10: {  	[tilespmem:s10], [sflag:$0x1] =	stream.indirect.gather [hbm4b:s5+s6], $0x40, s9, s6, $0xb8;
	[tilespmem:$0x14500] =	vst v63  }
0x11: {  	s11 =	simm.s32 $0x180;
	s12 =	simm.s32 $0x6500  }
0x12: {  	[tilespmem:s12], [sflag:$0x1] =	stream.indirect.gather [hbm4b:s5+s6], $0x40, s11, s6, $0xb8;
	[tilespmem:$0x14500] =	vst v63  }
0x13: {  	s13 =	simm.s32 $0x200;
	s14 =	simm.s32 $0x8500  }
0x14: {  	[tilespmem:s14], [sflag:$0x1] =	stream.indirect.gather [hbm4b:s5+s6], $0x40, s13, s6, $0xb8;
	[tilespmem:$0x14500] =	vst v63  }
0x15: {  	s15 =	simm.s32 $0x280;
	s16 =	simm.s32 $0xA500  }
0x16: {  	[tilespmem:s16], [sflag:$0x1] =	stream.indirect.gather [hbm4b:s5+s6], $0x40, s15, s6, $0xb8;
	[tilespmem:$0x14500] =	vst v63  }
0x17: {  	s17 =	simm.s32 $0x300;
	s18 =	simm.s32 $0xC500  }
0x18: {  	[tilespmem:s18], [sflag:$0x1] =	stream.indirect.gather [hbm4b:s5+s6], $0x40, s17, s6, $0xb8;
	[tilespmem:$0x14500] =	vst v63  }
0x19: {  	s19 =	simm.s32 $0x380;
	s20 =	simm.s32 $0xE500  }
0x1a: {  	[tilespmem:s20], [sflag:$0x1] =	stream.indirect.gather [hbm4b:s5+s6], $0x40, s19, s6, $0xb8;
	[tilespmem:$0x14500] =	vst v63  }
0x1b: {  	s21 =	simm.s32 $0x400;
	s22 =	simm.s32 $0x10500  }
0x1c: {  	[tilespmem:s22], [sflag:$0x1] =	stream.indirect.gather [hbm4b:s5+s6], $0x40, s21, s6, $0xb8;
	[tilespmem:$0x14500] =	vst v63  }
0x1d: {  	s23 =	simm.s32 $0x480;
	s24 =	simm.s32 $0x12500;
	s25 =	simm.s32 $0x1  }
0x1e: {  	[tilespmem:s24], [sflag:$0x1] =	stream.indirect.gather [hbm4b:s5+s6], $0x40, s23, s6, $0xb8;
	[tilespmem:$0x14500] =	vst v63  }
0x1f: {  	_ =	swait.ge [sflag:s25], $0x2000  }
0x20: {  	[sflag:s25] =	ssyncset.done $0x0  }
0x21: {  	[sflag:s25] =	ssyncadd.s32 $0xFFFFE000  }
0x22: {  	_ =	swait.ge [sflag:s25], $0x2000  }
0x23: {  	[sflag:s25] =	ssyncset.done $0x0  }
0x24: {  	[sflag:s25] =	ssyncadd.s32 $0xFFFFE000  }
0x25: {  	_ =	swait.ge [sflag:s25], $0x2000  }
0x26: {  	[sflag:s25] =	ssyncset.done $0x0  }
0x27: {  	[sflag:s25] =	ssyncadd.s32 $0xFFFFE000  }
0x28: {  	_ =	swait.ge [sflag:s25], $0x2000  }
0x29: {  	[sflag:s25] =	ssyncset.done $0x0  }
0x2a: {  	[sflag:s25] =	ssyncadd.s32 $0xFFFFE000  }
0x2b: {  	_ =	swait.ge [sflag:s25], $0x2000  }
0x2c: {  	[sflag:s25] =	ssyncset.done $0x0  }
0x2d: {  	[sflag:s25] =	ssyncadd.s32 $0xFFFFE000  }
0x2e: {  	_ =	swait.ge [sflag:s25], $0x2000  }
0x2f: {  	[sflag:s25] =	ssyncset.done $0x0  }
0x30: {  	[sflag:s25] =	ssyncadd.s32 $0xFFFFE000  }
0x31: {  	_ =	swait.ge [sflag:s25], $0x2000  }
0x32: {  	[sflag:s25] =	ssyncset.done $0x0  }
0x33: {  	[sflag:s25] =	ssyncadd.s32 $0xFFFFE000  }
0x34: {  	_ =	swait.ge [sflag:s25], $0x2000  }
0x35: {  	[sflag:s25] =	ssyncset.done $0x0  }
0x36: {  	s28 =	ssub.s32 $0x2, s28;
	[sflag:s25] =	ssyncadd.s32 $0xFFFFE000  }
0x37: {  	s30 =	sshrl.u32 s28, $0x1;
	_ =	swait.ge [sflag:s25], $0x2000  }
0x38: {  	s28 =	ssub.s32 s28, s30;
	[sflag:s25] =	ssyncset.done $0x0  }
0x39: {  	s29 =	smul.u32 $0x2800, s29;
	s28 =	smax.u32 s28, $0x1;
	[sflag:s25] =	ssyncadd.s32 $0xFFFFE000  }
0x3a: {  	p0 =	sne.s32 s28, $0x1;
	_ =	swait.ge [sflag:s25], $0x2000  }
.Ltmp0:
0x3b: {  	s26 =	sadd.s32 s29, s26;
	[sflag:s25] =	ssyncset.done $0x0;
	(pc) =	sbr.rel @!p0 .LBB2_2-.Ltmp0, $4  }
0x3c: {  	s26 =	sadd.s32 $0x42C00, s26;
	[sflag:s25] =	ssyncadd.s32 $0xFFFFE000  }
0x3d: {  	[hbm4b:s26+s2] =	stream.linear.scatter [tilespmem:s7], [sflag:$0x2], $0x14000, $0x38;
	[tilespmem:$0x14500] =	vst v63  }
0x3e: {  	_ =	swait.ge [sflag:s3], $0x14000  }
0x3f: {  	s28 =	sadd.s32 $0xFFFFFFFF, s28;
	[sflag:s3] =	ssyncset.done $0x0  }
.LBB2_1:
0x40: {  	p0 =	sne.s32 s28, $0x1;
	s28 =	sadd.s32 $0xFFFFFFFF, s28;
	[sflag:s3] =	ssyncadd.s32 $0xFFFEC000  }
0x41: {  	[tilespmem:s2], [sflag:$0x2] =	stream.linear.gather [hbm4b:s4+s2], $0x500, $0x38;
	[tilespmem:$0x14500] =	vst v63  }
0x42: {  	_ =	swait.ge [sflag:s3], $0x500  }
0x43: {  	[sflag:s3] =	ssyncset.done $0x0  }
0x44: {  	[sflag:s3] =	ssyncadd.s32 $0xFFFFFB00  }
0x45: {  	[tilespmem:s7], [sflag:$0x1] =	stream.indirect.gather [hbm4b:s5+s6], $0x40, s2, s6, $0xb8;
	[tilespmem:$0x14500] =	vst v63  }
0x46: {  	_ = 	snop  }
0x47: {  	[tilespmem:s8], [sflag:$0x1] =	stream.indirect.gather [hbm4b:s5+s6], $0x40, s6, s6, $0xb8;
	[tilespmem:$0x14500] =	vst v63  }
0x48: {  	_ = 	snop  }
0x49: {  	[tilespmem:s10], [sflag:$0x1] =	stream.indirect.gather [hbm4b:s5+s6], $0x40, s9, s6, $0xb8;
	[tilespmem:$0x14500] =	vst v63  }
0x4a: {  	_ = 	snop  }
0x4b: {  	[tilespmem:s12], [sflag:$0x1] =	stream.indirect.gather [hbm4b:s5+s6], $0x40, s11, s6, $0xb8;
	[tilespmem:$0x14500] =	vst v63  }
0x4c: {  	_ = 	snop  }
0x4d: {  	[tilespmem:s14], [sflag:$0x1] =	stream.indirect.gather [hbm4b:s5+s6], $0x40, s13, s6, $0xb8;
	[tilespmem:$0x14500] =	vst v63  }
0x4e: {  	_ = 	snop  }
0x4f: {  	[tilespmem:s16], [sflag:$0x1] =	stream.indirect.gather [hbm4b:s5+s6], $0x40, s15, s6, $0xb8;
	[tilespmem:$0x14500] =	vst v63  }
0x50: {  	_ = 	snop  }
0x51: {  	[tilespmem:s18], [sflag:$0x1] =	stream.indirect.gather [hbm4b:s5+s6], $0x40, s17, s6, $0xb8;
	[tilespmem:$0x14500] =	vst v63  }
0x52: {  	_ = 	snop  }
0x53: {  	[tilespmem:s20], [sflag:$0x1] =	stream.indirect.gather [hbm4b:s5+s6], $0x40, s19, s6, $0xb8;
	[tilespmem:$0x14500] =	vst v63  }
0x54: {  	_ = 	snop  }
0x55: {  	[tilespmem:s22], [sflag:$0x1] =	stream.indirect.gather [hbm4b:s5+s6], $0x40, s21, s6, $0xb8;
	[tilespmem:$0x14500] =	vst v63  }
0x56: {  	_ = 	snop  }
0x57: {  	[tilespmem:s24], [sflag:$0x1] =	stream.indirect.gather [hbm4b:s5+s6], $0x40, s23, s6, $0xb8;
	[tilespmem:$0x14500] =	vst v63  }
0x58: {  	_ =	swait.ge [sflag:s25], $0x2000  }
0x59: {  	[sflag:s25] =	ssyncset.done $0x0  }
0x5a: {  	[sflag:s25] =	ssyncadd.s32 $0xFFFFE000  }
0x5b: {  	_ =	swait.ge [sflag:s25], $0x2000  }
0x5c: {  	[sflag:s25] =	ssyncset.done $0x0  }
0x5d: {  	[sflag:s25] =	ssyncadd.s32 $0xFFFFE000  }
0x5e: {  	_ =	swait.ge [sflag:s25], $0x2000  }
0x5f: {  	[sflag:s25] =	ssyncset.done $0x0  }
0x60: {  	[sflag:s25] =	ssyncadd.s32 $0xFFFFE000  }
0x61: {  	_ =	swait.ge [sflag:s25], $0x2000  }
0x62: {  	[sflag:s25] =	ssyncset.done $0x0  }
0x63: {  	[sflag:s25] =	ssyncadd.s32 $0xFFFFE000  }
0x64: {  	_ =	swait.ge [sflag:s25], $0x2000  }
0x65: {  	[sflag:s25] =	ssyncset.done $0x0  }
0x66: {  	[sflag:s25] =	ssyncadd.s32 $0xFFFFE000  }
0x67: {  	_ =	swait.ge [sflag:s25], $0x2000  }
0x68: {  	[sflag:s25] =	ssyncset.done $0x0  }
0x69: {  	[sflag:s25] =	ssyncadd.s32 $0xFFFFE000  }
0x6a: {  	_ =	swait.ge [sflag:s25], $0x2000  }
0x6b: {  	[sflag:s25] =	ssyncset.done $0x0  }
0x6c: {  	[sflag:s25] =	ssyncadd.s32 $0xFFFFE000  }
0x6d: {  	_ =	swait.ge [sflag:s25], $0x2000  }
0x6e: {  	[sflag:s25] =	ssyncset.done $0x0  }
0x6f: {  	[sflag:s25] =	ssyncadd.s32 $0xFFFFE000  }
0x70: {  	_ =	swait.ge [sflag:s25], $0x2000  }
0x71: {  	[sflag:s25] =	ssyncset.done $0x0  }
0x72: {  	[sflag:s25] =	ssyncadd.s32 $0xFFFFE000  }
0x73: {  	_ =	swait.ge [sflag:s25], $0x2000  }
.Ltmp1:
0x74: {  	[sflag:s25] =	ssyncset.done $0x0;
	(pc) =	sbr.rel @p0 .LBB2_1-.Ltmp1, $4  }
0x75: {  	[sflag:s25] =	ssyncadd.s32 $0xFFFFE000  }
0x76: {  	[hbm4b:s26+s2] =	stream.linear.scatter [tilespmem:s7], [sflag:$0x2], $0x14000, $0x38;
	[tilespmem:$0x14500] =	vst v63  }
0x77: {  	_ =	swait.ge [sflag:s3], $0x14000  }
0x78: {  	[sflag:s3] =	ssyncset.done $0x0  }
.LBB2_2:
0x79: {  	[sflag:s3] =	ssyncadd.s32 $0xFFFEC000  }
0x7a: {  	_ =	sfence.sel $0x180000  }
0x7b: {  	[bflag:$0x0] =	sbarrier.arrive $0xFFFF  }
0x7c: {  	p0 =	sne.s32 s0, $0x0;
	_ =	strace $0x90000050  }
0x7d: {  	s0 =	sadd.s32 @!p0 $0x100000, s1;
	[bflag:$0x2] =	sbarrier.arrive $0xFFFF  }
0x7e: {  	[sflag:s0] =	ssyncadd.tile.s32 @!p0 $0x1;
	_ =	shalt  }
.Lfunc_end2:
_tile_overlayer_lowered:
.L_overlay_start_2:
0x7f: {  	(tag) =	ssettag $0x2  }
0x80: {  	s0 =	rddreg [dreg:$0x0];
	s2 =	stileid.u32  }
0x81: {  	s1 =	rddreg [dreg:$0x1];
	p0 =	sne.s32 s2, $0x0  }
0x82: {  	s3 =	rddreg [dreg:$0x2];
	[bflag:$0x3] =	sbarrier.arrive $0xFFFF;
	s2 =	simm.s32 @!p0 $0x1C02  }
0x83: {  	[timem:s3], [sflag:s2] =	dma.local @!p0 [hbm:s0], s1  }
0x84: {  	s0 =	simm.s32 @!p0 $0x2  }
0x85: {  	_ =	swait.ge @!p0 [sflag:s0], s1  }
0x86: {  	s1 =	ssub.s32 @!p0 $0x0, s1;
	[sflag:s0] =	ssyncset.done @!p0 $0x0  }
0x87: {  	[sflag:s0] =	ssyncadd.s32 @!p0 s1  }
0x88: {  	[bflag:$0x3] =	sbarrier.arrive $0xFFFF  }
0x89: {  	_ =	shalt  }

// kernel: kernel.30.cloned.1.call-start
scs
__scs_entry_jumppad:
0x0: {  	(pc) =	sbr.rel $0x88, $3  }
0x1: {  	(tag) =	ssettag $0x0;
	lr =	simm.s32 $0x1  }
0x2: {  	[smem:$0x3F8D] =	sst lr;
	_ =	strace $0xD0000000  }
0x3: {  	_ = 	snop  }
0x4: {  	_ = 	snop  }
0x5: {  	_ = 	snop  }
0x6: {  	_ = 	snop  }
0x7: {  	_ = 	snop  }
__scs_overlays_trampoline_lowered:
0x8: {  	[smem:$0x3F9C] =	sst s0  }
0x9: {  	[smem:$0x3F9D] =	sst s1  }
0xa: {  	[smem:$0x3F9E] =	sst s2  }
0xb: {  	[smem:$0x3F9F] =	sst s3  }
0xc: {  	[smem:$0x3FA0] =	sst s4  }
0xd: {  	[smem:$0x3FA1] =	sst s5  }
0xe: {  	[smem:$0x3FA2] =	sst s6  }
0xf: {  	[smem:$0x3FA3] =	sst s7  }
0x10: {  	[smem:$0x3FA4] =	sst s8  }
0x11: {  	[smem:$0x3FA5] =	sst s9;
	s0 =	simm.s32 @!p0 $0x0  }
0x12: {  	s1 =	sld [smem:$0x3F8B];
	s0 =	simm.s32 @p0 $0x1  }
0x13: {  	[smem:$0x3FA6] =	sst s0;
	s0 =	simm.s32 @!p1 $0x0  }
0x14: {  	s2 =	sld [smem:$0x3F8A];
	s0 =	simm.s32 @p1 $0x1  }
0x15: {  	[smem:$0x3FA7] =	sst s0;
	s0 =	simm.s32 @!p2 $0x0  }
0x16: {  	s3 =	sld [smem:$0x3FDB];
	s0 =	simm.s32 @p2 $0x1  }
0x17: {  	s4 =	simm.s32 $0x1BF5;
	[smem:$0x3FA9] =	sst s0  }
0x18: {  	s0 =	sld [smem:$0x3F8C];
	_ =	swait.ge [sflag:s4], $0x0  }
0x19: {  	s7 =	sld [smem:$0x3F8D]  }
0x1a: {  	s8 =	sadd.s32 $0xFFFFE003, lr  }
0x1b: {  	s9 =	sadd.s32 $0xFFFFFEF7, lr;
	s5 =	simm.s32 $0xFFFFFFFF;
	p2 =	slt.u32 s8, $0xFFFFF086  }
0x1c: {  	p1 =	slt.u32 s9, $0xF7A;
	s5 =	simm.s32 @!p2 $0x0  }
0x1d: {  	s5 =	simm.s32 @p1 $0x1;
	p0 =	seq.s32 s7, s2  }
0x1e: {  	s7 =	smul.u32 @!p0 $0xF7A, s2;
	p2 =	seq.s32 @!p0 s5, $0x0  }
0x1f: {  	s9 =	smul.u32 $0xF7A, s1;
	s8 =	simm.s32 @!p0 $0x1BF5;
	p2 =	por !p2, p0  }
0x20: {  	[sflag:s8] =	ssyncset.s32 @!p0 $0xFFFFF086;
	s6 =	sadd.s32 @!p0 s3, s7;
	s7 =	simm.s32 @!p0 $0x108  }
0x21: {  	s3 =	sadd.s32 s3, s9;
	s6 =	sadd.s32 @!p0 $0x88, s6;
	s7 =	simm.s32 @p2 $0x1082  }
0x22: {  	[simem:s7], [sflag:s8] =	dma.local @!p0 [hbm:s6], $0xF7A  }
0x23: {  	s9 =	sor.u32 $0xD0000000, s2;
	s6 =	simm.s32 $0x108;
	_ =	swait.ge @!p0 [sflag:s8], $0x0  }
0x24: {  	s3 =	sadd.s32 $0x88, s3;
	s6 =	simm.s32 @!p1 $0x1082;
	[sflag:s4] =	ssyncset.s32 $0xFFFFF086  }
0x25: {  	[simem:s6], [sflag:s4] =	dma.local [hbm:s3], $0xF7A  }
0x26: {  	[smem:$0x3F8D] =	sst s1;
	(tag) =	ssettag s2;
	_ =	strace s9  }
0x27: {  	s1 =	sld [smem:$0x3F9D]  }
0x28: {  	s2 =	sld [smem:$0x3F9E]  }
0x29: {  	s4 =	sld [smem:$0x3FA0]  }
0x2a: {  	p0 =	seq.s32 s5, $0x0;
	s5 =	sld [smem:$0x3FA1]  }
0x2b: {  	s6 =	sld [smem:$0x3FA2]  }
0x2c: {  	s7 =	sld [smem:$0x3FA3]  }
0x2d: {  	s3 =	simm.s32 $0x108;
	s8 =	sld [smem:$0x3FA4]  }
0x2e: {  	s3 =	simm.s32 @!p0 $0x1082;
	s9 =	sld [smem:$0x3FA5]  }
0x2f: {  	lr =	sadd.s32 s0, s3;
	s0 =	sld [smem:$0x3F9C]  }
0x30: {  	s3 =	sld [smem:$0x3F9F]  }
0x31: {  	[smem:$0x3FA8] =	sst s10  }
0x32: {  	s10 =	sld [smem:$0x3FA6];
	_ =	sdelay $0x3  }
0x33: {  	p0 =	seq.s32 s10, $0x1;
	s10 =	sld [smem:$0x3FA8];
	_ =	sdelay $0x3  }
0x34: {  	[smem:$0x3FA8] =	sst s10  }
0x35: {  	s10 =	sld [smem:$0x3FA7];
	_ =	sdelay $0x3  }
0x36: {  	p1 =	seq.s32 s10, $0x1;
	s10 =	sld [smem:$0x3FA8];
	_ =	sdelay $0x3  }
0x37: {  	[smem:$0x3FA8] =	sst s10  }
0x38: {  	s10 =	sld [smem:$0x3FA9]  }
0x39: {  	_ = 	snop;
	(pc) =	sbr.ind lr, $3  }
0x3a: {  	_ = 	snop  }
0x3b: {  	_ = 	snop  }
0x3c: {  	p2 =	seq.s32 s10, $0x1;
	s10 =	sld [smem:$0x3FA8]  }
0x3d: {  	_ =	shalt  }
0x3e: {  	_ =	shalt  }
0x3f: {  	_ =	shalt  }
0x40: {  	_ =	shalt  }
0x41: {  	_ =	shalt  }
0x42: {  	_ =	shalt  }
0x43: {  	_ =	shalt  }
0x44: {  	_ =	shalt  }
0x45: {  	_ =	shalt  }
0x46: {  	_ =	shalt  }
0x47: {  	_ =	shalt  }
0x48: {  	_ =	shalt  }
0x49: {  	_ =	shalt  }
0x4a: {  	_ =	shalt  }
0x4b: {  	_ =	shalt  }
0x4c: {  	_ =	shalt  }
0x4d: {  	_ =	shalt  }
0x4e: {  	_ =	shalt  }
0x4f: {  	_ =	shalt  }
0x50: {  	_ =	shalt  }
0x51: {  	_ =	shalt  }
0x52: {  	_ =	shalt  }
0x53: {  	_ =	shalt  }
0x54: {  	_ =	shalt  }
0x55: {  	_ =	shalt  }
0x56: {  	_ =	shalt  }
0x57: {  	_ =	shalt  }
0x58: {  	_ =	shalt  }
0x59: {  	_ =	shalt  }
0x5a: {  	_ =	shalt  }
0x5b: {  	_ =	shalt  }
0x5c: {  	_ =	shalt  }
0x5d: {  	_ =	shalt  }
0x5e: {  	_ =	shalt  }
0x5f: {  	_ =	shalt  }
0x60: {  	_ =	shalt  }
0x61: {  	_ =	shalt  }
0x62: {  	_ =	shalt  }
0x63: {  	_ =	shalt  }
0x64: {  	_ =	shalt  }
0x65: {  	_ =	shalt  }
0x66: {  	_ =	shalt  }
0x67: {  	_ =	shalt  }
0x68: {  	_ =	shalt  }
0x69: {  	_ =	shalt  }
0x6a: {  	_ =	shalt  }
0x6b: {  	_ =	shalt  }
0x6c: {  	_ =	shalt  }
0x6d: {  	_ =	shalt  }
0x6e: {  	_ =	shalt  }
0x6f: {  	_ =	shalt  }
0x70: {  	_ =	shalt  }
0x71: {  	_ =	shalt  }
0x72: {  	_ =	shalt  }
0x73: {  	_ =	shalt  }
0x74: {  	_ =	shalt  }
0x75: {  	_ =	shalt  }
0x76: {  	_ =	shalt  }
0x77: {  	_ =	shalt  }
0x78: {  	_ =	shalt  }
0x79: {  	_ =	shalt  }
0x7a: {  	_ =	shalt  }
0x7b: {  	_ =	shalt  }
0x7c: {  	_ =	shalt  }
0x7d: {  	_ =	shalt  }
0x7e: {  	_ =	shalt  }
0x7f: {  	_ =	shalt  }
0x80: {  	_ =	shalt  }
0x81: {  	_ =	shalt  }
0x82: {  	_ =	shalt  }
0x83: {  	_ =	shalt  }
0x84: {  	_ =	shalt  }
0x85: {  	_ =	shalt  }
0x86: {  	_ =	shalt  }
0x87: {  	_ =	shalt  }
.Lfunc_end0:
.L_simem_size_0:
called_computation.4_lowered:
.L_overlay_start_0:
0x88: {  	s2 =	sld [smem:$0x3FD9]  }
0x89: {  	s3 =	sld [smem:$0x3FFE];
	_ =	sdelay $0x1  }
0x8a: {  	s1 =	srdreg.scid  }
0x8b: {  	s0 =	sand.u32 $0x1, s1  }
0x8c: {  	s16 =	sshll.u32 s0, $0xA;
	s2 =	sadd.s32 s3, s2  }
0x8d: {  	s2 =	sadd.s32 s2, s16  }
0x8e: {  	[smem:$0x3FB4] =	sst s2  }
0x8f: {  	_ = 	snop  }
0x90: {  	(tm) =	ssettm $0x1  }
0x91: {  	s17 =	sld [smem:$0x3FFB];
	_ =	sdelay $0x3  }
0x92: {  	_ =	strace s17  }
0x93: {  	s2 =	sld [smem:$0x3FFC];
	_ =	sdelay $0x3  }
0x94: {  	_ =	strace s2  }
0x95: {  	s2 =	sld [smem:$0x3FFD];
	_ =	sdelay $0x3  }
0x96: {  	_ =	strace s2  }
0x97: {  	_ =	strace $0x8FFFFFFF  }
0x98: {  	s18 =	sld [smem:$0x3FDB];
	_ =	sdelay $0x1  }
0x99: {  	s19 =	simm.s32 $_scs_section_size  }
0x9a: {  	s4 =	simm.s32 $_size__tile_overlayer_lowered;
	s5 =	simm.s32 $_tile_overlayer_lowered  }
0x9b: {  	s22 =	simm.s32 $0x1BFF;
	s21 =	sshll.u32 s5, $0x1;
	s2 =	sadd.s32 s19, s18  }
0x9c: {  	s6 =	simm.s32 $0x0;
	s20 =	sshll.u32 s4, $0x1;
	s4 =	sadd.s32 s21, s2  }
0x9d: {  	[timem:s6], [sflag:s22] =	dma.local [hbm:s4], s20  }
0x9e: {  	_ =	swait.ge [sflag:s22], s20  }
0x9f: {  	s3 =	ssub.s32 $0x0, s20;
	[sflag:s22] =	ssyncset.done $0x0  }
0xa0: {  	[sflag:s22] =	ssyncadd.s32 s3;
	_ =	sdelay $0x1  }
0xa1: {  	s23 =	simm.s32 $0x1B8B  }
0xa2: {  	_ =	swait.ge [sflag:s23], $0x1  }
0xa3: {  	[sflag:s23] =	ssyncset.done $0x0  }
0xa4: {  	s25 =	simm.s32 $0x1B8E;
	s24 =	sld [smem:$0x3FFE];
	[sflag:s23] =	ssyncadd.s32 $0xFFFFFFFF  }
0xa5: {  	s26 =	simm.s32 $execute0_lowered;
	[smem:$0x3FD2] =	sst s25  }
0xa6: {  	s4 =	sshll.u32 s26, $0x1;
	_ =	strace $0x80000052;
	[dreg:$0x1] =	wrdreg $0xFFFFFFFF  }
0xa7: {  	s28 =	simm.s32 $_size_execute0_lowered;
	s2 =	sadd.s32 s2, s4;
	[dreg:$0x0] =	wrdreg $0x0  }
0xa8: {  	s4 =	sshll.u32 s28, $0x1;
	[dreg:$0x2] =	wrdreg s2  }
0xa9: {  	[dreg:$0x3] =	wrdreg s4  }
0xaa: {  	[dreg:$0x4] =	wrdreg $0xC0  }
0xab: {  	_ =	task [dreg:s6], $0x5FFFF  }
0xac: {  	[dreg:$0x1] =	wrdreg $0xFFFFFFFF  }
0xad: {  	[dreg:$0x0] =	wrdreg $0x60  }
0xae: {  	[dreg:$0x2] =	wrdreg s24  }
0xaf: {  	[dreg:$0x3] =	wrdreg $0x145000  }
0xb0: {  	[dreg:$0x4] =	wrdreg $0x9  }
0xb1: {  	_ =	task.clear_ibuf [dreg:s6], $0x5FFFF;
	_ =	strace $0x90000052  }
0xb2: {  	s29 =	simm.s32 $0x9;
	_ =	strace $0x80000054  }
0xb3: {  	_ =	swait.ge [sflag:s29], $0x1  }
0xb4: {  	[sflag:s29] =	ssyncadd.s32 $0xFFFFFFFF  }
0xb5: {  	_ =	strace $0x90000054  }
0xb6: {  	_ =	sfence  }
0xb7: {  	s30 =	sld [smem:$0x0];
	_ =	sdelay $0x2  }
0xb8: {  	s31 =	sshll.u32 s1, $0xD;
	s1 =	sshrl.u32 s1, $0x2  }
0xb9: {  	s3 =	sand.u32 $0x4000, s31;
	s1 =	sadd.s32 s1, s30  }
0xba: {  	s0 =	sor.u32 s3, s0;
	s1 =	sshll.u32 s1, $0x11  }
0xbb: {  	s0 =	sor.u32 s1, s0  }
0xbc: {  	s0 =	sadd.s32 $0x8F2B, s0  }
0xbd: {  	[sflag:s0] =	ssyncadd.remote.s32 $0x1  }
0xbe: {  	_ =	sfence.sel $0xFFFF  }
0xbf: {  	[dreg:$0x0] =	wrdreg $0xFFFFFFFF;
	(pc) =	sbr.abs _section_cstart, $3  }
0xc0: {  	[dreg:$0x1] =	wrdreg $0xFFFFFFFF  }
0xc1: {  	_ =	task.clear_ibuf [dreg:s6], $0x2FFFF;
	_ =	strace $0x9FFFFFFF  }
0xc2: {  	(tm) =	ssettm $0x7FFFFFFF  }
0xc3: {  	_ =	shalt  }
tec
execute0_lowered:
.L_overlay_start_1:
0x0: {  	(tag) =	ssettag $0x1  }
0x1: {  	s30 =	rddreg [dreg:$0x0]  }
0x2: {  	s2 =	rddreg [dreg:$0x1];
	s0 =	srdreg.scid  }
0x3: {  	s1 =	stileid.u32;
	s3 =	simm.s32 $0x0;
	s31 =	sand.u32 $0x1, s0  }
0x4: {  	s25 =	sshll.u32 s1, $0x1;
	[smem:$0x7FF] =	sst s3;
	s0 =	smul.u32 $0xA000, s1  }
0x5: {  	s4 =	sadd.s32 $0x2D800, s30;
	s5 =	sshll.u32 s1, $0x6;
	s8 =	sor.u32 s31, s25  }
0x6: {  	_ =	strace $0x80000053;
	s5 =	sor.u32 $0x1C01, s5;
	s6 =	sadd.s32 s0, s2  }
0x7: {  	s9 =	smul.u32 $0xA0, s8;
	s7 =	sshrl.u32 s6, $0x3;
	s6 =	simm.s32 $0x1  }
0x8: {  	[spmem:s7], [sflag:s5] =	dma.local [hbm:s4], $0x1400  }
0x9: {  	_ =	swait.ge [sflag:s6], $0x1400  }
0xa: {  	s9 =	sadd.s32 s9, s30;
	[sflag:s6] =	ssyncset.done $0x0  }
0xb: {  	s10 =	smul.u32 $0x2800, s8;
	s8 =	sadd.s32 $0x92C00, s9;
	[sflag:s6] =	ssyncadd.s32 $0xFFFFEC00  }
0xc: {  	[tilespmem:s3], [sflag:$0x1] =	stream.linear.gather [hbm4b:s8+s3], $0x500, $0x38;
	[tilespmem:$0x1E500] =	vst v63  }
0xd: {  	_ =	swait.ge [sflag:s6], $0x500  }
0xe: {  	s26 =	sadd.s32 s10, s30;
	[sflag:s6] =	ssyncset.done $0x0  }
0xf: {  	s10 =	simm.s32 $0x500;
	s9 =	sadd.s32 $0x42C00, s26;
	[sflag:s6] =	ssyncadd.s32 $0xFFFFFB00  }
0x10: {  	[tilespmem:s10], [sflag:$0x1] =	stream.linear.gather [hbm4b:s9+s3], $0x14000, $0x38;
	[tilespmem:$0x1E500] =	vst v63  }
0x11: {  	_ =	swait.ge [sflag:s6], $0x14000  }
0x12: {  	[sflag:s6] =	ssyncset.done $0x0  }
0x13: {  	[sflag:s6] =	ssyncadd.s32 $0xFFFEC000  }
0x14: {  	s11 =	simm.s32 $0x80;
	[bflag:$0x0] =	sbarrier.arrive $0xFFFF  }
0x15: {  	[spmem:s2] =	stream.indirect.scatter.add.f32 [tilespmem:s10], [sflag:$0x1], $0x40, s3, s11, $0xb8;
	[tilespmem:$0x1E500] =	vst v63  }
0x16: {  	_ =	swait.ge [sflag:s6], $0x2000  }
0x17: {  	[sflag:s6] =	ssyncset.done $0x0  }
0x18: {  	s12 =	simm.s32 $0x2500;
	[sflag:s6] =	ssyncadd.s32 $0xFFFFE000  }
0x19: {  	[spmem:s2] =	stream.indirect.scatter.add.f32 [tilespmem:s12], [sflag:$0x1], $0x40, s11, s11, $0xb8;
	[tilespmem:$0x1E500] =	vst v63  }
0x1a: {  	_ =	swait.ge [sflag:s6], $0x2000  }
0x1b: {  	[sflag:s6] =	ssyncset.done $0x0  }
0x1c: {  	s13 =	simm.s32 $0x100;
	s14 =	simm.s32 $0x4500;
	[sflag:s6] =	ssyncadd.s32 $0xFFFFE000  }
0x1d: {  	[spmem:s2] =	stream.indirect.scatter.add.f32 [tilespmem:s14], [sflag:$0x1], $0x40, s13, s11, $0xb8;
	[tilespmem:$0x1E500] =	vst v63  }
0x1e: {  	_ =	swait.ge [sflag:s6], $0x2000  }
0x1f: {  	[sflag:s6] =	ssyncset.done $0x0  }
0x20: {  	s15 =	simm.s32 $0x180;
	s16 =	simm.s32 $0x6500;
	[sflag:s6] =	ssyncadd.s32 $0xFFFFE000  }
0x21: {  	[spmem:s2] =	stream.indirect.scatter.add.f32 [tilespmem:s16], [sflag:$0x1], $0x40, s15, s11, $0xb8;
	[tilespmem:$0x1E500] =	vst v63  }
0x22: {  	_ =	swait.ge [sflag:s6], $0x2000  }
0x23: {  	[sflag:s6] =	ssyncset.done $0x0  }
0x24: {  	s17 =	simm.s32 $0x200;
	s18 =	simm.s32 $0x8500;
	[sflag:s6] =	ssyncadd.s32 $0xFFFFE000  }
0x25: {  	[spmem:s2] =	stream.indirect.scatter.add.f32 [tilespmem:s18], [sflag:$0x1], $0x40, s17, s11, $0xb8;
	[tilespmem:$0x1E500] =	vst v63  }
0x26: {  	_ =	swait.ge [sflag:s6], $0x2000  }
0x27: {  	[sflag:s6] =	ssyncset.done $0x0  }
0x28: {  	s19 =	simm.s32 $0x280;
	s20 =	simm.s32 $0xA500;
	[sflag:s6] =	ssyncadd.s32 $0xFFFFE000  }
0x29: {  	[spmem:s2] =	stream.indirect.scatter.add.f32 [tilespmem:s20], [sflag:$0x1], $0x40, s19, s11, $0xb8;
	[tilespmem:$0x1E500] =	vst v63  }
0x2a: {  	_ =	swait.ge [sflag:s6], $0x2000  }
0x2b: {  	[sflag:s6] =	ssyncset.done $0x0  }
0x2c: {  	s21 =	simm.s32 $0x300;
	s22 =	simm.s32 $0xC500;
	[sflag:s6] =	ssyncadd.s32 $0xFFFFE000  }
0x2d: {  	[spmem:s2] =	stream.indirect.scatter.add.f32 [tilespmem:s22], [sflag:$0x1], $0x40, s21, s11, $0xb8;
	[tilespmem:$0x1E500] =	vst v63  }
0x2e: {  	_ =	swait.ge [sflag:s6], $0x2000  }
0x2f: {  	[sflag:s6] =	ssyncset.done $0x0  }
0x30: {  	s23 =	simm.s32 $0x380;
	s24 =	simm.s32 $0xE500;
	[sflag:s6] =	ssyncadd.s32 $0xFFFFE000  }
0x31: {  	[spmem:s2] =	stream.indirect.scatter.add.f32 [tilespmem:s24], [sflag:$0x1], $0x40, s23, s11, $0xb8;
	[tilespmem:$0x1E500] =	vst v63  }
0x32: {  	_ =	swait.ge [sflag:s6], $0x2000  }
0x33: {  	s25 =	simm.s32 $0x400;
	[sflag:s6] =	ssyncset.done $0x0  }
0x34: {  	s1 =	smul.u32 $0xA0000, s31;
	s26 =	simm.s32 $0x10500;
	[sflag:s6] =	ssyncadd.s32 $0xFFFFE000  }
0x35: {  	[spmem:s2] =	stream.indirect.scatter.add.f32 [tilespmem:s26], [sflag:$0x1], $0x40, s25, s11, $0xb8;
	[tilespmem:$0x1E500] =	vst v63  }
0x36: {  	s0 =	sadd.s32 s0, s1;
	s1 =	ssub.s32 $0x2, s31;
	_ =	swait.ge [sflag:s6], $0x2000  }
0x37: {  	s28 =	simm.s32 $0x480;
	s31 =	sshrl.u32 s1, $0x1;
	[sflag:s6] =	ssyncset.done $0x0  }
0x38: {  	s29 =	simm.s32 $0x12500;
	s1 =	ssub.s32 s1, s31;
	[sflag:s6] =	ssyncadd.s32 $0xFFFFE000  }
0x39: {  	[spmem:s2] =	stream.indirect.scatter.add.f32 [tilespmem:s29], [sflag:$0x1], $0x40, s28, s11, $0xb8;
	[tilespmem:$0x1E500] =	vst v63  }
0x3a: {  	s1 =	smax.u32 s1, $0x1;
	_ =	swait.ge [sflag:s6], $0x2000  }
0x3b: {  	s0 =	sshrl.u32 s0, $0x3;
	p0 =	sne.s32 s1, $0x1;
	[sflag:s6] =	ssyncset.done $0x0  }
.Ltmp0:
0x3c: {  	s0 =	sadd.s32 s0, s30;
	[sflag:s6] =	ssyncadd.s32 $0xFFFFE000;
	(pc) =	sbr.rel @!p0 .LBB2_2-.Ltmp0, $4  }
0x3d: {  	s30 =	sadd.s32 $0x94000, s0;
	[bflag:$0x0] =	sbarrier.arrive $0xFFFF  }
0x3e: {  	[hbm:s30], [sflag:s5] =	dma.local [spmem:s7], $0x1400  }
0x3f: {  	_ =	swait.ge [sflag:s6], $0x1400  }
0x40: {  	s31 =	sadd.s32 $0xFFFFFFFF, s1;
	[sflag:s6] =	ssyncset.done $0x0  }
.LBB2_1:
0x41: {  	p0 =	sne.s32 s31, $0x1;
	s31 =	sadd.s32 $0xFFFFFFFF, s31;
	[sflag:s6] =	ssyncadd.s32 $0xFFFFEC00  }
0x42: {  	[spmem:s7], [sflag:s5] =	dma.local [hbm:s4], $0x1400  }
0x43: {  	_ =	swait.ge [sflag:s6], $0x1400  }
0x44: {  	[sflag:s6] =	ssyncset.done $0x0  }
0x45: {  	[sflag:s6] =	ssyncadd.s32 $0xFFFFEC00  }
0x46: {  	[tilespmem:s3], [sflag:$0x1] =	stream.linear.gather [hbm4b:s8+s3], $0x500, $0x38;
	[tilespmem:$0x1E500] =	vst v63  }
0x47: {  	_ =	swait.ge [sflag:s6], $0x500  }
0x48: {  	[sflag:s6] =	ssyncset.done $0x0  }
0x49: {  	[sflag:s6] =	ssyncadd.s32 $0xFFFFFB00  }
0x4a: {  	[tilespmem:s10], [sflag:$0x1] =	stream.linear.gather [hbm4b:s9+s3], $0x14000, $0x38;
	[tilespmem:$0x1E500] =	vst v63  }
0x4b: {  	_ =	swait.ge [sflag:s6], $0x14000  }
0x4c: {  	[sflag:s6] =	ssyncset.done $0x0  }
0x4d: {  	[sflag:s6] =	ssyncadd.s32 $0xFFFEC000  }
0x4e: {  	[bflag:$0x0] =	sbarrier.arrive $0xFFFF  }
0x4f: {  	[spmem:s2] =	stream.indirect.scatter.add.f32 [tilespmem:s10], [sflag:$0x1], $0x40, s3, s11, $0xb8;
	[tilespmem:$0x1E500] =	vst v63  }
0x50: {  	_ =	swait.ge [sflag:s6], $0x2000  }
0x51: {  	[sflag:s6] =	ssyncset.done $0x0  }
0x52: {  	[sflag:s6] =	ssyncadd.s32 $0xFFFFE000  }
0x53: {  	[spmem:s2] =	stream.indirect.scatter.add.f32 [tilespmem:s12], [sflag:$0x1], $0x40, s11, s11, $0xb8;
	[tilespmem:$0x1E500] =	vst v63  }
0x54: {  	_ =	swait.ge [sflag:s6], $0x2000  }
0x55: {  	[sflag:s6] =	ssyncset.done $0x0  }
0x56: {  	[sflag:s6] =	ssyncadd.s32 $0xFFFFE000  }
0x57: {  	[spmem:s2] =	stream.indirect.scatter.add.f32 [tilespmem:s14], [sflag:$0x1], $0x40, s13, s11, $0xb8;
	[tilespmem:$0x1E500] =	vst v63  }
0x58: {  	_ =	swait.ge [sflag:s6], $0x2000  }
0x59: {  	[sflag:s6] =	ssyncset.done $0x0  }
0x5a: {  	[sflag:s6] =	ssyncadd.s32 $0xFFFFE000  }
0x5b: {  	[spmem:s2] =	stream.indirect.scatter.add.f32 [tilespmem:s16], [sflag:$0x1], $0x40, s15, s11, $0xb8;
	[tilespmem:$0x1E500] =	vst v63  }
0x5c: {  	_ =	swait.ge [sflag:s6], $0x2000  }
0x5d: {  	[sflag:s6] =	ssyncset.done $0x0  }
0x5e: {  	[sflag:s6] =	ssyncadd.s32 $0xFFFFE000  }
0x5f: {  	[spmem:s2] =	stream.indirect.scatter.add.f32 [tilespmem:s18], [sflag:$0x1], $0x40, s17, s11, $0xb8;
	[tilespmem:$0x1E500] =	vst v63  }
0x60: {  	_ =	swait.ge [sflag:s6], $0x2000  }
0x61: {  	[sflag:s6] =	ssyncset.done $0x0  }
0x62: {  	[sflag:s6] =	ssyncadd.s32 $0xFFFFE000  }
0x63: {  	[spmem:s2] =	stream.indirect.scatter.add.f32 [tilespmem:s20], [sflag:$0x1], $0x40, s19, s11, $0xb8;
	[tilespmem:$0x1E500] =	vst v63  }
0x64: {  	_ =	swait.ge [sflag:s6], $0x2000  }
0x65: {  	[sflag:s6] =	ssyncset.done $0x0  }
0x66: {  	[sflag:s6] =	ssyncadd.s32 $0xFFFFE000  }
0x67: {  	[spmem:s2] =	stream.indirect.scatter.add.f32 [tilespmem:s22], [sflag:$0x1], $0x40, s21, s11, $0xb8;
	[tilespmem:$0x1E500] =	vst v63  }
0x68: {  	_ =	swait.ge [sflag:s6], $0x2000  }
0x69: {  	[sflag:s6] =	ssyncset.done $0x0  }
0x6a: {  	[sflag:s6] =	ssyncadd.s32 $0xFFFFE000  }
0x6b: {  	[spmem:s2] =	stream.indirect.scatter.add.f32 [tilespmem:s24], [sflag:$0x1], $0x40, s23, s11, $0xb8;
	[tilespmem:$0x1E500] =	vst v63  }
0x6c: {  	_ =	swait.ge [sflag:s6], $0x2000  }
0x6d: {  	[sflag:s6] =	ssyncset.done $0x0  }
0x6e: {  	[sflag:s6] =	ssyncadd.s32 $0xFFFFE000  }
0x6f: {  	[spmem:s2] =	stream.indirect.scatter.add.f32 [tilespmem:s26], [sflag:$0x1], $0x40, s25, s11, $0xb8;
	[tilespmem:$0x1E500] =	vst v63  }
0x70: {  	_ =	swait.ge [sflag:s6], $0x2000  }
0x71: {  	[sflag:s6] =	ssyncset.done $0x0  }
0x72: {  	[sflag:s6] =	ssyncadd.s32 $0xFFFFE000  }
0x73: {  	[spmem:s2] =	stream.indirect.scatter.add.f32 [tilespmem:s29], [sflag:$0x1], $0x40, s28, s11, $0xb8;
	[tilespmem:$0x1E500] =	vst v63  }
0x74: {  	_ =	swait.ge [sflag:s6], $0x2000  }
0x75: {  	[sflag:s6] =	ssyncset.done $0x0  }
.Ltmp1:
0x76: {  	[sflag:s6] =	ssyncadd.s32 $0xFFFFE000;
	(pc) =	sbr.rel @p0 .LBB2_1-.Ltmp1, $4  }
0x77: {  	[bflag:$0x0] =	sbarrier.arrive $0xFFFF  }
0x78: {  	[hbm:s30], [sflag:s5] =	dma.local [spmem:s7], $0x1400  }
0x79: {  	_ =	swait.ge [sflag:s6], $0x1400  }
0x7a: {  	[sflag:s6] =	ssyncset.done $0x0  }
.LBB2_2:
0x7b: {  	[sflag:s6] =	ssyncadd.s32 $0xFFFFEC00  }
0x7c: {  	_ =	sfence.sel $0x180000  }
0x7d: {  	[bflag:$0x0] =	sbarrier.arrive $0xFFFF  }
0x7e: {  	_ =	strace $0x90000053  }
0x7f: {  	s0 =	stileid.u32;
	[bflag:$0x2] =	sbarrier.arrive $0xFFFF  }
0x80: {  	p0 =	sne.s32 s0, $0x0;
	s0 =	rddreg [dreg:$0x2]  }
0x81: {  	s0 =	sadd.s32 @!p0 $0x100000, s0  }
0x82: {  	[sflag:s0] =	ssyncadd.tile.s32 @!p0 $0x1;
	_ =	shalt  }
.Lfunc_end2:
_tile_overlayer_lowered:
.L_overlay_start_2:
0x83: {  	(tag) =	ssettag $0x2  }
0x84: {  	s0 =	rddreg [dreg:$0x0];
	s2 =	stileid.u32  }
0x85: {  	s1 =	rddreg [dreg:$0x1];
	p0 =	sne.s32 s2, $0x0  }
0x86: {  	s3 =	rddreg [dreg:$0x2];
	[bflag:$0x3] =	sbarrier.arrive $0xFFFF;
	s2 =	simm.s32 @!p0 $0x1C01  }
0x87: {  	[timem:s3], [sflag:s2] =	dma.local @!p0 [hbm:s0], s1  }
0x88: {  	s0 =	simm.s32 @!p0 $0x1  }
0x89: {  	_ =	swait.ge @!p0 [sflag:s0], s1  }
0x8a: {  	s1 =	ssub.s32 @!p0 $0x0, s1;
	[sflag:s0] =	ssyncset.done @!p0 $0x0  }
0x8b: {  	[sflag:s0] =	ssyncadd.s32 @!p0 s1  }
0x8c: {  	[bflag:$0x3] =	sbarrier.arrive $0xFFFF  }
0x8d: {  	_ =	shalt  }

// kernel: kernel.33.cloned.1.call-start
scs
__scs_entry_jumppad:
0x0: {  	(pc) =	sbr.rel $0x88, $3  }
0x1: {  	(tag) =	ssettag $0x0;
	lr =	simm.s32 $0x1  }
0x2: {  	[smem:$0x3F8D] =	sst lr;
	_ =	strace $0xD0000000  }
0x3: {  	_ = 	snop  }
0x4: {  	_ = 	snop  }
0x5: {  	_ = 	snop  }
0x6: {  	_ = 	snop  }
0x7: {  	_ = 	snop  }
__scs_overlays_trampoline_lowered:
0x8: {  	[smem:$0x3F9C] =	sst s0  }
0x9: {  	[smem:$0x3F9D] =	sst s1  }
0xa: {  	[smem:$0x3F9E] =	sst s2  }
0xb: {  	[smem:$0x3F9F] =	sst s3  }
0xc: {  	[smem:$0x3FA0] =	sst s4  }
0xd: {  	[smem:$0x3FA1] =	sst s5  }
0xe: {  	[smem:$0x3FA2] =	sst s6  }
0xf: {  	[smem:$0x3FA3] =	sst s7  }
0x10: {  	[smem:$0x3FA4] =	sst s8  }
0x11: {  	[smem:$0x3FA5] =	sst s9;
	s0 =	simm.s32 @!p0 $0x0  }
0x12: {  	s1 =	sld [smem:$0x3F8B];
	s0 =	simm.s32 @p0 $0x1  }
0x13: {  	[smem:$0x3FA6] =	sst s0;
	s0 =	simm.s32 @!p1 $0x0  }
0x14: {  	s2 =	sld [smem:$0x3F8A];
	s0 =	simm.s32 @p1 $0x1  }
0x15: {  	[smem:$0x3FA7] =	sst s0;
	s0 =	simm.s32 @!p2 $0x0  }
0x16: {  	s3 =	sld [smem:$0x3FDB];
	s0 =	simm.s32 @p2 $0x1  }
0x17: {  	s4 =	simm.s32 $0x1BF5;
	[smem:$0x3FA9] =	sst s0  }
0x18: {  	s0 =	sld [smem:$0x3F8C];
	_ =	swait.ge [sflag:s4], $0x0  }
0x19: {  	s7 =	sld [smem:$0x3F8D]  }
0x1a: {  	s8 =	sadd.s32 $0xFFFFE003, lr  }
0x1b: {  	s9 =	sadd.s32 $0xFFFFFEF7, lr;
	s5 =	simm.s32 $0xFFFFFFFF;
	p2 =	slt.u32 s8, $0xFFFFF086  }
0x1c: {  	p1 =	slt.u32 s9, $0xF7A;
	s5 =	simm.s32 @!p2 $0x0  }
0x1d: {  	s5 =	simm.s32 @p1 $0x1;
	p0 =	seq.s32 s7, s2  }
0x1e: {  	s7 =	smul.u32 @!p0 $0xF7A, s2;
	p2 =	seq.s32 @!p0 s5, $0x0  }
0x1f: {  	s9 =	smul.u32 $0xF7A, s1;
	s8 =	simm.s32 @!p0 $0x1BF5;
	p2 =	por !p2, p0  }
0x20: {  	[sflag:s8] =	ssyncset.s32 @!p0 $0xFFFFF086;
	s6 =	sadd.s32 @!p0 s3, s7;
	s7 =	simm.s32 @!p0 $0x108  }
0x21: {  	s3 =	sadd.s32 s3, s9;
	s6 =	sadd.s32 @!p0 $0x88, s6;
	s7 =	simm.s32 @p2 $0x1082  }
0x22: {  	[simem:s7], [sflag:s8] =	dma.local @!p0 [hbm:s6], $0xF7A  }
0x23: {  	s9 =	sor.u32 $0xD0000000, s2;
	s6 =	simm.s32 $0x108;
	_ =	swait.ge @!p0 [sflag:s8], $0x0  }
0x24: {  	s3 =	sadd.s32 $0x88, s3;
	s6 =	simm.s32 @!p1 $0x1082;
	[sflag:s4] =	ssyncset.s32 $0xFFFFF086  }
0x25: {  	[simem:s6], [sflag:s4] =	dma.local [hbm:s3], $0xF7A  }
0x26: {  	[smem:$0x3F8D] =	sst s1;
	(tag) =	ssettag s2;
	_ =	strace s9  }
0x27: {  	s1 =	sld [smem:$0x3F9D]  }
0x28: {  	s2 =	sld [smem:$0x3F9E]  }
0x29: {  	s4 =	sld [smem:$0x3FA0]  }
0x2a: {  	p0 =	seq.s32 s5, $0x0;
	s5 =	sld [smem:$0x3FA1]  }
0x2b: {  	s6 =	sld [smem:$0x3FA2]  }
0x2c: {  	s7 =	sld [smem:$0x3FA3]  }
0x2d: {  	s3 =	simm.s32 $0x108;
	s8 =	sld [smem:$0x3FA4]  }
0x2e: {  	s3 =	simm.s32 @!p0 $0x1082;
	s9 =	sld [smem:$0x3FA5]  }
0x2f: {  	lr =	sadd.s32 s0, s3;
	s0 =	sld [smem:$0x3F9C]  }
0x30: {  	s3 =	sld [smem:$0x3F9F]  }
0x31: {  	[smem:$0x3FA8] =	sst s10  }
0x32: {  	s10 =	sld [smem:$0x3FA6];
	_ =	sdelay $0x3  }
0x33: {  	p0 =	seq.s32 s10, $0x1;
	s10 =	sld [smem:$0x3FA8];
	_ =	sdelay $0x3  }
0x34: {  	[smem:$0x3FA8] =	sst s10  }
0x35: {  	s10 =	sld [smem:$0x3FA7];
	_ =	sdelay $0x3  }
0x36: {  	p1 =	seq.s32 s10, $0x1;
	s10 =	sld [smem:$0x3FA8];
	_ =	sdelay $0x3  }
0x37: {  	[smem:$0x3FA8] =	sst s10  }
0x38: {  	s10 =	sld [smem:$0x3FA9]  }
0x39: {  	_ = 	snop;
	(pc) =	sbr.ind lr, $3  }
0x3a: {  	_ = 	snop  }
0x3b: {  	_ = 	snop  }
0x3c: {  	p2 =	seq.s32 s10, $0x1;
	s10 =	sld [smem:$0x3FA8]  }
0x3d: {  	_ =	shalt  }
0x3e: {  	_ =	shalt  }
0x3f: {  	_ =	shalt  }
0x40: {  	_ =	shalt  }
0x41: {  	_ =	shalt  }
0x42: {  	_ =	shalt  }
0x43: {  	_ =	shalt  }
0x44: {  	_ =	shalt  }
0x45: {  	_ =	shalt  }
0x46: {  	_ =	shalt  }
0x47: {  	_ =	shalt  }
0x48: {  	_ =	shalt  }
0x49: {  	_ =	shalt  }
0x4a: {  	_ =	shalt  }
0x4b: {  	_ =	shalt  }
0x4c: {  	_ =	shalt  }
0x4d: {  	_ =	shalt  }
0x4e: {  	_ =	shalt  }
0x4f: {  	_ =	shalt  }
0x50: {  	_ =	shalt  }
0x51: {  	_ =	shalt  }
0x52: {  	_ =	shalt  }
0x53: {  	_ =	shalt  }
0x54: {  	_ =	shalt  }
0x55: {  	_ =	shalt  }
0x56: {  	_ =	shalt  }
0x57: {  	_ =	shalt  }
0x58: {  	_ =	shalt  }
0x59: {  	_ =	shalt  }
0x5a: {  	_ =	shalt  }
0x5b: {  	_ =	shalt  }
0x5c: {  	_ =	shalt  }
0x5d: {  	_ =	shalt  }
0x5e: {  	_ =	shalt  }
0x5f: {  	_ =	shalt  }
0x60: {  	_ =	shalt  }
0x61: {  	_ =	shalt  }
0x62: {  	_ =	shalt  }
0x63: {  	_ =	shalt  }
0x64: {  	_ =	shalt  }
0x65: {  	_ =	shalt  }
0x66: {  	_ =	shalt  }
0x67: {  	_ =	shalt  }
0x68: {  	_ =	shalt  }
0x69: {  	_ =	shalt  }
0x6a: {  	_ =	shalt  }
0x6b: {  	_ =	shalt  }
0x6c: {  	_ =	shalt  }
0x6d: {  	_ =	shalt  }
0x6e: {  	_ =	shalt  }
0x6f: {  	_ =	shalt  }
0x70: {  	_ =	shalt  }
0x71: {  	_ =	shalt  }
0x72: {  	_ =	shalt  }
0x73: {  	_ =	shalt  }
0x74: {  	_ =	shalt  }
0x75: {  	_ =	shalt  }
0x76: {  	_ =	shalt  }
0x77: {  	_ =	shalt  }
0x78: {  	_ =	shalt  }
0x79: {  	_ =	shalt  }
0x7a: {  	_ =	shalt  }
0x7b: {  	_ =	shalt  }
0x7c: {  	_ =	shalt  }
0x7d: {  	_ =	shalt  }
0x7e: {  	_ =	shalt  }
0x7f: {  	_ =	shalt  }
0x80: {  	_ =	shalt  }
0x81: {  	_ =	shalt  }
0x82: {  	_ =	shalt  }
0x83: {  	_ =	shalt  }
0x84: {  	_ =	shalt  }
0x85: {  	_ =	shalt  }
0x86: {  	_ =	shalt  }
0x87: {  	_ =	shalt  }
.Lfunc_end0:
.L_simem_size_0:
called_computation.5_lowered:
.L_overlay_start_0:
0x88: {  	s2 =	sld [smem:$0x3FD9]  }
0x89: {  	s3 =	sld [smem:$0x3FFE];
	_ =	sdelay $0x1  }
0x8a: {  	s1 =	srdreg.scid  }
0x8b: {  	s0 =	sand.u32 $0x1, s1  }
0x8c: {  	s16 =	sshll.u32 s0, $0xA;
	s2 =	sadd.s32 s3, s2  }
0x8d: {  	s2 =	sadd.s32 s2, s16  }
0x8e: {  	[smem:$0x3FB4] =	sst s2  }
0x8f: {  	_ = 	snop  }
0x90: {  	(tm) =	ssettm $0x1  }
0x91: {  	s17 =	sld [smem:$0x3FFB];
	_ =	sdelay $0x3  }
0x92: {  	_ =	strace s17  }
0x93: {  	s2 =	sld [smem:$0x3FFC];
	_ =	sdelay $0x3  }
0x94: {  	_ =	strace s2  }
0x95: {  	s2 =	sld [smem:$0x3FFD];
	_ =	sdelay $0x3  }
0x96: {  	_ =	strace s2  }
0x97: {  	_ =	strace $0x8FFFFFFF  }
0x98: {  	s18 =	sld [smem:$0x3FDB];
	_ =	sdelay $0x1  }
0x99: {  	s19 =	simm.s32 $_scs_section_size  }
0x9a: {  	s4 =	simm.s32 $_size__tile_overlayer_lowered;
	s5 =	simm.s32 $_tile_overlayer_lowered  }
0x9b: {  	s22 =	simm.s32 $0x1BFF;
	s21 =	sshll.u32 s5, $0x1;
	s2 =	sadd.s32 s19, s18  }
0x9c: {  	s6 =	simm.s32 $0x0;
	s20 =	sshll.u32 s4, $0x1;
	s4 =	sadd.s32 s21, s2  }
0x9d: {  	[timem:s6], [sflag:s22] =	dma.local [hbm:s4], s20  }
0x9e: {  	_ =	swait.ge [sflag:s22], s20  }
0x9f: {  	s3 =	ssub.s32 $0x0, s20;
	[sflag:s22] =	ssyncset.done $0x0  }
0xa0: {  	[sflag:s22] =	ssyncadd.s32 s3;
	_ =	sdelay $0x1  }
0xa1: {  	s23 =	simm.s32 $0x1B8B  }
0xa2: {  	_ =	swait.ge [sflag:s23], $0x1  }
0xa3: {  	[sflag:s23] =	ssyncset.done $0x0  }
0xa4: {  	s25 =	simm.s32 $0x1B8E;
	s24 =	sld [smem:$0x3FFE];
	[sflag:s23] =	ssyncadd.s32 $0xFFFFFFFF  }
0xa5: {  	s26 =	simm.s32 $execute0_lowered;
	[smem:$0x3FD2] =	sst s25  }
0xa6: {  	s4 =	sshll.u32 s26, $0x1;
	_ =	strace $0x80000055;
	[dreg:$0x1] =	wrdreg $0xFFFFFFFF  }
0xa7: {  	s28 =	simm.s32 $_size_execute0_lowered;
	s2 =	sadd.s32 s2, s4;
	[dreg:$0x0] =	wrdreg $0x0  }
0xa8: {  	s4 =	sshll.u32 s28, $0x1;
	[dreg:$0x2] =	wrdreg s2  }
0xa9: {  	[dreg:$0x3] =	wrdreg s4  }
0xaa: {  	[dreg:$0x4] =	wrdreg $0xC0  }
0xab: {  	_ =	task [dreg:s6], $0x5FFFF  }
0xac: {  	[dreg:$0x1] =	wrdreg $0xFFFFFFFF  }
0xad: {  	[dreg:$0x0] =	wrdreg $0x60  }
0xae: {  	[dreg:$0x2] =	wrdreg s24  }
0xaf: {  	[dreg:$0x3] =	wrdreg $0x9  }
0xb0: {  	_ =	task.clear_ibuf [dreg:s6], $0x4FFFF;
	_ =	strace $0x90000055  }
0xb1: {  	s29 =	simm.s32 $0x9;
	_ =	strace $0x80000057  }
0xb2: {  	_ =	swait.ge [sflag:s29], $0x1  }
0xb3: {  	[sflag:s29] =	ssyncadd.s32 $0xFFFFFFFF  }
0xb4: {  	_ =	strace $0x90000057  }
0xb5: {  	_ =	sfence  }
0xb6: {  	s30 =	sld [smem:$0x0];
	_ =	sdelay $0x2  }
0xb7: {  	s31 =	sshll.u32 s1, $0xD;
	s1 =	sshrl.u32 s1, $0x2  }
0xb8: {  	s3 =	sand.u32 $0x4000, s31;
	s1 =	sadd.s32 s1, s30  }
0xb9: {  	s0 =	sor.u32 s3, s0;
	s1 =	sshll.u32 s1, $0x11  }
0xba: {  	s0 =	sor.u32 s1, s0  }
0xbb: {  	s0 =	sadd.s32 $0x8F2B, s0  }
0xbc: {  	[sflag:s0] =	ssyncadd.remote.s32 $0x1  }
0xbd: {  	_ =	sfence.sel $0xFFFF  }
0xbe: {  	[dreg:$0x0] =	wrdreg $0xFFFFFFFF;
	(pc) =	sbr.abs _section_cstart, $3  }
0xbf: {  	[dreg:$0x1] =	wrdreg $0xFFFFFFFF  }
0xc0: {  	_ =	task.clear_ibuf [dreg:s6], $0x2FFFF;
	_ =	strace $0x9FFFFFFF  }
0xc1: {  	(tm) =	ssettm $0x7FFFFFFF  }
tec
execute0_lowered:
.L_overlay_start_1:
0x0: {  	(tag) =	ssettag $0x1  }
0x1: {  	s1 =	srdreg.scid;
	s0 =	stileid.u32  }
0x2: {  	s28 =	sand.u32 $0x1, s1;
	s31 =	sshll.u32 s0, $0x1  }
0x3: {  	s29 =	sor.u32 s28, s31  }
0x4: {  	s26 =	rddreg [dreg:$0x0];
	s3 =	smul.u32 $0xA0, s29  }
0x5: {  	s2 =	simm.s32 $0x0;
	s1 =	rddreg [dreg:$0x1]  }
0x6: {  	[smem:$0x7FF] =	sst s2;
	s3 =	sadd.s32 s3, s26  }
0x7: {  	_ =	strace $0x80000056;
	s4 =	sadd.s32 $0x41800, s3;
	s3 =	simm.s32 $0x2  }
0x8: {  	[tilespmem:s2], [sflag:$0x2] =	stream.linear.gather [hbm4b:s4+s2], $0x500, $0x38;
	[tilespmem:$0x14500] =	vst v63  }
0x9: {  	_ =	swait.ge [sflag:s3], $0x500  }
0xa: {  	s6 =	simm.s32 $0x80;
	[sflag:s3] =	ssyncset.done $0x0  }
0xb: {  	s7 =	simm.s32 $0x500;
	s5 =	sadd.s32 $0x94000, s26;
	[sflag:s3] =	ssyncadd.s32 $0xFFFFFB00  }
0xc: {  	[tilespmem:s7], [sflag:$0x1] =	stream.indirect.gather [hbm4b:s5+s6], $0x40, s2, s6, $0xb8;
	[tilespmem:$0x14500] =	vst v63  }
0xd: {  	s8 =	simm.s32 $0x2500  }
0xe: {  	[tilespmem:s8], [sflag:$0x1] =	stream.indirect.gather [hbm4b:s5+s6], $0x40, s6, s6, $0xb8;
	[tilespmem:$0x14500] =	vst v63  }
0xf: {  	s9 =	simm.s32 $0x100;
	s10 =	simm.s32 $0x4500  }
0x10: {  	[tilespmem:s10], [sflag:$0x1] =	stream.indirect.gather [hbm4b:s5+s6], $0x40, s9, s6, $0xb8;
	[tilespmem:$0x14500] =	vst v63  }
0x11: {  	s11 =	simm.s32 $0x180;
	s12 =	simm.s32 $0x6500  }
0x12: {  	[tilespmem:s12], [sflag:$0x1] =	stream.indirect.gather [hbm4b:s5+s6], $0x40, s11, s6, $0xb8;
	[tilespmem:$0x14500] =	vst v63  }
0x13: {  	s13 =	simm.s32 $0x200;
	s14 =	simm.s32 $0x8500  }
0x14: {  	[tilespmem:s14], [sflag:$0x1] =	stream.indirect.gather [hbm4b:s5+s6], $0x40, s13, s6, $0xb8;
	[tilespmem:$0x14500] =	vst v63  }
0x15: {  	s15 =	simm.s32 $0x280;
	s16 =	simm.s32 $0xA500  }
0x16: {  	[tilespmem:s16], [sflag:$0x1] =	stream.indirect.gather [hbm4b:s5+s6], $0x40, s15, s6, $0xb8;
	[tilespmem:$0x14500] =	vst v63  }
0x17: {  	s17 =	simm.s32 $0x300;
	s18 =	simm.s32 $0xC500  }
0x18: {  	[tilespmem:s18], [sflag:$0x1] =	stream.indirect.gather [hbm4b:s5+s6], $0x40, s17, s6, $0xb8;
	[tilespmem:$0x14500] =	vst v63  }
0x19: {  	s19 =	simm.s32 $0x380;
	s20 =	simm.s32 $0xE500  }
0x1a: {  	[tilespmem:s20], [sflag:$0x1] =	stream.indirect.gather [hbm4b:s5+s6], $0x40, s19, s6, $0xb8;
	[tilespmem:$0x14500] =	vst v63  }
0x1b: {  	s21 =	simm.s32 $0x400;
	s22 =	simm.s32 $0x10500  }
0x1c: {  	[tilespmem:s22], [sflag:$0x1] =	stream.indirect.gather [hbm4b:s5+s6], $0x40, s21, s6, $0xb8;
	[tilespmem:$0x14500] =	vst v63  }
0x1d: {  	s23 =	simm.s32 $0x480;
	s24 =	simm.s32 $0x12500;
	s25 =	simm.s32 $0x1  }
0x1e: {  	[tilespmem:s24], [sflag:$0x1] =	stream.indirect.gather [hbm4b:s5+s6], $0x40, s23, s6, $0xb8;
	[tilespmem:$0x14500] =	vst v63  }
0x1f: {  	_ =	swait.ge [sflag:s25], $0x2000  }
0x20: {  	[sflag:s25] =	ssyncset.done $0x0  }
0x21: {  	[sflag:s25] =	ssyncadd.s32 $0xFFFFE000  }
0x22: {  	_ =	swait.ge [sflag:s25], $0x2000  }
0x23: {  	[sflag:s25] =	ssyncset.done $0x0  }
0x24: {  	[sflag:s25] =	ssyncadd.s32 $0xFFFFE000  }
0x25: {  	_ =	swait.ge [sflag:s25], $0x2000  }
0x26: {  	[sflag:s25] =	ssyncset.done $0x0  }
0x27: {  	[sflag:s25] =	ssyncadd.s32 $0xFFFFE000  }
0x28: {  	_ =	swait.ge [sflag:s25], $0x2000  }
0x29: {  	[sflag:s25] =	ssyncset.done $0x0  }
0x2a: {  	[sflag:s25] =	ssyncadd.s32 $0xFFFFE000  }
0x2b: {  	_ =	swait.ge [sflag:s25], $0x2000  }
0x2c: {  	[sflag:s25] =	ssyncset.done $0x0  }
0x2d: {  	[sflag:s25] =	ssyncadd.s32 $0xFFFFE000  }
0x2e: {  	_ =	swait.ge [sflag:s25], $0x2000  }
0x2f: {  	[sflag:s25] =	ssyncset.done $0x0  }
0x30: {  	[sflag:s25] =	ssyncadd.s32 $0xFFFFE000  }
0x31: {  	_ =	swait.ge [sflag:s25], $0x2000  }
0x32: {  	[sflag:s25] =	ssyncset.done $0x0  }
0x33: {  	[sflag:s25] =	ssyncadd.s32 $0xFFFFE000  }
0x34: {  	_ =	swait.ge [sflag:s25], $0x2000  }
0x35: {  	[sflag:s25] =	ssyncset.done $0x0  }
0x36: {  	s28 =	ssub.s32 $0x2, s28;
	[sflag:s25] =	ssyncadd.s32 $0xFFFFE000  }
0x37: {  	s30 =	sshrl.u32 s28, $0x1;
	_ =	swait.ge [sflag:s25], $0x2000  }
0x38: {  	s28 =	ssub.s32 s28, s30;
	[sflag:s25] =	ssyncset.done $0x0  }
0x39: {  	s29 =	smul.u32 $0x2800, s29;
	s28 =	smax.u32 s28, $0x1;
	[sflag:s25] =	ssyncadd.s32 $0xFFFFE000  }
0x3a: {  	p0 =	sne.s32 s28, $0x1;
	_ =	swait.ge [sflag:s25], $0x2000  }
.Ltmp0:
0x3b: {  	s26 =	sadd.s32 s29, s26;
	[sflag:s25] =	ssyncset.done $0x0;
	(pc) =	sbr.rel @!p0 .LBB2_2-.Ltmp0, $4  }
0x3c: {  	s26 =	sadd.s32 $0x42C00, s26;
	[sflag:s25] =	ssyncadd.s32 $0xFFFFE000  }
0x3d: {  	[hbm4b:s26+s2] =	stream.linear.scatter [tilespmem:s7], [sflag:$0x2], $0x14000, $0x38;
	[tilespmem:$0x14500] =	vst v63  }
0x3e: {  	_ =	swait.ge [sflag:s3], $0x14000  }
0x3f: {  	s28 =	sadd.s32 $0xFFFFFFFF, s28;
	[sflag:s3] =	ssyncset.done $0x0  }
.LBB2_1:
0x40: {  	p0 =	sne.s32 s28, $0x1;
	s28 =	sadd.s32 $0xFFFFFFFF, s28;
	[sflag:s3] =	ssyncadd.s32 $0xFFFEC000  }
0x41: {  	[tilespmem:s2], [sflag:$0x2] =	stream.linear.gather [hbm4b:s4+s2], $0x500, $0x38;
	[tilespmem:$0x14500] =	vst v63  }
0x42: {  	_ =	swait.ge [sflag:s3], $0x500  }
0x43: {  	[sflag:s3] =	ssyncset.done $0x0  }
0x44: {  	[sflag:s3] =	ssyncadd.s32 $0xFFFFFB00  }
0x45: {  	[tilespmem:s7], [sflag:$0x1] =	stream.indirect.gather [hbm4b:s5+s6], $0x40, s2, s6, $0xb8;
	[tilespmem:$0x14500] =	vst v63  }
0x46: {  	_ = 	snop  }
0x47: {  	[tilespmem:s8], [sflag:$0x1] =	stream.indirect.gather [hbm4b:s5+s6], $0x40, s6, s6, $0xb8;
	[tilespmem:$0x14500] =	vst v63  }
0x48: {  	_ = 	snop  }
0x49: {  	[tilespmem:s10], [sflag:$0x1] =	stream.indirect.gather [hbm4b:s5+s6], $0x40, s9, s6, $0xb8;
	[tilespmem:$0x14500] =	vst v63  }
0x4a: {  	_ = 	snop  }
0x4b: {  	[tilespmem:s12], [sflag:$0x1] =	stream.indirect.gather [hbm4b:s5+s6], $0x40, s11, s6, $0xb8;
	[tilespmem:$0x14500] =	vst v63  }
0x4c: {  	_ = 	snop  }
0x4d: {  	[tilespmem:s14], [sflag:$0x1] =	stream.indirect.gather [hbm4b:s5+s6], $0x40, s13, s6, $0xb8;
	[tilespmem:$0x14500] =	vst v63  }
0x4e: {  	_ = 	snop  }
0x4f: {  	[tilespmem:s16], [sflag:$0x1] =	stream.indirect.gather [hbm4b:s5+s6], $0x40, s15, s6, $0xb8;
	[tilespmem:$0x14500] =	vst v63  }
0x50: {  	_ = 	snop  }
0x51: {  	[tilespmem:s18], [sflag:$0x1] =	stream.indirect.gather [hbm4b:s5+s6], $0x40, s17, s6, $0xb8;
	[tilespmem:$0x14500] =	vst v63  }
0x52: {  	_ = 	snop  }
0x53: {  	[tilespmem:s20], [sflag:$0x1] =	stream.indirect.gather [hbm4b:s5+s6], $0x40, s19, s6, $0xb8;
	[tilespmem:$0x14500] =	vst v63  }
0x54: {  	_ = 	snop  }
0x55: {  	[tilespmem:s22], [sflag:$0x1] =	stream.indirect.gather [hbm4b:s5+s6], $0x40, s21, s6, $0xb8;
	[tilespmem:$0x14500] =	vst v63  }
0x56: {  	_ = 	snop  }
0x57: {  	[tilespmem:s24], [sflag:$0x1] =	stream.indirect.gather [hbm4b:s5+s6], $0x40, s23, s6, $0xb8;
	[tilespmem:$0x14500] =	vst v63  }
0x58: {  	_ =	swait.ge [sflag:s25], $0x2000  }
0x59: {  	[sflag:s25] =	ssyncset.done $0x0  }
0x5a: {  	[sflag:s25] =	ssyncadd.s32 $0xFFFFE000  }
0x5b: {  	_ =	swait.ge [sflag:s25], $0x2000  }
0x5c: {  	[sflag:s25] =	ssyncset.done $0x0  }
0x5d: {  	[sflag:s25] =	ssyncadd.s32 $0xFFFFE000  }
0x5e: {  	_ =	swait.ge [sflag:s25], $0x2000  }
0x5f: {  	[sflag:s25] =	ssyncset.done $0x0  }
0x60: {  	[sflag:s25] =	ssyncadd.s32 $0xFFFFE000  }
0x61: {  	_ =	swait.ge [sflag:s25], $0x2000  }
0x62: {  	[sflag:s25] =	ssyncset.done $0x0  }
0x63: {  	[sflag:s25] =	ssyncadd.s32 $0xFFFFE000  }
0x64: {  	_ =	swait.ge [sflag:s25], $0x2000  }
0x65: {  	[sflag:s25] =	ssyncset.done $0x0  }
0x66: {  	[sflag:s25] =	ssyncadd.s32 $0xFFFFE000  }
0x67: {  	_ =	swait.ge [sflag:s25], $0x2000  }
0x68: {  	[sflag:s25] =	ssyncset.done $0x0  }
0x69: {  	[sflag:s25] =	ssyncadd.s32 $0xFFFFE000  }
0x6a: {  	_ =	swait.ge [sflag:s25], $0x2000  }
0x6b: {  	[sflag:s25] =	ssyncset.done $0x0  }
0x6c: {  	[sflag:s25] =	ssyncadd.s32 $0xFFFFE000  }
0x6d: {  	_ =	swait.ge [sflag:s25], $0x2000  }
0x6e: {  	[sflag:s25] =	ssyncset.done $0x0  }
0x6f: {  	[sflag:s25] =	ssyncadd.s32 $0xFFFFE000  }
0x70: {  	_ =	swait.ge [sflag:s25], $0x2000  }
0x71: {  	[sflag:s25] =	ssyncset.done $0x0  }
0x72: {  	[sflag:s25] =	ssyncadd.s32 $0xFFFFE000  }
0x73: {  	_ =	swait.ge [sflag:s25], $0x2000  }
.Ltmp1:
0x74: {  	[sflag:s25] =	ssyncset.done $0x0;
	(pc) =	sbr.rel @p0 .LBB2_1-.Ltmp1, $4  }
0x75: {  	[sflag:s25] =	ssyncadd.s32 $0xFFFFE000  }
0x76: {  	[hbm4b:s26+s2] =	stream.linear.scatter [tilespmem:s7], [sflag:$0x2], $0x14000, $0x38;
	[tilespmem:$0x14500] =	vst v63  }
0x77: {  	_ =	swait.ge [sflag:s3], $0x14000  }
0x78: {  	[sflag:s3] =	ssyncset.done $0x0  }
.LBB2_2:
0x79: {  	[sflag:s3] =	ssyncadd.s32 $0xFFFEC000  }
0x7a: {  	_ =	sfence.sel $0x180000  }
0x7b: {  	[bflag:$0x0] =	sbarrier.arrive $0xFFFF  }
0x7c: {  	p0 =	sne.s32 s0, $0x0;
	_ =	strace $0x90000056  }
0x7d: {  	s0 =	sadd.s32 @!p0 $0x100000, s1;
	[bflag:$0x2] =	sbarrier.arrive $0xFFFF  }
0x7e: {  	[sflag:s0] =	ssyncadd.tile.s32 @!p0 $0x1;
	_ =	shalt  }
.Lfunc_end2:
_tile_overlayer_lowered:
.L_overlay_start_2:
0x7f: {  	(tag) =	ssettag $0x2  }
0x80: {  	s0 =	rddreg [dreg:$0x0];
	s2 =	stileid.u32  }
0x81: {  	s1 =	rddreg [dreg:$0x1];
	p0 =	sne.s32 s2, $0x0  }
0x82: {  	s3 =	rddreg [dreg:$0x2];
	[bflag:$0x3] =	sbarrier.arrive $0xFFFF;
	s2 =	simm.s32 @!p0 $0x1C02  }
0x83: {  	[timem:s3], [sflag:s2] =	dma.local @!p0 [hbm:s0], s1  }
0x84: {  	s0 =	simm.s32 @!p0 $0x2  }
0x85: {  	_ =	swait.ge @!p0 [sflag:s0], s1  }
0x86: {  	s1 =	ssub.s32 @!p0 $0x0, s1;
	[sflag:s0] =	ssyncset.done @!p0 $0x0  }
0x87: {  	[sflag:s0] =	ssyncadd.s32 @!p0 s1  }
0x88: {  	[bflag:$0x3] =	sbarrier.arrive $0xFFFF  }
0x89: {  	_ =	shalt  }

// kernel: kernel.36.cloned.1.call-start
scs
__scs_entry_jumppad:
0x0: {  	(pc) =	sbr.rel $0x88, $3  }
0x1: {  	(tag) =	ssettag $0x0;
	lr =	simm.s32 $0x1  }
0x2: {  	[smem:$0x3F8D] =	sst lr;
	_ =	strace $0xD0000000  }
0x3: {  	_ = 	snop  }
0x4: {  	_ = 	snop  }
0x5: {  	_ = 	snop  }
0x6: {  	_ = 	snop  }
0x7: {  	_ = 	snop  }
__scs_overlays_trampoline_lowered:
0x8: {  	[smem:$0x3F9C] =	sst s0  }
0x9: {  	[smem:$0x3F9D] =	sst s1  }
0xa: {  	[smem:$0x3F9E] =	sst s2  }
0xb: {  	[smem:$0x3F9F] =	sst s3  }
0xc: {  	[smem:$0x3FA0] =	sst s4  }
0xd: {  	[smem:$0x3FA1] =	sst s5  }
0xe: {  	[smem:$0x3FA2] =	sst s6  }
0xf: {  	[smem:$0x3FA3] =	sst s7  }
0x10: {  	[smem:$0x3FA4] =	sst s8  }
0x11: {  	[smem:$0x3FA5] =	sst s9;
	s0 =	simm.s32 @!p0 $0x0  }
0x12: {  	s1 =	sld [smem:$0x3F8B];
	s0 =	simm.s32 @p0 $0x1  }
0x13: {  	[smem:$0x3FA6] =	sst s0;
	s0 =	simm.s32 @!p1 $0x0  }
0x14: {  	s2 =	sld [smem:$0x3F8A];
	s0 =	simm.s32 @p1 $0x1  }
0x15: {  	[smem:$0x3FA7] =	sst s0;
	s0 =	simm.s32 @!p2 $0x0  }
0x16: {  	s3 =	sld [smem:$0x3FDB];
	s0 =	simm.s32 @p2 $0x1  }
0x17: {  	s4 =	simm.s32 $0x1BF5;
	[smem:$0x3FA9] =	sst s0  }
0x18: {  	s0 =	sld [smem:$0x3F8C];
	_ =	swait.ge [sflag:s4], $0x0  }
0x19: {  	s7 =	sld [smem:$0x3F8D]  }
0x1a: {  	s8 =	sadd.s32 $0xFFFFE003, lr  }
0x1b: {  	s9 =	sadd.s32 $0xFFFFFEF7, lr;
	s5 =	simm.s32 $0xFFFFFFFF;
	p2 =	slt.u32 s8, $0xFFFFF086  }
0x1c: {  	p1 =	slt.u32 s9, $0xF7A;
	s5 =	simm.s32 @!p2 $0x0  }
0x1d: {  	s5 =	simm.s32 @p1 $0x1;
	p0 =	seq.s32 s7, s2  }
0x1e: {  	s7 =	smul.u32 @!p0 $0xF7A, s2;
	p2 =	seq.s32 @!p0 s5, $0x0  }
0x1f: {  	s9 =	smul.u32 $0xF7A, s1;
	s8 =	simm.s32 @!p0 $0x1BF5;
	p2 =	por !p2, p0  }
0x20: {  	[sflag:s8] =	ssyncset.s32 @!p0 $0xFFFFF086;
	s6 =	sadd.s32 @!p0 s3, s7;
	s7 =	simm.s32 @!p0 $0x108  }
0x21: {  	s3 =	sadd.s32 s3, s9;
	s6 =	sadd.s32 @!p0 $0x88, s6;
	s7 =	simm.s32 @p2 $0x1082  }
0x22: {  	[simem:s7], [sflag:s8] =	dma.local @!p0 [hbm:s6], $0xF7A  }
0x23: {  	s9 =	sor.u32 $0xD0000000, s2;
	s6 =	simm.s32 $0x108;
	_ =	swait.ge @!p0 [sflag:s8], $0x0  }
0x24: {  	s3 =	sadd.s32 $0x88, s3;
	s6 =	simm.s32 @!p1 $0x1082;
	[sflag:s4] =	ssyncset.s32 $0xFFFFF086  }
0x25: {  	[simem:s6], [sflag:s4] =	dma.local [hbm:s3], $0xF7A  }
0x26: {  	[smem:$0x3F8D] =	sst s1;
	(tag) =	ssettag s2;
	_ =	strace s9  }
0x27: {  	s1 =	sld [smem:$0x3F9D]  }
0x28: {  	s2 =	sld [smem:$0x3F9E]  }
0x29: {  	s4 =	sld [smem:$0x3FA0]  }
0x2a: {  	p0 =	seq.s32 s5, $0x0;
	s5 =	sld [smem:$0x3FA1]  }
0x2b: {  	s6 =	sld [smem:$0x3FA2]  }
0x2c: {  	s7 =	sld [smem:$0x3FA3]  }
0x2d: {  	s3 =	simm.s32 $0x108;
	s8 =	sld [smem:$0x3FA4]  }
0x2e: {  	s3 =	simm.s32 @!p0 $0x1082;
	s9 =	sld [smem:$0x3FA5]  }
0x2f: {  	lr =	sadd.s32 s0, s3;
	s0 =	sld [smem:$0x3F9C]  }
0x30: {  	s3 =	sld [smem:$0x3F9F]  }
0x31: {  	[smem:$0x3FA8] =	sst s10  }
0x32: {  	s10 =	sld [smem:$0x3FA6];
	_ =	sdelay $0x3  }
0x33: {  	p0 =	seq.s32 s10, $0x1;
	s10 =	sld [smem:$0x3FA8];
	_ =	sdelay $0x3  }
0x34: {  	[smem:$0x3FA8] =	sst s10  }
0x35: {  	s10 =	sld [smem:$0x3FA7];
	_ =	sdelay $0x3  }
0x36: {  	p1 =	seq.s32 s10, $0x1;
	s10 =	sld [smem:$0x3FA8];
	_ =	sdelay $0x3  }
0x37: {  	[smem:$0x3FA8] =	sst s10  }
0x38: {  	s10 =	sld [smem:$0x3FA9]  }
0x39: {  	_ = 	snop;
	(pc) =	sbr.ind lr, $3  }
0x3a: {  	_ = 	snop  }
0x3b: {  	_ = 	snop  }
0x3c: {  	p2 =	seq.s32 s10, $0x1;
	s10 =	sld [smem:$0x3FA8]  }
0x3d: {  	_ =	shalt  }
0x3e: {  	_ =	shalt  }
0x3f: {  	_ =	shalt  }
0x40: {  	_ =	shalt  }
0x41: {  	_ =	shalt  }
0x42: {  	_ =	shalt  }
0x43: {  	_ =	shalt  }
0x44: {  	_ =	shalt  }
0x45: {  	_ =	shalt  }
0x46: {  	_ =	shalt  }
0x47: {  	_ =	shalt  }
0x48: {  	_ =	shalt  }
0x49: {  	_ =	shalt  }
0x4a: {  	_ =	shalt  }
0x4b: {  	_ =	shalt  }
0x4c: {  	_ =	shalt  }
0x4d: {  	_ =	shalt  }
0x4e: {  	_ =	shalt  }
0x4f: {  	_ =	shalt  }
0x50: {  	_ =	shalt  }
0x51: {  	_ =	shalt  }
0x52: {  	_ =	shalt  }
0x53: {  	_ =	shalt  }
0x54: {  	_ =	shalt  }
0x55: {  	_ =	shalt  }
0x56: {  	_ =	shalt  }
0x57: {  	_ =	shalt  }
0x58: {  	_ =	shalt  }
0x59: {  	_ =	shalt  }
0x5a: {  	_ =	shalt  }
0x5b: {  	_ =	shalt  }
0x5c: {  	_ =	shalt  }
0x5d: {  	_ =	shalt  }
0x5e: {  	_ =	shalt  }
0x5f: {  	_ =	shalt  }
0x60: {  	_ =	shalt  }
0x61: {  	_ =	shalt  }
0x62: {  	_ =	shalt  }
0x63: {  	_ =	shalt  }
0x64: {  	_ =	shalt  }
0x65: {  	_ =	shalt  }
0x66: {  	_ =	shalt  }
0x67: {  	_ =	shalt  }
0x68: {  	_ =	shalt  }
0x69: {  	_ =	shalt  }
0x6a: {  	_ =	shalt  }
0x6b: {  	_ =	shalt  }
0x6c: {  	_ =	shalt  }
0x6d: {  	_ =	shalt  }
0x6e: {  	_ =	shalt  }
0x6f: {  	_ =	shalt  }
0x70: {  	_ =	shalt  }
0x71: {  	_ =	shalt  }
0x72: {  	_ =	shalt  }
0x73: {  	_ =	shalt  }
0x74: {  	_ =	shalt  }
0x75: {  	_ =	shalt  }
0x76: {  	_ =	shalt  }
0x77: {  	_ =	shalt  }
0x78: {  	_ =	shalt  }
0x79: {  	_ =	shalt  }
0x7a: {  	_ =	shalt  }
0x7b: {  	_ =	shalt  }
0x7c: {  	_ =	shalt  }
0x7d: {  	_ =	shalt  }
0x7e: {  	_ =	shalt  }
0x7f: {  	_ =	shalt  }
0x80: {  	_ =	shalt  }
0x81: {  	_ =	shalt  }
0x82: {  	_ =	shalt  }
0x83: {  	_ =	shalt  }
0x84: {  	_ =	shalt  }
0x85: {  	_ =	shalt  }
0x86: {  	_ =	shalt  }
0x87: {  	_ =	shalt  }
.Lfunc_end0:
.L_simem_size_0:
called_computation.6_lowered:
.L_overlay_start_0:
0x88: {  	s2 =	sld [smem:$0x3FD9]  }
0x89: {  	s3 =	sld [smem:$0x3FFE];
	_ =	sdelay $0x1  }
0x8a: {  	s1 =	srdreg.scid  }
0x8b: {  	s0 =	sand.u32 $0x1, s1  }
0x8c: {  	s16 =	sshll.u32 s0, $0xA;
	s2 =	sadd.s32 s3, s2  }
0x8d: {  	s2 =	sadd.s32 s2, s16  }
0x8e: {  	[smem:$0x3FB4] =	sst s2  }
0x8f: {  	_ = 	snop  }
0x90: {  	(tm) =	ssettm $0x1  }
0x91: {  	s17 =	sld [smem:$0x3FFB];
	_ =	sdelay $0x3  }
0x92: {  	_ =	strace s17  }
0x93: {  	s2 =	sld [smem:$0x3FFC];
	_ =	sdelay $0x3  }
0x94: {  	_ =	strace s2  }
0x95: {  	s2 =	sld [smem:$0x3FFD];
	_ =	sdelay $0x3  }
0x96: {  	_ =	strace s2  }
0x97: {  	_ =	strace $0x8FFFFFFF  }
0x98: {  	s18 =	sld [smem:$0x3FDB];
	_ =	sdelay $0x1  }
0x99: {  	s19 =	simm.s32 $_scs_section_size  }
0x9a: {  	s4 =	simm.s32 $_size__tile_overlayer_lowered;
	s5 =	simm.s32 $_tile_overlayer_lowered  }
0x9b: {  	s22 =	simm.s32 $0x1BFF;
	s21 =	sshll.u32 s5, $0x1;
	s2 =	sadd.s32 s19, s18  }
0x9c: {  	s6 =	simm.s32 $0x0;
	s20 =	sshll.u32 s4, $0x1;
	s4 =	sadd.s32 s21, s2  }
0x9d: {  	[timem:s6], [sflag:s22] =	dma.local [hbm:s4], s20  }
0x9e: {  	_ =	swait.ge [sflag:s22], s20  }
0x9f: {  	s3 =	ssub.s32 $0x0, s20;
	[sflag:s22] =	ssyncset.done $0x0  }
0xa0: {  	[sflag:s22] =	ssyncadd.s32 s3;
	_ =	sdelay $0x1  }
0xa1: {  	s23 =	simm.s32 $0x1B8B  }
0xa2: {  	_ =	swait.ge [sflag:s23], $0x1  }
0xa3: {  	[sflag:s23] =	ssyncset.done $0x0  }
0xa4: {  	s25 =	simm.s32 $0x1B8E;
	s24 =	sld [smem:$0x3FFE];
	[sflag:s23] =	ssyncadd.s32 $0xFFFFFFFF  }
0xa5: {  	s26 =	simm.s32 $execute0_lowered;
	[smem:$0x3FD2] =	sst s25  }
0xa6: {  	s4 =	sshll.u32 s26, $0x1;
	_ =	strace $0x80000058;
	[dreg:$0x1] =	wrdreg $0xFFFFFFFF  }
0xa7: {  	s28 =	simm.s32 $_size_execute0_lowered;
	s2 =	sadd.s32 s2, s4;
	[dreg:$0x0] =	wrdreg $0x0  }
0xa8: {  	s4 =	sshll.u32 s28, $0x1;
	[dreg:$0x2] =	wrdreg s2  }
0xa9: {  	[dreg:$0x3] =	wrdreg s4  }
0xaa: {  	[dreg:$0x4] =	wrdreg $0xC0  }
0xab: {  	_ =	task [dreg:s6], $0x5FFFF  }
0xac: {  	[dreg:$0x1] =	wrdreg $0xFFFFFFFF  }
0xad: {  	[dreg:$0x0] =	wrdreg $0x60  }
0xae: {  	[dreg:$0x2] =	wrdreg s24  }
0xaf: {  	[dreg:$0x3] =	wrdreg $0x145000  }
0xb0: {  	[dreg:$0x4] =	wrdreg $0x9  }
0xb1: {  	_ =	task.clear_ibuf [dreg:s6], $0x5FFFF;
	_ =	strace $0x90000058  }
0xb2: {  	s29 =	simm.s32 $0x9;
	_ =	strace $0x8000005A  }
0xb3: {  	_ =	swait.ge [sflag:s29], $0x1  }
0xb4: {  	[sflag:s29] =	ssyncadd.s32 $0xFFFFFFFF  }
0xb5: {  	_ =	strace $0x9000005A  }
0xb6: {  	_ =	sfence  }
0xb7: {  	s30 =	sld [smem:$0x0];
	_ =	sdelay $0x2  }
0xb8: {  	s31 =	sshll.u32 s1, $0xD;
	s1 =	sshrl.u32 s1, $0x2  }
0xb9: {  	s3 =	sand.u32 $0x4000, s31;
	s1 =	sadd.s32 s1, s30  }
0xba: {  	s0 =	sor.u32 s3, s0;
	s1 =	sshll.u32 s1, $0x11  }
0xbb: {  	s0 =	sor.u32 s1, s0  }
0xbc: {  	s0 =	sadd.s32 $0x8F2B, s0  }
0xbd: {  	[sflag:s0] =	ssyncadd.remote.s32 $0x1  }
0xbe: {  	_ =	sfence.sel $0xFFFF  }
0xbf: {  	[dreg:$0x0] =	wrdreg $0xFFFFFFFF;
	(pc) =	sbr.abs _section_cstart, $3  }
0xc0: {  	[dreg:$0x1] =	wrdreg $0xFFFFFFFF  }
0xc1: {  	_ =	task.clear_ibuf [dreg:s6], $0x2FFFF;
	_ =	strace $0x9FFFFFFF  }
0xc2: {  	(tm) =	ssettm $0x7FFFFFFF  }
0xc3: {  	_ =	shalt  }
tec
execute0_lowered:
.L_overlay_start_1:
0x0: {  	(tag) =	ssettag $0x1  }
0x1: {  	s30 =	rddreg [dreg:$0x0]  }
0x2: {  	s2 =	rddreg [dreg:$0x1];
	s0 =	srdreg.scid  }
0x3: {  	s1 =	stileid.u32;
	s3 =	simm.s32 $0x0;
	s31 =	sand.u32 $0x1, s0  }
0x4: {  	s25 =	sshll.u32 s1, $0x1;
	[smem:$0x7FF] =	sst s3;
	s0 =	smul.u32 $0xA000, s1  }
0x5: {  	s4 =	sadd.s32 $0x2D800, s30;
	s5 =	sshll.u32 s1, $0x6;
	s8 =	sor.u32 s31, s25  }
0x6: {  	_ =	strace $0x80000059;
	s5 =	sor.u32 $0x1C01, s5;
	s6 =	sadd.s32 s0, s2  }
0x7: {  	s9 =	smul.u32 $0xA0, s8;
	s7 =	sshrl.u32 s6, $0x3;
	s6 =	simm.s32 $0x1  }
0x8: {  	[spmem:s7], [sflag:s5] =	dma.local [hbm:s4], $0x1400  }
0x9: {  	_ =	swait.ge [sflag:s6], $0x1400  }
0xa: {  	s9 =	sadd.s32 s9, s30;
	[sflag:s6] =	ssyncset.done $0x0  }
0xb: {  	s10 =	smul.u32 $0x2800, s8;
	s8 =	sadd.s32 $0x92C00, s9;
	[sflag:s6] =	ssyncadd.s32 $0xFFFFEC00  }
0xc: {  	[tilespmem:s3], [sflag:$0x1] =	stream.linear.gather [hbm4b:s8+s3], $0x500, $0x38;
	[tilespmem:$0x1E500] =	vst v63  }
0xd: {  	_ =	swait.ge [sflag:s6], $0x500  }
0xe: {  	s26 =	sadd.s32 s10, s30;
	[sflag:s6] =	ssyncset.done $0x0  }
0xf: {  	s10 =	simm.s32 $0x500;
	s9 =	sadd.s32 $0x2EC00, s26;
	[sflag:s6] =	ssyncadd.s32 $0xFFFFFB00  }
0x10: {  	[tilespmem:s10], [sflag:$0x1] =	stream.linear.gather [hbm4b:s9+s3], $0x14000, $0x38;
	[tilespmem:$0x1E500] =	vst v63  }
0x11: {  	_ =	swait.ge [sflag:s6], $0x14000  }
0x12: {  	[sflag:s6] =	ssyncset.done $0x0  }
0x13: {  	[sflag:s6] =	ssyncadd.s32 $0xFFFEC000  }
0x14: {  	s11 =	simm.s32 $0x80;
	[bflag:$0x0] =	sbarrier.arrive $0xFFFF  }
0x15: {  	[spmem:s2] =	stream.indirect.scatter.add.f32 [tilespmem:s10], [sflag:$0x1], $0x40, s3, s11, $0xb8;
	[tilespmem:$0x1E500] =	vst v63  }
0x16: {  	_ =	swait.ge [sflag:s6], $0x2000  }
0x17: {  	[sflag:s6] =	ssyncset.done $0x0  }
0x18: {  	s12 =	simm.s32 $0x2500;
	[sflag:s6] =	ssyncadd.s32 $0xFFFFE000  }
0x19: {  	[spmem:s2] =	stream.indirect.scatter.add.f32 [tilespmem:s12], [sflag:$0x1], $0x40, s11, s11, $0xb8;
	[tilespmem:$0x1E500] =	vst v63  }
0x1a: {  	_ =	swait.ge [sflag:s6], $0x2000  }
0x1b: {  	[sflag:s6] =	ssyncset.done $0x0  }
0x1c: {  	s13 =	simm.s32 $0x100;
	s14 =	simm.s32 $0x4500;
	[sflag:s6] =	ssyncadd.s32 $0xFFFFE000  }
0x1d: {  	[spmem:s2] =	stream.indirect.scatter.add.f32 [tilespmem:s14], [sflag:$0x1], $0x40, s13, s11, $0xb8;
	[tilespmem:$0x1E500] =	vst v63  }
0x1e: {  	_ =	swait.ge [sflag:s6], $0x2000  }
0x1f: {  	[sflag:s6] =	ssyncset.done $0x0  }
0x20: {  	s15 =	simm.s32 $0x180;
	s16 =	simm.s32 $0x6500;
	[sflag:s6] =	ssyncadd.s32 $0xFFFFE000  }
0x21: {  	[spmem:s2] =	stream.indirect.scatter.add.f32 [tilespmem:s16], [sflag:$0x1], $0x40, s15, s11, $0xb8;
	[tilespmem:$0x1E500] =	vst v63  }
0x22: {  	_ =	swait.ge [sflag:s6], $0x2000  }
0x23: {  	[sflag:s6] =	ssyncset.done $0x0  }
0x24: {  	s17 =	simm.s32 $0x200;
	s18 =	simm.s32 $0x8500;
	[sflag:s6] =	ssyncadd.s32 $0xFFFFE000  }
0x25: {  	[spmem:s2] =	stream.indirect.scatter.add.f32 [tilespmem:s18], [sflag:$0x1], $0x40, s17, s11, $0xb8;
	[tilespmem:$0x1E500] =	vst v63  }
0x26: {  	_ =	swait.ge [sflag:s6], $0x2000  }
0x27: {  	[sflag:s6] =	ssyncset.done $0x0  }
0x28: {  	s19 =	simm.s32 $0x280;
	s20 =	simm.s32 $0xA500;
	[sflag:s6] =	ssyncadd.s32 $0xFFFFE000  }
0x29: {  	[spmem:s2] =	stream.indirect.scatter.add.f32 [tilespmem:s20], [sflag:$0x1], $0x40, s19, s11, $0xb8;
	[tilespmem:$0x1E500] =	vst v63  }
0x2a: {  	_ =	swait.ge [sflag:s6], $0x2000  }
0x2b: {  	[sflag:s6] =	ssyncset.done $0x0  }
0x2c: {  	s21 =	simm.s32 $0x300;
	s22 =	simm.s32 $0xC500;
	[sflag:s6] =	ssyncadd.s32 $0xFFFFE000  }
0x2d: {  	[spmem:s2] =	stream.indirect.scatter.add.f32 [tilespmem:s22], [sflag:$0x1], $0x40, s21, s11, $0xb8;
	[tilespmem:$0x1E500] =	vst v63  }
0x2e: {  	_ =	swait.ge [sflag:s6], $0x2000  }
0x2f: {  	[sflag:s6] =	ssyncset.done $0x0  }
0x30: {  	s23 =	simm.s32 $0x380;
	s24 =	simm.s32 $0xE500;
	[sflag:s6] =	ssyncadd.s32 $0xFFFFE000  }
0x31: {  	[spmem:s2] =	stream.indirect.scatter.add.f32 [tilespmem:s24], [sflag:$0x1], $0x40, s23, s11, $0xb8;
	[tilespmem:$0x1E500] =	vst v63  }
0x32: {  	_ =	swait.ge [sflag:s6], $0x2000  }
0x33: {  	s25 =	simm.s32 $0x400;
	[sflag:s6] =	ssyncset.done $0x0  }
0x34: {  	s1 =	smul.u32 $0xA0000, s31;
	s26 =	simm.s32 $0x10500;
	[sflag:s6] =	ssyncadd.s32 $0xFFFFE000  }
0x35: {  	[spmem:s2] =	stream.indirect.scatter.add.f32 [tilespmem:s26], [sflag:$0x1], $0x40, s25, s11, $0xb8;
	[tilespmem:$0x1E500] =	vst v63  }
0x36: {  	s0 =	sadd.s32 s0, s1;
	s1 =	ssub.s32 $0x2, s31;
	_ =	swait.ge [sflag:s6], $0x2000  }
0x37: {  	s28 =	simm.s32 $0x480;
	s31 =	sshrl.u32 s1, $0x1;
	[sflag:s6] =	ssyncset.done $0x0  }
0x38: {  	s29 =	simm.s32 $0x12500;
	s1 =	ssub.s32 s1, s31;
	[sflag:s6] =	ssyncadd.s32 $0xFFFFE000  }
0x39: {  	[spmem:s2] =	stream.indirect.scatter.add.f32 [tilespmem:s29], [sflag:$0x1], $0x40, s28, s11, $0xb8;
	[tilespmem:$0x1E500] =	vst v63  }
0x3a: {  	s1 =	smax.u32 s1, $0x1;
	_ =	swait.ge [sflag:s6], $0x2000  }
0x3b: {  	s0 =	sshrl.u32 s0, $0x3;
	p0 =	sne.s32 s1, $0x1;
	[sflag:s6] =	ssyncset.done $0x0  }
.Ltmp0:
0x3c: {  	s0 =	sadd.s32 s0, s30;
	[sflag:s6] =	ssyncadd.s32 $0xFFFFE000;
	(pc) =	sbr.rel @!p0 .LBB2_2-.Ltmp0, $4  }
0x3d: {  	s30 =	sadd.s32 $0x94000, s0;
	[bflag:$0x0] =	sbarrier.arrive $0xFFFF  }
0x3e: {  	[hbm:s30], [sflag:s5] =	dma.local [spmem:s7], $0x1400  }
0x3f: {  	_ =	swait.ge [sflag:s6], $0x1400  }
0x40: {  	s31 =	sadd.s32 $0xFFFFFFFF, s1;
	[sflag:s6] =	ssyncset.done $0x0  }
.LBB2_1:
0x41: {  	p0 =	sne.s32 s31, $0x1;
	s31 =	sadd.s32 $0xFFFFFFFF, s31;
	[sflag:s6] =	ssyncadd.s32 $0xFFFFEC00  }
0x42: {  	[spmem:s7], [sflag:s5] =	dma.local [hbm:s4], $0x1400  }
0x43: {  	_ =	swait.ge [sflag:s6], $0x1400  }
0x44: {  	[sflag:s6] =	ssyncset.done $0x0  }
0x45: {  	[sflag:s6] =	ssyncadd.s32 $0xFFFFEC00  }
0x46: {  	[tilespmem:s3], [sflag:$0x1] =	stream.linear.gather [hbm4b:s8+s3], $0x500, $0x38;
	[tilespmem:$0x1E500] =	vst v63  }
0x47: {  	_ =	swait.ge [sflag:s6], $0x500  }
0x48: {  	[sflag:s6] =	ssyncset.done $0x0  }
0x49: {  	[sflag:s6] =	ssyncadd.s32 $0xFFFFFB00  }
0x4a: {  	[tilespmem:s10], [sflag:$0x1] =	stream.linear.gather [hbm4b:s9+s3], $0x14000, $0x38;
	[tilespmem:$0x1E500] =	vst v63  }
0x4b: {  	_ =	swait.ge [sflag:s6], $0x14000  }
0x4c: {  	[sflag:s6] =	ssyncset.done $0x0  }
0x4d: {  	[sflag:s6] =	ssyncadd.s32 $0xFFFEC000  }
0x4e: {  	[bflag:$0x0] =	sbarrier.arrive $0xFFFF  }
0x4f: {  	[spmem:s2] =	stream.indirect.scatter.add.f32 [tilespmem:s10], [sflag:$0x1], $0x40, s3, s11, $0xb8;
	[tilespmem:$0x1E500] =	vst v63  }
0x50: {  	_ =	swait.ge [sflag:s6], $0x2000  }
0x51: {  	[sflag:s6] =	ssyncset.done $0x0  }
0x52: {  	[sflag:s6] =	ssyncadd.s32 $0xFFFFE000  }
0x53: {  	[spmem:s2] =	stream.indirect.scatter.add.f32 [tilespmem:s12], [sflag:$0x1], $0x40, s11, s11, $0xb8;
	[tilespmem:$0x1E500] =	vst v63  }
0x54: {  	_ =	swait.ge [sflag:s6], $0x2000  }
0x55: {  	[sflag:s6] =	ssyncset.done $0x0  }
0x56: {  	[sflag:s6] =	ssyncadd.s32 $0xFFFFE000  }
0x57: {  	[spmem:s2] =	stream.indirect.scatter.add.f32 [tilespmem:s14], [sflag:$0x1], $0x40, s13, s11, $0xb8;
	[tilespmem:$0x1E500] =	vst v63  }
0x58: {  	_ =	swait.ge [sflag:s6], $0x2000  }
0x59: {  	[sflag:s6] =	ssyncset.done $0x0  }
0x5a: {  	[sflag:s6] =	ssyncadd.s32 $0xFFFFE000  }
0x5b: {  	[spmem:s2] =	stream.indirect.scatter.add.f32 [tilespmem:s16], [sflag:$0x1], $0x40, s15, s11, $0xb8;
	[tilespmem:$0x1E500] =	vst v63  }
0x5c: {  	_ =	swait.ge [sflag:s6], $0x2000  }
0x5d: {  	[sflag:s6] =	ssyncset.done $0x0  }
0x5e: {  	[sflag:s6] =	ssyncadd.s32 $0xFFFFE000  }
0x5f: {  	[spmem:s2] =	stream.indirect.scatter.add.f32 [tilespmem:s18], [sflag:$0x1], $0x40, s17, s11, $0xb8;
	[tilespmem:$0x1E500] =	vst v63  }
0x60: {  	_ =	swait.ge [sflag:s6], $0x2000  }
0x61: {  	[sflag:s6] =	ssyncset.done $0x0  }
0x62: {  	[sflag:s6] =	ssyncadd.s32 $0xFFFFE000  }
0x63: {  	[spmem:s2] =	stream.indirect.scatter.add.f32 [tilespmem:s20], [sflag:$0x1], $0x40, s19, s11, $0xb8;
	[tilespmem:$0x1E500] =	vst v63  }
0x64: {  	_ =	swait.ge [sflag:s6], $0x2000  }
0x65: {  	[sflag:s6] =	ssyncset.done $0x0  }
0x66: {  	[sflag:s6] =	ssyncadd.s32 $0xFFFFE000  }
0x67: {  	[spmem:s2] =	stream.indirect.scatter.add.f32 [tilespmem:s22], [sflag:$0x1], $0x40, s21, s11, $0xb8;
	[tilespmem:$0x1E500] =	vst v63  }
0x68: {  	_ =	swait.ge [sflag:s6], $0x2000  }
0x69: {  	[sflag:s6] =	ssyncset.done $0x0  }
0x6a: {  	[sflag:s6] =	ssyncadd.s32 $0xFFFFE000  }
0x6b: {  	[spmem:s2] =	stream.indirect.scatter.add.f32 [tilespmem:s24], [sflag:$0x1], $0x40, s23, s11, $0xb8;
	[tilespmem:$0x1E500] =	vst v63  }
0x6c: {  	_ =	swait.ge [sflag:s6], $0x2000  }
0x6d: {  	[sflag:s6] =	ssyncset.done $0x0  }
0x6e: {  	[sflag:s6] =	ssyncadd.s32 $0xFFFFE000  }
0x6f: {  	[spmem:s2] =	stream.indirect.scatter.add.f32 [tilespmem:s26], [sflag:$0x1], $0x40, s25, s11, $0xb8;
	[tilespmem:$0x1E500] =	vst v63  }
0x70: {  	_ =	swait.ge [sflag:s6], $0x2000  }
0x71: {  	[sflag:s6] =	ssyncset.done $0x0  }
0x72: {  	[sflag:s6] =	ssyncadd.s32 $0xFFFFE000  }
0x73: {  	[spmem:s2] =	stream.indirect.scatter.add.f32 [tilespmem:s29], [sflag:$0x1], $0x40, s28, s11, $0xb8;
	[tilespmem:$0x1E500] =	vst v63  }
0x74: {  	_ =	swait.ge [sflag:s6], $0x2000  }
0x75: {  	[sflag:s6] =	ssyncset.done $0x0  }
.Ltmp1:
0x76: {  	[sflag:s6] =	ssyncadd.s32 $0xFFFFE000;
	(pc) =	sbr.rel @p0 .LBB2_1-.Ltmp1, $4  }
0x77: {  	[bflag:$0x0] =	sbarrier.arrive $0xFFFF  }
0x78: {  	[hbm:s30], [sflag:s5] =	dma.local [spmem:s7], $0x1400  }
0x79: {  	_ =	swait.ge [sflag:s6], $0x1400  }
0x7a: {  	[sflag:s6] =	ssyncset.done $0x0  }
.LBB2_2:
0x7b: {  	[sflag:s6] =	ssyncadd.s32 $0xFFFFEC00  }
0x7c: {  	_ =	sfence.sel $0x180000  }
0x7d: {  	[bflag:$0x0] =	sbarrier.arrive $0xFFFF  }
0x7e: {  	_ =	strace $0x90000059  }
0x7f: {  	s0 =	stileid.u32;
	[bflag:$0x2] =	sbarrier.arrive $0xFFFF  }
0x80: {  	p0 =	sne.s32 s0, $0x0;
	s0 =	rddreg [dreg:$0x2]  }
0x81: {  	s0 =	sadd.s32 @!p0 $0x100000, s0  }
0x82: {  	[sflag:s0] =	ssyncadd.tile.s32 @!p0 $0x1;
	_ =	shalt  }
.Lfunc_end2:
_tile_overlayer_lowered:
.L_overlay_start_2:
0x83: {  	(tag) =	ssettag $0x2  }
0x84: {  	s0 =	rddreg [dreg:$0x0];
	s2 =	stileid.u32  }
0x85: {  	s1 =	rddreg [dreg:$0x1];
	p0 =	sne.s32 s2, $0x0  }
0x86: {  	s3 =	rddreg [dreg:$0x2];
	[bflag:$0x3] =	sbarrier.arrive $0xFFFF;
	s2 =	simm.s32 @!p0 $0x1C01  }
0x87: {  	[timem:s3], [sflag:s2] =	dma.local @!p0 [hbm:s0], s1  }
0x88: {  	s0 =	simm.s32 @!p0 $0x1  }
0x89: {  	_ =	swait.ge @!p0 [sflag:s0], s1  }
0x8a: {  	s1 =	ssub.s32 @!p0 $0x0, s1;
	[sflag:s0] =	ssyncset.done @!p0 $0x0  }
0x8b: {  	[sflag:s0] =	ssyncadd.s32 @!p0 s1  }
0x8c: {  	[bflag:$0x3] =	sbarrier.arrive $0xFFFF  }
0x8d: {  	_ =	shalt  }

</sc_bundles>
